<compile_context>
chip_gen: v7x
topology: tpu7x:2x2x1
jax: 0.10.2.dev20260603
libtpu: 0.0.44.dev20260713+nightly
codegen_flags: <defaults>
</compile_context>

<pallas_src>
import jax
import jax.numpy as jnp
from jax import lax
from jax.experimental import pallas as pl
from jax.experimental.pallas import tpu as pltpu
from jax.experimental.pallas import tpu_sc as plsc

N_TX, N_USER, N_DEV = 6000, 3000, 1000
N = N_TX + N_USER + N_DEV
E = 320000
D = 128
H = 128
R = 4
C = 2

NC = 2
NS = 16
CB = 128
NPAD = N + 112
NROWS_T = NPAD // NS
CHUNKS_PER_TILE = -(-E // (NS * CB))
E_PAD = CHUNKS_PER_TILE * NS * CB
ZR = 640


def _sc_agg_build(with_cnt: bool):
  mesh = plsc.VectorSubcoreMesh(
      core_axis_name="c", subcore_axis_name="s", num_cores=NC, num_subcores=NS
  )
  out_type = [jax.ShapeDtypeStruct((R * NPAD, D), jnp.float32)]
  if with_cnt:
    out_type.append(jax.ShapeDtypeStruct((R * NPAD, D), jnp.float32))
  scratch = [
      pltpu.VMEM_SHARED((NPAD, D), jnp.float32),
      pltpu.VMEM((CB,), jnp.int32),
      pltpu.VMEM((3 * CB,), jnp.int32),
      pltpu.VMEM((CB,), jnp.int32),
      pltpu.VMEM((CB, D), jnp.float32),
      pltpu.SemaphoreType.DMA,
  ]

  def body(x_hbm, edata_hbm, zero_hbm, ones_hbm, *rest):
    if with_cnt:
      acc_hbm, cnt_hbm, acc_sh, srcb, ebuf, dridx, rows, sem = rest
    else:
      acc_hbm, acc_sh, srcb, ebuf, dridx, rows, sem = rest
    c = lax.axis_index("c")
    s = lax.axis_index("s")
    row0 = s * NROWS_T
    dummy = N + s
    rchunks = [(k * CB, CB) for k in range(NROWS_T // CB)]
    if NROWS_T % CB:
      rchunks.append((NROWS_T - NROWS_T % CB, NROWS_T % CB))

    npass = 4 if with_cnt else 2
    for p in range(npass):
      is_cnt = p >= 2
      rel = 2 * c + (p - 2 if is_cnt else p)
      pltpu.sync_copy(zero_hbm.at[pl.ds(0, CB)], rows)
      for off, ln in rchunks:
        pltpu.sync_copy(rows.at[pl.ds(0, ln)], acc_sh.at[pl.ds(row0 + off, ln)])
      if is_cnt:
        pltpu.sync_copy(ones_hbm, rows)
      plsc.subcore_barrier()

      def chunk_body(j, carry):
        gid = s * CHUNKS_PER_TILE + j
        pltpu.sync_copy(edata_hbm.at[pl.ds(gid * 3 * CB, 3 * CB)], ebuf)
        for i in range(CB // 16):
          sl = pl.ds(i * 16, 16)
          m = ebuf[pl.ds(2 * CB + i * 16, 16)] == rel
          dridx[sl] = jnp.where(m, ebuf[pl.ds(CB + i * 16, 16)], dummy)
          if not is_cnt:
            srcb[sl] = ebuf[sl]
        if not is_cnt:
          pltpu.async_copy(x_hbm.at[srcb], rows, sem).wait()
        pltpu.sync_copy(rows, acc_sh.at[dridx], add=True)
        return carry

      lax.fori_loop(0, CHUNKS_PER_TILE, chunk_body, 0)
      plsc.subcore_barrier()
      dst_out = cnt_hbm if is_cnt else acc_hbm
      for off, ln in rchunks:
        pltpu.sync_copy(acc_sh.at[pl.ds(row0 + off, ln)], rows.at[pl.ds(0, ln)])
        pltpu.sync_copy(
            rows.at[pl.ds(0, ln)], dst_out.at[pl.ds(rel * NPAD + row0 + off, ln)]
        )
      plsc.subcore_barrier()

  return pl.kernel(
      body,
      out_type=tuple(out_type) if with_cnt else out_type[0],
      mesh=mesh,
      scratch_types=scratch,
      name="sc_rgcn_agg_cnt" if with_cnt else "sc_rgcn_agg",
  )


_sc_agg_cnt = _sc_agg_build(True)
_sc_agg = _sc_agg_build(False)


def _tc_layer0(x, acc, cnt, w_root, w_rel, shift, nrows, tr=1000):
  grid = (nrows // tr,)

  def body(x_ref, acc_ref, cnt_ref, wroot_ref, wrel_ref, shift_ref, o_ref):
    m = jnp.dot(x_ref[...], wroot_ref[...], preferred_element_type=jnp.float32)
    for r in range(R):
      nb = acc_ref[r] / jnp.maximum(cnt_ref[r][:, 0:1], 1.0)
      m = m + jnp.dot(nb, wrel_ref[r], preferred_element_type=jnp.float32)
    o_ref[...] = jnp.maximum(m + shift_ref[...], 0.0)

  return pl.pallas_call(
      body,
      grid=grid,
      in_specs=[
          pl.BlockSpec((tr, D), lambda i: (i, 0)),
          pl.BlockSpec((R, tr, D), lambda i: (0, i, 0)),
          pl.BlockSpec((R, tr, D), lambda i: (0, i, 0)),
          pl.BlockSpec((D, H), lambda i: (0, 0)),
          pl.BlockSpec((R, D, H), lambda i: (0, 0, 0)),
          pl.BlockSpec((1, H), lambda i: (0, 0)),
      ],
      out_specs=pl.BlockSpec((tr, H), lambda i: (i, 0)),
      out_shape=jax.ShapeDtypeStruct((nrows, H), jnp.float32),
      name="tc_rgcn_layer0",
  )(x, acc, cnt, w_root, w_rel, shift)


def _tc_layer1(x, acc, cnt, w_root, w_rel, shift, wc_pad, bc_pad, nrows, tr=1000):
  grid = (nrows // tr,)

  def body(x_ref, acc_ref, cnt_ref, wroot_ref, wrel_ref, shift_ref, wc_ref,
           bc_ref, o_ref):
    m = jnp.dot(x_ref[...], wroot_ref[...], preferred_element_type=jnp.float32)
    for r in range(R):
      nb = acc_ref[r] / jnp.maximum(cnt_ref[r][:, 0:1], 1.0)
      m = m + jnp.dot(nb, wrel_ref[r], preferred_element_type=jnp.float32)
    z = jnp.maximum(m + shift_ref[...], 0.0)
    o_ref[...] = jnp.dot(z, wc_ref[...], preferred_element_type=jnp.float32) + bc_ref[...]

  return pl.pallas_call(
      body,
      grid=grid,
      in_specs=[
          pl.BlockSpec((tr, D), lambda i: (i, 0)),
          pl.BlockSpec((R, tr, D), lambda i: (0, i, 0)),
          pl.BlockSpec((R, tr, D), lambda i: (0, i, 0)),
          pl.BlockSpec((D, H), lambda i: (0, 0)),
          pl.BlockSpec((R, D, H), lambda i: (0, 0, 0)),
          pl.BlockSpec((1, H), lambda i: (0, 0)),
          pl.BlockSpec((H, 128), lambda i: (0, 0)),
          pl.BlockSpec((1, 128), lambda i: (0, 0)),
      ],
      out_specs=pl.BlockSpec((tr, 128), lambda i: (i, 0)),
      out_shape=jax.ShapeDtypeStruct((nrows, 128), jnp.float32),
      name="tc_rgcn_layer1_cls",
  )(x, acc, cnt, w_root, w_rel, shift, wc_pad, bc_pad)


def kernel(x_transaction, edge_index, edge_type, emb_user, emb_device,
           W_rel0, W_root0, b0, W_rel1, W_root1, b1,
           gamma0, beta0, rm0, rv0, gamma1, beta1, rm1, rv1, Wc, bc):
  x = jnp.concatenate([x_transaction, emb_user, emb_device], axis=0)

  npad_e = E_PAD - E
  src = jnp.concatenate([edge_index[0], jnp.zeros((npad_e,), jnp.int32)])
  dst = jnp.concatenate([edge_index[1], jnp.zeros((npad_e,), jnp.int32)])
  et = jnp.concatenate([edge_type, jnp.full((npad_e,), -1, jnp.int32)])
  edata = jnp.stack(
      [src.reshape(-1, CB), dst.reshape(-1, CB), et.reshape(-1, CB)], axis=1
  ).reshape(-1)
  zeros_d = jnp.zeros((ZR, D), jnp.float32)
  ones_d = jnp.ones((CB, D), jnp.float32)

  scale0 = gamma0 / jnp.sqrt(rv0 + 1e-5)
  shift0 = ((b0 - rm0) * scale0 + beta0)[None, :]
  w_root0 = W_root0 * scale0[None, :]
  w_rel0 = W_rel0 * scale0[None, None, :]
  scale1 = gamma1 / jnp.sqrt(rv1 + 1e-5)
  shift1 = ((b1 - rm1) * scale1 + beta1)[None, :]
  w_root1 = W_root1 * scale1[None, :]
  w_rel1 = W_rel1 * scale1[None, None, :]
  wc_pad = jnp.zeros((H, 128), jnp.float32).at[:, :C].set(Wc)
  bc_pad = jnp.zeros((1, 128), jnp.float32).at[0, :C].set(bc)

  acc0, cnt = _sc_agg_cnt(x, edata, zeros_d, ones_d)
  acc0 = acc0.reshape(R, NPAD, D)
  cnt = cnt.reshape(R, NPAD, D)
  h = _tc_layer0(x, acc0, cnt, w_root0, w_rel0, shift0, N)
  acc1 = _sc_agg(h, edata, zeros_d, ones_d).reshape(R, NPAD, D)
  out = _tc_layer1(h, acc1, cnt, w_root1, w_rel1, shift1, wc_pad, bc_pad, N_TX)
  return out[:, :C]

# --- scband reference (transcript-rebuilt; emitter-appended) ---
"""Pipeline reference for scband-rgcn-82454782148689 (READ-ONLY COPY).

The authoritative reference and input builder live on the scoring server;
editing this copy changes nothing except your own understanding.
"""

import jax, jax.numpy as jnp
import numpy as np

N_TX, N_USER, N_DEV = 6000, 3000, 1000
N = N_TX + N_USER + N_DEV
E = 320000
D = 128
H = 128
R = 4
C = 2


def setup_inputs(seed: int = 0) -> dict:
    key = jax.random.key(seed)
    ks = jax.random.split(key, 24)
    inp = {}
    inp['x_transaction'] = jax.random.normal(ks[0], (N_TX, D), dtype=jnp.float32)
    inp['edge_index'] = jax.random.randint(ks[1], (2, E), 0, N, dtype=jnp.int32)
    inp['edge_type'] = jax.random.randint(ks[2], (E,), 0, R, dtype=jnp.int32)
    # learned parameters
    inp['emb_user'] = jax.random.normal(ks[3], (N_USER, D), dtype=jnp.float32) * 0.1
    inp['emb_device'] = jax.random.normal(ks[4], (N_DEV, D), dtype=jnp.float32) * 0.1
    s0 = 1.0 / np.sqrt(D)
    s1 = 1.0 / np.sqrt(H)
    inp['W_rel0'] = jax.random.normal(ks[5], (R, D, H), dtype=jnp.float32) * s0
    inp['W_root0'] = jax.random.normal(ks[6], (D, H), dtype=jnp.float32) * s0
    inp['b0'] = jnp.zeros((H,), dtype=jnp.float32)
    inp['W_rel1'] = jax.random.normal(ks[7], (R, H, H), dtype=jnp.float32) * s1
    inp['W_root1'] = jax.random.normal(ks[8], (H, H), dtype=jnp.float32) * s1
    inp['b1'] = jnp.zeros((H,), dtype=jnp.float32)
    # batchnorm params (eval mode: running stats)
    inp['gamma0'] = jnp.ones((H,), dtype=jnp.float32)
    inp['beta0'] = jnp.zeros((H,), dtype=jnp.float32)
    inp['rm0'] = jnp.zeros((H,), dtype=jnp.float32)
    inp['rv0'] = jnp.ones((H,), dtype=jnp.float32)
    inp['gamma1'] = jnp.ones((H,), dtype=jnp.float32)
    inp['beta1'] = jnp.zeros((H,), dtype=jnp.float32)
    inp['rm1'] = jnp.zeros((H,), dtype=jnp.float32)
    inp['rv1'] = jnp.ones((H,), dtype=jnp.float32)
    inp['Wc'] = jax.random.normal(ks[9], (H, C), dtype=jnp.float32) * s1
    inp['bc'] = jnp.zeros((C,), dtype=jnp.float32)
    return inp


def _rgcn_conv(x, edge_index, edge_type, W_rel, W_root, b):
    # PyG-style RGCNConv: out_i = x_i @ W_root + b + sum_r mean_{j in N_r(i)} x_j @ W_r
    src = edge_index[0]
    dst = edge_index[1]
    n = x.shape[0]
    out_dim = W_rel.shape[2]
    out = x @ W_root + b
    x_src = x[src]  # gather [E, D]
    for r in range(R):
        w = (edge_type == r).astype(jnp.float32)
        m = (x_src @ W_rel[r]) * w[:, None]
        s = jnp.zeros((n, out_dim), dtype=x.dtype).at[dst].add(m)
        cnt = jnp.zeros((n,), dtype=x.dtype).at[dst].add(w)
        out = out + s / jnp.clip(cnt, 1.0)[:, None]
    return out


def _bn_eval(x, gamma, beta, rm, rv):
    return (x - rm) / jnp.sqrt(rv + 1e-5) * gamma + beta


def reference(x_transaction, edge_index, edge_type, emb_user, emb_device,
              W_rel0, W_root0, b0, W_rel1, W_root1, b1,
              gamma0, beta0, rm0, rv0, gamma1, beta1, rm1, rv1, Wc, bc):
    # build node feature matrix: transaction features + learned embeddings
    x = jnp.concatenate([x_transaction, emb_user, emb_device], axis=0)
    # layer 0
    x = _rgcn_conv(x, edge_index, edge_type, W_rel0, W_root0, b0)
    x = _bn_eval(x, gamma0, beta0, rm0, rv0)
    x = jax.nn.relu(x)
    # dropout is identity in eval mode
    # layer 1
    x = _rgcn_conv(x, edge_index, edge_type, W_rel1, W_root1, b1)
    x = _bn_eval(x, gamma1, beta1, rm1, rv1)
    x = jax.nn.relu(x)
    x_tx = x[:N_TX]
    logits = x_tx @ Wc + bc
    return logits

if __name__ == "__main__":
    import jax
    _d = setup_inputs()
    print(jax.jit(kernel)(*tuple(_d.values())))

</pallas_src>

<mosaic_0001>
#map = affine_map<(d0, d1) -> (0, 0)>
#map1 = affine_map<(d0, d1) -> (0)>
module attributes {stable_mosaic.version = 14 : i64} {
  func.func @sc_rgcn_agg_cnt(%arg0: i32, %arg1: i32, %arg2: memref<10000x128xf32, #tpu.memory_space<hbm>>, %arg3: memref<964608xi32, #tpu.memory_space<hbm>>, %arg4: memref<640x128xf32, #tpu.memory_space<hbm>>, %arg5: memref<128x128xf32, #tpu.memory_space<hbm>>, %arg6: memref<40448x128xf32, #tpu.memory_space<hbm>>, %arg7: memref<40448x128xf32, #tpu.memory_space<hbm>>, %arg8: memref<10112x128xf32, #tpu.memory_space<vmem_shared>>, %arg9: memref<128xi32, #tpu.memory_space<vmem>>, %arg10: memref<384xi32, #tpu.memory_space<vmem>>, %arg11: memref<128xi32, #tpu.memory_space<vmem>>, %arg12: memref<128x128xf32, #tpu.memory_space<vmem>>, %arg13: memref<!tpu.dma_semaphore, #tpu.memory_space<semaphore_mem>>) attributes {dimension_semantics = [#tpu.dimension_semantics<core_parallel>, #tpu.dimension_semantics<subcore_parallel>], iteration_bounds = array<i64: 2, 16>, scalar_prefetch = 0 : i64, scratch_operands = 6 : i64, tpu.core_type = #tpu.core_type<sc_vector_subcore>, window_params = [{transform_indices = #map}, {transform_indices = #map1}, {transform_indices = #map}, {transform_indices = #map}, {transform_indices = #map}, {transform_indices = #map}]} {
    %mul3A = arith.constant 632 : i32
    %mul3A_0 = arith.muli %arg1, %mul3A : i32
    %add3A = arith.constant 10000 : i32
    %add3A_1 = arith.addi %add3A, %arg1 : i32
    %mul3A_2 = arith.constant 2 : i32
    %mul3A_3 = arith.muli %mul3A_2, %arg0 : i32
    %add3A_4 = arith.constant 0 : i32
    %add3A_5 = arith.addi %mul3A_3, %add3A_4 : i32
    "tpu.region"() ({
      %run_scoped3A = tpu.sem_alloc : memref<!tpu.dma_semaphore, #tpu.memory_space<semaphore_mem>>
      %dma_start3A = arith.constant 0 : i32
      %dma_start3A_232 = arith.constant 0 : i32
      %dma_start3A_233 = tpu.memref_slice %arg4[%dma_start3A, %dma_start3A_232] : memref<640x128xf32, #tpu.memory_space<hbm>> -> memref<128x128xf32, #tpu.memory_space<hbm>>
      %dma_start3A_234 = arith.constant 0 : i32
      %dma_start3A_235 = arith.constant 0 : i32
      %dma_start3A_236 = tpu.memref_slice %arg4[%dma_start3A_234, %dma_start3A_235] : memref<640x128xf32, #tpu.memory_space<hbm>> -> memref<128x128xf32, #tpu.memory_space<hbm>>
      tpu.enqueue_dma source(%dma_start3A_236 : memref<128x128xf32, #tpu.memory_space<hbm>>) target(%arg12 : memref<128x128xf32, #tpu.memory_space<vmem>>) target_semaphore(%run_scoped3A : memref<!tpu.dma_semaphore, #tpu.memory_space<semaphore_mem>>)
      %dma_wait3A = arith.constant 0 : i32
      %dma_wait3A_237 = arith.constant 0 : i32
      %dma_wait3A_238 = tpu.memref_slice %arg4[%dma_wait3A, %dma_wait3A_237] : memref<640x128xf32, #tpu.memory_space<hbm>> -> memref<128x128xf32, #tpu.memory_space<hbm>>
      %dma_wait3A_239 = arith.constant 0 : i32
      %dma_wait3A_240 = arith.constant 0 : i32
      %dma_wait3A_241 = tpu.memref_slice %arg4[%dma_wait3A_239, %dma_wait3A_240] : memref<640x128xf32, #tpu.memory_space<hbm>> -> memref<128x128xf32, #tpu.memory_space<hbm>>
      tpu.wait_dma2 semaphore(%run_scoped3A : memref<!tpu.dma_semaphore, #tpu.memory_space<semaphore_mem>>) src(%dma_wait3A_241 : memref<128x128xf32, #tpu.memory_space<hbm>>) dst(%arg12 : memref<128x128xf32, #tpu.memory_space<vmem>>)
      tpu.yield
    }) : () -> ()
    %add3A_6 = arith.constant 0 : i32
    %add3A_7 = arith.addi %mul3A_0, %add3A_6 : i32
    "tpu.region"() ({
      %run_scoped3A = tpu.sem_alloc : memref<!tpu.dma_semaphore, #tpu.memory_space<semaphore_mem>>
      %dma_start3A = arith.constant 0 : i32
      %dma_start3A_232 = arith.constant 0 : i32
      %dma_start3A_233 = tpu.memref_slice %arg12[%dma_start3A, %dma_start3A_232] : memref<128x128xf32, #tpu.memory_space<vmem>> -> memref<128x128xf32, #tpu.memory_space<vmem>>
      %dma_start3A_234 = arith.constant 0 : i32
      %dma_start3A_235 = tpu.memref_slice %arg8[%add3A_7, %dma_start3A_234] : memref<10112x128xf32, #tpu.memory_space<vmem_shared>> -> memref<128x128xf32, #tpu.memory_space<vmem_shared>>
      %dma_start3A_236 = arith.constant 0 : i32
      %dma_start3A_237 = tpu.memref_slice %arg8[%add3A_7, %dma_start3A_236] : memref<10112x128xf32, #tpu.memory_space<vmem_shared>> -> memref<128x128xf32, #tpu.memory_space<vmem_shared>>
      %dma_start3A_238 = arith.constant 0 : i32
      %dma_start3A_239 = arith.constant 0 : i32
      %dma_start3A_240 = tpu.memref_slice %arg12[%dma_start3A_238, %dma_start3A_239] : memref<128x128xf32, #tpu.memory_space<vmem>> -> memref<128x128xf32, #tpu.memory_space<vmem>>
      tpu.enqueue_dma source(%dma_start3A_240 : memref<128x128xf32, #tpu.memory_space<vmem>>) target(%dma_start3A_237 : memref<128x128xf32, #tpu.memory_space<vmem_shared>>) target_semaphore(%run_scoped3A : memref<!tpu.dma_semaphore, #tpu.memory_space<semaphore_mem>>)
      %dma_wait3A = arith.constant 0 : i32
      %dma_wait3A_241 = arith.constant 0 : i32
      %dma_wait3A_242 = tpu.memref_slice %arg12[%dma_wait3A, %dma_wait3A_241] : memref<128x128xf32, #tpu.memory_space<vmem>> -> memref<128x128xf32, #tpu.memory_space<vmem>>
      %dma_wait3A_243 = arith.constant 0 : i32
      %dma_wait3A_244 = tpu.memref_slice %arg8[%add3A_7, %dma_wait3A_243] : memref<10112x128xf32, #tpu.memory_space<vmem_shared>> -> memref<128x128xf32, #tpu.memory_space<vmem_shared>>
      %dma_wait3A_245 = arith.constant 0 : i32
      %dma_wait3A_246 = tpu.memref_slice %arg8[%add3A_7, %dma_wait3A_245] : memref<10112x128xf32, #tpu.memory_space<vmem_shared>> -> memref<128x128xf32, #tpu.memory_space<vmem_shared>>
      %dma_wait3A_247 = arith.constant 0 : i32
      %dma_wait3A_248 = arith.constant 0 : i32
      %dma_wait3A_249 = tpu.memref_slice %arg12[%dma_wait3A_247, %dma_wait3A_248] : memref<128x128xf32, #tpu.memory_space<vmem>> -> memref<128x128xf32, #tpu.memory_space<vmem>>
      tpu.wait_dma2 semaphore(%run_scoped3A : memref<!tpu.dma_semaphore, #tpu.memory_space<semaphore_mem>>) src(%dma_wait3A_249 : memref<128x128xf32, #tpu.memory_space<vmem>>) dst(%dma_wait3A_246 : memref<128x128xf32, #tpu.memory_space<vmem_shared>>)
      tpu.yield
    }) : () -> ()
    %add3A_8 = arith.constant 128 : i32
    %add3A_9 = arith.addi %mul3A_0, %add3A_8 : i32
    "tpu.region"() ({
      %run_scoped3A = tpu.sem_alloc : memref<!tpu.dma_semaphore, #tpu.memory_space<semaphore_mem>>
      %dma_start3A = arith.constant 0 : i32
      %dma_start3A_232 = arith.constant 0 : i32
      %dma_start3A_233 = tpu.memref_slice %arg12[%dma_start3A, %dma_start3A_232] : memref<128x128xf32, #tpu.memory_space<vmem>> -> memref<128x128xf32, #tpu.memory_space<vmem>>
      %dma_start3A_234 = arith.constant 0 : i32
      %dma_start3A_235 = tpu.memref_slice %arg8[%add3A_9, %dma_start3A_234] : memref<10112x128xf32, #tpu.memory_space<vmem_shared>> -> memref<128x128xf32, #tpu.memory_space<vmem_shared>>
      %dma_start3A_236 = arith.constant 0 : i32
      %dma_start3A_237 = tpu.memref_slice %arg8[%add3A_9, %dma_start3A_236] : memref<10112x128xf32, #tpu.memory_space<vmem_shared>> -> memref<128x128xf32, #tpu.memory_space<vmem_shared>>
      %dma_start3A_238 = arith.constant 0 : i32
      %dma_start3A_239 = arith.constant 0 : i32
      %dma_start3A_240 = tpu.memref_slice %arg12[%dma_start3A_238, %dma_start3A_239] : memref<128x128xf32, #tpu.memory_space<vmem>> -> memref<128x128xf32, #tpu.memory_space<vmem>>
      tpu.enqueue_dma source(%dma_start3A_240 : memref<128x128xf32, #tpu.memory_space<vmem>>) target(%dma_start3A_237 : memref<128x128xf32, #tpu.memory_space<vmem_shared>>) target_semaphore(%run_scoped3A : memref<!tpu.dma_semaphore, #tpu.memory_space<semaphore_mem>>)
      %dma_wait3A = arith.constant 0 : i32
      %dma_wait3A_241 = arith.constant 0 : i32
      %dma_wait3A_242 = tpu.memref_slice %arg12[%dma_wait3A, %dma_wait3A_241] : memref<128x128xf32, #tpu.memory_space<vmem>> -> memref<128x128xf32, #tpu.memory_space<vmem>>
      %dma_wait3A_243 = arith.constant 0 : i32
      %dma_wait3A_244 = tpu.memref_slice %arg8[%add3A_9, %dma_wait3A_243] : memref<10112x128xf32, #tpu.memory_space<vmem_shared>> -> memref<128x128xf32, #tpu.memory_space<vmem_shared>>
      %dma_wait3A_245 = arith.constant 0 : i32
      %dma_wait3A_246 = tpu.memref_slice %arg8[%add3A_9, %dma_wait3A_245] : memref<10112x128xf32, #tpu.memory_space<vmem_shared>> -> memref<128x128xf32, #tpu.memory_space<vmem_shared>>
      %dma_wait3A_247 = arith.constant 0 : i32
      %dma_wait3A_248 = arith.constant 0 : i32
      %dma_wait3A_249 = tpu.memref_slice %arg12[%dma_wait3A_247, %dma_wait3A_248] : memref<128x128xf32, #tpu.memory_space<vmem>> -> memref<128x128xf32, #tpu.memory_space<vmem>>
      tpu.wait_dma2 semaphore(%run_scoped3A : memref<!tpu.dma_semaphore, #tpu.memory_space<semaphore_mem>>) src(%dma_wait3A_249 : memref<128x128xf32, #tpu.memory_space<vmem>>) dst(%dma_wait3A_246 : memref<128x128xf32, #tpu.memory_space<vmem_shared>>)
      tpu.yield
    }) : () -> ()
    %add3A_10 = arith.constant 256 : i32
    %add3A_11 = arith.addi %mul3A_0, %add3A_10 : i32
    "tpu.region"() ({
      %run_scoped3A = tpu.sem_alloc : memref<!tpu.dma_semaphore, #tpu.memory_space<semaphore_mem>>
      %dma_start3A = arith.constant 0 : i32
      %dma_start3A_232 = arith.constant 0 : i32
      %dma_start3A_233 = tpu.memref_slice %arg12[%dma_start3A, %dma_start3A_232] : memref<128x128xf32, #tpu.memory_space<vmem>> -> memref<128x128xf32, #tpu.memory_space<vmem>>
      %dma_start3A_234 = arith.constant 0 : i32
      %dma_start3A_235 = tpu.memref_slice %arg8[%add3A_11, %dma_start3A_234] : memref<10112x128xf32, #tpu.memory_space<vmem_shared>> -> memref<128x128xf32, #tpu.memory_space<vmem_shared>>
      %dma_start3A_236 = arith.constant 0 : i32
      %dma_start3A_237 = tpu.memref_slice %arg8[%add3A_11, %dma_start3A_236] : memref<10112x128xf32, #tpu.memory_space<vmem_shared>> -> memref<128x128xf32, #tpu.memory_space<vmem_shared>>
      %dma_start3A_238 = arith.constant 0 : i32
      %dma_start3A_239 = arith.constant 0 : i32
      %dma_start3A_240 = tpu.memref_slice %arg12[%dma_start3A_238, %dma_start3A_239] : memref<128x128xf32, #tpu.memory_space<vmem>> -> memref<128x128xf32, #tpu.memory_space<vmem>>
      tpu.enqueue_dma source(%dma_start3A_240 : memref<128x128xf32, #tpu.memory_space<vmem>>) target(%dma_start3A_237 : memref<128x128xf32, #tpu.memory_space<vmem_shared>>) target_semaphore(%run_scoped3A : memref<!tpu.dma_semaphore, #tpu.memory_space<semaphore_mem>>)
      %dma_wait3A = arith.constant 0 : i32
      %dma_wait3A_241 = arith.constant 0 : i32
      %dma_wait3A_242 = tpu.memref_slice %arg12[%dma_wait3A, %dma_wait3A_241] : memref<128x128xf32, #tpu.memory_space<vmem>> -> memref<128x128xf32, #tpu.memory_space<vmem>>
      %dma_wait3A_243 = arith.constant 0 : i32
      %dma_wait3A_244 = tpu.memref_slice %arg8[%add3A_11, %dma_wait3A_243] : memref<10112x128xf32, #tpu.memory_space<vmem_shared>> -> memref<128x128xf32, #tpu.memory_space<vmem_shared>>
      %dma_wait3A_245 = arith.constant 0 : i32
      %dma_wait3A_246 = tpu.memref_slice %arg8[%add3A_11, %dma_wait3A_245] : memref<10112x128xf32, #tpu.memory_space<vmem_shared>> -> memref<128x128xf32, #tpu.memory_space<vmem_shared>>
      %dma_wait3A_247 = arith.constant 0 : i32
      %dma_wait3A_248 = arith.constant 0 : i32
      %dma_wait3A_249 = tpu.memref_slice %arg12[%dma_wait3A_247, %dma_wait3A_248] : memref<128x128xf32, #tpu.memory_space<vmem>> -> memref<128x128xf32, #tpu.memory_space<vmem>>
      tpu.wait_dma2 semaphore(%run_scoped3A : memref<!tpu.dma_semaphore, #tpu.memory_space<semaphore_mem>>) src(%dma_wait3A_249 : memref<128x128xf32, #tpu.memory_space<vmem>>) dst(%dma_wait3A_246 : memref<128x128xf32, #tpu.memory_space<vmem_shared>>)
      tpu.yield
    }) : () -> ()
    %add3A_12 = arith.constant 384 : i32
    %add3A_13 = arith.addi %mul3A_0, %add3A_12 : i32
    "tpu.region"() ({
      %run_scoped3A = tpu.sem_alloc : memref<!tpu.dma_semaphore, #tpu.memory_space<semaphore_mem>>
      %dma_start3A = arith.constant 0 : i32
      %dma_start3A_232 = arith.constant 0 : i32
      %dma_start3A_233 = tpu.memref_slice %arg12[%dma_start3A, %dma_start3A_232] : memref<128x128xf32, #tpu.memory_space<vmem>> -> memref<128x128xf32, #tpu.memory_space<vmem>>
      %dma_start3A_234 = arith.constant 0 : i32
      %dma_start3A_235 = tpu.memref_slice %arg8[%add3A_13, %dma_start3A_234] : memref<10112x128xf32, #tpu.memory_space<vmem_shared>> -> memref<128x128xf32, #tpu.memory_space<vmem_shared>>
      %dma_start3A_236 = arith.constant 0 : i32
      %dma_start3A_237 = tpu.memref_slice %arg8[%add3A_13, %dma_start3A_236] : memref<10112x128xf32, #tpu.memory_space<vmem_shared>> -> memref<128x128xf32, #tpu.memory_space<vmem_shared>>
      %dma_start3A_238 = arith.constant 0 : i32
      %dma_start3A_239 = arith.constant 0 : i32
      %dma_start3A_240 = tpu.memref_slice %arg12[%dma_start3A_238, %dma_start3A_239] : memref<128x128xf32, #tpu.memory_space<vmem>> -> memref<128x128xf32, #tpu.memory_space<vmem>>
      tpu.enqueue_dma source(%dma_start3A_240 : memref<128x128xf32, #tpu.memory_space<vmem>>) target(%dma_start3A_237 : memref<128x128xf32, #tpu.memory_space<vmem_shared>>) target_semaphore(%run_scoped3A : memref<!tpu.dma_semaphore, #tpu.memory_space<semaphore_mem>>)
      %dma_wait3A = arith.constant 0 : i32
      %dma_wait3A_241 = arith.constant 0 : i32
      %dma_wait3A_242 = tpu.memref_slice %arg12[%dma_wait3A, %dma_wait3A_241] : memref<128x128xf32, #tpu.memory_space<vmem>> -> memref<128x128xf32, #tpu.memory_space<vmem>>
      %dma_wait3A_243 = arith.constant 0 : i32
      %dma_wait3A_244 = tpu.memref_slice %arg8[%add3A_13, %dma_wait3A_243] : memref<10112x128xf32, #tpu.memory_space<vmem_shared>> -> memref<128x128xf32, #tpu.memory_space<vmem_shared>>
      %dma_wait3A_245 = arith.constant 0 : i32
      %dma_wait3A_246 = tpu.memref_slice %arg8[%add3A_13, %dma_wait3A_245] : memref<10112x128xf32, #tpu.memory_space<vmem_shared>> -> memref<128x128xf32, #tpu.memory_space<vmem_shared>>
      %dma_wait3A_247 = arith.constant 0 : i32
      %dma_wait3A_248 = arith.constant 0 : i32
      %dma_wait3A_249 = tpu.memref_slice %arg12[%dma_wait3A_247, %dma_wait3A_248] : memref<128x128xf32, #tpu.memory_space<vmem>> -> memref<128x128xf32, #tpu.memory_space<vmem>>
      tpu.wait_dma2 semaphore(%run_scoped3A : memref<!tpu.dma_semaphore, #tpu.memory_space<semaphore_mem>>) src(%dma_wait3A_249 : memref<128x128xf32, #tpu.memory_space<vmem>>) dst(%dma_wait3A_246 : memref<128x128xf32, #tpu.memory_space<vmem_shared>>)
      tpu.yield
    }) : () -> ()
    %add3A_14 = arith.constant 512 : i32
    %add3A_15 = arith.addi %mul3A_0, %add3A_14 : i32
    "tpu.region"() ({
      %run_scoped3A = tpu.sem_alloc : memref<!tpu.dma_semaphore, #tpu.memory_space<semaphore_mem>>
      %dma_start3A = arith.constant 0 : i32
      %dma_start3A_232 = arith.constant 0 : i32
      %dma_start3A_233 = tpu.memref_slice %arg12[%dma_start3A, %dma_start3A_232] : memref<128x128xf32, #tpu.memory_space<vmem>> -> memref<120x128xf32, #tpu.memory_space<vmem>>
      %dma_start3A_234 = arith.constant 0 : i32
      %dma_start3A_235 = tpu.memref_slice %arg8[%add3A_15, %dma_start3A_234] : memref<10112x128xf32, #tpu.memory_space<vmem_shared>> -> memref<120x128xf32, #tpu.memory_space<vmem_shared>>
      %dma_start3A_236 = arith.constant 0 : i32
      %dma_start3A_237 = tpu.memref_slice %arg8[%add3A_15, %dma_start3A_236] : memref<10112x128xf32, #tpu.memory_space<vmem_shared>> -> memref<120x128xf32, #tpu.memory_space<vmem_shared>>
      %dma_start3A_238 = arith.constant 0 : i32
      %dma_start3A_239 = arith.constant 0 : i32
      %dma_start3A_240 = tpu.memref_slice %arg12[%dma_start3A_238, %dma_start3A_239] : memref<128x128xf32, #tpu.memory_space<vmem>> -> memref<120x128xf32, #tpu.memory_space<vmem>>
      tpu.enqueue_dma source(%dma_start3A_240 : memref<120x128xf32, #tpu.memory_space<vmem>>) target(%dma_start3A_237 : memref<120x128xf32, #tpu.memory_space<vmem_shared>>) target_semaphore(%run_scoped3A : memref<!tpu.dma_semaphore, #tpu.memory_space<semaphore_mem>>)
      %dma_wait3A = arith.constant 0 : i32
      %dma_wait3A_241 = arith.constant 0 : i32
      %dma_wait3A_242 = tpu.memref_slice %arg12[%dma_wait3A, %dma_wait3A_241] : memref<128x128xf32, #tpu.memory_space<vmem>> -> memref<120x128xf32, #tpu.memory_space<vmem>>
      %dma_wait3A_243 = arith.constant 0 : i32
      %dma_wait3A_244 = tpu.memref_slice %arg8[%add3A_15, %dma_wait3A_243] : memref<10112x128xf32, #tpu.memory_space<vmem_shared>> -> memref<120x128xf32, #tpu.memory_space<vmem_shared>>
      %dma_wait3A_245 = arith.constant 0 : i32
      %dma_wait3A_246 = tpu.memref_slice %arg8[%add3A_15, %dma_wait3A_245] : memref<10112x128xf32, #tpu.memory_space<vmem_shared>> -> memref<120x128xf32, #tpu.memory_space<vmem_shared>>
      %dma_wait3A_247 = arith.constant 0 : i32
      %dma_wait3A_248 = arith.constant 0 : i32
      %dma_wait3A_249 = tpu.memref_slice %arg12[%dma_wait3A_247, %dma_wait3A_248] : memref<128x128xf32, #tpu.memory_space<vmem>> -> memref<120x128xf32, #tpu.memory_space<vmem>>
      tpu.wait_dma2 semaphore(%run_scoped3A : memref<!tpu.dma_semaphore, #tpu.memory_space<semaphore_mem>>) src(%dma_wait3A_249 : memref<120x128xf32, #tpu.memory_space<vmem>>) dst(%dma_wait3A_246 : memref<120x128xf32, #tpu.memory_space<vmem_shared>>)
      tpu.yield
    }) : () -> ()
    %barrier3A = arith.constant 0 : index
    tpu.barrier barrier_id(%barrier3A)
    %scan3A = arith.constant 0 : i32
    %scan3A_16 = arith.constant 0 : i32
    %scan3A_17 = arith.constant 157 : i32
    %scan3A_18 = arith.addi %scan3A_16, %scan3A_17 : i32
    %scan3A_19 = arith.constant 1 : i32
    scf.for %scan3A_232 = %scan3A_16 to %scan3A_18 step %scan3A_19  : i32 {
      %mul3A_233 = arith.constant 157 : i32
      %mul3A_234 = arith.muli %arg1, %mul3A_233 : i32
      %add3A_235 = arith.addi %mul3A_234, %scan3A_232 : i32
      %mul3A_236 = arith.constant 3 : i32
      %mul3A_237 = arith.muli %add3A_235, %mul3A_236 : i32
      %mul3A_238 = arith.constant 128 : i32
      %mul3A_239 = arith.muli %mul3A_237, %mul3A_238 : i32
      "tpu.region"() ({
        %run_scoped3A = tpu.sem_alloc : memref<!tpu.dma_semaphore, #tpu.memory_space<semaphore_mem>>
        %dma_start3A_407 = tpu.memref_slice %arg3[%mul3A_239] : memref<964608xi32, #tpu.memory_space<hbm>> -> memref<384xi32, #tpu.memory_space<hbm>>
        %dma_start3A_408 = tpu.memref_slice %arg3[%mul3A_239] : memref<964608xi32, #tpu.memory_space<hbm>> -> memref<384xi32, #tpu.memory_space<hbm>>
        tpu.enqueue_dma source(%dma_start3A_408 : memref<384xi32, #tpu.memory_space<hbm>>) target(%arg10 : memref<384xi32, #tpu.memory_space<vmem>>) target_semaphore(%run_scoped3A : memref<!tpu.dma_semaphore, #tpu.memory_space<semaphore_mem>>)
        %dma_wait3A_409 = tpu.memref_slice %arg3[%mul3A_239] : memref<964608xi32, #tpu.memory_space<hbm>> -> memref<384xi32, #tpu.memory_space<hbm>>
        %dma_wait3A_410 = tpu.memref_slice %arg3[%mul3A_239] : memref<964608xi32, #tpu.memory_space<hbm>> -> memref<384xi32, #tpu.memory_space<hbm>>
        tpu.wait_dma2 semaphore(%run_scoped3A : memref<!tpu.dma_semaphore, #tpu.memory_space<semaphore_mem>>) src(%dma_wait3A_410 : memref<384xi32, #tpu.memory_space<hbm>>) dst(%arg10 : memref<384xi32, #tpu.memory_space<vmem>>)
        tpu.yield
      }) : () -> ()
      %get3A = arith.constant 256 : index
      %get3A_240 = tpu.vector_load %arg10[%get3A] {strides = array<i32>} : memref<384xi32, #tpu.memory_space<vmem>>, vector<16xi32>,
      %get3A_241 = vector.shape_cast %get3A_240 : vector<16xi32> to vector<16xi32>
      %eq3A = vector.broadcast %add3A_5 : i32 to vector<16xi32>
      %eq3A_242 = arith.cmpi eq, %get3A_241, %eq3A : vector<16xi32>
      %get3A_243 = arith.constant 128 : index
      %get3A_244 = tpu.vector_load %arg10[%get3A_243] {strides = array<i32>} : memref<384xi32, #tpu.memory_space<vmem>>, vector<16xi32>,
      %get3A_245 = vector.shape_cast %get3A_244 : vector<16xi32> to vector<16xi32>
      %broadcast_in_dim3A = vector.broadcast %add3A_1 : i32 to vector<16xi32>
      %select_n3A = arith.select %eq3A_242, %get3A_245, %broadcast_in_dim3A : vector<16xi1>, vector<16xi32>
      %swap3A = arith.constant 0 : index
      %swap3A_246 = tpu.vector_load %arg11[%swap3A] {strides = array<i32>} : memref<128xi32, #tpu.memory_space<vmem>>, vector<16xi32>,
      %swap3A_247 = vector.shape_cast %swap3A_246 : vector<16xi32> to vector<16xi32>
      %swap3A_248 = vector.shape_cast %select_n3A : vector<16xi32> to vector<16xi32>
      tpu.vector_store %arg11[%swap3A], %swap3A_248 {strides = array<i32>} : memref<128xi32, #tpu.memory_space<vmem>>, vector<16xi32>,
      %get3A_249 = arith.constant 0 : index
      %get3A_250 = tpu.vector_load %arg10[%get3A_249] {strides = array<i32>} : memref<384xi32, #tpu.memory_space<vmem>>, vector<16xi32>,
      %get3A_251 = vector.shape_cast %get3A_250 : vector<16xi32> to vector<16xi32>
      %swap3A_252 = arith.constant 0 : index
      %swap3A_253 = tpu.vector_load %arg9[%swap3A_252] {strides = array<i32>} : memref<128xi32, #tpu.memory_space<vmem>>, vector<16xi32>,
      %swap3A_254 = vector.shape_cast %swap3A_253 : vector<16xi32> to vector<16xi32>
      %swap3A_255 = vector.shape_cast %get3A_251 : vector<16xi32> to vector<16xi32>
      tpu.vector_store %arg9[%swap3A_252], %swap3A_255 {strides = array<i32>} : memref<128xi32, #tpu.memory_space<vmem>>, vector<16xi32>,
      %get3A_256 = arith.constant 272 : index
      %get3A_257 = tpu.vector_load %arg10[%get3A_256] {strides = array<i32>} : memref<384xi32, #tpu.memory_space<vmem>>, vector<16xi32>,
      %get3A_258 = vector.shape_cast %get3A_257 : vector<16xi32> to vector<16xi32>
      %eq3A_259 = vector.broadcast %add3A_5 : i32 to vector<16xi32>
      %eq3A_260 = arith.cmpi eq, %get3A_258, %eq3A_259 : vector<16xi32>
      %get3A_261 = arith.constant 144 : index
      %get3A_262 = tpu.vector_load %arg10[%get3A_261] {strides = array<i32>} : memref<384xi32, #tpu.memory_space<vmem>>, vector<16xi32>,
      %get3A_263 = vector.shape_cast %get3A_262 : vector<16xi32> to vector<16xi32>
      %broadcast_in_dim3A_264 = vector.broadcast %add3A_1 : i32 to vector<16xi32>
      %select_n3A_265 = arith.select %eq3A_260, %get3A_263, %broadcast_in_dim3A_264 : vector<16xi1>, vector<16xi32>
      %swap3A_266 = arith.constant 16 : index
      %swap3A_267 = tpu.vector_load %arg11[%swap3A_266] {strides = array<i32>} : memref<128xi32, #tpu.memory_space<vmem>>, vector<16xi32>,
      %swap3A_268 = vector.shape_cast %swap3A_267 : vector<16xi32> to vector<16xi32>
      %swap3A_269 = vector.shape_cast %select_n3A_265 : vector<16xi32> to vector<16xi32>
      tpu.vector_store %arg11[%swap3A_266], %swap3A_269 {strides = array<i32>} : memref<128xi32, #tpu.memory_space<vmem>>, vector<16xi32>,
      %get3A_270 = arith.constant 16 : index
      %get3A_271 = tpu.vector_load %arg10[%get3A_270] {strides = array<i32>} : memref<384xi32, #tpu.memory_space<vmem>>, vector<16xi32>,
      %get3A_272 = vector.shape_cast %get3A_271 : vector<16xi32> to vector<16xi32>
      %swap3A_273 = arith.constant 16 : index
      %swap3A_274 = tpu.vector_load %arg9[%swap3A_273] {strides = array<i32>} : memref<128xi32, #tpu.memory_space<vmem>>, vector<16xi32>,
      %swap3A_275 = vector.shape_cast %swap3A_274 : vector<16xi32> to vector<16xi32>
      %swap3A_276 = vector.shape_cast %get3A_272 : vector<16xi32> to vector<16xi32>
      tpu.vector_store %arg9[%swap3A_273], %swap3A_276 {strides = array<i32>} : memref<128xi32, #tpu.memory_space<vmem>>, vector<16xi32>,
      %get3A_277 = arith.constant 288 : index
      %get3A_278 = tpu.vector_load %arg10[%get3A_277] {strides = array<i32>} : memref<384xi32, #tpu.memory_space<vmem>>, vector<16xi32>,
      %get3A_279 = vector.shape_cast %get3A_278 : vector<16xi32> to vector<16xi32>
      %eq3A_280 = vector.broadcast %add3A_5 : i32 to vector<16xi32>
      %eq3A_281 = arith.cmpi eq, %get3A_279, %eq3A_280 : vector<16xi32>
      %get3A_282 = arith.constant 160 : index
      %get3A_283 = tpu.vector_load %arg10[%get3A_282] {strides = array<i32>} : memref<384xi32, #tpu.memory_space<vmem>>, vector<16xi32>,
      %get3A_284 = vector.shape_cast %get3A_283 : vector<16xi32> to vector<16xi32>
      %broadcast_in_dim3A_285 = vector.broadcast %add3A_1 : i32 to vector<16xi32>
      %select_n3A_286 = arith.select %eq3A_281, %get3A_284, %broadcast_in_dim3A_285 : vector<16xi1>, vector<16xi32>
      %swap3A_287 = arith.constant 32 : index
      %swap3A_288 = tpu.vector_load %arg11[%swap3A_287] {strides = array<i32>} : memref<128xi32, #tpu.memory_space<vmem>>, vector<16xi32>,
      %swap3A_289 = vector.shape_cast %swap3A_288 : vector<16xi32> to vector<16xi32>
      %swap3A_290 = vector.shape_cast %select_n3A_286 : vector<16xi32> to vector<16xi32>
      tpu.vector_store %arg11[%swap3A_287], %swap3A_290 {strides = array<i32>} : memref<128xi32, #tpu.memory_space<vmem>>, vector<16xi32>,
      %get3A_291 = arith.constant 32 : index
      %get3A_292 = tpu.vector_load %arg10[%get3A_291] {strides = array<i32>} : memref<384xi32, #tpu.memory_space<vmem>>, vector<16xi32>,
      %get3A_293 = vector.shape_cast %get3A_292 : vector<16xi32> to vector<16xi32>
      %swap3A_294 = arith.constant 32 : index
      %swap3A_295 = tpu.vector_load %arg9[%swap3A_294] {strides = array<i32>} : memref<128xi32, #tpu.memory_space<vmem>>, vector<16xi32>,
      %swap3A_296 = vector.shape_cast %swap3A_295 : vector<16xi32> to vector<16xi32>
      %swap3A_297 = vector.shape_cast %get3A_293 : vector<16xi32> to vector<16xi32>
      tpu.vector_store %arg9[%swap3A_294], %swap3A_297 {strides = array<i32>} : memref<128xi32, #tpu.memory_space<vmem>>, vector<16xi32>,
      %get3A_298 = arith.constant 304 : index
      %get3A_299 = tpu.vector_load %arg10[%get3A_298] {strides = array<i32>} : memref<384xi32, #tpu.memory_space<vmem>>, vector<16xi32>,
      %get3A_300 = vector.shape_cast %get3A_299 : vector<16xi32> to vector<16xi32>
      %eq3A_301 = vector.broadcast %add3A_5 : i32 to vector<16xi32>
      %eq3A_302 = arith.cmpi eq, %get3A_300, %eq3A_301 : vector<16xi32>
      %get3A_303 = arith.constant 176 : index
      %get3A_304 = tpu.vector_load %arg10[%get3A_303] {strides = array<i32>} : memref<384xi32, #tpu.memory_space<vmem>>, vector<16xi32>,
      %get3A_305 = vector.shape_cast %get3A_304 : vector<16xi32> to vector<16xi32>
      %broadcast_in_dim3A_306 = vector.broadcast %add3A_1 : i32 to vector<16xi32>
      %select_n3A_307 = arith.select %eq3A_302, %get3A_305, %broadcast_in_dim3A_306 : vector<16xi1>, vector<16xi32>
      %swap3A_308 = arith.constant 48 : index
      %swap3A_309 = tpu.vector_load %arg11[%swap3A_308] {strides = array<i32>} : memref<128xi32, #tpu.memory_space<vmem>>, vector<16xi32>,
      %swap3A_310 = vector.shape_cast %swap3A_309 : vector<16xi32> to vector<16xi32>
      %swap3A_311 = vector.shape_cast %select_n3A_307 : vector<16xi32> to vector<16xi32>
      tpu.vector_store %arg11[%swap3A_308], %swap3A_311 {strides = array<i32>} : memref<128xi32, #tpu.memory_space<vmem>>, vector<16xi32>,
      %get3A_312 = arith.constant 48 : index
      %get3A_313 = tpu.vector_load %arg10[%get3A_312] {strides = array<i32>} : memref<384xi32, #tpu.memory_space<vmem>>, vector<16xi32>,
      %get3A_314 = vector.shape_cast %get3A_313 : vector<16xi32> to vector<16xi32>
      %swap3A_315 = arith.constant 48 : index
      %swap3A_316 = tpu.vector_load %arg9[%swap3A_315] {strides = array<i32>} : memref<128xi32, #tpu.memory_space<vmem>>, vector<16xi32>,
      %swap3A_317 = vector.shape_cast %swap3A_316 : vector<16xi32> to vector<16xi32>
      %swap3A_318 = vector.shape_cast %get3A_314 : vector<16xi32> to vector<16xi32>
      tpu.vector_store %arg9[%swap3A_315], %swap3A_318 {strides = array<i32>} : memref<128xi32, #tpu.memory_space<vmem>>, vector<16xi32>,
      %get3A_319 = arith.constant 320 : index
      %get3A_320 = tpu.vector_load %arg10[%get3A_319] {strides = array<i32>} : memref<384xi32, #tpu.memory_space<vmem>>, vector<16xi32>,
      %get3A_321 = vector.shape_cast %get3A_320 : vector<16xi32> to vector<16xi32>
      %eq3A_322 = vector.broadcast %add3A_5 : i32 to vector<16xi32>
      %eq3A_323 = arith.cmpi eq, %get3A_321, %eq3A_322 : vector<16xi32>
      %get3A_324 = arith.constant 192 : index
      %get3A_325 = tpu.vector_load %arg10[%get3A_324] {strides = array<i32>} : memref<384xi32, #tpu.memory_space<vmem>>, vector<16xi32>,
      %get3A_326 = vector.shape_cast %get3A_325 : vector<16xi32> to vector<16xi32>
      %broadcast_in_dim3A_327 = vector.broadcast %add3A_1 : i32 to vector<16xi32>
      %select_n3A_328 = arith.select %eq3A_323, %get3A_326, %broadcast_in_dim3A_327 : vector<16xi1>, vector<16xi32>
      %swap3A_329 = arith.constant 64 : index
      %swap3A_330 = tpu.vector_load %arg11[%swap3A_329] {strides = array<i32>} : memref<128xi32, #tpu.memory_space<vmem>>, vector<16xi32>,
      %swap3A_331 = vector.shape_cast %swap3A_330 : vector<16xi32> to vector<16xi32>
      %swap3A_332 = vector.shape_cast %select_n3A_328 : vector<16xi32> to vector<16xi32>
      tpu.vector_store %arg11[%swap3A_329], %swap3A_332 {strides = array<i32>} : memref<128xi32, #tpu.memory_space<vmem>>, vector<16xi32>,
      %get3A_333 = arith.constant 64 : index
      %get3A_334 = tpu.vector_load %arg10[%get3A_333] {strides = array<i32>} : memref<384xi32, #tpu.memory_space<vmem>>, vector<16xi32>,
      %get3A_335 = vector.shape_cast %get3A_334 : vector<16xi32> to vector<16xi32>
      %swap3A_336 = arith.constant 64 : index
      %swap3A_337 = tpu.vector_load %arg9[%swap3A_336] {strides = array<i32>} : memref<128xi32, #tpu.memory_space<vmem>>, vector<16xi32>,
      %swap3A_338 = vector.shape_cast %swap3A_337 : vector<16xi32> to vector<16xi32>
      %swap3A_339 = vector.shape_cast %get3A_335 : vector<16xi32> to vector<16xi32>
      tpu.vector_store %arg9[%swap3A_336], %swap3A_339 {strides = array<i32>} : memref<128xi32, #tpu.memory_space<vmem>>, vector<16xi32>,
      %get3A_340 = arith.constant 336 : index
      %get3A_341 = tpu.vector_load %arg10[%get3A_340] {strides = array<i32>} : memref<384xi32, #tpu.memory_space<vmem>>, vector<16xi32>,
      %get3A_342 = vector.shape_cast %get3A_341 : vector<16xi32> to vector<16xi32>
      %eq3A_343 = vector.broadcast %add3A_5 : i32 to vector<16xi32>
      %eq3A_344 = arith.cmpi eq, %get3A_342, %eq3A_343 : vector<16xi32>
      %get3A_345 = arith.constant 208 : index
      %get3A_346 = tpu.vector_load %arg10[%get3A_345] {strides = array<i32>} : memref<384xi32, #tpu.memory_space<vmem>>, vector<16xi32>,
      %get3A_347 = vector.shape_cast %get3A_346 : vector<16xi32> to vector<16xi32>
      %broadcast_in_dim3A_348 = vector.broadcast %add3A_1 : i32 to vector<16xi32>
      %select_n3A_349 = arith.select %eq3A_344, %get3A_347, %broadcast_in_dim3A_348 : vector<16xi1>, vector<16xi32>
      %swap3A_350 = arith.constant 80 : index
      %swap3A_351 = tpu.vector_load %arg11[%swap3A_350] {strides = array<i32>} : memref<128xi32, #tpu.memory_space<vmem>>, vector<16xi32>,
      %swap3A_352 = vector.shape_cast %swap3A_351 : vector<16xi32> to vector<16xi32>
      %swap3A_353 = vector.shape_cast %select_n3A_349 : vector<16xi32> to vector<16xi32>
      tpu.vector_store %arg11[%swap3A_350], %swap3A_353 {strides = array<i32>} : memref<128xi32, #tpu.memory_space<vmem>>, vector<16xi32>,
      %get3A_354 = arith.constant 80 : index
      %get3A_355 = tpu.vector_load %arg10[%get3A_354] {strides = array<i32>} : memref<384xi32, #tpu.memory_space<vmem>>, vector<16xi32>,
      %get3A_356 = vector.shape_cast %get3A_355 : vector<16xi32> to vector<16xi32>
      %swap3A_357 = arith.constant 80 : index
      %swap3A_358 = tpu.vector_load %arg9[%swap3A_357] {strides = array<i32>} : memref<128xi32, #tpu.memory_space<vmem>>, vector<16xi32>,
      %swap3A_359 = vector.shape_cast %swap3A_358 : vector<16xi32> to vector<16xi32>
      %swap3A_360 = vector.shape_cast %get3A_356 : vector<16xi32> to vector<16xi32>
      tpu.vector_store %arg9[%swap3A_357], %swap3A_360 {strides = array<i32>} : memref<128xi32, #tpu.memory_space<vmem>>, vector<16xi32>,
      %get3A_361 = arith.constant 352 : index
      %get3A_362 = tpu.vector_load %arg10[%get3A_361] {strides = array<i32>} : memref<384xi32, #tpu.memory_space<vmem>>, vector<16xi32>,
      %get3A_363 = vector.shape_cast %get3A_362 : vector<16xi32> to vector<16xi32>
      %eq3A_364 = vector.broadcast %add3A_5 : i32 to vector<16xi32>
      %eq3A_365 = arith.cmpi eq, %get3A_363, %eq3A_364 : vector<16xi32>
      %get3A_366 = arith.constant 224 : index
      %get3A_367 = tpu.vector_load %arg10[%get3A_366] {strides = array<i32>} : memref<384xi32, #tpu.memory_space<vmem>>, vector<16xi32>,
      %get3A_368 = vector.shape_cast %get3A_367 : vector<16xi32> to vector<16xi32>
      %broadcast_in_dim3A_369 = vector.broadcast %add3A_1 : i32 to vector<16xi32>
      %select_n3A_370 = arith.select %eq3A_365, %get3A_368, %broadcast_in_dim3A_369 : vector<16xi1>, vector<16xi32>
      %swap3A_371 = arith.constant 96 : index
      %swap3A_372 = tpu.vector_load %arg11[%swap3A_371] {strides = array<i32>} : memref<128xi32, #tpu.memory_space<vmem>>, vector<16xi32>,
      %swap3A_373 = vector.shape_cast %swap3A_372 : vector<16xi32> to vector<16xi32>
      %swap3A_374 = vector.shape_cast %select_n3A_370 : vector<16xi32> to vector<16xi32>
      tpu.vector_store %arg11[%swap3A_371], %swap3A_374 {strides = array<i32>} : memref<128xi32, #tpu.memory_space<vmem>>, vector<16xi32>,
      %get3A_375 = arith.constant 96 : index
      %get3A_376 = tpu.vector_load %arg10[%get3A_375] {strides = array<i32>} : memref<384xi32, #tpu.memory_space<vmem>>, vector<16xi32>,
      %get3A_377 = vector.shape_cast %get3A_376 : vector<16xi32> to vector<16xi32>
      %swap3A_378 = arith.constant 96 : index
      %swap3A_379 = tpu.vector_load %arg9[%swap3A_378] {strides = array<i32>} : memref<128xi32, #tpu.memory_space<vmem>>, vector<16xi32>,
      %swap3A_380 = vector.shape_cast %swap3A_379 : vector<16xi32> to vector<16xi32>
      %swap3A_381 = vector.shape_cast %get3A_377 : vector<16xi32> to vector<16xi32>
      tpu.vector_store %arg9[%swap3A_378], %swap3A_381 {strides = array<i32>} : memref<128xi32, #tpu.memory_space<vmem>>, vector<16xi32>,
      %get3A_382 = arith.constant 368 : index
      %get3A_383 = tpu.vector_load %arg10[%get3A_382] {strides = array<i32>} : memref<384xi32, #tpu.memory_space<vmem>>, vector<16xi32>,
      %get3A_384 = vector.shape_cast %get3A_383 : vector<16xi32> to vector<16xi32>
      %eq3A_385 = vector.broadcast %add3A_5 : i32 to vector<16xi32>
      %eq3A_386 = arith.cmpi eq, %get3A_384, %eq3A_385 : vector<16xi32>
      %get3A_387 = arith.constant 240 : index
      %get3A_388 = tpu.vector_load %arg10[%get3A_387] {strides = array<i32>} : memref<384xi32, #tpu.memory_space<vmem>>, vector<16xi32>,
      %get3A_389 = vector.shape_cast %get3A_388 : vector<16xi32> to vector<16xi32>
      %broadcast_in_dim3A_390 = vector.broadcast %add3A_1 : i32 to vector<16xi32>
      %select_n3A_391 = arith.select %eq3A_386, %get3A_389, %broadcast_in_dim3A_390 : vector<16xi1>, vector<16xi32>
      %swap3A_392 = arith.constant 112 : index
      %swap3A_393 = tpu.vector_load %arg11[%swap3A_392] {strides = array<i32>} : memref<128xi32, #tpu.memory_space<vmem>>, vector<16xi32>,
      %swap3A_394 = vector.shape_cast %swap3A_393 : vector<16xi32> to vector<16xi32>
      %swap3A_395 = vector.shape_cast %select_n3A_391 : vector<16xi32> to vector<16xi32>
      tpu.vector_store %arg11[%swap3A_392], %swap3A_395 {strides = array<i32>} : memref<128xi32, #tpu.memory_space<vmem>>, vector<16xi32>,
      %get3A_396 = arith.constant 112 : index
      %get3A_397 = tpu.vector_load %arg10[%get3A_396] {strides = array<i32>} : memref<384xi32, #tpu.memory_space<vmem>>, vector<16xi32>,
      %get3A_398 = vector.shape_cast %get3A_397 : vector<16xi32> to vector<16xi32>
      %swap3A_399 = arith.constant 112 : index
      %swap3A_400 = tpu.vector_load %arg9[%swap3A_399] {strides = array<i32>} : memref<128xi32, #tpu.memory_space<vmem>>, vector<16xi32>,
      %swap3A_401 = vector.shape_cast %swap3A_400 : vector<16xi32> to vector<16xi32>
      %swap3A_402 = vector.shape_cast %get3A_398 : vector<16xi32> to vector<16xi32>
      tpu.vector_store %arg9[%swap3A_399], %swap3A_402 {strides = array<i32>} : memref<128xi32, #tpu.memory_space<vmem>>, vector<16xi32>,
      %dma_start3A = arith.constant 0 : i32
      %dma_start3A_403 = arith.constant 0 : i32
      %dma_start3A_404 = tpu.memref_slice %arg2[%dma_start3A, %dma_start3A_403] : memref<10000x128xf32, #tpu.memory_space<hbm>> -> memref<10000x128xf32, #tpu.memory_space<hbm>>
      tpu.enqueue_indirect_dma source(%dma_start3A_404 : memref<10000x128xf32, #tpu.memory_space<hbm>>) target(%arg12 : memref<128x128xf32, #tpu.memory_space<vmem>>) offsets(%arg9 : memref<128xi32, #tpu.memory_space<vmem>>) semaphore(%arg13 : memref<!tpu.dma_semaphore, #tpu.memory_space<semaphore_mem>>)
      %dma_wait3A = arith.constant 0 : i32
      %dma_wait3A_405 = arith.constant 0 : i32
      %dma_wait3A_406 = tpu.memref_slice %arg2[%dma_wait3A, %dma_wait3A_405] : memref<10000x128xf32, #tpu.memory_space<hbm>> -> memref<10000x128xf32, #tpu.memory_space<hbm>>
      tpu.wait_indirect_dma semaphore(%arg13 : memref<!tpu.dma_semaphore, #tpu.memory_space<semaphore_mem>>) src(%dma_wait3A_406 : memref<10000x128xf32, #tpu.memory_space<hbm>>) dst(%arg12 : memref<128x128xf32, #tpu.memory_space<vmem>>)
      "tpu.region"() ({
        %run_scoped3A = tpu.sem_alloc : memref<!tpu.dma_semaphore, #tpu.memory_space<semaphore_mem>>
        %dma_start3A_407 = arith.constant 0 : i32
        %dma_start3A_408 = arith.constant 0 : i32
        %dma_start3A_409 = tpu.memref_slice %arg8[%dma_start3A_407, %dma_start3A_408] : memref<10112x128xf32, #tpu.memory_space<vmem_shared>> -> memref<10112x128xf32, #tpu.memory_space<vmem_shared>>
        tpu.enqueue_indirect_dma source(%arg12 : memref<128x128xf32, #tpu.memory_space<vmem>>) target(%dma_start3A_409 : memref<10112x128xf32, #tpu.memory_space<vmem_shared>>) offsets(%arg11 : memref<128xi32, #tpu.memory_space<vmem>>) semaphore(%run_scoped3A : memref<!tpu.dma_semaphore, #tpu.memory_space<semaphore_mem>>) {add = true}
        %dma_wait3A_410 = arith.constant 0 : i32
        %dma_wait3A_411 = arith.constant 0 : i32
        %dma_wait3A_412 = tpu.memref_slice %arg8[%dma_wait3A_410, %dma_wait3A_411] : memref<10112x128xf32, #tpu.memory_space<vmem_shared>> -> memref<10112x128xf32, #tpu.memory_space<vmem_shared>>
        tpu.wait_indirect_dma semaphore(%run_scoped3A : memref<!tpu.dma_semaphore, #tpu.memory_space<semaphore_mem>>) src(%arg12 : memref<128x128xf32, #tpu.memory_space<vmem>>) dst(%dma_wait3A_412 : memref<10112x128xf32, #tpu.memory_space<vmem_shared>>)
        tpu.yield
      }) : () -> ()
    }
    %scan3A_20 = arith.constant 157 : i32
    %barrier3A_21 = arith.constant 0 : index
    tpu.barrier barrier_id(%barrier3A_21)
    %add3A_22 = arith.constant 0 : i32
    %add3A_23 = arith.addi %mul3A_0, %add3A_22 : i32
    "tpu.region"() ({
      %run_scoped3A = tpu.sem_alloc : memref<!tpu.dma_semaphore, #tpu.memory_space<semaphore_mem>>
      %dma_start3A = arith.constant 0 : i32
      %dma_start3A_232 = arith.constant 0 : i32
      %dma_start3A_233 = tpu.memref_slice %arg12[%dma_start3A, %dma_start3A_232] : memref<128x128xf32, #tpu.memory_space<vmem>> -> memref<128x128xf32, #tpu.memory_space<vmem>>
      %dma_start3A_234 = arith.constant 0 : i32
      %dma_start3A_235 = tpu.memref_slice %arg8[%add3A_23, %dma_start3A_234] : memref<10112x128xf32, #tpu.memory_space<vmem_shared>> -> memref<128x128xf32, #tpu.memory_space<vmem_shared>>
      %dma_start3A_236 = arith.constant 0 : i32
      %dma_start3A_237 = arith.constant 0 : i32
      %dma_start3A_238 = tpu.memref_slice %arg12[%dma_start3A_236, %dma_start3A_237] : memref<128x128xf32, #tpu.memory_space<vmem>> -> memref<128x128xf32, #tpu.memory_space<vmem>>
      %dma_start3A_239 = arith.constant 0 : i32
      %dma_start3A_240 = tpu.memref_slice %arg8[%add3A_23, %dma_start3A_239] : memref<10112x128xf32, #tpu.memory_space<vmem_shared>> -> memref<128x128xf32, #tpu.memory_space<vmem_shared>>
      tpu.enqueue_dma source(%dma_start3A_240 : memref<128x128xf32, #tpu.memory_space<vmem_shared>>) target(%dma_start3A_238 : memref<128x128xf32, #tpu.memory_space<vmem>>) target_semaphore(%run_scoped3A : memref<!tpu.dma_semaphore, #tpu.memory_space<semaphore_mem>>)
      %dma_wait3A = arith.constant 0 : i32
      %dma_wait3A_241 = arith.constant 0 : i32
      %dma_wait3A_242 = tpu.memref_slice %arg12[%dma_wait3A, %dma_wait3A_241] : memref<128x128xf32, #tpu.memory_space<vmem>> -> memref<128x128xf32, #tpu.memory_space<vmem>>
      %dma_wait3A_243 = arith.constant 0 : i32
      %dma_wait3A_244 = tpu.memref_slice %arg8[%add3A_23, %dma_wait3A_243] : memref<10112x128xf32, #tpu.memory_space<vmem_shared>> -> memref<128x128xf32, #tpu.memory_space<vmem_shared>>
      %dma_wait3A_245 = arith.constant 0 : i32
      %dma_wait3A_246 = arith.constant 0 : i32
      %dma_wait3A_247 = tpu.memref_slice %arg12[%dma_wait3A_245, %dma_wait3A_246] : memref<128x128xf32, #tpu.memory_space<vmem>> -> memref<128x128xf32, #tpu.memory_space<vmem>>
      %dma_wait3A_248 = arith.constant 0 : i32
      %dma_wait3A_249 = tpu.memref_slice %arg8[%add3A_23, %dma_wait3A_248] : memref<10112x128xf32, #tpu.memory_space<vmem_shared>> -> memref<128x128xf32, #tpu.memory_space<vmem_shared>>
      tpu.wait_dma2 semaphore(%run_scoped3A : memref<!tpu.dma_semaphore, #tpu.memory_space<semaphore_mem>>) src(%dma_wait3A_249 : memref<128x128xf32, #tpu.memory_space<vmem_shared>>) dst(%dma_wait3A_247 : memref<128x128xf32, #tpu.memory_space<vmem>>)
      tpu.yield
    }) : () -> ()
    %mul3A_24 = arith.constant 10112 : i32
    %mul3A_25 = arith.muli %add3A_5, %mul3A_24 : i32
    %add3A_26 = arith.addi %mul3A_25, %mul3A_0 : i32
    %add3A_27 = arith.constant 0 : i32
    %add3A_28 = arith.addi %add3A_26, %add3A_27 : i32
    "tpu.region"() ({
      %run_scoped3A = tpu.sem_alloc : memref<!tpu.dma_semaphore, #tpu.memory_space<semaphore_mem>>
      %dma_start3A = arith.constant 0 : i32
      %dma_start3A_232 = arith.constant 0 : i32
      %dma_start3A_233 = tpu.memref_slice %arg12[%dma_start3A, %dma_start3A_232] : memref<128x128xf32, #tpu.memory_space<vmem>> -> memref<128x128xf32, #tpu.memory_space<vmem>>
      %dma_start3A_234 = arith.constant 0 : i32
      %dma_start3A_235 = tpu.memref_slice %arg6[%add3A_28, %dma_start3A_234] : memref<40448x128xf32, #tpu.memory_space<hbm>> -> memref<128x128xf32, #tpu.memory_space<hbm>>
      %dma_start3A_236 = arith.constant 0 : i32
      %dma_start3A_237 = tpu.memref_slice %arg6[%add3A_28, %dma_start3A_236] : memref<40448x128xf32, #tpu.memory_space<hbm>> -> memref<128x128xf32, #tpu.memory_space<hbm>>
      %dma_start3A_238 = arith.constant 0 : i32
      %dma_start3A_239 = arith.constant 0 : i32
      %dma_start3A_240 = tpu.memref_slice %arg12[%dma_start3A_238, %dma_start3A_239] : memref<128x128xf32, #tpu.memory_space<vmem>> -> memref<128x128xf32, #tpu.memory_space<vmem>>
      tpu.enqueue_dma source(%dma_start3A_240 : memref<128x128xf32, #tpu.memory_space<vmem>>) target(%dma_start3A_237 : memref<128x128xf32, #tpu.memory_space<hbm>>) target_semaphore(%run_scoped3A : memref<!tpu.dma_semaphore, #tpu.memory_space<semaphore_mem>>)
      %dma_wait3A = arith.constant 0 : i32
      %dma_wait3A_241 = arith.constant 0 : i32
      %dma_wait3A_242 = tpu.memref_slice %arg12[%dma_wait3A, %dma_wait3A_241] : memref<128x128xf32, #tpu.memory_space<vmem>> -> memref<128x128xf32, #tpu.memory_space<vmem>>
      %dma_wait3A_243 = arith.constant 0 : i32
      %dma_wait3A_244 = tpu.memref_slice %arg6[%add3A_28, %dma_wait3A_243] : memref<40448x128xf32, #tpu.memory_space<hbm>> -> memref<128x128xf32, #tpu.memory_space<hbm>>
      %dma_wait3A_245 = arith.constant 0 : i32
      %dma_wait3A_246 = tpu.memref_slice %arg6[%add3A_28, %dma_wait3A_245] : memref<40448x128xf32, #tpu.memory_space<hbm>> -> memref<128x128xf32, #tpu.memory_space<hbm>>
      %dma_wait3A_247 = arith.constant 0 : i32
      %dma_wait3A_248 = arith.constant 0 : i32
      %dma_wait3A_249 = tpu.memref_slice %arg12[%dma_wait3A_247, %dma_wait3A_248] : memref<128x128xf32, #tpu.memory_space<vmem>> -> memref<128x128xf32, #tpu.memory_space<vmem>>
      tpu.wait_dma2 semaphore(%run_scoped3A : memref<!tpu.dma_semaphore, #tpu.memory_space<semaphore_mem>>) src(%dma_wait3A_249 : memref<128x128xf32, #tpu.memory_space<vmem>>) dst(%dma_wait3A_246 : memref<128x128xf32, #tpu.memory_space<hbm>>)
      tpu.yield
    }) : () -> ()
    %add3A_29 = arith.constant 128 : i32
    %add3A_30 = arith.addi %mul3A_0, %add3A_29 : i32
    "tpu.region"() ({
      %run_scoped3A = tpu.sem_alloc : memref<!tpu.dma_semaphore, #tpu.memory_space<semaphore_mem>>
      %dma_start3A = arith.constant 0 : i32
      %dma_start3A_232 = arith.constant 0 : i32
      %dma_start3A_233 = tpu.memref_slice %arg12[%dma_start3A, %dma_start3A_232] : memref<128x128xf32, #tpu.memory_space<vmem>> -> memref<128x128xf32, #tpu.memory_space<vmem>>
      %dma_start3A_234 = arith.constant 0 : i32
      %dma_start3A_235 = tpu.memref_slice %arg8[%add3A_30, %dma_start3A_234] : memref<10112x128xf32, #tpu.memory_space<vmem_shared>> -> memref<128x128xf32, #tpu.memory_space<vmem_shared>>
      %dma_start3A_236 = arith.constant 0 : i32
      %dma_start3A_237 = arith.constant 0 : i32
      %dma_start3A_238 = tpu.memref_slice %arg12[%dma_start3A_236, %dma_start3A_237] : memref<128x128xf32, #tpu.memory_space<vmem>> -> memref<128x128xf32, #tpu.memory_space<vmem>>
      %dma_start3A_239 = arith.constant 0 : i32
      %dma_start3A_240 = tpu.memref_slice %arg8[%add3A_30, %dma_start3A_239] : memref<10112x128xf32, #tpu.memory_space<vmem_shared>> -> memref<128x128xf32, #tpu.memory_space<vmem_shared>>
      tpu.enqueue_dma source(%dma_start3A_240 : memref<128x128xf32, #tpu.memory_space<vmem_shared>>) target(%dma_start3A_238 : memref<128x128xf32, #tpu.memory_space<vmem>>) target_semaphore(%run_scoped3A : memref<!tpu.dma_semaphore, #tpu.memory_space<semaphore_mem>>)
      %dma_wait3A = arith.constant 0 : i32
      %dma_wait3A_241 = arith.constant 0 : i32
      %dma_wait3A_242 = tpu.memref_slice %arg12[%dma_wait3A, %dma_wait3A_241] : memref<128x128xf32, #tpu.memory_space<vmem>> -> memref<128x128xf32, #tpu.memory_space<vmem>>
      %dma_wait3A_243 = arith.constant 0 : i32
      %dma_wait3A_244 = tpu.memref_slice %arg8[%add3A_30, %dma_wait3A_243] : memref<10112x128xf32, #tpu.memory_space<vmem_shared>> -> memref<128x128xf32, #tpu.memory_space<vmem_shared>>
      %dma_wait3A_245 = arith.constant 0 : i32
      %dma_wait3A_246 = arith.constant 0 : i32
      %dma_wait3A_247 = tpu.memref_slice %arg12[%dma_wait3A_245, %dma_wait3A_246] : memref<128x128xf32, #tpu.memory_space<vmem>> -> memref<128x128xf32, #tpu.memory_space<vmem>>
      %dma_wait3A_248 = arith.constant 0 : i32
      %dma_wait3A_249 = tpu.memref_slice %arg8[%add3A_30, %dma_wait3A_248] : memref<10112x128xf32, #tpu.memory_space<vmem_shared>> -> memref<128x128xf32, #tpu.memory_space<vmem_shared>>
      tpu.wait_dma2 semaphore(%run_scoped3A : memref<!tpu.dma_semaphore, #tpu.memory_space<semaphore_mem>>) src(%dma_wait3A_249 : memref<128x128xf32, #tpu.memory_space<vmem_shared>>) dst(%dma_wait3A_247 : memref<128x128xf32, #tpu.memory_space<vmem>>)
      tpu.yield
    }) : () -> ()
    %mul3A_31 = arith.constant 10112 : i32
    %mul3A_32 = arith.muli %add3A_5, %mul3A_31 : i32
    %add3A_33 = arith.addi %mul3A_32, %mul3A_0 : i32
    %add3A_34 = arith.constant 128 : i32
    %add3A_35 = arith.addi %add3A_33, %add3A_34 : i32
    "tpu.region"() ({
      %run_scoped3A = tpu.sem_alloc : memref<!tpu.dma_semaphore, #tpu.memory_space<semaphore_mem>>
      %dma_start3A = arith.constant 0 : i32
      %dma_start3A_232 = arith.constant 0 : i32
      %dma_start3A_233 = tpu.memref_slice %arg12[%dma_start3A, %dma_start3A_232] : memref<128x128xf32, #tpu.memory_space<vmem>> -> memref<128x128xf32, #tpu.memory_space<vmem>>
      %dma_start3A_234 = arith.constant 0 : i32
      %dma_start3A_235 = tpu.memref_slice %arg6[%add3A_35, %dma_start3A_234] : memref<40448x128xf32, #tpu.memory_space<hbm>> -> memref<128x128xf32, #tpu.memory_space<hbm>>
      %dma_start3A_236 = arith.constant 0 : i32
      %dma_start3A_237 = tpu.memref_slice %arg6[%add3A_35, %dma_start3A_236] : memref<40448x128xf32, #tpu.memory_space<hbm>> -> memref<128x128xf32, #tpu.memory_space<hbm>>
      %dma_start3A_238 = arith.constant 0 : i32
      %dma_start3A_239 = arith.constant 0 : i32
      %dma_start3A_240 = tpu.memref_slice %arg12[%dma_start3A_238, %dma_start3A_239] : memref<128x128xf32, #tpu.memory_space<vmem>> -> memref<128x128xf32, #tpu.memory_space<vmem>>
      tpu.enqueue_dma source(%dma_start3A_240 : memref<128x128xf32, #tpu.memory_space<vmem>>) target(%dma_start3A_237 : memref<128x128xf32, #tpu.memory_space<hbm>>) target_semaphore(%run_scoped3A : memref<!tpu.dma_semaphore, #tpu.memory_space<semaphore_mem>>)
      %dma_wait3A = arith.constant 0 : i32
      %dma_wait3A_241 = arith.constant 0 : i32
      %dma_wait3A_242 = tpu.memref_slice %arg12[%dma_wait3A, %dma_wait3A_241] : memref<128x128xf32, #tpu.memory_space<vmem>> -> memref<128x128xf32, #tpu.memory_space<vmem>>
      %dma_wait3A_243 = arith.constant 0 : i32
      %dma_wait3A_244 = tpu.memref_slice %arg6[%add3A_35, %dma_wait3A_243] : memref<40448x128xf32, #tpu.memory_space<hbm>> -> memref<128x128xf32, #tpu.memory_space<hbm>>
      %dma_wait3A_245 = arith.constant 0 : i32
      %dma_wait3A_246 = tpu.memref_slice %arg6[%add3A_35, %dma_wait3A_245] : memref<40448x128xf32, #tpu.memory_space<hbm>> -> memref<128x128xf32, #tpu.memory_space<hbm>>
      %dma_wait3A_247 = arith.constant 0 : i32
      %dma_wait3A_248 = arith.constant 0 : i32
      %dma_wait3A_249 = tpu.memref_slice %arg12[%dma_wait3A_247, %dma_wait3A_248] : memref<128x128xf32, #tpu.memory_space<vmem>> -> memref<128x128xf32, #tpu.memory_space<vmem>>
      tpu.wait_dma2 semaphore(%run_scoped3A : memref<!tpu.dma_semaphore, #tpu.memory_space<semaphore_mem>>) src(%dma_wait3A_249 : memref<128x128xf32, #tpu.memory_space<vmem>>) dst(%dma_wait3A_246 : memref<128x128xf32, #tpu.memory_space<hbm>>)
      tpu.yield
    }) : () -> ()
    %add3A_36 = arith.constant 256 : i32
    %add3A_37 = arith.addi %mul3A_0, %add3A_36 : i32
    "tpu.region"() ({
      %run_scoped3A = tpu.sem_alloc : memref<!tpu.dma_semaphore, #tpu.memory_space<semaphore_mem>>
      %dma_start3A = arith.constant 0 : i32
      %dma_start3A_232 = arith.constant 0 : i32
      %dma_start3A_233 = tpu.memref_slice %arg12[%dma_start3A, %dma_start3A_232] : memref<128x128xf32, #tpu.memory_space<vmem>> -> memref<128x128xf32, #tpu.memory_space<vmem>>
      %dma_start3A_234 = arith.constant 0 : i32
      %dma_start3A_235 = tpu.memref_slice %arg8[%add3A_37, %dma_start3A_234] : memref<10112x128xf32, #tpu.memory_space<vmem_shared>> -> memref<128x128xf32, #tpu.memory_space<vmem_shared>>
      %dma_start3A_236 = arith.constant 0 : i32
      %dma_start3A_237 = arith.constant 0 : i32
      %dma_start3A_238 = tpu.memref_slice %arg12[%dma_start3A_236, %dma_start3A_237] : memref<128x128xf32, #tpu.memory_space<vmem>> -> memref<128x128xf32, #tpu.memory_space<vmem>>
      %dma_start3A_239 = arith.constant 0 : i32
      %dma_start3A_240 = tpu.memref_slice %arg8[%add3A_37, %dma_start3A_239] : memref<10112x128xf32, #tpu.memory_space<vmem_shared>> -> memref<128x128xf32, #tpu.memory_space<vmem_shared>>
      tpu.enqueue_dma source(%dma_start3A_240 : memref<128x128xf32, #tpu.memory_space<vmem_shared>>) target(%dma_start3A_238 : memref<128x128xf32, #tpu.memory_space<vmem>>) target_semaphore(%run_scoped3A : memref<!tpu.dma_semaphore, #tpu.memory_space<semaphore_mem>>)
      %dma_wait3A = arith.constant 0 : i32
      %dma_wait3A_241 = arith.constant 0 : i32
      %dma_wait3A_242 = tpu.memref_slice %arg12[%dma_wait3A, %dma_wait3A_241] : memref<128x128xf32, #tpu.memory_space<vmem>> -> memref<128x128xf32, #tpu.memory_space<vmem>>
      %dma_wait3A_243 = arith.constant 0 : i32
      %dma_wait3A_244 = tpu.memref_slice %arg8[%add3A_37, %dma_wait3A_243] : memref<10112x128xf32, #tpu.memory_space<vmem_shared>> -> memref<128x128xf32, #tpu.memory_space<vmem_shared>>
      %dma_wait3A_245 = arith.constant 0 : i32
      %dma_wait3A_246 = arith.constant 0 : i32
      %dma_wait3A_247 = tpu.memref_slice %arg12[%dma_wait3A_245, %dma_wait3A_246] : memref<128x128xf32, #tpu.memory_space<vmem>> -> memref<128x128xf32, #tpu.memory_space<vmem>>
      %dma_wait3A_248 = arith.constant 0 : i32
      %dma_wait3A_249 = tpu.memref_slice %arg8[%add3A_37, %dma_wait3A_248] : memref<10112x128xf32, #tpu.memory_space<vmem_shared>> -> memref<128x128xf32, #tpu.memory_space<vmem_shared>>
      tpu.wait_dma2 semaphore(%run_scoped3A : memref<!tpu.dma_semaphore, #tpu.memory_space<semaphore_mem>>) src(%dma_wait3A_249 : memref<128x128xf32, #tpu.memory_space<vmem_shared>>) dst(%dma_wait3A_247 : memref<128x128xf32, #tpu.memory_space<vmem>>)
      tpu.yield
    }) : () -> ()
    %mul3A_38 = arith.constant 10112 : i32
    %mul3A_39 = arith.muli %add3A_5, %mul3A_38 : i32
    %add3A_40 = arith.addi %mul3A_39, %mul3A_0 : i32
    %add3A_41 = arith.constant 256 : i32
    %add3A_42 = arith.addi %add3A_40, %add3A_41 : i32
    "tpu.region"() ({
      %run_scoped3A = tpu.sem_alloc : memref<!tpu.dma_semaphore, #tpu.memory_space<semaphore_mem>>
      %dma_start3A = arith.constant 0 : i32
      %dma_start3A_232 = arith.constant 0 : i32
      %dma_start3A_233 = tpu.memref_slice %arg12[%dma_start3A, %dma_start3A_232] : memref<128x128xf32, #tpu.memory_space<vmem>> -> memref<128x128xf32, #tpu.memory_space<vmem>>
      %dma_start3A_234 = arith.constant 0 : i32
      %dma_start3A_235 = tpu.memref_slice %arg6[%add3A_42, %dma_start3A_234] : memref<40448x128xf32, #tpu.memory_space<hbm>> -> memref<128x128xf32, #tpu.memory_space<hbm>>
      %dma_start3A_236 = arith.constant 0 : i32
      %dma_start3A_237 = tpu.memref_slice %arg6[%add3A_42, %dma_start3A_236] : memref<40448x128xf32, #tpu.memory_space<hbm>> -> memref<128x128xf32, #tpu.memory_space<hbm>>
      %dma_start3A_238 = arith.constant 0 : i32
      %dma_start3A_239 = arith.constant 0 : i32
      %dma_start3A_240 = tpu.memref_slice %arg12[%dma_start3A_238, %dma_start3A_239] : memref<128x128xf32, #tpu.memory_space<vmem>> -> memref<128x128xf32, #tpu.memory_space<vmem>>
      tpu.enqueue_dma source(%dma_start3A_240 : memref<128x128xf32, #tpu.memory_space<vmem>>) target(%dma_start3A_237 : memref<128x128xf32, #tpu.memory_space<hbm>>) target_semaphore(%run_scoped3A : memref<!tpu.dma_semaphore, #tpu.memory_space<semaphore_mem>>)
      %dma_wait3A = arith.constant 0 : i32
      %dma_wait3A_241 = arith.constant 0 : i32
      %dma_wait3A_242 = tpu.memref_slice %arg12[%dma_wait3A, %dma_wait3A_241] : memref<128x128xf32, #tpu.memory_space<vmem>> -> memref<128x128xf32, #tpu.memory_space<vmem>>
      %dma_wait3A_243 = arith.constant 0 : i32
      %dma_wait3A_244 = tpu.memref_slice %arg6[%add3A_42, %dma_wait3A_243] : memref<40448x128xf32, #tpu.memory_space<hbm>> -> memref<128x128xf32, #tpu.memory_space<hbm>>
      %dma_wait3A_245 = arith.constant 0 : i32
      %dma_wait3A_246 = tpu.memref_slice %arg6[%add3A_42, %dma_wait3A_245] : memref<40448x128xf32, #tpu.memory_space<hbm>> -> memref<128x128xf32, #tpu.memory_space<hbm>>
      %dma_wait3A_247 = arith.constant 0 : i32
      %dma_wait3A_248 = arith.constant 0 : i32
      %dma_wait3A_249 = tpu.memref_slice %arg12[%dma_wait3A_247, %dma_wait3A_248] : memref<128x128xf32, #tpu.memory_space<vmem>> -> memref<128x128xf32, #tpu.memory_space<vmem>>
      tpu.wait_dma2 semaphore(%run_scoped3A : memref<!tpu.dma_semaphore, #tpu.memory_space<semaphore_mem>>) src(%dma_wait3A_249 : memref<128x128xf32, #tpu.memory_space<vmem>>) dst(%dma_wait3A_246 : memref<128x128xf32, #tpu.memory_space<hbm>>)
      tpu.yield
    }) : () -> ()
    %add3A_43 = arith.constant 384 : i32
    %add3A_44 = arith.addi %mul3A_0, %add3A_43 : i32
    "tpu.region"() ({
      %run_scoped3A = tpu.sem_alloc : memref<!tpu.dma_semaphore, #tpu.memory_space<semaphore_mem>>
      %dma_start3A = arith.constant 0 : i32
      %dma_start3A_232 = arith.constant 0 : i32
      %dma_start3A_233 = tpu.memref_slice %arg12[%dma_start3A, %dma_start3A_232] : memref<128x128xf32, #tpu.memory_space<vmem>> -> memref<128x128xf32, #tpu.memory_space<vmem>>
      %dma_start3A_234 = arith.constant 0 : i32
      %dma_start3A_235 = tpu.memref_slice %arg8[%add3A_44, %dma_start3A_234] : memref<10112x128xf32, #tpu.memory_space<vmem_shared>> -> memref<128x128xf32, #tpu.memory_space<vmem_shared>>
      %dma_start3A_236 = arith.constant 0 : i32
      %dma_start3A_237 = arith.constant 0 : i32
      %dma_start3A_238 = tpu.memref_slice %arg12[%dma_start3A_236, %dma_start3A_237] : memref<128x128xf32, #tpu.memory_space<vmem>> -> memref<128x128xf32, #tpu.memory_space<vmem>>
      %dma_start3A_239 = arith.constant 0 : i32
      %dma_start3A_240 = tpu.memref_slice %arg8[%add3A_44, %dma_start3A_239] : memref<10112x128xf32, #tpu.memory_space<vmem_shared>> -> memref<128x128xf32, #tpu.memory_space<vmem_shared>>
      tpu.enqueue_dma source(%dma_start3A_240 : memref<128x128xf32, #tpu.memory_space<vmem_shared>>) target(%dma_start3A_238 : memref<128x128xf32, #tpu.memory_space<vmem>>) target_semaphore(%run_scoped3A : memref<!tpu.dma_semaphore, #tpu.memory_space<semaphore_mem>>)
      %dma_wait3A = arith.constant 0 : i32
      %dma_wait3A_241 = arith.constant 0 : i32
      %dma_wait3A_242 = tpu.memref_slice %arg12[%dma_wait3A, %dma_wait3A_241] : memref<128x128xf32, #tpu.memory_space<vmem>> -> memref<128x128xf32, #tpu.memory_space<vmem>>
      %dma_wait3A_243 = arith.constant 0 : i32
      %dma_wait3A_244 = tpu.memref_slice %arg8[%add3A_44, %dma_wait3A_243] : memref<10112x128xf32, #tpu.memory_space<vmem_shared>> -> memref<128x128xf32, #tpu.memory_space<vmem_shared>>
      %dma_wait3A_245 = arith.constant 0 : i32
      %dma_wait3A_246 = arith.constant 0 : i32
      %dma_wait3A_247 = tpu.memref_slice %arg12[%dma_wait3A_245, %dma_wait3A_246] : memref<128x128xf32, #tpu.memory_space<vmem>> -> memref<128x128xf32, #tpu.memory_space<vmem>>
      %dma_wait3A_248 = arith.constant 0 : i32
      %dma_wait3A_249 = tpu.memref_slice %arg8[%add3A_44, %dma_wait3A_248] : memref<10112x128xf32, #tpu.memory_space<vmem_shared>> -> memref<128x128xf32, #tpu.memory_space<vmem_shared>>
      tpu.wait_dma2 semaphore(%run_scoped3A : memref<!tpu.dma_semaphore, #tpu.memory_space<semaphore_mem>>) src(%dma_wait3A_249 : memref<128x128xf32, #tpu.memory_space<vmem_shared>>) dst(%dma_wait3A_247 : memref<128x128xf32, #tpu.memory_space<vmem>>)
      tpu.yield
    }) : () -> ()
    %mul3A_45 = arith.constant 10112 : i32
    %mul3A_46 = arith.muli %add3A_5, %mul3A_45 : i32
    %add3A_47 = arith.addi %mul3A_46, %mul3A_0 : i32
    %add3A_48 = arith.constant 384 : i32
    %add3A_49 = arith.addi %add3A_47, %add3A_48 : i32
    "tpu.region"() ({
      %run_scoped3A = tpu.sem_alloc : memref<!tpu.dma_semaphore, #tpu.memory_space<semaphore_mem>>
      %dma_start3A = arith.constant 0 : i32
      %dma_start3A_232 = arith.constant 0 : i32
      %dma_start3A_233 = tpu.memref_slice %arg12[%dma_start3A, %dma_start3A_232] : memref<128x128xf32, #tpu.memory_space<vmem>> -> memref<128x128xf32, #tpu.memory_space<vmem>>
      %dma_start3A_234 = arith.constant 0 : i32
      %dma_start3A_235 = tpu.memref_slice %arg6[%add3A_49, %dma_start3A_234] : memref<40448x128xf32, #tpu.memory_space<hbm>> -> memref<128x128xf32, #tpu.memory_space<hbm>>
      %dma_start3A_236 = arith.constant 0 : i32
      %dma_start3A_237 = tpu.memref_slice %arg6[%add3A_49, %dma_start3A_236] : memref<40448x128xf32, #tpu.memory_space<hbm>> -> memref<128x128xf32, #tpu.memory_space<hbm>>
      %dma_start3A_238 = arith.constant 0 : i32
      %dma_start3A_239 = arith.constant 0 : i32
      %dma_start3A_240 = tpu.memref_slice %arg12[%dma_start3A_238, %dma_start3A_239] : memref<128x128xf32, #tpu.memory_space<vmem>> -> memref<128x128xf32, #tpu.memory_space<vmem>>
      tpu.enqueue_dma source(%dma_start3A_240 : memref<128x128xf32, #tpu.memory_space<vmem>>) target(%dma_start3A_237 : memref<128x128xf32, #tpu.memory_space<hbm>>) target_semaphore(%run_scoped3A : memref<!tpu.dma_semaphore, #tpu.memory_space<semaphore_mem>>)
      %dma_wait3A = arith.constant 0 : i32
      %dma_wait3A_241 = arith.constant 0 : i32
      %dma_wait3A_242 = tpu.memref_slice %arg12[%dma_wait3A, %dma_wait3A_241] : memref<128x128xf32, #tpu.memory_space<vmem>> -> memref<128x128xf32, #tpu.memory_space<vmem>>
      %dma_wait3A_243 = arith.constant 0 : i32
      %dma_wait3A_244 = tpu.memref_slice %arg6[%add3A_49, %dma_wait3A_243] : memref<40448x128xf32, #tpu.memory_space<hbm>> -> memref<128x128xf32, #tpu.memory_space<hbm>>
      %dma_wait3A_245 = arith.constant 0 : i32
      %dma_wait3A_246 = tpu.memref_slice %arg6[%add3A_49, %dma_wait3A_245] : memref<40448x128xf32, #tpu.memory_space<hbm>> -> memref<128x128xf32, #tpu.memory_space<hbm>>
      %dma_wait3A_247 = arith.constant 0 : i32
      %dma_wait3A_248 = arith.constant 0 : i32
      %dma_wait3A_249 = tpu.memref_slice %arg12[%dma_wait3A_247, %dma_wait3A_248] : memref<128x128xf32, #tpu.memory_space<vmem>> -> memref<128x128xf32, #tpu.memory_space<vmem>>
      tpu.wait_dma2 semaphore(%run_scoped3A : memref<!tpu.dma_semaphore, #tpu.memory_space<semaphore_mem>>) src(%dma_wait3A_249 : memref<128x128xf32, #tpu.memory_space<vmem>>) dst(%dma_wait3A_246 : memref<128x128xf32, #tpu.memory_space<hbm>>)
      tpu.yield
    }) : () -> ()
    %add3A_50 = arith.constant 512 : i32
    %add3A_51 = arith.addi %mul3A_0, %add3A_50 : i32
    "tpu.region"() ({
      %run_scoped3A = tpu.sem_alloc : memref<!tpu.dma_semaphore, #tpu.memory_space<semaphore_mem>>
      %dma_start3A = arith.constant 0 : i32
      %dma_start3A_232 = arith.constant 0 : i32
      %dma_start3A_233 = tpu.memref_slice %arg12[%dma_start3A, %dma_start3A_232] : memref<128x128xf32, #tpu.memory_space<vmem>> -> memref<120x128xf32, #tpu.memory_space<vmem>>
      %dma_start3A_234 = arith.constant 0 : i32
      %dma_start3A_235 = tpu.memref_slice %arg8[%add3A_51, %dma_start3A_234] : memref<10112x128xf32, #tpu.memory_space<vmem_shared>> -> memref<120x128xf32, #tpu.memory_space<vmem_shared>>
      %dma_start3A_236 = arith.constant 0 : i32
      %dma_start3A_237 = arith.constant 0 : i32
      %dma_start3A_238 = tpu.memref_slice %arg12[%dma_start3A_236, %dma_start3A_237] : memref<128x128xf32, #tpu.memory_space<vmem>> -> memref<120x128xf32, #tpu.memory_space<vmem>>
      %dma_start3A_239 = arith.constant 0 : i32
      %dma_start3A_240 = tpu.memref_slice %arg8[%add3A_51, %dma_start3A_239] : memref<10112x128xf32, #tpu.memory_space<vmem_shared>> -> memref<120x128xf32, #tpu.memory_space<vmem_shared>>
      tpu.enqueue_dma source(%dma_start3A_240 : memref<120x128xf32, #tpu.memory_space<vmem_shared>>) target(%dma_start3A_238 : memref<120x128xf32, #tpu.memory_space<vmem>>) target_semaphore(%run_scoped3A : memref<!tpu.dma_semaphore, #tpu.memory_space<semaphore_mem>>)
      %dma_wait3A = arith.constant 0 : i32
      %dma_wait3A_241 = arith.constant 0 : i32
      %dma_wait3A_242 = tpu.memref_slice %arg12[%dma_wait3A, %dma_wait3A_241] : memref<128x128xf32, #tpu.memory_space<vmem>> -> memref<120x128xf32, #tpu.memory_space<vmem>>
      %dma_wait3A_243 = arith.constant 0 : i32
      %dma_wait3A_244 = tpu.memref_slice %arg8[%add3A_51, %dma_wait3A_243] : memref<10112x128xf32, #tpu.memory_space<vmem_shared>> -> memref<120x128xf32, #tpu.memory_space<vmem_shared>>
      %dma_wait3A_245 = arith.constant 0 : i32
      %dma_wait3A_246 = arith.constant 0 : i32
      %dma_wait3A_247 = tpu.memref_slice %arg12[%dma_wait3A_245, %dma_wait3A_246] : memref<128x128xf32, #tpu.memory_space<vmem>> -> memref<120x128xf32, #tpu.memory_space<vmem>>
      %dma_wait3A_248 = arith.constant 0 : i32
      %dma_wait3A_249 = tpu.memref_slice %arg8[%add3A_51, %dma_wait3A_248] : memref<10112x128xf32, #tpu.memory_space<vmem_shared>> -> memref<120x128xf32, #tpu.memory_space<vmem_shared>>
      tpu.wait_dma2 semaphore(%run_scoped3A : memref<!tpu.dma_semaphore, #tpu.memory_space<semaphore_mem>>) src(%dma_wait3A_249 : memref<120x128xf32, #tpu.memory_space<vmem_shared>>) dst(%dma_wait3A_247 : memref<120x128xf32, #tpu.memory_space<vmem>>)
      tpu.yield
    }) : () -> ()
    %mul3A_52 = arith.constant 10112 : i32
    %mul3A_53 = arith.muli %add3A_5, %mul3A_52 : i32
    %add3A_54 = arith.addi %mul3A_53, %mul3A_0 : i32
    %add3A_55 = arith.constant 512 : i32
    %add3A_56 = arith.addi %add3A_54, %add3A_55 : i32
    "tpu.region"() ({
      %run_scoped3A = tpu.sem_alloc : memref<!tpu.dma_semaphore, #tpu.memory_space<semaphore_mem>>
      %dma_start3A = arith.constant 0 : i32
      %dma_start3A_232 = arith.constant 0 : i32
      %dma_start3A_233 = tpu.memref_slice %arg12[%dma_start3A, %dma_start3A_232] : memref<128x128xf32, #tpu.memory_space<vmem>> -> memref<120x128xf32, #tpu.memory_space<vmem>>
      %dma_start3A_234 = arith.constant 0 : i32
      %dma_start3A_235 = tpu.memref_slice %arg6[%add3A_56, %dma_start3A_234] : memref<40448x128xf32, #tpu.memory_space<hbm>> -> memref<120x128xf32, #tpu.memory_space<hbm>>
      %dma_start3A_236 = arith.constant 0 : i32
      %dma_start3A_237 = tpu.memref_slice %arg6[%add3A_56, %dma_start3A_236] : memref<40448x128xf32, #tpu.memory_space<hbm>> -> memref<120x128xf32, #tpu.memory_space<hbm>>
      %dma_start3A_238 = arith.constant 0 : i32
      %dma_start3A_239 = arith.constant 0 : i32
      %dma_start3A_240 = tpu.memref_slice %arg12[%dma_start3A_238, %dma_start3A_239] : memref<128x128xf32, #tpu.memory_space<vmem>> -> memref<120x128xf32, #tpu.memory_space<vmem>>
      tpu.enqueue_dma source(%dma_start3A_240 : memref<120x128xf32, #tpu.memory_space<vmem>>) target(%dma_start3A_237 : memref<120x128xf32, #tpu.memory_space<hbm>>) target_semaphore(%run_scoped3A : memref<!tpu.dma_semaphore, #tpu.memory_space<semaphore_mem>>)
      %dma_wait3A = arith.constant 0 : i32
      %dma_wait3A_241 = arith.constant 0 : i32
      %dma_wait3A_242 = tpu.memref_slice %arg12[%dma_wait3A, %dma_wait3A_241] : memref<128x128xf32, #tpu.memory_space<vmem>> -> memref<120x128xf32, #tpu.memory_space<vmem>>
      %dma_wait3A_243 = arith.constant 0 : i32
      %dma_wait3A_244 = tpu.memref_slice %arg6[%add3A_56, %dma_wait3A_243] : memref<40448x128xf32, #tpu.memory_space<hbm>> -> memref<120x128xf32, #tpu.memory_space<hbm>>
      %dma_wait3A_245 = arith.constant 0 : i32
      %dma_wait3A_246 = tpu.memref_slice %arg6[%add3A_56, %dma_wait3A_245] : memref<40448x128xf32, #tpu.memory_space<hbm>> -> memref<120x128xf32, #tpu.memory_space<hbm>>
      %dma_wait3A_247 = arith.constant 0 : i32
      %dma_wait3A_248 = arith.constant 0 : i32
      %dma_wait3A_249 = tpu.memref_slice %arg12[%dma_wait3A_247, %dma_wait3A_248] : memref<128x128xf32, #tpu.memory_space<vmem>> -> memref<120x128xf32, #tpu.memory_space<vmem>>
      tpu.wait_dma2 semaphore(%run_scoped3A : memref<!tpu.dma_semaphore, #tpu.memory_space<semaphore_mem>>) src(%dma_wait3A_249 : memref<120x128xf32, #tpu.memory_space<vmem>>) dst(%dma_wait3A_246 : memref<120x128xf32, #tpu.memory_space<hbm>>)
      tpu.yield
    }) : () -> ()
    %barrier3A_57 = arith.constant 0 : index
    tpu.barrier barrier_id(%barrier3A_57)
    %mul3A_58 = arith.constant 2 : i32
    %mul3A_59 = arith.muli %mul3A_58, %arg0 : i32
    %add3A_60 = arith.constant 1 : i32
    %add3A_61 = arith.addi %mul3A_59, %add3A_60 : i32
    "tpu.region"() ({
      %run_scoped3A = tpu.sem_alloc : memref<!tpu.dma_semaphore, #tpu.memory_space<semaphore_mem>>
      %dma_start3A = arith.constant 0 : i32
      %dma_start3A_232 = arith.constant 0 : i32
      %dma_start3A_233 = tpu.memref_slice %arg4[%dma_start3A, %dma_start3A_232] : memref<640x128xf32, #tpu.memory_space<hbm>> -> memref<128x128xf32, #tpu.memory_space<hbm>>
      %dma_start3A_234 = arith.constant 0 : i32
      %dma_start3A_235 = arith.constant 0 : i32
      %dma_start3A_236 = tpu.memref_slice %arg4[%dma_start3A_234, %dma_start3A_235] : memref<640x128xf32, #tpu.memory_space<hbm>> -> memref<128x128xf32, #tpu.memory_space<hbm>>
      tpu.enqueue_dma source(%dma_start3A_236 : memref<128x128xf32, #tpu.memory_space<hbm>>) target(%arg12 : memref<128x128xf32, #tpu.memory_space<vmem>>) target_semaphore(%run_scoped3A : memref<!tpu.dma_semaphore, #tpu.memory_space<semaphore_mem>>)
      %dma_wait3A = arith.constant 0 : i32
      %dma_wait3A_237 = arith.constant 0 : i32
      %dma_wait3A_238 = tpu.memref_slice %arg4[%dma_wait3A, %dma_wait3A_237] : memref<640x128xf32, #tpu.memory_space<hbm>> -> memref<128x128xf32, #tpu.memory_space<hbm>>
      %dma_wait3A_239 = arith.constant 0 : i32
      %dma_wait3A_240 = arith.constant 0 : i32
      %dma_wait3A_241 = tpu.memref_slice %arg4[%dma_wait3A_239, %dma_wait3A_240] : memref<640x128xf32, #tpu.memory_space<hbm>> -> memref<128x128xf32, #tpu.memory_space<hbm>>
      tpu.wait_dma2 semaphore(%run_scoped3A : memref<!tpu.dma_semaphore, #tpu.memory_space<semaphore_mem>>) src(%dma_wait3A_241 : memref<128x128xf32, #tpu.memory_space<hbm>>) dst(%arg12 : memref<128x128xf32, #tpu.memory_space<vmem>>)
      tpu.yield
    }) : () -> ()
    %add3A_62 = arith.constant 0 : i32
    %add3A_63 = arith.addi %mul3A_0, %add3A_62 : i32
    "tpu.region"() ({
      %run_scoped3A = tpu.sem_alloc : memref<!tpu.dma_semaphore, #tpu.memory_space<semaphore_mem>>
      %dma_start3A = arith.constant 0 : i32
      %dma_start3A_232 = arith.constant 0 : i32
      %dma_start3A_233 = tpu.memref_slice %arg12[%dma_start3A, %dma_start3A_232] : memref<128x128xf32, #tpu.memory_space<vmem>> -> memref<128x128xf32, #tpu.memory_space<vmem>>
      %dma_start3A_234 = arith.constant 0 : i32
      %dma_start3A_235 = tpu.memref_slice %arg8[%add3A_63, %dma_start3A_234] : memref<10112x128xf32, #tpu.memory_space<vmem_shared>> -> memref<128x128xf32, #tpu.memory_space<vmem_shared>>
      %dma_start3A_236 = arith.constant 0 : i32
      %dma_start3A_237 = tpu.memref_slice %arg8[%add3A_63, %dma_start3A_236] : memref<10112x128xf32, #tpu.memory_space<vmem_shared>> -> memref<128x128xf32, #tpu.memory_space<vmem_shared>>
      %dma_start3A_238 = arith.constant 0 : i32
      %dma_start3A_239 = arith.constant 0 : i32
      %dma_start3A_240 = tpu.memref_slice %arg12[%dma_start3A_238, %dma_start3A_239] : memref<128x128xf32, #tpu.memory_space<vmem>> -> memref<128x128xf32, #tpu.memory_space<vmem>>
      tpu.enqueue_dma source(%dma_start3A_240 : memref<128x128xf32, #tpu.memory_space<vmem>>) target(%dma_start3A_237 : memref<128x128xf32, #tpu.memory_space<vmem_shared>>) target_semaphore(%run_scoped3A : memref<!tpu.dma_semaphore, #tpu.memory_space<semaphore_mem>>)
      %dma_wait3A = arith.constant 0 : i32
      %dma_wait3A_241 = arith.constant 0 : i32
      %dma_wait3A_242 = tpu.memref_slice %arg12[%dma_wait3A, %dma_wait3A_241] : memref<128x128xf32, #tpu.memory_space<vmem>> -> memref<128x128xf32, #tpu.memory_space<vmem>>
      %dma_wait3A_243 = arith.constant 0 : i32
      %dma_wait3A_244 = tpu.memref_slice %arg8[%add3A_63, %dma_wait3A_243] : memref<10112x128xf32, #tpu.memory_space<vmem_shared>> -> memref<128x128xf32, #tpu.memory_space<vmem_shared>>
      %dma_wait3A_245 = arith.constant 0 : i32
      %dma_wait3A_246 = tpu.memref_slice %arg8[%add3A_63, %dma_wait3A_245] : memref<10112x128xf32, #tpu.memory_space<vmem_shared>> -> memref<128x128xf32, #tpu.memory_space<vmem_shared>>
      %dma_wait3A_247 = arith.constant 0 : i32
      %dma_wait3A_248 = arith.constant 0 : i32
      %dma_wait3A_249 = tpu.memref_slice %arg12[%dma_wait3A_247, %dma_wait3A_248] : memref<128x128xf32, #tpu.memory_space<vmem>> -> memref<128x128xf32, #tpu.memory_space<vmem>>
      tpu.wait_dma2 semaphore(%run_scoped3A : memref<!tpu.dma_semaphore, #tpu.memory_space<semaphore_mem>>) src(%dma_wait3A_249 : memref<128x128xf32, #tpu.memory_space<vmem>>) dst(%dma_wait3A_246 : memref<128x128xf32, #tpu.memory_space<vmem_shared>>)
      tpu.yield
    }) : () -> ()
    %add3A_64 = arith.constant 128 : i32
    %add3A_65 = arith.addi %mul3A_0, %add3A_64 : i32
    "tpu.region"() ({
      %run_scoped3A = tpu.sem_alloc : memref<!tpu.dma_semaphore, #tpu.memory_space<semaphore_mem>>
      %dma_start3A = arith.constant 0 : i32
      %dma_start3A_232 = arith.constant 0 : i32
      %dma_start3A_233 = tpu.memref_slice %arg12[%dma_start3A, %dma_start3A_232] : memref<128x128xf32, #tpu.memory_space<vmem>> -> memref<128x128xf32, #tpu.memory_space<vmem>>
      %dma_start3A_234 = arith.constant 0 : i32
      %dma_start3A_235 = tpu.memref_slice %arg8[%add3A_65, %dma_start3A_234] : memref<10112x128xf32, #tpu.memory_space<vmem_shared>> -> memref<128x128xf32, #tpu.memory_space<vmem_shared>>
      %dma_start3A_236 = arith.constant 0 : i32
      %dma_start3A_237 = tpu.memref_slice %arg8[%add3A_65, %dma_start3A_236] : memref<10112x128xf32, #tpu.memory_space<vmem_shared>> -> memref<128x128xf32, #tpu.memory_space<vmem_shared>>
      %dma_start3A_238 = arith.constant 0 : i32
      %dma_start3A_239 = arith.constant 0 : i32
      %dma_start3A_240 = tpu.memref_slice %arg12[%dma_start3A_238, %dma_start3A_239] : memref<128x128xf32, #tpu.memory_space<vmem>> -> memref<128x128xf32, #tpu.memory_space<vmem>>
      tpu.enqueue_dma source(%dma_start3A_240 : memref<128x128xf32, #tpu.memory_space<vmem>>) target(%dma_start3A_237 : memref<128x128xf32, #tpu.memory_space<vmem_shared>>) target_semaphore(%run_scoped3A : memref<!tpu.dma_semaphore, #tpu.memory_space<semaphore_mem>>)
      %dma_wait3A = arith.constant 0 : i32
      %dma_wait3A_241 = arith.constant 0 : i32
      %dma_wait3A_242 = tpu.memref_slice %arg12[%dma_wait3A, %dma_wait3A_241] : memref<128x128xf32, #tpu.memory_space<vmem>> -> memref<128x128xf32, #tpu.memory_space<vmem>>
      %dma_wait3A_243 = arith.constant 0 : i32
      %dma_wait3A_244 = tpu.memref_slice %arg8[%add3A_65, %dma_wait3A_243] : memref<10112x128xf32, #tpu.memory_space<vmem_shared>> -> memref<128x128xf32, #tpu.memory_space<vmem_shared>>
      %dma_wait3A_245 = arith.constant 0 : i32
      %dma_wait3A_246 = tpu.memref_slice %arg8[%add3A_65, %dma_wait3A_245] : memref<10112x128xf32, #tpu.memory_space<vmem_shared>> -> memref<128x128xf32, #tpu.memory_space<vmem_shared>>
      %dma_wait3A_247 = arith.constant 0 : i32
      %dma_wait3A_248 = arith.constant 0 : i32
      %dma_wait3A_249 = tpu.memref_slice %arg12[%dma_wait3A_247, %dma_wait3A_248] : memref<128x128xf32, #tpu.memory_space<vmem>> -> memref<128x128xf32, #tpu.memory_space<vmem>>
      tpu.wait_dma2 semaphore(%run_scoped3A : memref<!tpu.dma_semaphore, #tpu.memory_space<semaphore_mem>>) src(%dma_wait3A_249 : memref<128x128xf32, #tpu.memory_space<vmem>>) dst(%dma_wait3A_246 : memref<128x128xf32, #tpu.memory_space<vmem_shared>>)
      tpu.yield
    }) : () -> ()
    %add3A_66 = arith.constant 256 : i32
    %add3A_67 = arith.addi %mul3A_0, %add3A_66 : i32
    "tpu.region"() ({
      %run_scoped3A = tpu.sem_alloc : memref<!tpu.dma_semaphore, #tpu.memory_space<semaphore_mem>>
      %dma_start3A = arith.constant 0 : i32
      %dma_start3A_232 = arith.constant 0 : i32
      %dma_start3A_233 = tpu.memref_slice %arg12[%dma_start3A, %dma_start3A_232] : memref<128x128xf32, #tpu.memory_space<vmem>> -> memref<128x128xf32, #tpu.memory_space<vmem>>
      %dma_start3A_234 = arith.constant 0 : i32
      %dma_start3A_235 = tpu.memref_slice %arg8[%add3A_67, %dma_start3A_234] : memref<10112x128xf32, #tpu.memory_space<vmem_shared>> -> memref<128x128xf32, #tpu.memory_space<vmem_shared>>
      %dma_start3A_236 = arith.constant 0 : i32
      %dma_start3A_237 = tpu.memref_slice %arg8[%add3A_67, %dma_start3A_236] : memref<10112x128xf32, #tpu.memory_space<vmem_shared>> -> memref<128x128xf32, #tpu.memory_space<vmem_shared>>
      %dma_start3A_238 = arith.constant 0 : i32
      %dma_start3A_239 = arith.constant 0 : i32
      %dma_start3A_240 = tpu.memref_slice %arg12[%dma_start3A_238, %dma_start3A_239] : memref<128x128xf32, #tpu.memory_space<vmem>> -> memref<128x128xf32, #tpu.memory_space<vmem>>
      tpu.enqueue_dma source(%dma_start3A_240 : memref<128x128xf32, #tpu.memory_space<vmem>>) target(%dma_start3A_237 : memref<128x128xf32, #tpu.memory_space<vmem_shared>>) target_semaphore(%run_scoped3A : memref<!tpu.dma_semaphore, #tpu.memory_space<semaphore_mem>>)
      %dma_wait3A = arith.constant 0 : i32
      %dma_wait3A_241 = arith.constant 0 : i32
      %dma_wait3A_242 = tpu.memref_slice %arg12[%dma_wait3A, %dma_wait3A_241] : memref<128x128xf32, #tpu.memory_space<vmem>> -> memref<128x128xf32, #tpu.memory_space<vmem>>
      %dma_wait3A_243 = arith.constant 0 : i32
      %dma_wait3A_244 = tpu.memref_slice %arg8[%add3A_67, %dma_wait3A_243] : memref<10112x128xf32, #tpu.memory_space<vmem_shared>> -> memref<128x128xf32, #tpu.memory_space<vmem_shared>>
      %dma_wait3A_245 = arith.constant 0 : i32
      %dma_wait3A_246 = tpu.memref_slice %arg8[%add3A_67, %dma_wait3A_245] : memref<10112x128xf32, #tpu.memory_space<vmem_shared>> -> memref<128x128xf32, #tpu.memory_space<vmem_shared>>
      %dma_wait3A_247 = arith.constant 0 : i32
      %dma_wait3A_248 = arith.constant 0 : i32
      %dma_wait3A_249 = tpu.memref_slice %arg12[%dma_wait3A_247, %dma_wait3A_248] : memref<128x128xf32, #tpu.memory_space<vmem>> -> memref<128x128xf32, #tpu.memory_space<vmem>>
      tpu.wait_dma2 semaphore(%run_scoped3A : memref<!tpu.dma_semaphore, #tpu.memory_space<semaphore_mem>>) src(%dma_wait3A_249 : memref<128x128xf32, #tpu.memory_space<vmem>>) dst(%dma_wait3A_246 : memref<128x128xf32, #tpu.memory_space<vmem_shared>>)
      tpu.yield
    }) : () -> ()
    %add3A_68 = arith.constant 384 : i32
    %add3A_69 = arith.addi %mul3A_0, %add3A_68 : i32
    "tpu.region"() ({
      %run_scoped3A = tpu.sem_alloc : memref<!tpu.dma_semaphore, #tpu.memory_space<semaphore_mem>>
      %dma_start3A = arith.constant 0 : i32
      %dma_start3A_232 = arith.constant 0 : i32
      %dma_start3A_233 = tpu.memref_slice %arg12[%dma_start3A, %dma_start3A_232] : memref<128x128xf32, #tpu.memory_space<vmem>> -> memref<128x128xf32, #tpu.memory_space<vmem>>
      %dma_start3A_234 = arith.constant 0 : i32
      %dma_start3A_235 = tpu.memref_slice %arg8[%add3A_69, %dma_start3A_234] : memref<10112x128xf32, #tpu.memory_space<vmem_shared>> -> memref<128x128xf32, #tpu.memory_space<vmem_shared>>
      %dma_start3A_236 = arith.constant 0 : i32
      %dma_start3A_237 = tpu.memref_slice %arg8[%add3A_69, %dma_start3A_236] : memref<10112x128xf32, #tpu.memory_space<vmem_shared>> -> memref<128x128xf32, #tpu.memory_space<vmem_shared>>
      %dma_start3A_238 = arith.constant 0 : i32
      %dma_start3A_239 = arith.constant 0 : i32
      %dma_start3A_240 = tpu.memref_slice %arg12[%dma_start3A_238, %dma_start3A_239] : memref<128x128xf32, #tpu.memory_space<vmem>> -> memref<128x128xf32, #tpu.memory_space<vmem>>
      tpu.enqueue_dma source(%dma_start3A_240 : memref<128x128xf32, #tpu.memory_space<vmem>>) target(%dma_start3A_237 : memref<128x128xf32, #tpu.memory_space<vmem_shared>>) target_semaphore(%run_scoped3A : memref<!tpu.dma_semaphore, #tpu.memory_space<semaphore_mem>>)
      %dma_wait3A = arith.constant 0 : i32
      %dma_wait3A_241 = arith.constant 0 : i32
      %dma_wait3A_242 = tpu.memref_slice %arg12[%dma_wait3A, %dma_wait3A_241] : memref<128x128xf32, #tpu.memory_space<vmem>> -> memref<128x128xf32, #tpu.memory_space<vmem>>
      %dma_wait3A_243 = arith.constant 0 : i32
      %dma_wait3A_244 = tpu.memref_slice %arg8[%add3A_69, %dma_wait3A_243] : memref<10112x128xf32, #tpu.memory_space<vmem_shared>> -> memref<128x128xf32, #tpu.memory_space<vmem_shared>>
      %dma_wait3A_245 = arith.constant 0 : i32
      %dma_wait3A_246 = tpu.memref_slice %arg8[%add3A_69, %dma_wait3A_245] : memref<10112x128xf32, #tpu.memory_space<vmem_shared>> -> memref<128x128xf32, #tpu.memory_space<vmem_shared>>
      %dma_wait3A_247 = arith.constant 0 : i32
      %dma_wait3A_248 = arith.constant 0 : i32
      %dma_wait3A_249 = tpu.memref_slice %arg12[%dma_wait3A_247, %dma_wait3A_248] : memref<128x128xf32, #tpu.memory_space<vmem>> -> memref<128x128xf32, #tpu.memory_space<vmem>>
      tpu.wait_dma2 semaphore(%run_scoped3A : memref<!tpu.dma_semaphore, #tpu.memory_space<semaphore_mem>>) src(%dma_wait3A_249 : memref<128x128xf32, #tpu.memory_space<vmem>>) dst(%dma_wait3A_246 : memref<128x128xf32, #tpu.memory_space<vmem_shared>>)
      tpu.yield
    }) : () -> ()
    %add3A_70 = arith.constant 512 : i32
    %add3A_71 = arith.addi %mul3A_0, %add3A_70 : i32
    "tpu.region"() ({
      %run_scoped3A = tpu.sem_alloc : memref<!tpu.dma_semaphore, #tpu.memory_space<semaphore_mem>>
      %dma_start3A = arith.constant 0 : i32
      %dma_start3A_232 = arith.constant 0 : i32
      %dma_start3A_233 = tpu.memref_slice %arg12[%dma_start3A, %dma_start3A_232] : memref<128x128xf32, #tpu.memory_space<vmem>> -> memref<120x128xf32, #tpu.memory_space<vmem>>
      %dma_start3A_234 = arith.constant 0 : i32
      %dma_start3A_235 = tpu.memref_slice %arg8[%add3A_71, %dma_start3A_234] : memref<10112x128xf32, #tpu.memory_space<vmem_shared>> -> memref<120x128xf32, #tpu.memory_space<vmem_shared>>
      %dma_start3A_236 = arith.constant 0 : i32
      %dma_start3A_237 = tpu.memref_slice %arg8[%add3A_71, %dma_start3A_236] : memref<10112x128xf32, #tpu.memory_space<vmem_shared>> -> memref<120x128xf32, #tpu.memory_space<vmem_shared>>
      %dma_start3A_238 = arith.constant 0 : i32
      %dma_start3A_239 = arith.constant 0 : i32
      %dma_start3A_240 = tpu.memref_slice %arg12[%dma_start3A_238, %dma_start3A_239] : memref<128x128xf32, #tpu.memory_space<vmem>> -> memref<120x128xf32, #tpu.memory_space<vmem>>
      tpu.enqueue_dma source(%dma_start3A_240 : memref<120x128xf32, #tpu.memory_space<vmem>>) target(%dma_start3A_237 : memref<120x128xf32, #tpu.memory_space<vmem_shared>>) target_semaphore(%run_scoped3A : memref<!tpu.dma_semaphore, #tpu.memory_space<semaphore_mem>>)
      %dma_wait3A = arith.constant 0 : i32
      %dma_wait3A_241 = arith.constant 0 : i32
      %dma_wait3A_242 = tpu.memref_slice %arg12[%dma_wait3A, %dma_wait3A_241] : memref<128x128xf32, #tpu.memory_space<vmem>> -> memref<120x128xf32, #tpu.memory_space<vmem>>
      %dma_wait3A_243 = arith.constant 0 : i32
      %dma_wait3A_244 = tpu.memref_slice %arg8[%add3A_71, %dma_wait3A_243] : memref<10112x128xf32, #tpu.memory_space<vmem_shared>> -> memref<120x128xf32, #tpu.memory_space<vmem_shared>>
      %dma_wait3A_245 = arith.constant 0 : i32
      %dma_wait3A_246 = tpu.memref_slice %arg8[%add3A_71, %dma_wait3A_245] : memref<10112x128xf32, #tpu.memory_space<vmem_shared>> -> memref<120x128xf32, #tpu.memory_space<vmem_shared>>
      %dma_wait3A_247 = arith.constant 0 : i32
      %dma_wait3A_248 = arith.constant 0 : i32
      %dma_wait3A_249 = tpu.memref_slice %arg12[%dma_wait3A_247, %dma_wait3A_248] : memref<128x128xf32, #tpu.memory_space<vmem>> -> memref<120x128xf32, #tpu.memory_space<vmem>>
      tpu.wait_dma2 semaphore(%run_scoped3A : memref<!tpu.dma_semaphore, #tpu.memory_space<semaphore_mem>>) src(%dma_wait3A_249 : memref<120x128xf32, #tpu.memory_space<vmem>>) dst(%dma_wait3A_246 : memref<120x128xf32, #tpu.memory_space<vmem_shared>>)
      tpu.yield
    }) : () -> ()
    %barrier3A_72 = arith.constant 0 : index
    tpu.barrier barrier_id(%barrier3A_72)
    %scan3A_73 = arith.constant 0 : i32
    %scan3A_74 = arith.constant 0 : i32
    %scan3A_75 = arith.constant 157 : i32
    %scan3A_76 = arith.addi %scan3A_74, %scan3A_75 : i32
    %scan3A_77 = arith.constant 1 : i32
    scf.for %scan3A_232 = %scan3A_74 to %scan3A_76 step %scan3A_77  : i32 {
      %mul3A_233 = arith.constant 157 : i32
      %mul3A_234 = arith.muli %arg1, %mul3A_233 : i32
      %add3A_235 = arith.addi %mul3A_234, %scan3A_232 : i32
      %mul3A_236 = arith.constant 3 : i32
      %mul3A_237 = arith.muli %add3A_235, %mul3A_236 : i32
      %mul3A_238 = arith.constant 128 : i32
      %mul3A_239 = arith.muli %mul3A_237, %mul3A_238 : i32
      "tpu.region"() ({
        %run_scoped3A = tpu.sem_alloc : memref<!tpu.dma_semaphore, #tpu.memory_space<semaphore_mem>>
        %dma_start3A_407 = tpu.memref_slice %arg3[%mul3A_239] : memref<964608xi32, #tpu.memory_space<hbm>> -> memref<384xi32, #tpu.memory_space<hbm>>
        %dma_start3A_408 = tpu.memref_slice %arg3[%mul3A_239] : memref<964608xi32, #tpu.memory_space<hbm>> -> memref<384xi32, #tpu.memory_space<hbm>>
        tpu.enqueue_dma source(%dma_start3A_408 : memref<384xi32, #tpu.memory_space<hbm>>) target(%arg10 : memref<384xi32, #tpu.memory_space<vmem>>) target_semaphore(%run_scoped3A : memref<!tpu.dma_semaphore, #tpu.memory_space<semaphore_mem>>)
        %dma_wait3A_409 = tpu.memref_slice %arg3[%mul3A_239] : memref<964608xi32, #tpu.memory_space<hbm>> -> memref<384xi32, #tpu.memory_space<hbm>>
        %dma_wait3A_410 = tpu.memref_slice %arg3[%mul3A_239] : memref<964608xi32, #tpu.memory_space<hbm>> -> memref<384xi32, #tpu.memory_space<hbm>>
        tpu.wait_dma2 semaphore(%run_scoped3A : memref<!tpu.dma_semaphore, #tpu.memory_space<semaphore_mem>>) src(%dma_wait3A_410 : memref<384xi32, #tpu.memory_space<hbm>>) dst(%arg10 : memref<384xi32, #tpu.memory_space<vmem>>)
        tpu.yield
      }) : () -> ()
      %get3A = arith.constant 256 : index
      %get3A_240 = tpu.vector_load %arg10[%get3A] {strides = array<i32>} : memref<384xi32, #tpu.memory_space<vmem>>, vector<16xi32>,
      %get3A_241 = vector.shape_cast %get3A_240 : vector<16xi32> to vector<16xi32>
      %eq3A = vector.broadcast %add3A_61 : i32 to vector<16xi32>
      %eq3A_242 = arith.cmpi eq, %get3A_241, %eq3A : vector<16xi32>
      %get3A_243 = arith.constant 128 : index
      %get3A_244 = tpu.vector_load %arg10[%get3A_243] {strides = array<i32>} : memref<384xi32, #tpu.memory_space<vmem>>, vector<16xi32>,
      %get3A_245 = vector.shape_cast %get3A_244 : vector<16xi32> to vector<16xi32>
      %broadcast_in_dim3A = vector.broadcast %add3A_1 : i32 to vector<16xi32>
      %select_n3A = arith.select %eq3A_242, %get3A_245, %broadcast_in_dim3A : vector<16xi1>, vector<16xi32>
      %swap3A = arith.constant 0 : index
      %swap3A_246 = tpu.vector_load %arg11[%swap3A] {strides = array<i32>} : memref<128xi32, #tpu.memory_space<vmem>>, vector<16xi32>,
      %swap3A_247 = vector.shape_cast %swap3A_246 : vector<16xi32> to vector<16xi32>
      %swap3A_248 = vector.shape_cast %select_n3A : vector<16xi32> to vector<16xi32>
      tpu.vector_store %arg11[%swap3A], %swap3A_248 {strides = array<i32>} : memref<128xi32, #tpu.memory_space<vmem>>, vector<16xi32>,
      %get3A_249 = arith.constant 0 : index
      %get3A_250 = tpu.vector_load %arg10[%get3A_249] {strides = array<i32>} : memref<384xi32, #tpu.memory_space<vmem>>, vector<16xi32>,
      %get3A_251 = vector.shape_cast %get3A_250 : vector<16xi32> to vector<16xi32>
      %swap3A_252 = arith.constant 0 : index
      %swap3A_253 = tpu.vector_load %arg9[%swap3A_252] {strides = array<i32>} : memref<128xi32, #tpu.memory_space<vmem>>, vector<16xi32>,
      %swap3A_254 = vector.shape_cast %swap3A_253 : vector<16xi32> to vector<16xi32>
      %swap3A_255 = vector.shape_cast %get3A_251 : vector<16xi32> to vector<16xi32>
      tpu.vector_store %arg9[%swap3A_252], %swap3A_255 {strides = array<i32>} : memref<128xi32, #tpu.memory_space<vmem>>, vector<16xi32>,
      %get3A_256 = arith.constant 272 : index
      %get3A_257 = tpu.vector_load %arg10[%get3A_256] {strides = array<i32>} : memref<384xi32, #tpu.memory_space<vmem>>, vector<16xi32>,
      %get3A_258 = vector.shape_cast %get3A_257 : vector<16xi32> to vector<16xi32>
      %eq3A_259 = vector.broadcast %add3A_61 : i32 to vector<16xi32>
      %eq3A_260 = arith.cmpi eq, %get3A_258, %eq3A_259 : vector<16xi32>
      %get3A_261 = arith.constant 144 : index
      %get3A_262 = tpu.vector_load %arg10[%get3A_261] {strides = array<i32>} : memref<384xi32, #tpu.memory_space<vmem>>, vector<16xi32>,
      %get3A_263 = vector.shape_cast %get3A_262 : vector<16xi32> to vector<16xi32>
      %broadcast_in_dim3A_264 = vector.broadcast %add3A_1 : i32 to vector<16xi32>
      %select_n3A_265 = arith.select %eq3A_260, %get3A_263, %broadcast_in_dim3A_264 : vector<16xi1>, vector<16xi32>
      %swap3A_266 = arith.constant 16 : index
      %swap3A_267 = tpu.vector_load %arg11[%swap3A_266] {strides = array<i32>} : memref<128xi32, #tpu.memory_space<vmem>>, vector<16xi32>,
      %swap3A_268 = vector.shape_cast %swap3A_267 : vector<16xi32> to vector<16xi32>
      %swap3A_269 = vector.shape_cast %select_n3A_265 : vector<16xi32> to vector<16xi32>
      tpu.vector_store %arg11[%swap3A_266], %swap3A_269 {strides = array<i32>} : memref<128xi32, #tpu.memory_space<vmem>>, vector<16xi32>,
      %get3A_270 = arith.constant 16 : index
      %get3A_271 = tpu.vector_load %arg10[%get3A_270] {strides = array<i32>} : memref<384xi32, #tpu.memory_space<vmem>>, vector<16xi32>,
      %get3A_272 = vector.shape_cast %get3A_271 : vector<16xi32> to vector<16xi32>
      %swap3A_273 = arith.constant 16 : index
      %swap3A_274 = tpu.vector_load %arg9[%swap3A_273] {strides = array<i32>} : memref<128xi32, #tpu.memory_space<vmem>>, vector<16xi32>,
      %swap3A_275 = vector.shape_cast %swap3A_274 : vector<16xi32> to vector<16xi32>
      %swap3A_276 = vector.shape_cast %get3A_272 : vector<16xi32> to vector<16xi32>
      tpu.vector_store %arg9[%swap3A_273], %swap3A_276 {strides = array<i32>} : memref<128xi32, #tpu.memory_space<vmem>>, vector<16xi32>,
      %get3A_277 = arith.constant 288 : index
      %get3A_278 = tpu.vector_load %arg10[%get3A_277] {strides = array<i32>} : memref<384xi32, #tpu.memory_space<vmem>>, vector<16xi32>,
      %get3A_279 = vector.shape_cast %get3A_278 : vector<16xi32> to vector<16xi32>
      %eq3A_280 = vector.broadcast %add3A_61 : i32 to vector<16xi32>
      %eq3A_281 = arith.cmpi eq, %get3A_279, %eq3A_280 : vector<16xi32>
      %get3A_282 = arith.constant 160 : index
      %get3A_283 = tpu.vector_load %arg10[%get3A_282] {strides = array<i32>} : memref<384xi32, #tpu.memory_space<vmem>>, vector<16xi32>,
      %get3A_284 = vector.shape_cast %get3A_283 : vector<16xi32> to vector<16xi32>
      %broadcast_in_dim3A_285 = vector.broadcast %add3A_1 : i32 to vector<16xi32>
      %select_n3A_286 = arith.select %eq3A_281, %get3A_284, %broadcast_in_dim3A_285 : vector<16xi1>, vector<16xi32>
      %swap3A_287 = arith.constant 32 : index
      %swap3A_288 = tpu.vector_load %arg11[%swap3A_287] {strides = array<i32>} : memref<128xi32, #tpu.memory_space<vmem>>, vector<16xi32>,
      %swap3A_289 = vector.shape_cast %swap3A_288 : vector<16xi32> to vector<16xi32>
      %swap3A_290 = vector.shape_cast %select_n3A_286 : vector<16xi32> to vector<16xi32>
      tpu.vector_store %arg11[%swap3A_287], %swap3A_290 {strides = array<i32>} : memref<128xi32, #tpu.memory_space<vmem>>, vector<16xi32>,
      %get3A_291 = arith.constant 32 : index
      %get3A_292 = tpu.vector_load %arg10[%get3A_291] {strides = array<i32>} : memref<384xi32, #tpu.memory_space<vmem>>, vector<16xi32>,
      %get3A_293 = vector.shape_cast %get3A_292 : vector<16xi32> to vector<16xi32>
      %swap3A_294 = arith.constant 32 : index
      %swap3A_295 = tpu.vector_load %arg9[%swap3A_294] {strides = array<i32>} : memref<128xi32, #tpu.memory_space<vmem>>, vector<16xi32>,
      %swap3A_296 = vector.shape_cast %swap3A_295 : vector<16xi32> to vector<16xi32>
      %swap3A_297 = vector.shape_cast %get3A_293 : vector<16xi32> to vector<16xi32>
      tpu.vector_store %arg9[%swap3A_294], %swap3A_297 {strides = array<i32>} : memref<128xi32, #tpu.memory_space<vmem>>, vector<16xi32>,
      %get3A_298 = arith.constant 304 : index
      %get3A_299 = tpu.vector_load %arg10[%get3A_298] {strides = array<i32>} : memref<384xi32, #tpu.memory_space<vmem>>, vector<16xi32>,
      %get3A_300 = vector.shape_cast %get3A_299 : vector<16xi32> to vector<16xi32>
      %eq3A_301 = vector.broadcast %add3A_61 : i32 to vector<16xi32>
      %eq3A_302 = arith.cmpi eq, %get3A_300, %eq3A_301 : vector<16xi32>
      %get3A_303 = arith.constant 176 : index
      %get3A_304 = tpu.vector_load %arg10[%get3A_303] {strides = array<i32>} : memref<384xi32, #tpu.memory_space<vmem>>, vector<16xi32>,
      %get3A_305 = vector.shape_cast %get3A_304 : vector<16xi32> to vector<16xi32>
      %broadcast_in_dim3A_306 = vector.broadcast %add3A_1 : i32 to vector<16xi32>
      %select_n3A_307 = arith.select %eq3A_302, %get3A_305, %broadcast_in_dim3A_306 : vector<16xi1>, vector<16xi32>
      %swap3A_308 = arith.constant 48 : index
      %swap3A_309 = tpu.vector_load %arg11[%swap3A_308] {strides = array<i32>} : memref<128xi32, #tpu.memory_space<vmem>>, vector<16xi32>,
      %swap3A_310 = vector.shape_cast %swap3A_309 : vector<16xi32> to vector<16xi32>
      %swap3A_311 = vector.shape_cast %select_n3A_307 : vector<16xi32> to vector<16xi32>
      tpu.vector_store %arg11[%swap3A_308], %swap3A_311 {strides = array<i32>} : memref<128xi32, #tpu.memory_space<vmem>>, vector<16xi32>,
      %get3A_312 = arith.constant 48 : index
      %get3A_313 = tpu.vector_load %arg10[%get3A_312] {strides = array<i32>} : memref<384xi32, #tpu.memory_space<vmem>>, vector<16xi32>,
      %get3A_314 = vector.shape_cast %get3A_313 : vector<16xi32> to vector<16xi32>
      %swap3A_315 = arith.constant 48 : index
      %swap3A_316 = tpu.vector_load %arg9[%swap3A_315] {strides = array<i32>} : memref<128xi32, #tpu.memory_space<vmem>>, vector<16xi32>,
      %swap3A_317 = vector.shape_cast %swap3A_316 : vector<16xi32> to vector<16xi32>
      %swap3A_318 = vector.shape_cast %get3A_314 : vector<16xi32> to vector<16xi32>
      tpu.vector_store %arg9[%swap3A_315], %swap3A_318 {strides = array<i32>} : memref<128xi32, #tpu.memory_space<vmem>>, vector<16xi32>,
      %get3A_319 = arith.constant 320 : index
      %get3A_320 = tpu.vector_load %arg10[%get3A_319] {strides = array<i32>} : memref<384xi32, #tpu.memory_space<vmem>>, vector<16xi32>,
      %get3A_321 = vector.shape_cast %get3A_320 : vector<16xi32> to vector<16xi32>
      %eq3A_322 = vector.broadcast %add3A_61 : i32 to vector<16xi32>
      %eq3A_323 = arith.cmpi eq, %get3A_321, %eq3A_322 : vector<16xi32>
      %get3A_324 = arith.constant 192 : index
      %get3A_325 = tpu.vector_load %arg10[%get3A_324] {strides = array<i32>} : memref<384xi32, #tpu.memory_space<vmem>>, vector<16xi32>,
      %get3A_326 = vector.shape_cast %get3A_325 : vector<16xi32> to vector<16xi32>
      %broadcast_in_dim3A_327 = vector.broadcast %add3A_1 : i32 to vector<16xi32>
      %select_n3A_328 = arith.select %eq3A_323, %get3A_326, %broadcast_in_dim3A_327 : vector<16xi1>, vector<16xi32>
      %swap3A_329 = arith.constant 64 : index
      %swap3A_330 = tpu.vector_load %arg11[%swap3A_329] {strides = array<i32>} : memref<128xi32, #tpu.memory_space<vmem>>, vector<16xi32>,
      %swap3A_331 = vector.shape_cast %swap3A_330 : vector<16xi32> to vector<16xi32>
      %swap3A_332 = vector.shape_cast %select_n3A_328 : vector<16xi32> to vector<16xi32>
      tpu.vector_store %arg11[%swap3A_329], %swap3A_332 {strides = array<i32>} : memref<128xi32, #tpu.memory_space<vmem>>, vector<16xi32>,
      %get3A_333 = arith.constant 64 : index
      %get3A_334 = tpu.vector_load %arg10[%get3A_333] {strides = array<i32>} : memref<384xi32, #tpu.memory_space<vmem>>, vector<16xi32>,
      %get3A_335 = vector.shape_cast %get3A_334 : vector<16xi32> to vector<16xi32>
      %swap3A_336 = arith.constant 64 : index
      %swap3A_337 = tpu.vector_load %arg9[%swap3A_336] {strides = array<i32>} : memref<128xi32, #tpu.memory_space<vmem>>, vector<16xi32>,
      %swap3A_338 = vector.shape_cast %swap3A_337 : vector<16xi32> to vector<16xi32>
      %swap3A_339 = vector.shape_cast %get3A_335 : vector<16xi32> to vector<16xi32>
      tpu.vector_store %arg9[%swap3A_336], %swap3A_339 {strides = array<i32>} : memref<128xi32, #tpu.memory_space<vmem>>, vector<16xi32>,
      %get3A_340 = arith.constant 336 : index
      %get3A_341 = tpu.vector_load %arg10[%get3A_340] {strides = array<i32>} : memref<384xi32, #tpu.memory_space<vmem>>, vector<16xi32>,
      %get3A_342 = vector.shape_cast %get3A_341 : vector<16xi32> to vector<16xi32>
      %eq3A_343 = vector.broadcast %add3A_61 : i32 to vector<16xi32>
      %eq3A_344 = arith.cmpi eq, %get3A_342, %eq3A_343 : vector<16xi32>
      %get3A_345 = arith.constant 208 : index
      %get3A_346 = tpu.vector_load %arg10[%get3A_345] {strides = array<i32>} : memref<384xi32, #tpu.memory_space<vmem>>, vector<16xi32>,
      %get3A_347 = vector.shape_cast %get3A_346 : vector<16xi32> to vector<16xi32>
      %broadcast_in_dim3A_348 = vector.broadcast %add3A_1 : i32 to vector<16xi32>
      %select_n3A_349 = arith.select %eq3A_344, %get3A_347, %broadcast_in_dim3A_348 : vector<16xi1>, vector<16xi32>
      %swap3A_350 = arith.constant 80 : index
      %swap3A_351 = tpu.vector_load %arg11[%swap3A_350] {strides = array<i32>} : memref<128xi32, #tpu.memory_space<vmem>>, vector<16xi32>,
      %swap3A_352 = vector.shape_cast %swap3A_351 : vector<16xi32> to vector<16xi32>
      %swap3A_353 = vector.shape_cast %select_n3A_349 : vector<16xi32> to vector<16xi32>
      tpu.vector_store %arg11[%swap3A_350], %swap3A_353 {strides = array<i32>} : memref<128xi32, #tpu.memory_space<vmem>>, vector<16xi32>,
      %get3A_354 = arith.constant 80 : index
      %get3A_355 = tpu.vector_load %arg10[%get3A_354] {strides = array<i32>} : memref<384xi32, #tpu.memory_space<vmem>>, vector<16xi32>,
      %get3A_356 = vector.shape_cast %get3A_355 : vector<16xi32> to vector<16xi32>
      %swap3A_357 = arith.constant 80 : index
      %swap3A_358 = tpu.vector_load %arg9[%swap3A_357] {strides = array<i32>} : memref<128xi32, #tpu.memory_space<vmem>>, vector<16xi32>,
      %swap3A_359 = vector.shape_cast %swap3A_358 : vector<16xi32> to vector<16xi32>
      %swap3A_360 = vector.shape_cast %get3A_356 : vector<16xi32> to vector<16xi32>
      tpu.vector_store %arg9[%swap3A_357], %swap3A_360 {strides = array<i32>} : memref<128xi32, #tpu.memory_space<vmem>>, vector<16xi32>,
      %get3A_361 = arith.constant 352 : index
      %get3A_362 = tpu.vector_load %arg10[%get3A_361] {strides = array<i32>} : memref<384xi32, #tpu.memory_space<vmem>>, vector<16xi32>,
      %get3A_363 = vector.shape_cast %get3A_362 : vector<16xi32> to vector<16xi32>
      %eq3A_364 = vector.broadcast %add3A_61 : i32 to vector<16xi32>
      %eq3A_365 = arith.cmpi eq, %get3A_363, %eq3A_364 : vector<16xi32>
      %get3A_366 = arith.constant 224 : index
      %get3A_367 = tpu.vector_load %arg10[%get3A_366] {strides = array<i32>} : memref<384xi32, #tpu.memory_space<vmem>>, vector<16xi32>,
      %get3A_368 = vector.shape_cast %get3A_367 : vector<16xi32> to vector<16xi32>
      %broadcast_in_dim3A_369 = vector.broadcast %add3A_1 : i32 to vector<16xi32>
      %select_n3A_370 = arith.select %eq3A_365, %get3A_368, %broadcast_in_dim3A_369 : vector<16xi1>, vector<16xi32>
      %swap3A_371 = arith.constant 96 : index
      %swap3A_372 = tpu.vector_load %arg11[%swap3A_371] {strides = array<i32>} : memref<128xi32, #tpu.memory_space<vmem>>, vector<16xi32>,
      %swap3A_373 = vector.shape_cast %swap3A_372 : vector<16xi32> to vector<16xi32>
      %swap3A_374 = vector.shape_cast %select_n3A_370 : vector<16xi32> to vector<16xi32>
      tpu.vector_store %arg11[%swap3A_371], %swap3A_374 {strides = array<i32>} : memref<128xi32, #tpu.memory_space<vmem>>, vector<16xi32>,
      %get3A_375 = arith.constant 96 : index
      %get3A_376 = tpu.vector_load %arg10[%get3A_375] {strides = array<i32>} : memref<384xi32, #tpu.memory_space<vmem>>, vector<16xi32>,
      %get3A_377 = vector.shape_cast %get3A_376 : vector<16xi32> to vector<16xi32>
      %swap3A_378 = arith.constant 96 : index
      %swap3A_379 = tpu.vector_load %arg9[%swap3A_378] {strides = array<i32>} : memref<128xi32, #tpu.memory_space<vmem>>, vector<16xi32>,
      %swap3A_380 = vector.shape_cast %swap3A_379 : vector<16xi32> to vector<16xi32>
      %swap3A_381 = vector.shape_cast %get3A_377 : vector<16xi32> to vector<16xi32>
      tpu.vector_store %arg9[%swap3A_378], %swap3A_381 {strides = array<i32>} : memref<128xi32, #tpu.memory_space<vmem>>, vector<16xi32>,
      %get3A_382 = arith.constant 368 : index
      %get3A_383 = tpu.vector_load %arg10[%get3A_382] {strides = array<i32>} : memref<384xi32, #tpu.memory_space<vmem>>, vector<16xi32>,
      %get3A_384 = vector.shape_cast %get3A_383 : vector<16xi32> to vector<16xi32>
      %eq3A_385 = vector.broadcast %add3A_61 : i32 to vector<16xi32>
      %eq3A_386 = arith.cmpi eq, %get3A_384, %eq3A_385 : vector<16xi32>
      %get3A_387 = arith.constant 240 : index
      %get3A_388 = tpu.vector_load %arg10[%get3A_387] {strides = array<i32>} : memref<384xi32, #tpu.memory_space<vmem>>, vector<16xi32>,
      %get3A_389 = vector.shape_cast %get3A_388 : vector<16xi32> to vector<16xi32>
      %broadcast_in_dim3A_390 = vector.broadcast %add3A_1 : i32 to vector<16xi32>
      %select_n3A_391 = arith.select %eq3A_386, %get3A_389, %broadcast_in_dim3A_390 : vector<16xi1>, vector<16xi32>
      %swap3A_392 = arith.constant 112 : index
      %swap3A_393 = tpu.vector_load %arg11[%swap3A_392] {strides = array<i32>} : memref<128xi32, #tpu.memory_space<vmem>>, vector<16xi32>,
      %swap3A_394 = vector.shape_cast %swap3A_393 : vector<16xi32> to vector<16xi32>
      %swap3A_395 = vector.shape_cast %select_n3A_391 : vector<16xi32> to vector<16xi32>
      tpu.vector_store %arg11[%swap3A_392], %swap3A_395 {strides = array<i32>} : memref<128xi32, #tpu.memory_space<vmem>>, vector<16xi32>,
      %get3A_396 = arith.constant 112 : index
      %get3A_397 = tpu.vector_load %arg10[%get3A_396] {strides = array<i32>} : memref<384xi32, #tpu.memory_space<vmem>>, vector<16xi32>,
      %get3A_398 = vector.shape_cast %get3A_397 : vector<16xi32> to vector<16xi32>
      %swap3A_399 = arith.constant 112 : index
      %swap3A_400 = tpu.vector_load %arg9[%swap3A_399] {strides = array<i32>} : memref<128xi32, #tpu.memory_space<vmem>>, vector<16xi32>,
      %swap3A_401 = vector.shape_cast %swap3A_400 : vector<16xi32> to vector<16xi32>
      %swap3A_402 = vector.shape_cast %get3A_398 : vector<16xi32> to vector<16xi32>
      tpu.vector_store %arg9[%swap3A_399], %swap3A_402 {strides = array<i32>} : memref<128xi32, #tpu.memory_space<vmem>>, vector<16xi32>,
      %dma_start3A = arith.constant 0 : i32
      %dma_start3A_403 = arith.constant 0 : i32
      %dma_start3A_404 = tpu.memref_slice %arg2[%dma_start3A, %dma_start3A_403] : memref<10000x128xf32, #tpu.memory_space<hbm>> -> memref<10000x128xf32, #tpu.memory_space<hbm>>
      tpu.enqueue_indirect_dma source(%dma_start3A_404 : memref<10000x128xf32, #tpu.memory_space<hbm>>) target(%arg12 : memref<128x128xf32, #tpu.memory_space<vmem>>) offsets(%arg9 : memref<128xi32, #tpu.memory_space<vmem>>) semaphore(%arg13 : memref<!tpu.dma_semaphore, #tpu.memory_space<semaphore_mem>>)
      %dma_wait3A = arith.constant 0 : i32
      %dma_wait3A_405 = arith.constant 0 : i32
      %dma_wait3A_406 = tpu.memref_slice %arg2[%dma_wait3A, %dma_wait3A_405] : memref<10000x128xf32, #tpu.memory_space<hbm>> -> memref<10000x128xf32, #tpu.memory_space<hbm>>
      tpu.wait_indirect_dma semaphore(%arg13 : memref<!tpu.dma_semaphore, #tpu.memory_space<semaphore_mem>>) src(%dma_wait3A_406 : memref<10000x128xf32, #tpu.memory_space<hbm>>) dst(%arg12 : memref<128x128xf32, #tpu.memory_space<vmem>>)
      "tpu.region"() ({
        %run_scoped3A = tpu.sem_alloc : memref<!tpu.dma_semaphore, #tpu.memory_space<semaphore_mem>>
        %dma_start3A_407 = arith.constant 0 : i32
        %dma_start3A_408 = arith.constant 0 : i32
        %dma_start3A_409 = tpu.memref_slice %arg8[%dma_start3A_407, %dma_start3A_408] : memref<10112x128xf32, #tpu.memory_space<vmem_shared>> -> memref<10112x128xf32, #tpu.memory_space<vmem_shared>>
        tpu.enqueue_indirect_dma source(%arg12 : memref<128x128xf32, #tpu.memory_space<vmem>>) target(%dma_start3A_409 : memref<10112x128xf32, #tpu.memory_space<vmem_shared>>) offsets(%arg11 : memref<128xi32, #tpu.memory_space<vmem>>) semaphore(%run_scoped3A : memref<!tpu.dma_semaphore, #tpu.memory_space<semaphore_mem>>) {add = true}
        %dma_wait3A_410 = arith.constant 0 : i32
        %dma_wait3A_411 = arith.constant 0 : i32
        %dma_wait3A_412 = tpu.memref_slice %arg8[%dma_wait3A_410, %dma_wait3A_411] : memref<10112x128xf32, #tpu.memory_space<vmem_shared>> -> memref<10112x128xf32, #tpu.memory_space<vmem_shared>>
        tpu.wait_indirect_dma semaphore(%run_scoped3A : memref<!tpu.dma_semaphore, #tpu.memory_space<semaphore_mem>>) src(%arg12 : memref<128x128xf32, #tpu.memory_space<vmem>>) dst(%dma_wait3A_412 : memref<10112x128xf32, #tpu.memory_space<vmem_shared>>)
        tpu.yield
      }) : () -> ()
    }
    %scan3A_78 = arith.constant 157 : i32
    %barrier3A_79 = arith.constant 0 : index
    tpu.barrier barrier_id(%barrier3A_79)
    %add3A_80 = arith.constant 0 : i32
    %add3A_81 = arith.addi %mul3A_0, %add3A_80 : i32
    "tpu.region"() ({
      %run_scoped3A = tpu.sem_alloc : memref<!tpu.dma_semaphore, #tpu.memory_space<semaphore_mem>>
      %dma_start3A = arith.constant 0 : i32
      %dma_start3A_232 = arith.constant 0 : i32
      %dma_start3A_233 = tpu.memref_slice %arg12[%dma_start3A, %dma_start3A_232] : memref<128x128xf32, #tpu.memory_space<vmem>> -> memref<128x128xf32, #tpu.memory_space<vmem>>
      %dma_start3A_234 = arith.constant 0 : i32
      %dma_start3A_235 = tpu.memref_slice %arg8[%add3A_81, %dma_start3A_234] : memref<10112x128xf32, #tpu.memory_space<vmem_shared>> -> memref<128x128xf32, #tpu.memory_space<vmem_shared>>
      %dma_start3A_236 = arith.constant 0 : i32
      %dma_start3A_237 = arith.constant 0 : i32
      %dma_start3A_238 = tpu.memref_slice %arg12[%dma_start3A_236, %dma_start3A_237] : memref<128x128xf32, #tpu.memory_space<vmem>> -> memref<128x128xf32, #tpu.memory_space<vmem>>
      %dma_start3A_239 = arith.constant 0 : i32
      %dma_start3A_240 = tpu.memref_slice %arg8[%add3A_81, %dma_start3A_239] : memref<10112x128xf32, #tpu.memory_space<vmem_shared>> -> memref<128x128xf32, #tpu.memory_space<vmem_shared>>
      tpu.enqueue_dma source(%dma_start3A_240 : memref<128x128xf32, #tpu.memory_space<vmem_shared>>) target(%dma_start3A_238 : memref<128x128xf32, #tpu.memory_space<vmem>>) target_semaphore(%run_scoped3A : memref<!tpu.dma_semaphore, #tpu.memory_space<semaphore_mem>>)
      %dma_wait3A = arith.constant 0 : i32
      %dma_wait3A_241 = arith.constant 0 : i32
      %dma_wait3A_242 = tpu.memref_slice %arg12[%dma_wait3A, %dma_wait3A_241] : memref<128x128xf32, #tpu.memory_space<vmem>> -> memref<128x128xf32, #tpu.memory_space<vmem>>
      %dma_wait3A_243 = arith.constant 0 : i32
      %dma_wait3A_244 = tpu.memref_slice %arg8[%add3A_81, %dma_wait3A_243] : memref<10112x128xf32, #tpu.memory_space<vmem_shared>> -> memref<128x128xf32, #tpu.memory_space<vmem_shared>>
      %dma_wait3A_245 = arith.constant 0 : i32
      %dma_wait3A_246 = arith.constant 0 : i32
      %dma_wait3A_247 = tpu.memref_slice %arg12[%dma_wait3A_245, %dma_wait3A_246] : memref<128x128xf32, #tpu.memory_space<vmem>> -> memref<128x128xf32, #tpu.memory_space<vmem>>
      %dma_wait3A_248 = arith.constant 0 : i32
      %dma_wait3A_249 = tpu.memref_slice %arg8[%add3A_81, %dma_wait3A_248] : memref<10112x128xf32, #tpu.memory_space<vmem_shared>> -> memref<128x128xf32, #tpu.memory_space<vmem_shared>>
      tpu.wait_dma2 semaphore(%run_scoped3A : memref<!tpu.dma_semaphore, #tpu.memory_space<semaphore_mem>>) src(%dma_wait3A_249 : memref<128x128xf32, #tpu.memory_space<vmem_shared>>) dst(%dma_wait3A_247 : memref<128x128xf32, #tpu.memory_space<vmem>>)
      tpu.yield
    }) : () -> ()
    %mul3A_82 = arith.constant 10112 : i32
    %mul3A_83 = arith.muli %add3A_61, %mul3A_82 : i32
    %add3A_84 = arith.addi %mul3A_83, %mul3A_0 : i32
    %add3A_85 = arith.constant 0 : i32
    %add3A_86 = arith.addi %add3A_84, %add3A_85 : i32
    "tpu.region"() ({
      %run_scoped3A = tpu.sem_alloc : memref<!tpu.dma_semaphore, #tpu.memory_space<semaphore_mem>>
      %dma_start3A = arith.constant 0 : i32
      %dma_start3A_232 = arith.constant 0 : i32
      %dma_start3A_233 = tpu.memref_slice %arg12[%dma_start3A, %dma_start3A_232] : memref<128x128xf32, #tpu.memory_space<vmem>> -> memref<128x128xf32, #tpu.memory_space<vmem>>
      %dma_start3A_234 = arith.constant 0 : i32
      %dma_start3A_235 = tpu.memref_slice %arg6[%add3A_86, %dma_start3A_234] : memref<40448x128xf32, #tpu.memory_space<hbm>> -> memref<128x128xf32, #tpu.memory_space<hbm>>
      %dma_start3A_236 = arith.constant 0 : i32
      %dma_start3A_237 = tpu.memref_slice %arg6[%add3A_86, %dma_start3A_236] : memref<40448x128xf32, #tpu.memory_space<hbm>> -> memref<128x128xf32, #tpu.memory_space<hbm>>
      %dma_start3A_238 = arith.constant 0 : i32
      %dma_start3A_239 = arith.constant 0 : i32
      %dma_start3A_240 = tpu.memref_slice %arg12[%dma_start3A_238, %dma_start3A_239] : memref<128x128xf32, #tpu.memory_space<vmem>> -> memref<128x128xf32, #tpu.memory_space<vmem>>
      tpu.enqueue_dma source(%dma_start3A_240 : memref<128x128xf32, #tpu.memory_space<vmem>>) target(%dma_start3A_237 : memref<128x128xf32, #tpu.memory_space<hbm>>) target_semaphore(%run_scoped3A : memref<!tpu.dma_semaphore, #tpu.memory_space<semaphore_mem>>)
      %dma_wait3A = arith.constant 0 : i32
      %dma_wait3A_241 = arith.constant 0 : i32
      %dma_wait3A_242 = tpu.memref_slice %arg12[%dma_wait3A, %dma_wait3A_241] : memref<128x128xf32, #tpu.memory_space<vmem>> -> memref<128x128xf32, #tpu.memory_space<vmem>>
      %dma_wait3A_243 = arith.constant 0 : i32
      %dma_wait3A_244 = tpu.memref_slice %arg6[%add3A_86, %dma_wait3A_243] : memref<40448x128xf32, #tpu.memory_space<hbm>> -> memref<128x128xf32, #tpu.memory_space<hbm>>
      %dma_wait3A_245 = arith.constant 0 : i32
      %dma_wait3A_246 = tpu.memref_slice %arg6[%add3A_86, %dma_wait3A_245] : memref<40448x128xf32, #tpu.memory_space<hbm>> -> memref<128x128xf32, #tpu.memory_space<hbm>>
      %dma_wait3A_247 = arith.constant 0 : i32
      %dma_wait3A_248 = arith.constant 0 : i32
      %dma_wait3A_249 = tpu.memref_slice %arg12[%dma_wait3A_247, %dma_wait3A_248] : memref<128x128xf32, #tpu.memory_space<vmem>> -> memref<128x128xf32, #tpu.memory_space<vmem>>
      tpu.wait_dma2 semaphore(%run_scoped3A : memref<!tpu.dma_semaphore, #tpu.memory_space<semaphore_mem>>) src(%dma_wait3A_249 : memref<128x128xf32, #tpu.memory_space<vmem>>) dst(%dma_wait3A_246 : memref<128x128xf32, #tpu.memory_space<hbm>>)
      tpu.yield
    }) : () -> ()
    %add3A_87 = arith.constant 128 : i32
    %add3A_88 = arith.addi %mul3A_0, %add3A_87 : i32
    "tpu.region"() ({
      %run_scoped3A = tpu.sem_alloc : memref<!tpu.dma_semaphore, #tpu.memory_space<semaphore_mem>>
      %dma_start3A = arith.constant 0 : i32
      %dma_start3A_232 = arith.constant 0 : i32
      %dma_start3A_233 = tpu.memref_slice %arg12[%dma_start3A, %dma_start3A_232] : memref<128x128xf32, #tpu.memory_space<vmem>> -> memref<128x128xf32, #tpu.memory_space<vmem>>
      %dma_start3A_234 = arith.constant 0 : i32
      %dma_start3A_235 = tpu.memref_slice %arg8[%add3A_88, %dma_start3A_234] : memref<10112x128xf32, #tpu.memory_space<vmem_shared>> -> memref<128x128xf32, #tpu.memory_space<vmem_shared>>
      %dma_start3A_236 = arith.constant 0 : i32
      %dma_start3A_237 = arith.constant 0 : i32
      %dma_start3A_238 = tpu.memref_slice %arg12[%dma_start3A_236, %dma_start3A_237] : memref<128x128xf32, #tpu.memory_space<vmem>> -> memref<128x128xf32, #tpu.memory_space<vmem>>
      %dma_start3A_239 = arith.constant 0 : i32
      %dma_start3A_240 = tpu.memref_slice %arg8[%add3A_88, %dma_start3A_239] : memref<10112x128xf32, #tpu.memory_space<vmem_shared>> -> memref<128x128xf32, #tpu.memory_space<vmem_shared>>
      tpu.enqueue_dma source(%dma_start3A_240 : memref<128x128xf32, #tpu.memory_space<vmem_shared>>) target(%dma_start3A_238 : memref<128x128xf32, #tpu.memory_space<vmem>>) target_semaphore(%run_scoped3A : memref<!tpu.dma_semaphore, #tpu.memory_space<semaphore_mem>>)
      %dma_wait3A = arith.constant 0 : i32
      %dma_wait3A_241 = arith.constant 0 : i32
      %dma_wait3A_242 = tpu.memref_slice %arg12[%dma_wait3A, %dma_wait3A_241] : memref<128x128xf32, #tpu.memory_space<vmem>> -> memref<128x128xf32, #tpu.memory_space<vmem>>
      %dma_wait3A_243 = arith.constant 0 : i32
      %dma_wait3A_244 = tpu.memref_slice %arg8[%add3A_88, %dma_wait3A_243] : memref<10112x128xf32, #tpu.memory_space<vmem_shared>> -> memref<128x128xf32, #tpu.memory_space<vmem_shared>>
      %dma_wait3A_245 = arith.constant 0 : i32
      %dma_wait3A_246 = arith.constant 0 : i32
      %dma_wait3A_247 = tpu.memref_slice %arg12[%dma_wait3A_245, %dma_wait3A_246] : memref<128x128xf32, #tpu.memory_space<vmem>> -> memref<128x128xf32, #tpu.memory_space<vmem>>
      %dma_wait3A_248 = arith.constant 0 : i32
      %dma_wait3A_249 = tpu.memref_slice %arg8[%add3A_88, %dma_wait3A_248] : memref<10112x128xf32, #tpu.memory_space<vmem_shared>> -> memref<128x128xf32, #tpu.memory_space<vmem_shared>>
      tpu.wait_dma2 semaphore(%run_scoped3A : memref<!tpu.dma_semaphore, #tpu.memory_space<semaphore_mem>>) src(%dma_wait3A_249 : memref<128x128xf32, #tpu.memory_space<vmem_shared>>) dst(%dma_wait3A_247 : memref<128x128xf32, #tpu.memory_space<vmem>>)
      tpu.yield
    }) : () -> ()
    %mul3A_89 = arith.constant 10112 : i32
    %mul3A_90 = arith.muli %add3A_61, %mul3A_89 : i32
    %add3A_91 = arith.addi %mul3A_90, %mul3A_0 : i32
    %add3A_92 = arith.constant 128 : i32
    %add3A_93 = arith.addi %add3A_91, %add3A_92 : i32
    "tpu.region"() ({
      %run_scoped3A = tpu.sem_alloc : memref<!tpu.dma_semaphore, #tpu.memory_space<semaphore_mem>>
      %dma_start3A = arith.constant 0 : i32
      %dma_start3A_232 = arith.constant 0 : i32
      %dma_start3A_233 = tpu.memref_slice %arg12[%dma_start3A, %dma_start3A_232] : memref<128x128xf32, #tpu.memory_space<vmem>> -> memref<128x128xf32, #tpu.memory_space<vmem>>
      %dma_start3A_234 = arith.constant 0 : i32
      %dma_start3A_235 = tpu.memref_slice %arg6[%add3A_93, %dma_start3A_234] : memref<40448x128xf32, #tpu.memory_space<hbm>> -> memref<128x128xf32, #tpu.memory_space<hbm>>
      %dma_start3A_236 = arith.constant 0 : i32
      %dma_start3A_237 = tpu.memref_slice %arg6[%add3A_93, %dma_start3A_236] : memref<40448x128xf32, #tpu.memory_space<hbm>> -> memref<128x128xf32, #tpu.memory_space<hbm>>
      %dma_start3A_238 = arith.constant 0 : i32
      %dma_start3A_239 = arith.constant 0 : i32
      %dma_start3A_240 = tpu.memref_slice %arg12[%dma_start3A_238, %dma_start3A_239] : memref<128x128xf32, #tpu.memory_space<vmem>> -> memref<128x128xf32, #tpu.memory_space<vmem>>
      tpu.enqueue_dma source(%dma_start3A_240 : memref<128x128xf32, #tpu.memory_space<vmem>>) target(%dma_start3A_237 : memref<128x128xf32, #tpu.memory_space<hbm>>) target_semaphore(%run_scoped3A : memref<!tpu.dma_semaphore, #tpu.memory_space<semaphore_mem>>)
      %dma_wait3A = arith.constant 0 : i32
      %dma_wait3A_241 = arith.constant 0 : i32
      %dma_wait3A_242 = tpu.memref_slice %arg12[%dma_wait3A, %dma_wait3A_241] : memref<128x128xf32, #tpu.memory_space<vmem>> -> memref<128x128xf32, #tpu.memory_space<vmem>>
      %dma_wait3A_243 = arith.constant 0 : i32
      %dma_wait3A_244 = tpu.memref_slice %arg6[%add3A_93, %dma_wait3A_243] : memref<40448x128xf32, #tpu.memory_space<hbm>> -> memref<128x128xf32, #tpu.memory_space<hbm>>
      %dma_wait3A_245 = arith.constant 0 : i32
      %dma_wait3A_246 = tpu.memref_slice %arg6[%add3A_93, %dma_wait3A_245] : memref<40448x128xf32, #tpu.memory_space<hbm>> -> memref<128x128xf32, #tpu.memory_space<hbm>>
      %dma_wait3A_247 = arith.constant 0 : i32
      %dma_wait3A_248 = arith.constant 0 : i32
      %dma_wait3A_249 = tpu.memref_slice %arg12[%dma_wait3A_247, %dma_wait3A_248] : memref<128x128xf32, #tpu.memory_space<vmem>> -> memref<128x128xf32, #tpu.memory_space<vmem>>
      tpu.wait_dma2 semaphore(%run_scoped3A : memref<!tpu.dma_semaphore, #tpu.memory_space<semaphore_mem>>) src(%dma_wait3A_249 : memref<128x128xf32, #tpu.memory_space<vmem>>) dst(%dma_wait3A_246 : memref<128x128xf32, #tpu.memory_space<hbm>>)
      tpu.yield
    }) : () -> ()
    %add3A_94 = arith.constant 256 : i32
    %add3A_95 = arith.addi %mul3A_0, %add3A_94 : i32
    "tpu.region"() ({
      %run_scoped3A = tpu.sem_alloc : memref<!tpu.dma_semaphore, #tpu.memory_space<semaphore_mem>>
      %dma_start3A = arith.constant 0 : i32
      %dma_start3A_232 = arith.constant 0 : i32
      %dma_start3A_233 = tpu.memref_slice %arg12[%dma_start3A, %dma_start3A_232] : memref<128x128xf32, #tpu.memory_space<vmem>> -> memref<128x128xf32, #tpu.memory_space<vmem>>
      %dma_start3A_234 = arith.constant 0 : i32
      %dma_start3A_235 = tpu.memref_slice %arg8[%add3A_95, %dma_start3A_234] : memref<10112x128xf32, #tpu.memory_space<vmem_shared>> -> memref<128x128xf32, #tpu.memory_space<vmem_shared>>
      %dma_start3A_236 = arith.constant 0 : i32
      %dma_start3A_237 = arith.constant 0 : i32
      %dma_start3A_238 = tpu.memref_slice %arg12[%dma_start3A_236, %dma_start3A_237] : memref<128x128xf32, #tpu.memory_space<vmem>> -> memref<128x128xf32, #tpu.memory_space<vmem>>
      %dma_start3A_239 = arith.constant 0 : i32
      %dma_start3A_240 = tpu.memref_slice %arg8[%add3A_95, %dma_start3A_239] : memref<10112x128xf32, #tpu.memory_space<vmem_shared>> -> memref<128x128xf32, #tpu.memory_space<vmem_shared>>
      tpu.enqueue_dma source(%dma_start3A_240 : memref<128x128xf32, #tpu.memory_space<vmem_shared>>) target(%dma_start3A_238 : memref<128x128xf32, #tpu.memory_space<vmem>>) target_semaphore(%run_scoped3A : memref<!tpu.dma_semaphore, #tpu.memory_space<semaphore_mem>>)
      %dma_wait3A = arith.constant 0 : i32
      %dma_wait3A_241 = arith.constant 0 : i32
      %dma_wait3A_242 = tpu.memref_slice %arg12[%dma_wait3A, %dma_wait3A_241] : memref<128x128xf32, #tpu.memory_space<vmem>> -> memref<128x128xf32, #tpu.memory_space<vmem>>
      %dma_wait3A_243 = arith.constant 0 : i32
      %dma_wait3A_244 = tpu.memref_slice %arg8[%add3A_95, %dma_wait3A_243] : memref<10112x128xf32, #tpu.memory_space<vmem_shared>> -> memref<128x128xf32, #tpu.memory_space<vmem_shared>>
      %dma_wait3A_245 = arith.constant 0 : i32
      %dma_wait3A_246 = arith.constant 0 : i32
      %dma_wait3A_247 = tpu.memref_slice %arg12[%dma_wait3A_245, %dma_wait3A_246] : memref<128x128xf32, #tpu.memory_space<vmem>> -> memref<128x128xf32, #tpu.memory_space<vmem>>
      %dma_wait3A_248 = arith.constant 0 : i32
      %dma_wait3A_249 = tpu.memref_slice %arg8[%add3A_95, %dma_wait3A_248] : memref<10112x128xf32, #tpu.memory_space<vmem_shared>> -> memref<128x128xf32, #tpu.memory_space<vmem_shared>>
      tpu.wait_dma2 semaphore(%run_scoped3A : memref<!tpu.dma_semaphore, #tpu.memory_space<semaphore_mem>>) src(%dma_wait3A_249 : memref<128x128xf32, #tpu.memory_space<vmem_shared>>) dst(%dma_wait3A_247 : memref<128x128xf32, #tpu.memory_space<vmem>>)
      tpu.yield
    }) : () -> ()
    %mul3A_96 = arith.constant 10112 : i32
    %mul3A_97 = arith.muli %add3A_61, %mul3A_96 : i32
    %add3A_98 = arith.addi %mul3A_97, %mul3A_0 : i32
    %add3A_99 = arith.constant 256 : i32
    %add3A_100 = arith.addi %add3A_98, %add3A_99 : i32
    "tpu.region"() ({
      %run_scoped3A = tpu.sem_alloc : memref<!tpu.dma_semaphore, #tpu.memory_space<semaphore_mem>>
      %dma_start3A = arith.constant 0 : i32
      %dma_start3A_232 = arith.constant 0 : i32
      %dma_start3A_233 = tpu.memref_slice %arg12[%dma_start3A, %dma_start3A_232] : memref<128x128xf32, #tpu.memory_space<vmem>> -> memref<128x128xf32, #tpu.memory_space<vmem>>
      %dma_start3A_234 = arith.constant 0 : i32
      %dma_start3A_235 = tpu.memref_slice %arg6[%add3A_100, %dma_start3A_234] : memref<40448x128xf32, #tpu.memory_space<hbm>> -> memref<128x128xf32, #tpu.memory_space<hbm>>
      %dma_start3A_236 = arith.constant 0 : i32
      %dma_start3A_237 = tpu.memref_slice %arg6[%add3A_100, %dma_start3A_236] : memref<40448x128xf32, #tpu.memory_space<hbm>> -> memref<128x128xf32, #tpu.memory_space<hbm>>
      %dma_start3A_238 = arith.constant 0 : i32
      %dma_start3A_239 = arith.constant 0 : i32
      %dma_start3A_240 = tpu.memref_slice %arg12[%dma_start3A_238, %dma_start3A_239] : memref<128x128xf32, #tpu.memory_space<vmem>> -> memref<128x128xf32, #tpu.memory_space<vmem>>
      tpu.enqueue_dma source(%dma_start3A_240 : memref<128x128xf32, #tpu.memory_space<vmem>>) target(%dma_start3A_237 : memref<128x128xf32, #tpu.memory_space<hbm>>) target_semaphore(%run_scoped3A : memref<!tpu.dma_semaphore, #tpu.memory_space<semaphore_mem>>)
      %dma_wait3A = arith.constant 0 : i32
      %dma_wait3A_241 = arith.constant 0 : i32
      %dma_wait3A_242 = tpu.memref_slice %arg12[%dma_wait3A, %dma_wait3A_241] : memref<128x128xf32, #tpu.memory_space<vmem>> -> memref<128x128xf32, #tpu.memory_space<vmem>>
      %dma_wait3A_243 = arith.constant 0 : i32
      %dma_wait3A_244 = tpu.memref_slice %arg6[%add3A_100, %dma_wait3A_243] : memref<40448x128xf32, #tpu.memory_space<hbm>> -> memref<128x128xf32, #tpu.memory_space<hbm>>
      %dma_wait3A_245 = arith.constant 0 : i32
      %dma_wait3A_246 = tpu.memref_slice %arg6[%add3A_100, %dma_wait3A_245] : memref<40448x128xf32, #tpu.memory_space<hbm>> -> memref<128x128xf32, #tpu.memory_space<hbm>>
      %dma_wait3A_247 = arith.constant 0 : i32
      %dma_wait3A_248 = arith.constant 0 : i32
      %dma_wait3A_249 = tpu.memref_slice %arg12[%dma_wait3A_247, %dma_wait3A_248] : memref<128x128xf32, #tpu.memory_space<vmem>> -> memref<128x128xf32, #tpu.memory_space<vmem>>
      tpu.wait_dma2 semaphore(%run_scoped3A : memref<!tpu.dma_semaphore, #tpu.memory_space<semaphore_mem>>) src(%dma_wait3A_249 : memref<128x128xf32, #tpu.memory_space<vmem>>) dst(%dma_wait3A_246 : memref<128x128xf32, #tpu.memory_space<hbm>>)
      tpu.yield
    }) : () -> ()
    %add3A_101 = arith.constant 384 : i32
    %add3A_102 = arith.addi %mul3A_0, %add3A_101 : i32
    "tpu.region"() ({
      %run_scoped3A = tpu.sem_alloc : memref<!tpu.dma_semaphore, #tpu.memory_space<semaphore_mem>>
      %dma_start3A = arith.constant 0 : i32
      %dma_start3A_232 = arith.constant 0 : i32
      %dma_start3A_233 = tpu.memref_slice %arg12[%dma_start3A, %dma_start3A_232] : memref<128x128xf32, #tpu.memory_space<vmem>> -> memref<128x128xf32, #tpu.memory_space<vmem>>
      %dma_start3A_234 = arith.constant 0 : i32
      %dma_start3A_235 = tpu.memref_slice %arg8[%add3A_102, %dma_start3A_234] : memref<10112x128xf32, #tpu.memory_space<vmem_shared>> -> memref<128x128xf32, #tpu.memory_space<vmem_shared>>
      %dma_start3A_236 = arith.constant 0 : i32
      %dma_start3A_237 = arith.constant 0 : i32
      %dma_start3A_238 = tpu.memref_slice %arg12[%dma_start3A_236, %dma_start3A_237] : memref<128x128xf32, #tpu.memory_space<vmem>> -> memref<128x128xf32, #tpu.memory_space<vmem>>
      %dma_start3A_239 = arith.constant 0 : i32
      %dma_start3A_240 = tpu.memref_slice %arg8[%add3A_102, %dma_start3A_239] : memref<10112x128xf32, #tpu.memory_space<vmem_shared>> -> memref<128x128xf32, #tpu.memory_space<vmem_shared>>
      tpu.enqueue_dma source(%dma_start3A_240 : memref<128x128xf32, #tpu.memory_space<vmem_shared>>) target(%dma_start3A_238 : memref<128x128xf32, #tpu.memory_space<vmem>>) target_semaphore(%run_scoped3A : memref<!tpu.dma_semaphore, #tpu.memory_space<semaphore_mem>>)
      %dma_wait3A = arith.constant 0 : i32
      %dma_wait3A_241 = arith.constant 0 : i32
      %dma_wait3A_242 = tpu.memref_slice %arg12[%dma_wait3A, %dma_wait3A_241] : memref<128x128xf32, #tpu.memory_space<vmem>> -> memref<128x128xf32, #tpu.memory_space<vmem>>
      %dma_wait3A_243 = arith.constant 0 : i32
      %dma_wait3A_244 = tpu.memref_slice %arg8[%add3A_102, %dma_wait3A_243] : memref<10112x128xf32, #tpu.memory_space<vmem_shared>> -> memref<128x128xf32, #tpu.memory_space<vmem_shared>>
      %dma_wait3A_245 = arith.constant 0 : i32
      %dma_wait3A_246 = arith.constant 0 : i32
      %dma_wait3A_247 = tpu.memref_slice %arg12[%dma_wait3A_245, %dma_wait3A_246] : memref<128x128xf32, #tpu.memory_space<vmem>> -> memref<128x128xf32, #tpu.memory_space<vmem>>
      %dma_wait3A_248 = arith.constant 0 : i32
      %dma_wait3A_249 = tpu.memref_slice %arg8[%add3A_102, %dma_wait3A_248] : memref<10112x128xf32, #tpu.memory_space<vmem_shared>> -> memref<128x128xf32, #tpu.memory_space<vmem_shared>>
      tpu.wait_dma2 semaphore(%run_scoped3A : memref<!tpu.dma_semaphore, #tpu.memory_space<semaphore_mem>>) src(%dma_wait3A_249 : memref<128x128xf32, #tpu.memory_space<vmem_shared>>) dst(%dma_wait3A_247 : memref<128x128xf32, #tpu.memory_space<vmem>>)
      tpu.yield
    }) : () -> ()
    %mul3A_103 = arith.constant 10112 : i32
    %mul3A_104 = arith.muli %add3A_61, %mul3A_103 : i32
    %add3A_105 = arith.addi %mul3A_104, %mul3A_0 : i32
    %add3A_106 = arith.constant 384 : i32
    %add3A_107 = arith.addi %add3A_105, %add3A_106 : i32
    "tpu.region"() ({
      %run_scoped3A = tpu.sem_alloc : memref<!tpu.dma_semaphore, #tpu.memory_space<semaphore_mem>>
      %dma_start3A = arith.constant 0 : i32
      %dma_start3A_232 = arith.constant 0 : i32
      %dma_start3A_233 = tpu.memref_slice %arg12[%dma_start3A, %dma_start3A_232] : memref<128x128xf32, #tpu.memory_space<vmem>> -> memref<128x128xf32, #tpu.memory_space<vmem>>
      %dma_start3A_234 = arith.constant 0 : i32
      %dma_start3A_235 = tpu.memref_slice %arg6[%add3A_107, %dma_start3A_234] : memref<40448x128xf32, #tpu.memory_space<hbm>> -> memref<128x128xf32, #tpu.memory_space<hbm>>
      %dma_start3A_236 = arith.constant 0 : i32
      %dma_start3A_237 = tpu.memref_slice %arg6[%add3A_107, %dma_start3A_236] : memref<40448x128xf32, #tpu.memory_space<hbm>> -> memref<128x128xf32, #tpu.memory_space<hbm>>
      %dma_start3A_238 = arith.constant 0 : i32
      %dma_start3A_239 = arith.constant 0 : i32
      %dma_start3A_240 = tpu.memref_slice %arg12[%dma_start3A_238, %dma_start3A_239] : memref<128x128xf32, #tpu.memory_space<vmem>> -> memref<128x128xf32, #tpu.memory_space<vmem>>
      tpu.enqueue_dma source(%dma_start3A_240 : memref<128x128xf32, #tpu.memory_space<vmem>>) target(%dma_start3A_237 : memref<128x128xf32, #tpu.memory_space<hbm>>) target_semaphore(%run_scoped3A : memref<!tpu.dma_semaphore, #tpu.memory_space<semaphore_mem>>)
      %dma_wait3A = arith.constant 0 : i32
      %dma_wait3A_241 = arith.constant 0 : i32
      %dma_wait3A_242 = tpu.memref_slice %arg12[%dma_wait3A, %dma_wait3A_241] : memref<128x128xf32, #tpu.memory_space<vmem>> -> memref<128x128xf32, #tpu.memory_space<vmem>>
      %dma_wait3A_243 = arith.constant 0 : i32
      %dma_wait3A_244 = tpu.memref_slice %arg6[%add3A_107, %dma_wait3A_243] : memref<40448x128xf32, #tpu.memory_space<hbm>> -> memref<128x128xf32, #tpu.memory_space<hbm>>
      %dma_wait3A_245 = arith.constant 0 : i32
      %dma_wait3A_246 = tpu.memref_slice %arg6[%add3A_107, %dma_wait3A_245] : memref<40448x128xf32, #tpu.memory_space<hbm>> -> memref<128x128xf32, #tpu.memory_space<hbm>>
      %dma_wait3A_247 = arith.constant 0 : i32
      %dma_wait3A_248 = arith.constant 0 : i32
      %dma_wait3A_249 = tpu.memref_slice %arg12[%dma_wait3A_247, %dma_wait3A_248] : memref<128x128xf32, #tpu.memory_space<vmem>> -> memref<128x128xf32, #tpu.memory_space<vmem>>
      tpu.wait_dma2 semaphore(%run_scoped3A : memref<!tpu.dma_semaphore, #tpu.memory_space<semaphore_mem>>) src(%dma_wait3A_249 : memref<128x128xf32, #tpu.memory_space<vmem>>) dst(%dma_wait3A_246 : memref<128x128xf32, #tpu.memory_space<hbm>>)
      tpu.yield
    }) : () -> ()
    %add3A_108 = arith.constant 512 : i32
    %add3A_109 = arith.addi %mul3A_0, %add3A_108 : i32
    "tpu.region"() ({
      %run_scoped3A = tpu.sem_alloc : memref<!tpu.dma_semaphore, #tpu.memory_space<semaphore_mem>>
      %dma_start3A = arith.constant 0 : i32
      %dma_start3A_232 = arith.constant 0 : i32
      %dma_start3A_233 = tpu.memref_slice %arg12[%dma_start3A, %dma_start3A_232] : memref<128x128xf32, #tpu.memory_space<vmem>> -> memref<120x128xf32, #tpu.memory_space<vmem>>
      %dma_start3A_234 = arith.constant 0 : i32
      %dma_start3A_235 = tpu.memref_slice %arg8[%add3A_109, %dma_start3A_234] : memref<10112x128xf32, #tpu.memory_space<vmem_shared>> -> memref<120x128xf32, #tpu.memory_space<vmem_shared>>
      %dma_start3A_236 = arith.constant 0 : i32
      %dma_start3A_237 = arith.constant 0 : i32
      %dma_start3A_238 = tpu.memref_slice %arg12[%dma_start3A_236, %dma_start3A_237] : memref<128x128xf32, #tpu.memory_space<vmem>> -> memref<120x128xf32, #tpu.memory_space<vmem>>
      %dma_start3A_239 = arith.constant 0 : i32
      %dma_start3A_240 = tpu.memref_slice %arg8[%add3A_109, %dma_start3A_239] : memref<10112x128xf32, #tpu.memory_space<vmem_shared>> -> memref<120x128xf32, #tpu.memory_space<vmem_shared>>
      tpu.enqueue_dma source(%dma_start3A_240 : memref<120x128xf32, #tpu.memory_space<vmem_shared>>) target(%dma_start3A_238 : memref<120x128xf32, #tpu.memory_space<vmem>>) target_semaphore(%run_scoped3A : memref<!tpu.dma_semaphore, #tpu.memory_space<semaphore_mem>>)
      %dma_wait3A = arith.constant 0 : i32
      %dma_wait3A_241 = arith.constant 0 : i32
      %dma_wait3A_242 = tpu.memref_slice %arg12[%dma_wait3A, %dma_wait3A_241] : memref<128x128xf32, #tpu.memory_space<vmem>> -> memref<120x128xf32, #tpu.memory_space<vmem>>
      %dma_wait3A_243 = arith.constant 0 : i32
      %dma_wait3A_244 = tpu.memref_slice %arg8[%add3A_109, %dma_wait3A_243] : memref<10112x128xf32, #tpu.memory_space<vmem_shared>> -> memref<120x128xf32, #tpu.memory_space<vmem_shared>>
      %dma_wait3A_245 = arith.constant 0 : i32
      %dma_wait3A_246 = arith.constant 0 : i32
      %dma_wait3A_247 = tpu.memref_slice %arg12[%dma_wait3A_245, %dma_wait3A_246] : memref<128x128xf32, #tpu.memory_space<vmem>> -> memref<120x128xf32, #tpu.memory_space<vmem>>
      %dma_wait3A_248 = arith.constant 0 : i32
      %dma_wait3A_249 = tpu.memref_slice %arg8[%add3A_109, %dma_wait3A_248] : memref<10112x128xf32, #tpu.memory_space<vmem_shared>> -> memref<120x128xf32, #tpu.memory_space<vmem_shared>>
      tpu.wait_dma2 semaphore(%run_scoped3A : memref<!tpu.dma_semaphore, #tpu.memory_space<semaphore_mem>>) src(%dma_wait3A_249 : memref<120x128xf32, #tpu.memory_space<vmem_shared>>) dst(%dma_wait3A_247 : memref<120x128xf32, #tpu.memory_space<vmem>>)
      tpu.yield
    }) : () -> ()
    %mul3A_110 = arith.constant 10112 : i32
    %mul3A_111 = arith.muli %add3A_61, %mul3A_110 : i32
    %add3A_112 = arith.addi %mul3A_111, %mul3A_0 : i32
    %add3A_113 = arith.constant 512 : i32
    %add3A_114 = arith.addi %add3A_112, %add3A_113 : i32
    "tpu.region"() ({
      %run_scoped3A = tpu.sem_alloc : memref<!tpu.dma_semaphore, #tpu.memory_space<semaphore_mem>>
      %dma_start3A = arith.constant 0 : i32
      %dma_start3A_232 = arith.constant 0 : i32
      %dma_start3A_233 = tpu.memref_slice %arg12[%dma_start3A, %dma_start3A_232] : memref<128x128xf32, #tpu.memory_space<vmem>> -> memref<120x128xf32, #tpu.memory_space<vmem>>
      %dma_start3A_234 = arith.constant 0 : i32
      %dma_start3A_235 = tpu.memref_slice %arg6[%add3A_114, %dma_start3A_234] : memref<40448x128xf32, #tpu.memory_space<hbm>> -> memref<120x128xf32, #tpu.memory_space<hbm>>
      %dma_start3A_236 = arith.constant 0 : i32
      %dma_start3A_237 = tpu.memref_slice %arg6[%add3A_114, %dma_start3A_236] : memref<40448x128xf32, #tpu.memory_space<hbm>> -> memref<120x128xf32, #tpu.memory_space<hbm>>
      %dma_start3A_238 = arith.constant 0 : i32
      %dma_start3A_239 = arith.constant 0 : i32
      %dma_start3A_240 = tpu.memref_slice %arg12[%dma_start3A_238, %dma_start3A_239] : memref<128x128xf32, #tpu.memory_space<vmem>> -> memref<120x128xf32, #tpu.memory_space<vmem>>
      tpu.enqueue_dma source(%dma_start3A_240 : memref<120x128xf32, #tpu.memory_space<vmem>>) target(%dma_start3A_237 : memref<120x128xf32, #tpu.memory_space<hbm>>) target_semaphore(%run_scoped3A : memref<!tpu.dma_semaphore, #tpu.memory_space<semaphore_mem>>)
      %dma_wait3A = arith.constant 0 : i32
      %dma_wait3A_241 = arith.constant 0 : i32
      %dma_wait3A_242 = tpu.memref_slice %arg12[%dma_wait3A, %dma_wait3A_241] : memref<128x128xf32, #tpu.memory_space<vmem>> -> memref<120x128xf32, #tpu.memory_space<vmem>>
      %dma_wait3A_243 = arith.constant 0 : i32
      %dma_wait3A_244 = tpu.memref_slice %arg6[%add3A_114, %dma_wait3A_243] : memref<40448x128xf32, #tpu.memory_space<hbm>> -> memref<120x128xf32, #tpu.memory_space<hbm>>
      %dma_wait3A_245 = arith.constant 0 : i32
      %dma_wait3A_246 = tpu.memref_slice %arg6[%add3A_114, %dma_wait3A_245] : memref<40448x128xf32, #tpu.memory_space<hbm>> -> memref<120x128xf32, #tpu.memory_space<hbm>>
      %dma_wait3A_247 = arith.constant 0 : i32
      %dma_wait3A_248 = arith.constant 0 : i32
      %dma_wait3A_249 = tpu.memref_slice %arg12[%dma_wait3A_247, %dma_wait3A_248] : memref<128x128xf32, #tpu.memory_space<vmem>> -> memref<120x128xf32, #tpu.memory_space<vmem>>
      tpu.wait_dma2 semaphore(%run_scoped3A : memref<!tpu.dma_semaphore, #tpu.memory_space<semaphore_mem>>) src(%dma_wait3A_249 : memref<120x128xf32, #tpu.memory_space<vmem>>) dst(%dma_wait3A_246 : memref<120x128xf32, #tpu.memory_space<hbm>>)
      tpu.yield
    }) : () -> ()
    %barrier3A_115 = arith.constant 0 : index
    tpu.barrier barrier_id(%barrier3A_115)
    %mul3A_116 = arith.constant 2 : i32
    %mul3A_117 = arith.muli %mul3A_116, %arg0 : i32
    %add3A_118 = arith.constant 0 : i32
    %add3A_119 = arith.addi %mul3A_117, %add3A_118 : i32
    "tpu.region"() ({
      %run_scoped3A = tpu.sem_alloc : memref<!tpu.dma_semaphore, #tpu.memory_space<semaphore_mem>>
      %dma_start3A = arith.constant 0 : i32
      %dma_start3A_232 = arith.constant 0 : i32
      %dma_start3A_233 = tpu.memref_slice %arg4[%dma_start3A, %dma_start3A_232] : memref<640x128xf32, #tpu.memory_space<hbm>> -> memref<128x128xf32, #tpu.memory_space<hbm>>
      %dma_start3A_234 = arith.constant 0 : i32
      %dma_start3A_235 = arith.constant 0 : i32
      %dma_start3A_236 = tpu.memref_slice %arg4[%dma_start3A_234, %dma_start3A_235] : memref<640x128xf32, #tpu.memory_space<hbm>> -> memref<128x128xf32, #tpu.memory_space<hbm>>
      tpu.enqueue_dma source(%dma_start3A_236 : memref<128x128xf32, #tpu.memory_space<hbm>>) target(%arg12 : memref<128x128xf32, #tpu.memory_space<vmem>>) target_semaphore(%run_scoped3A : memref<!tpu.dma_semaphore, #tpu.memory_space<semaphore_mem>>)
      %dma_wait3A = arith.constant 0 : i32
      %dma_wait3A_237 = arith.constant 0 : i32
      %dma_wait3A_238 = tpu.memref_slice %arg4[%dma_wait3A, %dma_wait3A_237] : memref<640x128xf32, #tpu.memory_space<hbm>> -> memref<128x128xf32, #tpu.memory_space<hbm>>
      %dma_wait3A_239 = arith.constant 0 : i32
      %dma_wait3A_240 = arith.constant 0 : i32
      %dma_wait3A_241 = tpu.memref_slice %arg4[%dma_wait3A_239, %dma_wait3A_240] : memref<640x128xf32, #tpu.memory_space<hbm>> -> memref<128x128xf32, #tpu.memory_space<hbm>>
      tpu.wait_dma2 semaphore(%run_scoped3A : memref<!tpu.dma_semaphore, #tpu.memory_space<semaphore_mem>>) src(%dma_wait3A_241 : memref<128x128xf32, #tpu.memory_space<hbm>>) dst(%arg12 : memref<128x128xf32, #tpu.memory_space<vmem>>)
      tpu.yield
    }) : () -> ()
    %add3A_120 = arith.constant 0 : i32
    %add3A_121 = arith.addi %mul3A_0, %add3A_120 : i32
    "tpu.region"() ({
      %run_scoped3A = tpu.sem_alloc : memref<!tpu.dma_semaphore, #tpu.memory_space<semaphore_mem>>
      %dma_start3A = arith.constant 0 : i32
      %dma_start3A_232 = arith.constant 0 : i32
      %dma_start3A_233 = tpu.memref_slice %arg12[%dma_start3A, %dma_start3A_232] : memref<128x128xf32, #tpu.memory_space<vmem>> -> memref<128x128xf32, #tpu.memory_space<vmem>>
      %dma_start3A_234 = arith.constant 0 : i32
      %dma_start3A_235 = tpu.memref_slice %arg8[%add3A_121, %dma_start3A_234] : memref<10112x128xf32, #tpu.memory_space<vmem_shared>> -> memref<128x128xf32, #tpu.memory_space<vmem_shared>>
      %dma_start3A_236 = arith.constant 0 : i32
      %dma_start3A_237 = tpu.memref_slice %arg8[%add3A_121, %dma_start3A_236] : memref<10112x128xf32, #tpu.memory_space<vmem_shared>> -> memref<128x128xf32, #tpu.memory_space<vmem_shared>>
      %dma_start3A_238 = arith.constant 0 : i32
      %dma_start3A_239 = arith.constant 0 : i32
      %dma_start3A_240 = tpu.memref_slice %arg12[%dma_start3A_238, %dma_start3A_239] : memref<128x128xf32, #tpu.memory_space<vmem>> -> memref<128x128xf32, #tpu.memory_space<vmem>>
      tpu.enqueue_dma source(%dma_start3A_240 : memref<128x128xf32, #tpu.memory_space<vmem>>) target(%dma_start3A_237 : memref<128x128xf32, #tpu.memory_space<vmem_shared>>) target_semaphore(%run_scoped3A : memref<!tpu.dma_semaphore, #tpu.memory_space<semaphore_mem>>)
      %dma_wait3A = arith.constant 0 : i32
      %dma_wait3A_241 = arith.constant 0 : i32
      %dma_wait3A_242 = tpu.memref_slice %arg12[%dma_wait3A, %dma_wait3A_241] : memref<128x128xf32, #tpu.memory_space<vmem>> -> memref<128x128xf32, #tpu.memory_space<vmem>>
      %dma_wait3A_243 = arith.constant 0 : i32
      %dma_wait3A_244 = tpu.memref_slice %arg8[%add3A_121, %dma_wait3A_243] : memref<10112x128xf32, #tpu.memory_space<vmem_shared>> -> memref<128x128xf32, #tpu.memory_space<vmem_shared>>
      %dma_wait3A_245 = arith.constant 0 : i32
      %dma_wait3A_246 = tpu.memref_slice %arg8[%add3A_121, %dma_wait3A_245] : memref<10112x128xf32, #tpu.memory_space<vmem_shared>> -> memref<128x128xf32, #tpu.memory_space<vmem_shared>>
      %dma_wait3A_247 = arith.constant 0 : i32
      %dma_wait3A_248 = arith.constant 0 : i32
      %dma_wait3A_249 = tpu.memref_slice %arg12[%dma_wait3A_247, %dma_wait3A_248] : memref<128x128xf32, #tpu.memory_space<vmem>> -> memref<128x128xf32, #tpu.memory_space<vmem>>
      tpu.wait_dma2 semaphore(%run_scoped3A : memref<!tpu.dma_semaphore, #tpu.memory_space<semaphore_mem>>) src(%dma_wait3A_249 : memref<128x128xf32, #tpu.memory_space<vmem>>) dst(%dma_wait3A_246 : memref<128x128xf32, #tpu.memory_space<vmem_shared>>)
      tpu.yield
    }) : () -> ()
    %add3A_122 = arith.constant 128 : i32
    %add3A_123 = arith.addi %mul3A_0, %add3A_122 : i32
    "tpu.region"() ({
      %run_scoped3A = tpu.sem_alloc : memref<!tpu.dma_semaphore, #tpu.memory_space<semaphore_mem>>
      %dma_start3A = arith.constant 0 : i32
      %dma_start3A_232 = arith.constant 0 : i32
      %dma_start3A_233 = tpu.memref_slice %arg12[%dma_start3A, %dma_start3A_232] : memref<128x128xf32, #tpu.memory_space<vmem>> -> memref<128x128xf32, #tpu.memory_space<vmem>>
      %dma_start3A_234 = arith.constant 0 : i32
      %dma_start3A_235 = tpu.memref_slice %arg8[%add3A_123, %dma_start3A_234] : memref<10112x128xf32, #tpu.memory_space<vmem_shared>> -> memref<128x128xf32, #tpu.memory_space<vmem_shared>>
      %dma_start3A_236 = arith.constant 0 : i32
      %dma_start3A_237 = tpu.memref_slice %arg8[%add3A_123, %dma_start3A_236] : memref<10112x128xf32, #tpu.memory_space<vmem_shared>> -> memref<128x128xf32, #tpu.memory_space<vmem_shared>>
      %dma_start3A_238 = arith.constant 0 : i32
      %dma_start3A_239 = arith.constant 0 : i32
      %dma_start3A_240 = tpu.memref_slice %arg12[%dma_start3A_238, %dma_start3A_239] : memref<128x128xf32, #tpu.memory_space<vmem>> -> memref<128x128xf32, #tpu.memory_space<vmem>>
      tpu.enqueue_dma source(%dma_start3A_240 : memref<128x128xf32, #tpu.memory_space<vmem>>) target(%dma_start3A_237 : memref<128x128xf32, #tpu.memory_space<vmem_shared>>) target_semaphore(%run_scoped3A : memref<!tpu.dma_semaphore, #tpu.memory_space<semaphore_mem>>)
      %dma_wait3A = arith.constant 0 : i32
      %dma_wait3A_241 = arith.constant 0 : i32
      %dma_wait3A_242 = tpu.memref_slice %arg12[%dma_wait3A, %dma_wait3A_241] : memref<128x128xf32, #tpu.memory_space<vmem>> -> memref<128x128xf32, #tpu.memory_space<vmem>>
      %dma_wait3A_243 = arith.constant 0 : i32
      %dma_wait3A_244 = tpu.memref_slice %arg8[%add3A_123, %dma_wait3A_243] : memref<10112x128xf32, #tpu.memory_space<vmem_shared>> -> memref<128x128xf32, #tpu.memory_space<vmem_shared>>
      %dma_wait3A_245 = arith.constant 0 : i32
      %dma_wait3A_246 = tpu.memref_slice %arg8[%add3A_123, %dma_wait3A_245] : memref<10112x128xf32, #tpu.memory_space<vmem_shared>> -> memref<128x128xf32, #tpu.memory_space<vmem_shared>>
      %dma_wait3A_247 = arith.constant 0 : i32
      %dma_wait3A_248 = arith.constant 0 : i32
      %dma_wait3A_249 = tpu.memref_slice %arg12[%dma_wait3A_247, %dma_wait3A_248] : memref<128x128xf32, #tpu.memory_space<vmem>> -> memref<128x128xf32, #tpu.memory_space<vmem>>
      tpu.wait_dma2 semaphore(%run_scoped3A : memref<!tpu.dma_semaphore, #tpu.memory_space<semaphore_mem>>) src(%dma_wait3A_249 : memref<128x128xf32, #tpu.memory_space<vmem>>) dst(%dma_wait3A_246 : memref<128x128xf32, #tpu.memory_space<vmem_shared>>)
      tpu.yield
    }) : () -> ()
    %add3A_124 = arith.constant 256 : i32
    %add3A_125 = arith.addi %mul3A_0, %add3A_124 : i32
    "tpu.region"() ({
      %run_scoped3A = tpu.sem_alloc : memref<!tpu.dma_semaphore, #tpu.memory_space<semaphore_mem>>
      %dma_start3A = arith.constant 0 : i32
      %dma_start3A_232 = arith.constant 0 : i32
      %dma_start3A_233 = tpu.memref_slice %arg12[%dma_start3A, %dma_start3A_232] : memref<128x128xf32, #tpu.memory_space<vmem>> -> memref<128x128xf32, #tpu.memory_space<vmem>>
      %dma_start3A_234 = arith.constant 0 : i32
      %dma_start3A_235 = tpu.memref_slice %arg8[%add3A_125, %dma_start3A_234] : memref<10112x128xf32, #tpu.memory_space<vmem_shared>> -> memref<128x128xf32, #tpu.memory_space<vmem_shared>>
      %dma_start3A_236 = arith.constant 0 : i32
      %dma_start3A_237 = tpu.memref_slice %arg8[%add3A_125, %dma_start3A_236] : memref<10112x128xf32, #tpu.memory_space<vmem_shared>> -> memref<128x128xf32, #tpu.memory_space<vmem_shared>>
      %dma_start3A_238 = arith.constant 0 : i32
      %dma_start3A_239 = arith.constant 0 : i32
      %dma_start3A_240 = tpu.memref_slice %arg12[%dma_start3A_238, %dma_start3A_239] : memref<128x128xf32, #tpu.memory_space<vmem>> -> memref<128x128xf32, #tpu.memory_space<vmem>>
      tpu.enqueue_dma source(%dma_start3A_240 : memref<128x128xf32, #tpu.memory_space<vmem>>) target(%dma_start3A_237 : memref<128x128xf32, #tpu.memory_space<vmem_shared>>) target_semaphore(%run_scoped3A : memref<!tpu.dma_semaphore, #tpu.memory_space<semaphore_mem>>)
      %dma_wait3A = arith.constant 0 : i32
      %dma_wait3A_241 = arith.constant 0 : i32
      %dma_wait3A_242 = tpu.memref_slice %arg12[%dma_wait3A, %dma_wait3A_241] : memref<128x128xf32, #tpu.memory_space<vmem>> -> memref<128x128xf32, #tpu.memory_space<vmem>>
      %dma_wait3A_243 = arith.constant 0 : i32
      %dma_wait3A_244 = tpu.memref_slice %arg8[%add3A_125, %dma_wait3A_243] : memref<10112x128xf32, #tpu.memory_space<vmem_shared>> -> memref<128x128xf32, #tpu.memory_space<vmem_shared>>
      %dma_wait3A_245 = arith.constant 0 : i32
      %dma_wait3A_246 = tpu.memref_slice %arg8[%add3A_125, %dma_wait3A_245] : memref<10112x128xf32, #tpu.memory_space<vmem_shared>> -> memref<128x128xf32, #tpu.memory_space<vmem_shared>>
      %dma_wait3A_247 = arith.constant 0 : i32
      %dma_wait3A_248 = arith.constant 0 : i32
      %dma_wait3A_249 = tpu.memref_slice %arg12[%dma_wait3A_247, %dma_wait3A_248] : memref<128x128xf32, #tpu.memory_space<vmem>> -> memref<128x128xf32, #tpu.memory_space<vmem>>
      tpu.wait_dma2 semaphore(%run_scoped3A : memref<!tpu.dma_semaphore, #tpu.memory_space<semaphore_mem>>) src(%dma_wait3A_249 : memref<128x128xf32, #tpu.memory_space<vmem>>) dst(%dma_wait3A_246 : memref<128x128xf32, #tpu.memory_space<vmem_shared>>)
      tpu.yield
    }) : () -> ()
    %add3A_126 = arith.constant 384 : i32
    %add3A_127 = arith.addi %mul3A_0, %add3A_126 : i32
    "tpu.region"() ({
      %run_scoped3A = tpu.sem_alloc : memref<!tpu.dma_semaphore, #tpu.memory_space<semaphore_mem>>
      %dma_start3A = arith.constant 0 : i32
      %dma_start3A_232 = arith.constant 0 : i32
      %dma_start3A_233 = tpu.memref_slice %arg12[%dma_start3A, %dma_start3A_232] : memref<128x128xf32, #tpu.memory_space<vmem>> -> memref<128x128xf32, #tpu.memory_space<vmem>>
      %dma_start3A_234 = arith.constant 0 : i32
      %dma_start3A_235 = tpu.memref_slice %arg8[%add3A_127, %dma_start3A_234] : memref<10112x128xf32, #tpu.memory_space<vmem_shared>> -> memref<128x128xf32, #tpu.memory_space<vmem_shared>>
      %dma_start3A_236 = arith.constant 0 : i32
      %dma_start3A_237 = tpu.memref_slice %arg8[%add3A_127, %dma_start3A_236] : memref<10112x128xf32, #tpu.memory_space<vmem_shared>> -> memref<128x128xf32, #tpu.memory_space<vmem_shared>>
      %dma_start3A_238 = arith.constant 0 : i32
      %dma_start3A_239 = arith.constant 0 : i32
      %dma_start3A_240 = tpu.memref_slice %arg12[%dma_start3A_238, %dma_start3A_239] : memref<128x128xf32, #tpu.memory_space<vmem>> -> memref<128x128xf32, #tpu.memory_space<vmem>>
      tpu.enqueue_dma source(%dma_start3A_240 : memref<128x128xf32, #tpu.memory_space<vmem>>) target(%dma_start3A_237 : memref<128x128xf32, #tpu.memory_space<vmem_shared>>) target_semaphore(%run_scoped3A : memref<!tpu.dma_semaphore, #tpu.memory_space<semaphore_mem>>)
      %dma_wait3A = arith.constant 0 : i32
      %dma_wait3A_241 = arith.constant 0 : i32
      %dma_wait3A_242 = tpu.memref_slice %arg12[%dma_wait3A, %dma_wait3A_241] : memref<128x128xf32, #tpu.memory_space<vmem>> -> memref<128x128xf32, #tpu.memory_space<vmem>>
      %dma_wait3A_243 = arith.constant 0 : i32
      %dma_wait3A_244 = tpu.memref_slice %arg8[%add3A_127, %dma_wait3A_243] : memref<10112x128xf32, #tpu.memory_space<vmem_shared>> -> memref<128x128xf32, #tpu.memory_space<vmem_shared>>
      %dma_wait3A_245 = arith.constant 0 : i32
      %dma_wait3A_246 = tpu.memref_slice %arg8[%add3A_127, %dma_wait3A_245] : memref<10112x128xf32, #tpu.memory_space<vmem_shared>> -> memref<128x128xf32, #tpu.memory_space<vmem_shared>>
      %dma_wait3A_247 = arith.constant 0 : i32
      %dma_wait3A_248 = arith.constant 0 : i32
      %dma_wait3A_249 = tpu.memref_slice %arg12[%dma_wait3A_247, %dma_wait3A_248] : memref<128x128xf32, #tpu.memory_space<vmem>> -> memref<128x128xf32, #tpu.memory_space<vmem>>
      tpu.wait_dma2 semaphore(%run_scoped3A : memref<!tpu.dma_semaphore, #tpu.memory_space<semaphore_mem>>) src(%dma_wait3A_249 : memref<128x128xf32, #tpu.memory_space<vmem>>) dst(%dma_wait3A_246 : memref<128x128xf32, #tpu.memory_space<vmem_shared>>)
      tpu.yield
    }) : () -> ()
    %add3A_128 = arith.constant 512 : i32
    %add3A_129 = arith.addi %mul3A_0, %add3A_128 : i32
    "tpu.region"() ({
      %run_scoped3A = tpu.sem_alloc : memref<!tpu.dma_semaphore, #tpu.memory_space<semaphore_mem>>
      %dma_start3A = arith.constant 0 : i32
      %dma_start3A_232 = arith.constant 0 : i32
      %dma_start3A_233 = tpu.memref_slice %arg12[%dma_start3A, %dma_start3A_232] : memref<128x128xf32, #tpu.memory_space<vmem>> -> memref<120x128xf32, #tpu.memory_space<vmem>>
      %dma_start3A_234 = arith.constant 0 : i32
      %dma_start3A_235 = tpu.memref_slice %arg8[%add3A_129, %dma_start3A_234] : memref<10112x128xf32, #tpu.memory_space<vmem_shared>> -> memref<120x128xf32, #tpu.memory_space<vmem_shared>>
      %dma_start3A_236 = arith.constant 0 : i32
      %dma_start3A_237 = tpu.memref_slice %arg8[%add3A_129, %dma_start3A_236] : memref<10112x128xf32, #tpu.memory_space<vmem_shared>> -> memref<120x128xf32, #tpu.memory_space<vmem_shared>>
      %dma_start3A_238 = arith.constant 0 : i32
      %dma_start3A_239 = arith.constant 0 : i32
      %dma_start3A_240 = tpu.memref_slice %arg12[%dma_start3A_238, %dma_start3A_239] : memref<128x128xf32, #tpu.memory_space<vmem>> -> memref<120x128xf32, #tpu.memory_space<vmem>>
      tpu.enqueue_dma source(%dma_start3A_240 : memref<120x128xf32, #tpu.memory_space<vmem>>) target(%dma_start3A_237 : memref<120x128xf32, #tpu.memory_space<vmem_shared>>) target_semaphore(%run_scoped3A : memref<!tpu.dma_semaphore, #tpu.memory_space<semaphore_mem>>)
      %dma_wait3A = arith.constant 0 : i32
      %dma_wait3A_241 = arith.constant 0 : i32
      %dma_wait3A_242 = tpu.memref_slice %arg12[%dma_wait3A, %dma_wait3A_241] : memref<128x128xf32, #tpu.memory_space<vmem>> -> memref<120x128xf32, #tpu.memory_space<vmem>>
      %dma_wait3A_243 = arith.constant 0 : i32
      %dma_wait3A_244 = tpu.memref_slice %arg8[%add3A_129, %dma_wait3A_243] : memref<10112x128xf32, #tpu.memory_space<vmem_shared>> -> memref<120x128xf32, #tpu.memory_space<vmem_shared>>
      %dma_wait3A_245 = arith.constant 0 : i32
      %dma_wait3A_246 = tpu.memref_slice %arg8[%add3A_129, %dma_wait3A_245] : memref<10112x128xf32, #tpu.memory_space<vmem_shared>> -> memref<120x128xf32, #tpu.memory_space<vmem_shared>>
      %dma_wait3A_247 = arith.constant 0 : i32
      %dma_wait3A_248 = arith.constant 0 : i32
      %dma_wait3A_249 = tpu.memref_slice %arg12[%dma_wait3A_247, %dma_wait3A_248] : memref<128x128xf32, #tpu.memory_space<vmem>> -> memref<120x128xf32, #tpu.memory_space<vmem>>
      tpu.wait_dma2 semaphore(%run_scoped3A : memref<!tpu.dma_semaphore, #tpu.memory_space<semaphore_mem>>) src(%dma_wait3A_249 : memref<120x128xf32, #tpu.memory_space<vmem>>) dst(%dma_wait3A_246 : memref<120x128xf32, #tpu.memory_space<vmem_shared>>)
      tpu.yield
    }) : () -> ()
    "tpu.region"() ({
      %run_scoped3A = tpu.sem_alloc : memref<!tpu.dma_semaphore, #tpu.memory_space<semaphore_mem>>
      tpu.enqueue_dma source(%arg5 : memref<128x128xf32, #tpu.memory_space<hbm>>) target(%arg12 : memref<128x128xf32, #tpu.memory_space<vmem>>) target_semaphore(%run_scoped3A : memref<!tpu.dma_semaphore, #tpu.memory_space<semaphore_mem>>)
      tpu.wait_dma2 semaphore(%run_scoped3A : memref<!tpu.dma_semaphore, #tpu.memory_space<semaphore_mem>>) src(%arg5 : memref<128x128xf32, #tpu.memory_space<hbm>>) dst(%arg12 : memref<128x128xf32, #tpu.memory_space<vmem>>)
      tpu.yield
    }) : () -> ()
    %barrier3A_130 = arith.constant 0 : index
    tpu.barrier barrier_id(%barrier3A_130)
    %scan3A_131 = arith.constant 0 : i32
    %scan3A_132 = arith.constant 0 : i32
    %scan3A_133 = arith.constant 157 : i32
    %scan3A_134 = arith.addi %scan3A_132, %scan3A_133 : i32
    %scan3A_135 = arith.constant 1 : i32
    scf.for %scan3A_232 = %scan3A_132 to %scan3A_134 step %scan3A_135  : i32 {
      %mul3A_233 = arith.constant 157 : i32
      %mul3A_234 = arith.muli %arg1, %mul3A_233 : i32
      %add3A_235 = arith.addi %mul3A_234, %scan3A_232 : i32
      %mul3A_236 = arith.constant 3 : i32
      %mul3A_237 = arith.muli %add3A_235, %mul3A_236 : i32
      %mul3A_238 = arith.constant 128 : i32
      %mul3A_239 = arith.muli %mul3A_237, %mul3A_238 : i32
      "tpu.region"() ({
        %run_scoped3A = tpu.sem_alloc : memref<!tpu.dma_semaphore, #tpu.memory_space<semaphore_mem>>
        %dma_start3A = tpu.memref_slice %arg3[%mul3A_239] : memref<964608xi32, #tpu.memory_space<hbm>> -> memref<384xi32, #tpu.memory_space<hbm>>
        %dma_start3A_347 = tpu.memref_slice %arg3[%mul3A_239] : memref<964608xi32, #tpu.memory_space<hbm>> -> memref<384xi32, #tpu.memory_space<hbm>>
        tpu.enqueue_dma source(%dma_start3A_347 : memref<384xi32, #tpu.memory_space<hbm>>) target(%arg10 : memref<384xi32, #tpu.memory_space<vmem>>) target_semaphore(%run_scoped3A : memref<!tpu.dma_semaphore, #tpu.memory_space<semaphore_mem>>)
        %dma_wait3A = tpu.memref_slice %arg3[%mul3A_239] : memref<964608xi32, #tpu.memory_space<hbm>> -> memref<384xi32, #tpu.memory_space<hbm>>
        %dma_wait3A_348 = tpu.memref_slice %arg3[%mul3A_239] : memref<964608xi32, #tpu.memory_space<hbm>> -> memref<384xi32, #tpu.memory_space<hbm>>
        tpu.wait_dma2 semaphore(%run_scoped3A : memref<!tpu.dma_semaphore, #tpu.memory_space<semaphore_mem>>) src(%dma_wait3A_348 : memref<384xi32, #tpu.memory_space<hbm>>) dst(%arg10 : memref<384xi32, #tpu.memory_space<vmem>>)
        tpu.yield
      }) : () -> ()
      %get3A = arith.constant 256 : index
      %get3A_240 = tpu.vector_load %arg10[%get3A] {strides = array<i32>} : memref<384xi32, #tpu.memory_space<vmem>>, vector<16xi32>,
      %get3A_241 = vector.shape_cast %get3A_240 : vector<16xi32> to vector<16xi32>
      %eq3A = vector.broadcast %add3A_119 : i32 to vector<16xi32>
      %eq3A_242 = arith.cmpi eq, %get3A_241, %eq3A : vector<16xi32>
      %get3A_243 = arith.constant 128 : index
      %get3A_244 = tpu.vector_load %arg10[%get3A_243] {strides = array<i32>} : memref<384xi32, #tpu.memory_space<vmem>>, vector<16xi32>,
      %get3A_245 = vector.shape_cast %get3A_244 : vector<16xi32> to vector<16xi32>
      %broadcast_in_dim3A = vector.broadcast %add3A_1 : i32 to vector<16xi32>
      %select_n3A = arith.select %eq3A_242, %get3A_245, %broadcast_in_dim3A : vector<16xi1>, vector<16xi32>
      %swap3A = arith.constant 0 : index
      %swap3A_246 = tpu.vector_load %arg11[%swap3A] {strides = array<i32>} : memref<128xi32, #tpu.memory_space<vmem>>, vector<16xi32>,
      %swap3A_247 = vector.shape_cast %swap3A_246 : vector<16xi32> to vector<16xi32>
      %swap3A_248 = vector.shape_cast %select_n3A : vector<16xi32> to vector<16xi32>
      tpu.vector_store %arg11[%swap3A], %swap3A_248 {strides = array<i32>} : memref<128xi32, #tpu.memory_space<vmem>>, vector<16xi32>,
      %get3A_249 = arith.constant 272 : index
      %get3A_250 = tpu.vector_load %arg10[%get3A_249] {strides = array<i32>} : memref<384xi32, #tpu.memory_space<vmem>>, vector<16xi32>,
      %get3A_251 = vector.shape_cast %get3A_250 : vector<16xi32> to vector<16xi32>
      %eq3A_252 = vector.broadcast %add3A_119 : i32 to vector<16xi32>
      %eq3A_253 = arith.cmpi eq, %get3A_251, %eq3A_252 : vector<16xi32>
      %get3A_254 = arith.constant 144 : index
      %get3A_255 = tpu.vector_load %arg10[%get3A_254] {strides = array<i32>} : memref<384xi32, #tpu.memory_space<vmem>>, vector<16xi32>,
      %get3A_256 = vector.shape_cast %get3A_255 : vector<16xi32> to vector<16xi32>
      %broadcast_in_dim3A_257 = vector.broadcast %add3A_1 : i32 to vector<16xi32>
      %select_n3A_258 = arith.select %eq3A_253, %get3A_256, %broadcast_in_dim3A_257 : vector<16xi1>, vector<16xi32>
      %swap3A_259 = arith.constant 16 : index
      %swap3A_260 = tpu.vector_load %arg11[%swap3A_259] {strides = array<i32>} : memref<128xi32, #tpu.memory_space<vmem>>, vector<16xi32>,
      %swap3A_261 = vector.shape_cast %swap3A_260 : vector<16xi32> to vector<16xi32>
      %swap3A_262 = vector.shape_cast %select_n3A_258 : vector<16xi32> to vector<16xi32>
      tpu.vector_store %arg11[%swap3A_259], %swap3A_262 {strides = array<i32>} : memref<128xi32, #tpu.memory_space<vmem>>, vector<16xi32>,
      %get3A_263 = arith.constant 288 : index
      %get3A_264 = tpu.vector_load %arg10[%get3A_263] {strides = array<i32>} : memref<384xi32, #tpu.memory_space<vmem>>, vector<16xi32>,
      %get3A_265 = vector.shape_cast %get3A_264 : vector<16xi32> to vector<16xi32>
      %eq3A_266 = vector.broadcast %add3A_119 : i32 to vector<16xi32>
      %eq3A_267 = arith.cmpi eq, %get3A_265, %eq3A_266 : vector<16xi32>
      %get3A_268 = arith.constant 160 : index
      %get3A_269 = tpu.vector_load %arg10[%get3A_268] {strides = array<i32>} : memref<384xi32, #tpu.memory_space<vmem>>, vector<16xi32>,
      %get3A_270 = vector.shape_cast %get3A_269 : vector<16xi32> to vector<16xi32>
      %broadcast_in_dim3A_271 = vector.broadcast %add3A_1 : i32 to vector<16xi32>
      %select_n3A_272 = arith.select %eq3A_267, %get3A_270, %broadcast_in_dim3A_271 : vector<16xi1>, vector<16xi32>
      %swap3A_273 = arith.constant 32 : index
      %swap3A_274 = tpu.vector_load %arg11[%swap3A_273] {strides = array<i32>} : memref<128xi32, #tpu.memory_space<vmem>>, vector<16xi32>,
      %swap3A_275 = vector.shape_cast %swap3A_274 : vector<16xi32> to vector<16xi32>
      %swap3A_276 = vector.shape_cast %select_n3A_272 : vector<16xi32> to vector<16xi32>
      tpu.vector_store %arg11[%swap3A_273], %swap3A_276 {strides = array<i32>} : memref<128xi32, #tpu.memory_space<vmem>>, vector<16xi32>,
      %get3A_277 = arith.constant 304 : index
      %get3A_278 = tpu.vector_load %arg10[%get3A_277] {strides = array<i32>} : memref<384xi32, #tpu.memory_space<vmem>>, vector<16xi32>,
      %get3A_279 = vector.shape_cast %get3A_278 : vector<16xi32> to vector<16xi32>
      %eq3A_280 = vector.broadcast %add3A_119 : i32 to vector<16xi32>
      %eq3A_281 = arith.cmpi eq, %get3A_279, %eq3A_280 : vector<16xi32>
      %get3A_282 = arith.constant 176 : index
      %get3A_283 = tpu.vector_load %arg10[%get3A_282] {strides = array<i32>} : memref<384xi32, #tpu.memory_space<vmem>>, vector<16xi32>,
      %get3A_284 = vector.shape_cast %get3A_283 : vector<16xi32> to vector<16xi32>
      %broadcast_in_dim3A_285 = vector.broadcast %add3A_1 : i32 to vector<16xi32>
      %select_n3A_286 = arith.select %eq3A_281, %get3A_284, %broadcast_in_dim3A_285 : vector<16xi1>, vector<16xi32>
      %swap3A_287 = arith.constant 48 : index
      %swap3A_288 = tpu.vector_load %arg11[%swap3A_287] {strides = array<i32>} : memref<128xi32, #tpu.memory_space<vmem>>, vector<16xi32>,
      %swap3A_289 = vector.shape_cast %swap3A_288 : vector<16xi32> to vector<16xi32>
      %swap3A_290 = vector.shape_cast %select_n3A_286 : vector<16xi32> to vector<16xi32>
      tpu.vector_store %arg11[%swap3A_287], %swap3A_290 {strides = array<i32>} : memref<128xi32, #tpu.memory_space<vmem>>, vector<16xi32>,
      %get3A_291 = arith.constant 320 : index
      %get3A_292 = tpu.vector_load %arg10[%get3A_291] {strides = array<i32>} : memref<384xi32, #tpu.memory_space<vmem>>, vector<16xi32>,
      %get3A_293 = vector.shape_cast %get3A_292 : vector<16xi32> to vector<16xi32>
      %eq3A_294 = vector.broadcast %add3A_119 : i32 to vector<16xi32>
      %eq3A_295 = arith.cmpi eq, %get3A_293, %eq3A_294 : vector<16xi32>
      %get3A_296 = arith.constant 192 : index
      %get3A_297 = tpu.vector_load %arg10[%get3A_296] {strides = array<i32>} : memref<384xi32, #tpu.memory_space<vmem>>, vector<16xi32>,
      %get3A_298 = vector.shape_cast %get3A_297 : vector<16xi32> to vector<16xi32>
      %broadcast_in_dim3A_299 = vector.broadcast %add3A_1 : i32 to vector<16xi32>
      %select_n3A_300 = arith.select %eq3A_295, %get3A_298, %broadcast_in_dim3A_299 : vector<16xi1>, vector<16xi32>
      %swap3A_301 = arith.constant 64 : index
      %swap3A_302 = tpu.vector_load %arg11[%swap3A_301] {strides = array<i32>} : memref<128xi32, #tpu.memory_space<vmem>>, vector<16xi32>,
      %swap3A_303 = vector.shape_cast %swap3A_302 : vector<16xi32> to vector<16xi32>
      %swap3A_304 = vector.shape_cast %select_n3A_300 : vector<16xi32> to vector<16xi32>
      tpu.vector_store %arg11[%swap3A_301], %swap3A_304 {strides = array<i32>} : memref<128xi32, #tpu.memory_space<vmem>>, vector<16xi32>,
      %get3A_305 = arith.constant 336 : index
      %get3A_306 = tpu.vector_load %arg10[%get3A_305] {strides = array<i32>} : memref<384xi32, #tpu.memory_space<vmem>>, vector<16xi32>,
      %get3A_307 = vector.shape_cast %get3A_306 : vector<16xi32> to vector<16xi32>
      %eq3A_308 = vector.broadcast %add3A_119 : i32 to vector<16xi32>
      %eq3A_309 = arith.cmpi eq, %get3A_307, %eq3A_308 : vector<16xi32>
      %get3A_310 = arith.constant 208 : index
      %get3A_311 = tpu.vector_load %arg10[%get3A_310] {strides = array<i32>} : memref<384xi32, #tpu.memory_space<vmem>>, vector<16xi32>,
      %get3A_312 = vector.shape_cast %get3A_311 : vector<16xi32> to vector<16xi32>
      %broadcast_in_dim3A_313 = vector.broadcast %add3A_1 : i32 to vector<16xi32>
      %select_n3A_314 = arith.select %eq3A_309, %get3A_312, %broadcast_in_dim3A_313 : vector<16xi1>, vector<16xi32>
      %swap3A_315 = arith.constant 80 : index
      %swap3A_316 = tpu.vector_load %arg11[%swap3A_315] {strides = array<i32>} : memref<128xi32, #tpu.memory_space<vmem>>, vector<16xi32>,
      %swap3A_317 = vector.shape_cast %swap3A_316 : vector<16xi32> to vector<16xi32>
      %swap3A_318 = vector.shape_cast %select_n3A_314 : vector<16xi32> to vector<16xi32>
      tpu.vector_store %arg11[%swap3A_315], %swap3A_318 {strides = array<i32>} : memref<128xi32, #tpu.memory_space<vmem>>, vector<16xi32>,
      %get3A_319 = arith.constant 352 : index
      %get3A_320 = tpu.vector_load %arg10[%get3A_319] {strides = array<i32>} : memref<384xi32, #tpu.memory_space<vmem>>, vector<16xi32>,
      %get3A_321 = vector.shape_cast %get3A_320 : vector<16xi32> to vector<16xi32>
      %eq3A_322 = vector.broadcast %add3A_119 : i32 to vector<16xi32>
      %eq3A_323 = arith.cmpi eq, %get3A_321, %eq3A_322 : vector<16xi32>
      %get3A_324 = arith.constant 224 : index
      %get3A_325 = tpu.vector_load %arg10[%get3A_324] {strides = array<i32>} : memref<384xi32, #tpu.memory_space<vmem>>, vector<16xi32>,
      %get3A_326 = vector.shape_cast %get3A_325 : vector<16xi32> to vector<16xi32>
      %broadcast_in_dim3A_327 = vector.broadcast %add3A_1 : i32 to vector<16xi32>
      %select_n3A_328 = arith.select %eq3A_323, %get3A_326, %broadcast_in_dim3A_327 : vector<16xi1>, vector<16xi32>
      %swap3A_329 = arith.constant 96 : index
      %swap3A_330 = tpu.vector_load %arg11[%swap3A_329] {strides = array<i32>} : memref<128xi32, #tpu.memory_space<vmem>>, vector<16xi32>,
      %swap3A_331 = vector.shape_cast %swap3A_330 : vector<16xi32> to vector<16xi32>
      %swap3A_332 = vector.shape_cast %select_n3A_328 : vector<16xi32> to vector<16xi32>
      tpu.vector_store %arg11[%swap3A_329], %swap3A_332 {strides = array<i32>} : memref<128xi32, #tpu.memory_space<vmem>>, vector<16xi32>,
      %get3A_333 = arith.constant 368 : index
      %get3A_334 = tpu.vector_load %arg10[%get3A_333] {strides = array<i32>} : memref<384xi32, #tpu.memory_space<vmem>>, vector<16xi32>,
      %get3A_335 = vector.shape_cast %get3A_334 : vector<16xi32> to vector<16xi32>
      %eq3A_336 = vector.broadcast %add3A_119 : i32 to vector<16xi32>
      %eq3A_337 = arith.cmpi eq, %get3A_335, %eq3A_336 : vector<16xi32>
      %get3A_338 = arith.constant 240 : index
      %get3A_339 = tpu.vector_load %arg10[%get3A_338] {strides = array<i32>} : memref<384xi32, #tpu.memory_space<vmem>>, vector<16xi32>,
      %get3A_340 = vector.shape_cast %get3A_339 : vector<16xi32> to vector<16xi32>
      %broadcast_in_dim3A_341 = vector.broadcast %add3A_1 : i32 to vector<16xi32>
      %select_n3A_342 = arith.select %eq3A_337, %get3A_340, %broadcast_in_dim3A_341 : vector<16xi1>, vector<16xi32>
      %swap3A_343 = arith.constant 112 : index
      %swap3A_344 = tpu.vector_load %arg11[%swap3A_343] {strides = array<i32>} : memref<128xi32, #tpu.memory_space<vmem>>, vector<16xi32>,
      %swap3A_345 = vector.shape_cast %swap3A_344 : vector<16xi32> to vector<16xi32>
      %swap3A_346 = vector.shape_cast %select_n3A_342 : vector<16xi32> to vector<16xi32>
      tpu.vector_store %arg11[%swap3A_343], %swap3A_346 {strides = array<i32>} : memref<128xi32, #tpu.memory_space<vmem>>, vector<16xi32>,
      "tpu.region"() ({
        %run_scoped3A = tpu.sem_alloc : memref<!tpu.dma_semaphore, #tpu.memory_space<semaphore_mem>>
        %dma_start3A = arith.constant 0 : i32
        %dma_start3A_347 = arith.constant 0 : i32
        %dma_start3A_348 = tpu.memref_slice %arg8[%dma_start3A, %dma_start3A_347] : memref<10112x128xf32, #tpu.memory_space<vmem_shared>> -> memref<10112x128xf32, #tpu.memory_space<vmem_shared>>
        tpu.enqueue_indirect_dma source(%arg12 : memref<128x128xf32, #tpu.memory_space<vmem>>) target(%dma_start3A_348 : memref<10112x128xf32, #tpu.memory_space<vmem_shared>>) offsets(%arg11 : memref<128xi32, #tpu.memory_space<vmem>>) semaphore(%run_scoped3A : memref<!tpu.dma_semaphore, #tpu.memory_space<semaphore_mem>>) {add = true}
        %dma_wait3A = arith.constant 0 : i32
        %dma_wait3A_349 = arith.constant 0 : i32
        %dma_wait3A_350 = tpu.memref_slice %arg8[%dma_wait3A, %dma_wait3A_349] : memref<10112x128xf32, #tpu.memory_space<vmem_shared>> -> memref<10112x128xf32, #tpu.memory_space<vmem_shared>>
        tpu.wait_indirect_dma semaphore(%run_scoped3A : memref<!tpu.dma_semaphore, #tpu.memory_space<semaphore_mem>>) src(%arg12 : memref<128x128xf32, #tpu.memory_space<vmem>>) dst(%dma_wait3A_350 : memref<10112x128xf32, #tpu.memory_space<vmem_shared>>)
        tpu.yield
      }) : () -> ()
    }
    %scan3A_136 = arith.constant 157 : i32
    %barrier3A_137 = arith.constant 0 : index
    tpu.barrier barrier_id(%barrier3A_137)
    %add3A_138 = arith.constant 0 : i32
    %add3A_139 = arith.addi %mul3A_0, %add3A_138 : i32
    "tpu.region"() ({
      %run_scoped3A = tpu.sem_alloc : memref<!tpu.dma_semaphore, #tpu.memory_space<semaphore_mem>>
      %dma_start3A = arith.constant 0 : i32
      %dma_start3A_232 = arith.constant 0 : i32
      %dma_start3A_233 = tpu.memref_slice %arg12[%dma_start3A, %dma_start3A_232] : memref<128x128xf32, #tpu.memory_space<vmem>> -> memref<128x128xf32, #tpu.memory_space<vmem>>
      %dma_start3A_234 = arith.constant 0 : i32
      %dma_start3A_235 = tpu.memref_slice %arg8[%add3A_139, %dma_start3A_234] : memref<10112x128xf32, #tpu.memory_space<vmem_shared>> -> memref<128x128xf32, #tpu.memory_space<vmem_shared>>
      %dma_start3A_236 = arith.constant 0 : i32
      %dma_start3A_237 = arith.constant 0 : i32
      %dma_start3A_238 = tpu.memref_slice %arg12[%dma_start3A_236, %dma_start3A_237] : memref<128x128xf32, #tpu.memory_space<vmem>> -> memref<128x128xf32, #tpu.memory_space<vmem>>
      %dma_start3A_239 = arith.constant 0 : i32
      %dma_start3A_240 = tpu.memref_slice %arg8[%add3A_139, %dma_start3A_239] : memref<10112x128xf32, #tpu.memory_space<vmem_shared>> -> memref<128x128xf32, #tpu.memory_space<vmem_shared>>
      tpu.enqueue_dma source(%dma_start3A_240 : memref<128x128xf32, #tpu.memory_space<vmem_shared>>) target(%dma_start3A_238 : memref<128x128xf32, #tpu.memory_space<vmem>>) target_semaphore(%run_scoped3A : memref<!tpu.dma_semaphore, #tpu.memory_space<semaphore_mem>>)
      %dma_wait3A = arith.constant 0 : i32
      %dma_wait3A_241 = arith.constant 0 : i32
      %dma_wait3A_242 = tpu.memref_slice %arg12[%dma_wait3A, %dma_wait3A_241] : memref<128x128xf32, #tpu.memory_space<vmem>> -> memref<128x128xf32, #tpu.memory_space<vmem>>
      %dma_wait3A_243 = arith.constant 0 : i32
      %dma_wait3A_244 = tpu.memref_slice %arg8[%add3A_139, %dma_wait3A_243] : memref<10112x128xf32, #tpu.memory_space<vmem_shared>> -> memref<128x128xf32, #tpu.memory_space<vmem_shared>>
      %dma_wait3A_245 = arith.constant 0 : i32
      %dma_wait3A_246 = arith.constant 0 : i32
      %dma_wait3A_247 = tpu.memref_slice %arg12[%dma_wait3A_245, %dma_wait3A_246] : memref<128x128xf32, #tpu.memory_space<vmem>> -> memref<128x128xf32, #tpu.memory_space<vmem>>
      %dma_wait3A_248 = arith.constant 0 : i32
      %dma_wait3A_249 = tpu.memref_slice %arg8[%add3A_139, %dma_wait3A_248] : memref<10112x128xf32, #tpu.memory_space<vmem_shared>> -> memref<128x128xf32, #tpu.memory_space<vmem_shared>>
      tpu.wait_dma2 semaphore(%run_scoped3A : memref<!tpu.dma_semaphore, #tpu.memory_space<semaphore_mem>>) src(%dma_wait3A_249 : memref<128x128xf32, #tpu.memory_space<vmem_shared>>) dst(%dma_wait3A_247 : memref<128x128xf32, #tpu.memory_space<vmem>>)
      tpu.yield
    }) : () -> ()
    %mul3A_140 = arith.constant 10112 : i32
    %mul3A_141 = arith.muli %add3A_119, %mul3A_140 : i32
    %add3A_142 = arith.addi %mul3A_141, %mul3A_0 : i32
    %add3A_143 = arith.constant 0 : i32
    %add3A_144 = arith.addi %add3A_142, %add3A_143 : i32
    "tpu.region"() ({
      %run_scoped3A = tpu.sem_alloc : memref<!tpu.dma_semaphore, #tpu.memory_space<semaphore_mem>>
      %dma_start3A = arith.constant 0 : i32
      %dma_start3A_232 = arith.constant 0 : i32
      %dma_start3A_233 = tpu.memref_slice %arg12[%dma_start3A, %dma_start3A_232] : memref<128x128xf32, #tpu.memory_space<vmem>> -> memref<128x128xf32, #tpu.memory_space<vmem>>
      %dma_start3A_234 = arith.constant 0 : i32
      %dma_start3A_235 = tpu.memref_slice %arg7[%add3A_144, %dma_start3A_234] : memref<40448x128xf32, #tpu.memory_space<hbm>> -> memref<128x128xf32, #tpu.memory_space<hbm>>
      %dma_start3A_236 = arith.constant 0 : i32
      %dma_start3A_237 = tpu.memref_slice %arg7[%add3A_144, %dma_start3A_236] : memref<40448x128xf32, #tpu.memory_space<hbm>> -> memref<128x128xf32, #tpu.memory_space<hbm>>
      %dma_start3A_238 = arith.constant 0 : i32
      %dma_start3A_239 = arith.constant 0 : i32
      %dma_start3A_240 = tpu.memref_slice %arg12[%dma_start3A_238, %dma_start3A_239] : memref<128x128xf32, #tpu.memory_space<vmem>> -> memref<128x128xf32, #tpu.memory_space<vmem>>
      tpu.enqueue_dma source(%dma_start3A_240 : memref<128x128xf32, #tpu.memory_space<vmem>>) target(%dma_start3A_237 : memref<128x128xf32, #tpu.memory_space<hbm>>) target_semaphore(%run_scoped3A : memref<!tpu.dma_semaphore, #tpu.memory_space<semaphore_mem>>)
      %dma_wait3A = arith.constant 0 : i32
      %dma_wait3A_241 = arith.constant 0 : i32
      %dma_wait3A_242 = tpu.memref_slice %arg12[%dma_wait3A, %dma_wait3A_241] : memref<128x128xf32, #tpu.memory_space<vmem>> -> memref<128x128xf32, #tpu.memory_space<vmem>>
      %dma_wait3A_243 = arith.constant 0 : i32
      %dma_wait3A_244 = tpu.memref_slice %arg7[%add3A_144, %dma_wait3A_243] : memref<40448x128xf32, #tpu.memory_space<hbm>> -> memref<128x128xf32, #tpu.memory_space<hbm>>
      %dma_wait3A_245 = arith.constant 0 : i32
      %dma_wait3A_246 = tpu.memref_slice %arg7[%add3A_144, %dma_wait3A_245] : memref<40448x128xf32, #tpu.memory_space<hbm>> -> memref<128x128xf32, #tpu.memory_space<hbm>>
      %dma_wait3A_247 = arith.constant 0 : i32
      %dma_wait3A_248 = arith.constant 0 : i32
      %dma_wait3A_249 = tpu.memref_slice %arg12[%dma_wait3A_247, %dma_wait3A_248] : memref<128x128xf32, #tpu.memory_space<vmem>> -> memref<128x128xf32, #tpu.memory_space<vmem>>
      tpu.wait_dma2 semaphore(%run_scoped3A : memref<!tpu.dma_semaphore, #tpu.memory_space<semaphore_mem>>) src(%dma_wait3A_249 : memref<128x128xf32, #tpu.memory_space<vmem>>) dst(%dma_wait3A_246 : memref<128x128xf32, #tpu.memory_space<hbm>>)
      tpu.yield
    }) : () -> ()
    %add3A_145 = arith.constant 128 : i32
    %add3A_146 = arith.addi %mul3A_0, %add3A_145 : i32
    "tpu.region"() ({
      %run_scoped3A = tpu.sem_alloc : memref<!tpu.dma_semaphore, #tpu.memory_space<semaphore_mem>>
      %dma_start3A = arith.constant 0 : i32
      %dma_start3A_232 = arith.constant 0 : i32
      %dma_start3A_233 = tpu.memref_slice %arg12[%dma_start3A, %dma_start3A_232] : memref<128x128xf32, #tpu.memory_space<vmem>> -> memref<128x128xf32, #tpu.memory_space<vmem>>
      %dma_start3A_234 = arith.constant 0 : i32
      %dma_start3A_235 = tpu.memref_slice %arg8[%add3A_146, %dma_start3A_234] : memref<10112x128xf32, #tpu.memory_space<vmem_shared>> -> memref<128x128xf32, #tpu.memory_space<vmem_shared>>
      %dma_start3A_236 = arith.constant 0 : i32
      %dma_start3A_237 = arith.constant 0 : i32
      %dma_start3A_238 = tpu.memref_slice %arg12[%dma_start3A_236, %dma_start3A_237] : memref<128x128xf32, #tpu.memory_space<vmem>> -> memref<128x128xf32, #tpu.memory_space<vmem>>
      %dma_start3A_239 = arith.constant 0 : i32
      %dma_start3A_240 = tpu.memref_slice %arg8[%add3A_146, %dma_start3A_239] : memref<10112x128xf32, #tpu.memory_space<vmem_shared>> -> memref<128x128xf32, #tpu.memory_space<vmem_shared>>
      tpu.enqueue_dma source(%dma_start3A_240 : memref<128x128xf32, #tpu.memory_space<vmem_shared>>) target(%dma_start3A_238 : memref<128x128xf32, #tpu.memory_space<vmem>>) target_semaphore(%run_scoped3A : memref<!tpu.dma_semaphore, #tpu.memory_space<semaphore_mem>>)
      %dma_wait3A = arith.constant 0 : i32
      %dma_wait3A_241 = arith.constant 0 : i32
      %dma_wait3A_242 = tpu.memref_slice %arg12[%dma_wait3A, %dma_wait3A_241] : memref<128x128xf32, #tpu.memory_space<vmem>> -> memref<128x128xf32, #tpu.memory_space<vmem>>
      %dma_wait3A_243 = arith.constant 0 : i32
      %dma_wait3A_244 = tpu.memref_slice %arg8[%add3A_146, %dma_wait3A_243] : memref<10112x128xf32, #tpu.memory_space<vmem_shared>> -> memref<128x128xf32, #tpu.memory_space<vmem_shared>>
      %dma_wait3A_245 = arith.constant 0 : i32
      %dma_wait3A_246 = arith.constant 0 : i32
      %dma_wait3A_247 = tpu.memref_slice %arg12[%dma_wait3A_245, %dma_wait3A_246] : memref<128x128xf32, #tpu.memory_space<vmem>> -> memref<128x128xf32, #tpu.memory_space<vmem>>
      %dma_wait3A_248 = arith.constant 0 : i32
      %dma_wait3A_249 = tpu.memref_slice %arg8[%add3A_146, %dma_wait3A_248] : memref<10112x128xf32, #tpu.memory_space<vmem_shared>> -> memref<128x128xf32, #tpu.memory_space<vmem_shared>>
      tpu.wait_dma2 semaphore(%run_scoped3A : memref<!tpu.dma_semaphore, #tpu.memory_space<semaphore_mem>>) src(%dma_wait3A_249 : memref<128x128xf32, #tpu.memory_space<vmem_shared>>) dst(%dma_wait3A_247 : memref<128x128xf32, #tpu.memory_space<vmem>>)
      tpu.yield
    }) : () -> ()
    %mul3A_147 = arith.constant 10112 : i32
    %mul3A_148 = arith.muli %add3A_119, %mul3A_147 : i32
    %add3A_149 = arith.addi %mul3A_148, %mul3A_0 : i32
    %add3A_150 = arith.constant 128 : i32
    %add3A_151 = arith.addi %add3A_149, %add3A_150 : i32
    "tpu.region"() ({
      %run_scoped3A = tpu.sem_alloc : memref<!tpu.dma_semaphore, #tpu.memory_space<semaphore_mem>>
      %dma_start3A = arith.constant 0 : i32
      %dma_start3A_232 = arith.constant 0 : i32
      %dma_start3A_233 = tpu.memref_slice %arg12[%dma_start3A, %dma_start3A_232] : memref<128x128xf32, #tpu.memory_space<vmem>> -> memref<128x128xf32, #tpu.memory_space<vmem>>
      %dma_start3A_234 = arith.constant 0 : i32
      %dma_start3A_235 = tpu.memref_slice %arg7[%add3A_151, %dma_start3A_234] : memref<40448x128xf32, #tpu.memory_space<hbm>> -> memref<128x128xf32, #tpu.memory_space<hbm>>
      %dma_start3A_236 = arith.constant 0 : i32
      %dma_start3A_237 = tpu.memref_slice %arg7[%add3A_151, %dma_start3A_236] : memref<40448x128xf32, #tpu.memory_space<hbm>> -> memref<128x128xf32, #tpu.memory_space<hbm>>
      %dma_start3A_238 = arith.constant 0 : i32
      %dma_start3A_239 = arith.constant 0 : i32
      %dma_start3A_240 = tpu.memref_slice %arg12[%dma_start3A_238, %dma_start3A_239] : memref<128x128xf32, #tpu.memory_space<vmem>> -> memref<128x128xf32, #tpu.memory_space<vmem>>
      tpu.enqueue_dma source(%dma_start3A_240 : memref<128x128xf32, #tpu.memory_space<vmem>>) target(%dma_start3A_237 : memref<128x128xf32, #tpu.memory_space<hbm>>) target_semaphore(%run_scoped3A : memref<!tpu.dma_semaphore, #tpu.memory_space<semaphore_mem>>)
      %dma_wait3A = arith.constant 0 : i32
      %dma_wait3A_241 = arith.constant 0 : i32
      %dma_wait3A_242 = tpu.memref_slice %arg12[%dma_wait3A, %dma_wait3A_241] : memref<128x128xf32, #tpu.memory_space<vmem>> -> memref<128x128xf32, #tpu.memory_space<vmem>>
      %dma_wait3A_243 = arith.constant 0 : i32
      %dma_wait3A_244 = tpu.memref_slice %arg7[%add3A_151, %dma_wait3A_243] : memref<40448x128xf32, #tpu.memory_space<hbm>> -> memref<128x128xf32, #tpu.memory_space<hbm>>
      %dma_wait3A_245 = arith.constant 0 : i32
      %dma_wait3A_246 = tpu.memref_slice %arg7[%add3A_151, %dma_wait3A_245] : memref<40448x128xf32, #tpu.memory_space<hbm>> -> memref<128x128xf32, #tpu.memory_space<hbm>>
      %dma_wait3A_247 = arith.constant 0 : i32
      %dma_wait3A_248 = arith.constant 0 : i32
      %dma_wait3A_249 = tpu.memref_slice %arg12[%dma_wait3A_247, %dma_wait3A_248] : memref<128x128xf32, #tpu.memory_space<vmem>> -> memref<128x128xf32, #tpu.memory_space<vmem>>
      tpu.wait_dma2 semaphore(%run_scoped3A : memref<!tpu.dma_semaphore, #tpu.memory_space<semaphore_mem>>) src(%dma_wait3A_249 : memref<128x128xf32, #tpu.memory_space<vmem>>) dst(%dma_wait3A_246 : memref<128x128xf32, #tpu.memory_space<hbm>>)
      tpu.yield
    }) : () -> ()
    %add3A_152 = arith.constant 256 : i32
    %add3A_153 = arith.addi %mul3A_0, %add3A_152 : i32
    "tpu.region"() ({
      %run_scoped3A = tpu.sem_alloc : memref<!tpu.dma_semaphore, #tpu.memory_space<semaphore_mem>>
      %dma_start3A = arith.constant 0 : i32
      %dma_start3A_232 = arith.constant 0 : i32
      %dma_start3A_233 = tpu.memref_slice %arg12[%dma_start3A, %dma_start3A_232] : memref<128x128xf32, #tpu.memory_space<vmem>> -> memref<128x128xf32, #tpu.memory_space<vmem>>
      %dma_start3A_234 = arith.constant 0 : i32
      %dma_start3A_235 = tpu.memref_slice %arg8[%add3A_153, %dma_start3A_234] : memref<10112x128xf32, #tpu.memory_space<vmem_shared>> -> memref<128x128xf32, #tpu.memory_space<vmem_shared>>
      %dma_start3A_236 = arith.constant 0 : i32
      %dma_start3A_237 = arith.constant 0 : i32
      %dma_start3A_238 = tpu.memref_slice %arg12[%dma_start3A_236, %dma_start3A_237] : memref<128x128xf32, #tpu.memory_space<vmem>> -> memref<128x128xf32, #tpu.memory_space<vmem>>
      %dma_start3A_239 = arith.constant 0 : i32
      %dma_start3A_240 = tpu.memref_slice %arg8[%add3A_153, %dma_start3A_239] : memref<10112x128xf32, #tpu.memory_space<vmem_shared>> -> memref<128x128xf32, #tpu.memory_space<vmem_shared>>
      tpu.enqueue_dma source(%dma_start3A_240 : memref<128x128xf32, #tpu.memory_space<vmem_shared>>) target(%dma_start3A_238 : memref<128x128xf32, #tpu.memory_space<vmem>>) target_semaphore(%run_scoped3A : memref<!tpu.dma_semaphore, #tpu.memory_space<semaphore_mem>>)
      %dma_wait3A = arith.constant 0 : i32
      %dma_wait3A_241 = arith.constant 0 : i32
      %dma_wait3A_242 = tpu.memref_slice %arg12[%dma_wait3A, %dma_wait3A_241] : memref<128x128xf32, #tpu.memory_space<vmem>> -> memref<128x128xf32, #tpu.memory_space<vmem>>
      %dma_wait3A_243 = arith.constant 0 : i32
      %dma_wait3A_244 = tpu.memref_slice %arg8[%add3A_153, %dma_wait3A_243] : memref<10112x128xf32, #tpu.memory_space<vmem_shared>> -> memref<128x128xf32, #tpu.memory_space<vmem_shared>>
      %dma_wait3A_245 = arith.constant 0 : i32
      %dma_wait3A_246 = arith.constant 0 : i32
      %dma_wait3A_247 = tpu.memref_slice %arg12[%dma_wait3A_245, %dma_wait3A_246] : memref<128x128xf32, #tpu.memory_space<vmem>> -> memref<128x128xf32, #tpu.memory_space<vmem>>
      %dma_wait3A_248 = arith.constant 0 : i32
      %dma_wait3A_249 = tpu.memref_slice %arg8[%add3A_153, %dma_wait3A_248] : memref<10112x128xf32, #tpu.memory_space<vmem_shared>> -> memref<128x128xf32, #tpu.memory_space<vmem_shared>>
      tpu.wait_dma2 semaphore(%run_scoped3A : memref<!tpu.dma_semaphore, #tpu.memory_space<semaphore_mem>>) src(%dma_wait3A_249 : memref<128x128xf32, #tpu.memory_space<vmem_shared>>) dst(%dma_wait3A_247 : memref<128x128xf32, #tpu.memory_space<vmem>>)
      tpu.yield
    }) : () -> ()
    %mul3A_154 = arith.constant 10112 : i32
    %mul3A_155 = arith.muli %add3A_119, %mul3A_154 : i32
    %add3A_156 = arith.addi %mul3A_155, %mul3A_0 : i32
    %add3A_157 = arith.constant 256 : i32
    %add3A_158 = arith.addi %add3A_156, %add3A_157 : i32
    "tpu.region"() ({
      %run_scoped3A = tpu.sem_alloc : memref<!tpu.dma_semaphore, #tpu.memory_space<semaphore_mem>>
      %dma_start3A = arith.constant 0 : i32
      %dma_start3A_232 = arith.constant 0 : i32
      %dma_start3A_233 = tpu.memref_slice %arg12[%dma_start3A, %dma_start3A_232] : memref<128x128xf32, #tpu.memory_space<vmem>> -> memref<128x128xf32, #tpu.memory_space<vmem>>
      %dma_start3A_234 = arith.constant 0 : i32
      %dma_start3A_235 = tpu.memref_slice %arg7[%add3A_158, %dma_start3A_234] : memref<40448x128xf32, #tpu.memory_space<hbm>> -> memref<128x128xf32, #tpu.memory_space<hbm>>
      %dma_start3A_236 = arith.constant 0 : i32
      %dma_start3A_237 = tpu.memref_slice %arg7[%add3A_158, %dma_start3A_236] : memref<40448x128xf32, #tpu.memory_space<hbm>> -> memref<128x128xf32, #tpu.memory_space<hbm>>
      %dma_start3A_238 = arith.constant 0 : i32
      %dma_start3A_239 = arith.constant 0 : i32
      %dma_start3A_240 = tpu.memref_slice %arg12[%dma_start3A_238, %dma_start3A_239] : memref<128x128xf32, #tpu.memory_space<vmem>> -> memref<128x128xf32, #tpu.memory_space<vmem>>
      tpu.enqueue_dma source(%dma_start3A_240 : memref<128x128xf32, #tpu.memory_space<vmem>>) target(%dma_start3A_237 : memref<128x128xf32, #tpu.memory_space<hbm>>) target_semaphore(%run_scoped3A : memref<!tpu.dma_semaphore, #tpu.memory_space<semaphore_mem>>)
      %dma_wait3A = arith.constant 0 : i32
      %dma_wait3A_241 = arith.constant 0 : i32
      %dma_wait3A_242 = tpu.memref_slice %arg12[%dma_wait3A, %dma_wait3A_241] : memref<128x128xf32, #tpu.memory_space<vmem>> -> memref<128x128xf32, #tpu.memory_space<vmem>>
      %dma_wait3A_243 = arith.constant 0 : i32
      %dma_wait3A_244 = tpu.memref_slice %arg7[%add3A_158, %dma_wait3A_243] : memref<40448x128xf32, #tpu.memory_space<hbm>> -> memref<128x128xf32, #tpu.memory_space<hbm>>
      %dma_wait3A_245 = arith.constant 0 : i32
      %dma_wait3A_246 = tpu.memref_slice %arg7[%add3A_158, %dma_wait3A_245] : memref<40448x128xf32, #tpu.memory_space<hbm>> -> memref<128x128xf32, #tpu.memory_space<hbm>>
      %dma_wait3A_247 = arith.constant 0 : i32
      %dma_wait3A_248 = arith.constant 0 : i32
      %dma_wait3A_249 = tpu.memref_slice %arg12[%dma_wait3A_247, %dma_wait3A_248] : memref<128x128xf32, #tpu.memory_space<vmem>> -> memref<128x128xf32, #tpu.memory_space<vmem>>
      tpu.wait_dma2 semaphore(%run_scoped3A : memref<!tpu.dma_semaphore, #tpu.memory_space<semaphore_mem>>) src(%dma_wait3A_249 : memref<128x128xf32, #tpu.memory_space<vmem>>) dst(%dma_wait3A_246 : memref<128x128xf32, #tpu.memory_space<hbm>>)
      tpu.yield
    }) : () -> ()
    %add3A_159 = arith.constant 384 : i32
    %add3A_160 = arith.addi %mul3A_0, %add3A_159 : i32
    "tpu.region"() ({
      %run_scoped3A = tpu.sem_alloc : memref<!tpu.dma_semaphore, #tpu.memory_space<semaphore_mem>>
      %dma_start3A = arith.constant 0 : i32
      %dma_start3A_232 = arith.constant 0 : i32
      %dma_start3A_233 = tpu.memref_slice %arg12[%dma_start3A, %dma_start3A_232] : memref<128x128xf32, #tpu.memory_space<vmem>> -> memref<128x128xf32, #tpu.memory_space<vmem>>
      %dma_start3A_234 = arith.constant 0 : i32
      %dma_start3A_235 = tpu.memref_slice %arg8[%add3A_160, %dma_start3A_234] : memref<10112x128xf32, #tpu.memory_space<vmem_shared>> -> memref<128x128xf32, #tpu.memory_space<vmem_shared>>
      %dma_start3A_236 = arith.constant 0 : i32
      %dma_start3A_237 = arith.constant 0 : i32
      %dma_start3A_238 = tpu.memref_slice %arg12[%dma_start3A_236, %dma_start3A_237] : memref<128x128xf32, #tpu.memory_space<vmem>> -> memref<128x128xf32, #tpu.memory_space<vmem>>
      %dma_start3A_239 = arith.constant 0 : i32
      %dma_start3A_240 = tpu.memref_slice %arg8[%add3A_160, %dma_start3A_239] : memref<10112x128xf32, #tpu.memory_space<vmem_shared>> -> memref<128x128xf32, #tpu.memory_space<vmem_shared>>
      tpu.enqueue_dma source(%dma_start3A_240 : memref<128x128xf32, #tpu.memory_space<vmem_shared>>) target(%dma_start3A_238 : memref<128x128xf32, #tpu.memory_space<vmem>>) target_semaphore(%run_scoped3A : memref<!tpu.dma_semaphore, #tpu.memory_space<semaphore_mem>>)
      %dma_wait3A = arith.constant 0 : i32
      %dma_wait3A_241 = arith.constant 0 : i32
      %dma_wait3A_242 = tpu.memref_slice %arg12[%dma_wait3A, %dma_wait3A_241] : memref<128x128xf32, #tpu.memory_space<vmem>> -> memref<128x128xf32, #tpu.memory_space<vmem>>
      %dma_wait3A_243 = arith.constant 0 : i32
      %dma_wait3A_244 = tpu.memref_slice %arg8[%add3A_160, %dma_wait3A_243] : memref<10112x128xf32, #tpu.memory_space<vmem_shared>> -> memref<128x128xf32, #tpu.memory_space<vmem_shared>>
      %dma_wait3A_245 = arith.constant 0 : i32
      %dma_wait3A_246 = arith.constant 0 : i32
      %dma_wait3A_247 = tpu.memref_slice %arg12[%dma_wait3A_245, %dma_wait3A_246] : memref<128x128xf32, #tpu.memory_space<vmem>> -> memref<128x128xf32, #tpu.memory_space<vmem>>
      %dma_wait3A_248 = arith.constant 0 : i32
      %dma_wait3A_249 = tpu.memref_slice %arg8[%add3A_160, %dma_wait3A_248] : memref<10112x128xf32, #tpu.memory_space<vmem_shared>> -> memref<128x128xf32, #tpu.memory_space<vmem_shared>>
      tpu.wait_dma2 semaphore(%run_scoped3A : memref<!tpu.dma_semaphore, #tpu.memory_space<semaphore_mem>>) src(%dma_wait3A_249 : memref<128x128xf32, #tpu.memory_space<vmem_shared>>) dst(%dma_wait3A_247 : memref<128x128xf32, #tpu.memory_space<vmem>>)
      tpu.yield
    }) : () -> ()
    %mul3A_161 = arith.constant 10112 : i32
    %mul3A_162 = arith.muli %add3A_119, %mul3A_161 : i32
    %add3A_163 = arith.addi %mul3A_162, %mul3A_0 : i32
    %add3A_164 = arith.constant 384 : i32
    %add3A_165 = arith.addi %add3A_163, %add3A_164 : i32
    "tpu.region"() ({
      %run_scoped3A = tpu.sem_alloc : memref<!tpu.dma_semaphore, #tpu.memory_space<semaphore_mem>>
      %dma_start3A = arith.constant 0 : i32
      %dma_start3A_232 = arith.constant 0 : i32
      %dma_start3A_233 = tpu.memref_slice %arg12[%dma_start3A, %dma_start3A_232] : memref<128x128xf32, #tpu.memory_space<vmem>> -> memref<128x128xf32, #tpu.memory_space<vmem>>
      %dma_start3A_234 = arith.constant 0 : i32
      %dma_start3A_235 = tpu.memref_slice %arg7[%add3A_165, %dma_start3A_234] : memref<40448x128xf32, #tpu.memory_space<hbm>> -> memref<128x128xf32, #tpu.memory_space<hbm>>
      %dma_start3A_236 = arith.constant 0 : i32
      %dma_start3A_237 = tpu.memref_slice %arg7[%add3A_165, %dma_start3A_236] : memref<40448x128xf32, #tpu.memory_space<hbm>> -> memref<128x128xf32, #tpu.memory_space<hbm>>
      %dma_start3A_238 = arith.constant 0 : i32
      %dma_start3A_239 = arith.constant 0 : i32
      %dma_start3A_240 = tpu.memref_slice %arg12[%dma_start3A_238, %dma_start3A_239] : memref<128x128xf32, #tpu.memory_space<vmem>> -> memref<128x128xf32, #tpu.memory_space<vmem>>
      tpu.enqueue_dma source(%dma_start3A_240 : memref<128x128xf32, #tpu.memory_space<vmem>>) target(%dma_start3A_237 : memref<128x128xf32, #tpu.memory_space<hbm>>) target_semaphore(%run_scoped3A : memref<!tpu.dma_semaphore, #tpu.memory_space<semaphore_mem>>)
      %dma_wait3A = arith.constant 0 : i32
      %dma_wait3A_241 = arith.constant 0 : i32
      %dma_wait3A_242 = tpu.memref_slice %arg12[%dma_wait3A, %dma_wait3A_241] : memref<128x128xf32, #tpu.memory_space<vmem>> -> memref<128x128xf32, #tpu.memory_space<vmem>>
      %dma_wait3A_243 = arith.constant 0 : i32
      %dma_wait3A_244 = tpu.memref_slice %arg7[%add3A_165, %dma_wait3A_243] : memref<40448x128xf32, #tpu.memory_space<hbm>> -> memref<128x128xf32, #tpu.memory_space<hbm>>
      %dma_wait3A_245 = arith.constant 0 : i32
      %dma_wait3A_246 = tpu.memref_slice %arg7[%add3A_165, %dma_wait3A_245] : memref<40448x128xf32, #tpu.memory_space<hbm>> -> memref<128x128xf32, #tpu.memory_space<hbm>>
      %dma_wait3A_247 = arith.constant 0 : i32
      %dma_wait3A_248 = arith.constant 0 : i32
      %dma_wait3A_249 = tpu.memref_slice %arg12[%dma_wait3A_247, %dma_wait3A_248] : memref<128x128xf32, #tpu.memory_space<vmem>> -> memref<128x128xf32, #tpu.memory_space<vmem>>
      tpu.wait_dma2 semaphore(%run_scoped3A : memref<!tpu.dma_semaphore, #tpu.memory_space<semaphore_mem>>) src(%dma_wait3A_249 : memref<128x128xf32, #tpu.memory_space<vmem>>) dst(%dma_wait3A_246 : memref<128x128xf32, #tpu.memory_space<hbm>>)
      tpu.yield
    }) : () -> ()
    %add3A_166 = arith.constant 512 : i32
    %add3A_167 = arith.addi %mul3A_0, %add3A_166 : i32
    "tpu.region"() ({
      %run_scoped3A = tpu.sem_alloc : memref<!tpu.dma_semaphore, #tpu.memory_space<semaphore_mem>>
      %dma_start3A = arith.constant 0 : i32
      %dma_start3A_232 = arith.constant 0 : i32
      %dma_start3A_233 = tpu.memref_slice %arg12[%dma_start3A, %dma_start3A_232] : memref<128x128xf32, #tpu.memory_space<vmem>> -> memref<120x128xf32, #tpu.memory_space<vmem>>
      %dma_start3A_234 = arith.constant 0 : i32
      %dma_start3A_235 = tpu.memref_slice %arg8[%add3A_167, %dma_start3A_234] : memref<10112x128xf32, #tpu.memory_space<vmem_shared>> -> memref<120x128xf32, #tpu.memory_space<vmem_shared>>
      %dma_start3A_236 = arith.constant 0 : i32
      %dma_start3A_237 = arith.constant 0 : i32
      %dma_start3A_238 = tpu.memref_slice %arg12[%dma_start3A_236, %dma_start3A_237] : memref<128x128xf32, #tpu.memory_space<vmem>> -> memref<120x128xf32, #tpu.memory_space<vmem>>
      %dma_start3A_239 = arith.constant 0 : i32
      %dma_start3A_240 = tpu.memref_slice %arg8[%add3A_167, %dma_start3A_239] : memref<10112x128xf32, #tpu.memory_space<vmem_shared>> -> memref<120x128xf32, #tpu.memory_space<vmem_shared>>
      tpu.enqueue_dma source(%dma_start3A_240 : memref<120x128xf32, #tpu.memory_space<vmem_shared>>) target(%dma_start3A_238 : memref<120x128xf32, #tpu.memory_space<vmem>>) target_semaphore(%run_scoped3A : memref<!tpu.dma_semaphore, #tpu.memory_space<semaphore_mem>>)
      %dma_wait3A = arith.constant 0 : i32
      %dma_wait3A_241 = arith.constant 0 : i32
      %dma_wait3A_242 = tpu.memref_slice %arg12[%dma_wait3A, %dma_wait3A_241] : memref<128x128xf32, #tpu.memory_space<vmem>> -> memref<120x128xf32, #tpu.memory_space<vmem>>
      %dma_wait3A_243 = arith.constant 0 : i32
      %dma_wait3A_244 = tpu.memref_slice %arg8[%add3A_167, %dma_wait3A_243] : memref<10112x128xf32, #tpu.memory_space<vmem_shared>> -> memref<120x128xf32, #tpu.memory_space<vmem_shared>>
      %dma_wait3A_245 = arith.constant 0 : i32
      %dma_wait3A_246 = arith.constant 0 : i32
      %dma_wait3A_247 = tpu.memref_slice %arg12[%dma_wait3A_245, %dma_wait3A_246] : memref<128x128xf32, #tpu.memory_space<vmem>> -> memref<120x128xf32, #tpu.memory_space<vmem>>
      %dma_wait3A_248 = arith.constant 0 : i32
      %dma_wait3A_249 = tpu.memref_slice %arg8[%add3A_167, %dma_wait3A_248] : memref<10112x128xf32, #tpu.memory_space<vmem_shared>> -> memref<120x128xf32, #tpu.memory_space<vmem_shared>>
      tpu.wait_dma2 semaphore(%run_scoped3A : memref<!tpu.dma_semaphore, #tpu.memory_space<semaphore_mem>>) src(%dma_wait3A_249 : memref<120x128xf32, #tpu.memory_space<vmem_shared>>) dst(%dma_wait3A_247 : memref<120x128xf32, #tpu.memory_space<vmem>>)
      tpu.yield
    }) : () -> ()
    %mul3A_168 = arith.constant 10112 : i32
    %mul3A_169 = arith.muli %add3A_119, %mul3A_168 : i32
    %add3A_170 = arith.addi %mul3A_169, %mul3A_0 : i32
    %add3A_171 = arith.constant 512 : i32
    %add3A_172 = arith.addi %add3A_170, %add3A_171 : i32
    "tpu.region"() ({
      %run_scoped3A = tpu.sem_alloc : memref<!tpu.dma_semaphore, #tpu.memory_space<semaphore_mem>>
      %dma_start3A = arith.constant 0 : i32
      %dma_start3A_232 = arith.constant 0 : i32
      %dma_start3A_233 = tpu.memref_slice %arg12[%dma_start3A, %dma_start3A_232] : memref<128x128xf32, #tpu.memory_space<vmem>> -> memref<120x128xf32, #tpu.memory_space<vmem>>
      %dma_start3A_234 = arith.constant 0 : i32
      %dma_start3A_235 = tpu.memref_slice %arg7[%add3A_172, %dma_start3A_234] : memref<40448x128xf32, #tpu.memory_space<hbm>> -> memref<120x128xf32, #tpu.memory_space<hbm>>
      %dma_start3A_236 = arith.constant 0 : i32
      %dma_start3A_237 = tpu.memref_slice %arg7[%add3A_172, %dma_start3A_236] : memref<40448x128xf32, #tpu.memory_space<hbm>> -> memref<120x128xf32, #tpu.memory_space<hbm>>
      %dma_start3A_238 = arith.constant 0 : i32
      %dma_start3A_239 = arith.constant 0 : i32
      %dma_start3A_240 = tpu.memref_slice %arg12[%dma_start3A_238, %dma_start3A_239] : memref<128x128xf32, #tpu.memory_space<vmem>> -> memref<120x128xf32, #tpu.memory_space<vmem>>
      tpu.enqueue_dma source(%dma_start3A_240 : memref<120x128xf32, #tpu.memory_space<vmem>>) target(%dma_start3A_237 : memref<120x128xf32, #tpu.memory_space<hbm>>) target_semaphore(%run_scoped3A : memref<!tpu.dma_semaphore, #tpu.memory_space<semaphore_mem>>)
      %dma_wait3A = arith.constant 0 : i32
      %dma_wait3A_241 = arith.constant 0 : i32
      %dma_wait3A_242 = tpu.memref_slice %arg12[%dma_wait3A, %dma_wait3A_241] : memref<128x128xf32, #tpu.memory_space<vmem>> -> memref<120x128xf32, #tpu.memory_space<vmem>>
      %dma_wait3A_243 = arith.constant 0 : i32
      %dma_wait3A_244 = tpu.memref_slice %arg7[%add3A_172, %dma_wait3A_243] : memref<40448x128xf32, #tpu.memory_space<hbm>> -> memref<120x128xf32, #tpu.memory_space<hbm>>
      %dma_wait3A_245 = arith.constant 0 : i32
      %dma_wait3A_246 = tpu.memref_slice %arg7[%add3A_172, %dma_wait3A_245] : memref<40448x128xf32, #tpu.memory_space<hbm>> -> memref<120x128xf32, #tpu.memory_space<hbm>>
      %dma_wait3A_247 = arith.constant 0 : i32
      %dma_wait3A_248 = arith.constant 0 : i32
      %dma_wait3A_249 = tpu.memref_slice %arg12[%dma_wait3A_247, %dma_wait3A_248] : memref<128x128xf32, #tpu.memory_space<vmem>> -> memref<120x128xf32, #tpu.memory_space<vmem>>
      tpu.wait_dma2 semaphore(%run_scoped3A : memref<!tpu.dma_semaphore, #tpu.memory_space<semaphore_mem>>) src(%dma_wait3A_249 : memref<120x128xf32, #tpu.memory_space<vmem>>) dst(%dma_wait3A_246 : memref<120x128xf32, #tpu.memory_space<hbm>>)
      tpu.yield
    }) : () -> ()
    %barrier3A_173 = arith.constant 0 : index
    tpu.barrier barrier_id(%barrier3A_173)
    %mul3A_174 = arith.constant 2 : i32
    %mul3A_175 = arith.muli %mul3A_174, %arg0 : i32
    %add3A_176 = arith.constant 1 : i32
    %add3A_177 = arith.addi %mul3A_175, %add3A_176 : i32
    "tpu.region"() ({
      %run_scoped3A = tpu.sem_alloc : memref<!tpu.dma_semaphore, #tpu.memory_space<semaphore_mem>>
      %dma_start3A = arith.constant 0 : i32
      %dma_start3A_232 = arith.constant 0 : i32
      %dma_start3A_233 = tpu.memref_slice %arg4[%dma_start3A, %dma_start3A_232] : memref<640x128xf32, #tpu.memory_space<hbm>> -> memref<128x128xf32, #tpu.memory_space<hbm>>
      %dma_start3A_234 = arith.constant 0 : i32
      %dma_start3A_235 = arith.constant 0 : i32
      %dma_start3A_236 = tpu.memref_slice %arg4[%dma_start3A_234, %dma_start3A_235] : memref<640x128xf32, #tpu.memory_space<hbm>> -> memref<128x128xf32, #tpu.memory_space<hbm>>
      tpu.enqueue_dma source(%dma_start3A_236 : memref<128x128xf32, #tpu.memory_space<hbm>>) target(%arg12 : memref<128x128xf32, #tpu.memory_space<vmem>>) target_semaphore(%run_scoped3A : memref<!tpu.dma_semaphore, #tpu.memory_space<semaphore_mem>>)
      %dma_wait3A = arith.constant 0 : i32
      %dma_wait3A_237 = arith.constant 0 : i32
      %dma_wait3A_238 = tpu.memref_slice %arg4[%dma_wait3A, %dma_wait3A_237] : memref<640x128xf32, #tpu.memory_space<hbm>> -> memref<128x128xf32, #tpu.memory_space<hbm>>
      %dma_wait3A_239 = arith.constant 0 : i32
      %dma_wait3A_240 = arith.constant 0 : i32
      %dma_wait3A_241 = tpu.memref_slice %arg4[%dma_wait3A_239, %dma_wait3A_240] : memref<640x128xf32, #tpu.memory_space<hbm>> -> memref<128x128xf32, #tpu.memory_space<hbm>>
      tpu.wait_dma2 semaphore(%run_scoped3A : memref<!tpu.dma_semaphore, #tpu.memory_space<semaphore_mem>>) src(%dma_wait3A_241 : memref<128x128xf32, #tpu.memory_space<hbm>>) dst(%arg12 : memref<128x128xf32, #tpu.memory_space<vmem>>)
      tpu.yield
    }) : () -> ()
    %add3A_178 = arith.constant 0 : i32
    %add3A_179 = arith.addi %mul3A_0, %add3A_178 : i32
    "tpu.region"() ({
      %run_scoped3A = tpu.sem_alloc : memref<!tpu.dma_semaphore, #tpu.memory_space<semaphore_mem>>
      %dma_start3A = arith.constant 0 : i32
      %dma_start3A_232 = arith.constant 0 : i32
      %dma_start3A_233 = tpu.memref_slice %arg12[%dma_start3A, %dma_start3A_232] : memref<128x128xf32, #tpu.memory_space<vmem>> -> memref<128x128xf32, #tpu.memory_space<vmem>>
      %dma_start3A_234 = arith.constant 0 : i32
      %dma_start3A_235 = tpu.memref_slice %arg8[%add3A_179, %dma_start3A_234] : memref<10112x128xf32, #tpu.memory_space<vmem_shared>> -> memref<128x128xf32, #tpu.memory_space<vmem_shared>>
      %dma_start3A_236 = arith.constant 0 : i32
      %dma_start3A_237 = tpu.memref_slice %arg8[%add3A_179, %dma_start3A_236] : memref<10112x128xf32, #tpu.memory_space<vmem_shared>> -> memref<128x128xf32, #tpu.memory_space<vmem_shared>>
      %dma_start3A_238 = arith.constant 0 : i32
      %dma_start3A_239 = arith.constant 0 : i32
      %dma_start3A_240 = tpu.memref_slice %arg12[%dma_start3A_238, %dma_start3A_239] : memref<128x128xf32, #tpu.memory_space<vmem>> -> memref<128x128xf32, #tpu.memory_space<vmem>>
      tpu.enqueue_dma source(%dma_start3A_240 : memref<128x128xf32, #tpu.memory_space<vmem>>) target(%dma_start3A_237 : memref<128x128xf32, #tpu.memory_space<vmem_shared>>) target_semaphore(%run_scoped3A : memref<!tpu.dma_semaphore, #tpu.memory_space<semaphore_mem>>)
      %dma_wait3A = arith.constant 0 : i32
      %dma_wait3A_241 = arith.constant 0 : i32
      %dma_wait3A_242 = tpu.memref_slice %arg12[%dma_wait3A, %dma_wait3A_241] : memref<128x128xf32, #tpu.memory_space<vmem>> -> memref<128x128xf32, #tpu.memory_space<vmem>>
      %dma_wait3A_243 = arith.constant 0 : i32
      %dma_wait3A_244 = tpu.memref_slice %arg8[%add3A_179, %dma_wait3A_243] : memref<10112x128xf32, #tpu.memory_space<vmem_shared>> -> memref<128x128xf32, #tpu.memory_space<vmem_shared>>
      %dma_wait3A_245 = arith.constant 0 : i32
      %dma_wait3A_246 = tpu.memref_slice %arg8[%add3A_179, %dma_wait3A_245] : memref<10112x128xf32, #tpu.memory_space<vmem_shared>> -> memref<128x128xf32, #tpu.memory_space<vmem_shared>>
      %dma_wait3A_247 = arith.constant 0 : i32
      %dma_wait3A_248 = arith.constant 0 : i32
      %dma_wait3A_249 = tpu.memref_slice %arg12[%dma_wait3A_247, %dma_wait3A_248] : memref<128x128xf32, #tpu.memory_space<vmem>> -> memref<128x128xf32, #tpu.memory_space<vmem>>
      tpu.wait_dma2 semaphore(%run_scoped3A : memref<!tpu.dma_semaphore, #tpu.memory_space<semaphore_mem>>) src(%dma_wait3A_249 : memref<128x128xf32, #tpu.memory_space<vmem>>) dst(%dma_wait3A_246 : memref<128x128xf32, #tpu.memory_space<vmem_shared>>)
      tpu.yield
    }) : () -> ()
    %add3A_180 = arith.constant 128 : i32
    %add3A_181 = arith.addi %mul3A_0, %add3A_180 : i32
    "tpu.region"() ({
      %run_scoped3A = tpu.sem_alloc : memref<!tpu.dma_semaphore, #tpu.memory_space<semaphore_mem>>
      %dma_start3A = arith.constant 0 : i32
      %dma_start3A_232 = arith.constant 0 : i32
      %dma_start3A_233 = tpu.memref_slice %arg12[%dma_start3A, %dma_start3A_232] : memref<128x128xf32, #tpu.memory_space<vmem>> -> memref<128x128xf32, #tpu.memory_space<vmem>>
      %dma_start3A_234 = arith.constant 0 : i32
      %dma_start3A_235 = tpu.memref_slice %arg8[%add3A_181, %dma_start3A_234] : memref<10112x128xf32, #tpu.memory_space<vmem_shared>> -> memref<128x128xf32, #tpu.memory_space<vmem_shared>>
      %dma_start3A_236 = arith.constant 0 : i32
      %dma_start3A_237 = tpu.memref_slice %arg8[%add3A_181, %dma_start3A_236] : memref<10112x128xf32, #tpu.memory_space<vmem_shared>> -> memref<128x128xf32, #tpu.memory_space<vmem_shared>>
      %dma_start3A_238 = arith.constant 0 : i32
      %dma_start3A_239 = arith.constant 0 : i32
      %dma_start3A_240 = tpu.memref_slice %arg12[%dma_start3A_238, %dma_start3A_239] : memref<128x128xf32, #tpu.memory_space<vmem>> -> memref<128x128xf32, #tpu.memory_space<vmem>>
      tpu.enqueue_dma source(%dma_start3A_240 : memref<128x128xf32, #tpu.memory_space<vmem>>) target(%dma_start3A_237 : memref<128x128xf32, #tpu.memory_space<vmem_shared>>) target_semaphore(%run_scoped3A : memref<!tpu.dma_semaphore, #tpu.memory_space<semaphore_mem>>)
      %dma_wait3A = arith.constant 0 : i32
      %dma_wait3A_241 = arith.constant 0 : i32
      %dma_wait3A_242 = tpu.memref_slice %arg12[%dma_wait3A, %dma_wait3A_241] : memref<128x128xf32, #tpu.memory_space<vmem>> -> memref<128x128xf32, #tpu.memory_space<vmem>>
      %dma_wait3A_243 = arith.constant 0 : i32
      %dma_wait3A_244 = tpu.memref_slice %arg8[%add3A_181, %dma_wait3A_243] : memref<10112x128xf32, #tpu.memory_space<vmem_shared>> -> memref<128x128xf32, #tpu.memory_space<vmem_shared>>
      %dma_wait3A_245 = arith.constant 0 : i32
      %dma_wait3A_246 = tpu.memref_slice %arg8[%add3A_181, %dma_wait3A_245] : memref<10112x128xf32, #tpu.memory_space<vmem_shared>> -> memref<128x128xf32, #tpu.memory_space<vmem_shared>>
      %dma_wait3A_247 = arith.constant 0 : i32
      %dma_wait3A_248 = arith.constant 0 : i32
      %dma_wait3A_249 = tpu.memref_slice %arg12[%dma_wait3A_247, %dma_wait3A_248] : memref<128x128xf32, #tpu.memory_space<vmem>> -> memref<128x128xf32, #tpu.memory_space<vmem>>
      tpu.wait_dma2 semaphore(%run_scoped3A : memref<!tpu.dma_semaphore, #tpu.memory_space<semaphore_mem>>) src(%dma_wait3A_249 : memref<128x128xf32, #tpu.memory_space<vmem>>) dst(%dma_wait3A_246 : memref<128x128xf32, #tpu.memory_space<vmem_shared>>)
      tpu.yield
    }) : () -> ()
    %add3A_182 = arith.constant 256 : i32
    %add3A_183 = arith.addi %mul3A_0, %add3A_182 : i32
    "tpu.region"() ({
      %run_scoped3A = tpu.sem_alloc : memref<!tpu.dma_semaphore, #tpu.memory_space<semaphore_mem>>
      %dma_start3A = arith.constant 0 : i32
      %dma_start3A_232 = arith.constant 0 : i32
      %dma_start3A_233 = tpu.memref_slice %arg12[%dma_start3A, %dma_start3A_232] : memref<128x128xf32, #tpu.memory_space<vmem>> -> memref<128x128xf32, #tpu.memory_space<vmem>>
      %dma_start3A_234 = arith.constant 0 : i32
      %dma_start3A_235 = tpu.memref_slice %arg8[%add3A_183, %dma_start3A_234] : memref<10112x128xf32, #tpu.memory_space<vmem_shared>> -> memref<128x128xf32, #tpu.memory_space<vmem_shared>>
      %dma_start3A_236 = arith.constant 0 : i32
      %dma_start3A_237 = tpu.memref_slice %arg8[%add3A_183, %dma_start3A_236] : memref<10112x128xf32, #tpu.memory_space<vmem_shared>> -> memref<128x128xf32, #tpu.memory_space<vmem_shared>>
      %dma_start3A_238 = arith.constant 0 : i32
      %dma_start3A_239 = arith.constant 0 : i32
      %dma_start3A_240 = tpu.memref_slice %arg12[%dma_start3A_238, %dma_start3A_239] : memref<128x128xf32, #tpu.memory_space<vmem>> -> memref<128x128xf32, #tpu.memory_space<vmem>>
      tpu.enqueue_dma source(%dma_start3A_240 : memref<128x128xf32, #tpu.memory_space<vmem>>) target(%dma_start3A_237 : memref<128x128xf32, #tpu.memory_space<vmem_shared>>) target_semaphore(%run_scoped3A : memref<!tpu.dma_semaphore, #tpu.memory_space<semaphore_mem>>)
      %dma_wait3A = arith.constant 0 : i32
      %dma_wait3A_241 = arith.constant 0 : i32
      %dma_wait3A_242 = tpu.memref_slice %arg12[%dma_wait3A, %dma_wait3A_241] : memref<128x128xf32, #tpu.memory_space<vmem>> -> memref<128x128xf32, #tpu.memory_space<vmem>>
      %dma_wait3A_243 = arith.constant 0 : i32
      %dma_wait3A_244 = tpu.memref_slice %arg8[%add3A_183, %dma_wait3A_243] : memref<10112x128xf32, #tpu.memory_space<vmem_shared>> -> memref<128x128xf32, #tpu.memory_space<vmem_shared>>
      %dma_wait3A_245 = arith.constant 0 : i32
      %dma_wait3A_246 = tpu.memref_slice %arg8[%add3A_183, %dma_wait3A_245] : memref<10112x128xf32, #tpu.memory_space<vmem_shared>> -> memref<128x128xf32, #tpu.memory_space<vmem_shared>>
      %dma_wait3A_247 = arith.constant 0 : i32
      %dma_wait3A_248 = arith.constant 0 : i32
      %dma_wait3A_249 = tpu.memref_slice %arg12[%dma_wait3A_247, %dma_wait3A_248] : memref<128x128xf32, #tpu.memory_space<vmem>> -> memref<128x128xf32, #tpu.memory_space<vmem>>
      tpu.wait_dma2 semaphore(%run_scoped3A : memref<!tpu.dma_semaphore, #tpu.memory_space<semaphore_mem>>) src(%dma_wait3A_249 : memref<128x128xf32, #tpu.memory_space<vmem>>) dst(%dma_wait3A_246 : memref<128x128xf32, #tpu.memory_space<vmem_shared>>)
      tpu.yield
    }) : () -> ()
    %add3A_184 = arith.constant 384 : i32
    %add3A_185 = arith.addi %mul3A_0, %add3A_184 : i32
    "tpu.region"() ({
      %run_scoped3A = tpu.sem_alloc : memref<!tpu.dma_semaphore, #tpu.memory_space<semaphore_mem>>
      %dma_start3A = arith.constant 0 : i32
      %dma_start3A_232 = arith.constant 0 : i32
      %dma_start3A_233 = tpu.memref_slice %arg12[%dma_start3A, %dma_start3A_232] : memref<128x128xf32, #tpu.memory_space<vmem>> -> memref<128x128xf32, #tpu.memory_space<vmem>>
      %dma_start3A_234 = arith.constant 0 : i32
      %dma_start3A_235 = tpu.memref_slice %arg8[%add3A_185, %dma_start3A_234] : memref<10112x128xf32, #tpu.memory_space<vmem_shared>> -> memref<128x128xf32, #tpu.memory_space<vmem_shared>>
      %dma_start3A_236 = arith.constant 0 : i32
      %dma_start3A_237 = tpu.memref_slice %arg8[%add3A_185, %dma_start3A_236] : memref<10112x128xf32, #tpu.memory_space<vmem_shared>> -> memref<128x128xf32, #tpu.memory_space<vmem_shared>>
      %dma_start3A_238 = arith.constant 0 : i32
      %dma_start3A_239 = arith.constant 0 : i32
      %dma_start3A_240 = tpu.memref_slice %arg12[%dma_start3A_238, %dma_start3A_239] : memref<128x128xf32, #tpu.memory_space<vmem>> -> memref<128x128xf32, #tpu.memory_space<vmem>>
      tpu.enqueue_dma source(%dma_start3A_240 : memref<128x128xf32, #tpu.memory_space<vmem>>) target(%dma_start3A_237 : memref<128x128xf32, #tpu.memory_space<vmem_shared>>) target_semaphore(%run_scoped3A : memref<!tpu.dma_semaphore, #tpu.memory_space<semaphore_mem>>)
      %dma_wait3A = arith.constant 0 : i32
      %dma_wait3A_241 = arith.constant 0 : i32
      %dma_wait3A_242 = tpu.memref_slice %arg12[%dma_wait3A, %dma_wait3A_241] : memref<128x128xf32, #tpu.memory_space<vmem>> -> memref<128x128xf32, #tpu.memory_space<vmem>>
      %dma_wait3A_243 = arith.constant 0 : i32
      %dma_wait3A_244 = tpu.memref_slice %arg8[%add3A_185, %dma_wait3A_243] : memref<10112x128xf32, #tpu.memory_space<vmem_shared>> -> memref<128x128xf32, #tpu.memory_space<vmem_shared>>
      %dma_wait3A_245 = arith.constant 0 : i32
      %dma_wait3A_246 = tpu.memref_slice %arg8[%add3A_185, %dma_wait3A_245] : memref<10112x128xf32, #tpu.memory_space<vmem_shared>> -> memref<128x128xf32, #tpu.memory_space<vmem_shared>>
      %dma_wait3A_247 = arith.constant 0 : i32
      %dma_wait3A_248 = arith.constant 0 : i32
      %dma_wait3A_249 = tpu.memref_slice %arg12[%dma_wait3A_247, %dma_wait3A_248] : memref<128x128xf32, #tpu.memory_space<vmem>> -> memref<128x128xf32, #tpu.memory_space<vmem>>
      tpu.wait_dma2 semaphore(%run_scoped3A : memref<!tpu.dma_semaphore, #tpu.memory_space<semaphore_mem>>) src(%dma_wait3A_249 : memref<128x128xf32, #tpu.memory_space<vmem>>) dst(%dma_wait3A_246 : memref<128x128xf32, #tpu.memory_space<vmem_shared>>)
      tpu.yield
    }) : () -> ()
    %add3A_186 = arith.constant 512 : i32
    %add3A_187 = arith.addi %mul3A_0, %add3A_186 : i32
    "tpu.region"() ({
      %run_scoped3A = tpu.sem_alloc : memref<!tpu.dma_semaphore, #tpu.memory_space<semaphore_mem>>
      %dma_start3A = arith.constant 0 : i32
      %dma_start3A_232 = arith.constant 0 : i32
      %dma_start3A_233 = tpu.memref_slice %arg12[%dma_start3A, %dma_start3A_232] : memref<128x128xf32, #tpu.memory_space<vmem>> -> memref<120x128xf32, #tpu.memory_space<vmem>>
      %dma_start3A_234 = arith.constant 0 : i32
      %dma_start3A_235 = tpu.memref_slice %arg8[%add3A_187, %dma_start3A_234] : memref<10112x128xf32, #tpu.memory_space<vmem_shared>> -> memref<120x128xf32, #tpu.memory_space<vmem_shared>>
      %dma_start3A_236 = arith.constant 0 : i32
      %dma_start3A_237 = tpu.memref_slice %arg8[%add3A_187, %dma_start3A_236] : memref<10112x128xf32, #tpu.memory_space<vmem_shared>> -> memref<120x128xf32, #tpu.memory_space<vmem_shared>>
      %dma_start3A_238 = arith.constant 0 : i32
      %dma_start3A_239 = arith.constant 0 : i32
      %dma_start3A_240 = tpu.memref_slice %arg12[%dma_start3A_238, %dma_start3A_239] : memref<128x128xf32, #tpu.memory_space<vmem>> -> memref<120x128xf32, #tpu.memory_space<vmem>>
      tpu.enqueue_dma source(%dma_start3A_240 : memref<120x128xf32, #tpu.memory_space<vmem>>) target(%dma_start3A_237 : memref<120x128xf32, #tpu.memory_space<vmem_shared>>) target_semaphore(%run_scoped3A : memref<!tpu.dma_semaphore, #tpu.memory_space<semaphore_mem>>)
      %dma_wait3A = arith.constant 0 : i32
      %dma_wait3A_241 = arith.constant 0 : i32
      %dma_wait3A_242 = tpu.memref_slice %arg12[%dma_wait3A, %dma_wait3A_241] : memref<128x128xf32, #tpu.memory_space<vmem>> -> memref<120x128xf32, #tpu.memory_space<vmem>>
      %dma_wait3A_243 = arith.constant 0 : i32
      %dma_wait3A_244 = tpu.memref_slice %arg8[%add3A_187, %dma_wait3A_243] : memref<10112x128xf32, #tpu.memory_space<vmem_shared>> -> memref<120x128xf32, #tpu.memory_space<vmem_shared>>
      %dma_wait3A_245 = arith.constant 0 : i32
      %dma_wait3A_246 = tpu.memref_slice %arg8[%add3A_187, %dma_wait3A_245] : memref<10112x128xf32, #tpu.memory_space<vmem_shared>> -> memref<120x128xf32, #tpu.memory_space<vmem_shared>>
      %dma_wait3A_247 = arith.constant 0 : i32
      %dma_wait3A_248 = arith.constant 0 : i32
      %dma_wait3A_249 = tpu.memref_slice %arg12[%dma_wait3A_247, %dma_wait3A_248] : memref<128x128xf32, #tpu.memory_space<vmem>> -> memref<120x128xf32, #tpu.memory_space<vmem>>
      tpu.wait_dma2 semaphore(%run_scoped3A : memref<!tpu.dma_semaphore, #tpu.memory_space<semaphore_mem>>) src(%dma_wait3A_249 : memref<120x128xf32, #tpu.memory_space<vmem>>) dst(%dma_wait3A_246 : memref<120x128xf32, #tpu.memory_space<vmem_shared>>)
      tpu.yield
    }) : () -> ()
    "tpu.region"() ({
      %run_scoped3A = tpu.sem_alloc : memref<!tpu.dma_semaphore, #tpu.memory_space<semaphore_mem>>
      tpu.enqueue_dma source(%arg5 : memref<128x128xf32, #tpu.memory_space<hbm>>) target(%arg12 : memref<128x128xf32, #tpu.memory_space<vmem>>) target_semaphore(%run_scoped3A : memref<!tpu.dma_semaphore, #tpu.memory_space<semaphore_mem>>)
      tpu.wait_dma2 semaphore(%run_scoped3A : memref<!tpu.dma_semaphore, #tpu.memory_space<semaphore_mem>>) src(%arg5 : memref<128x128xf32, #tpu.memory_space<hbm>>) dst(%arg12 : memref<128x128xf32, #tpu.memory_space<vmem>>)
      tpu.yield
    }) : () -> ()
    %barrier3A_188 = arith.constant 0 : index
    tpu.barrier barrier_id(%barrier3A_188)
    %scan3A_189 = arith.constant 0 : i32
    %scan3A_190 = arith.constant 0 : i32
    %scan3A_191 = arith.constant 157 : i32
    %scan3A_192 = arith.addi %scan3A_190, %scan3A_191 : i32
    %scan3A_193 = arith.constant 1 : i32
    scf.for %scan3A_232 = %scan3A_190 to %scan3A_192 step %scan3A_193  : i32 {
      %mul3A_233 = arith.constant 157 : i32
      %mul3A_234 = arith.muli %arg1, %mul3A_233 : i32
      %add3A_235 = arith.addi %mul3A_234, %scan3A_232 : i32
      %mul3A_236 = arith.constant 3 : i32
      %mul3A_237 = arith.muli %add3A_235, %mul3A_236 : i32
      %mul3A_238 = arith.constant 128 : i32
      %mul3A_239 = arith.muli %mul3A_237, %mul3A_238 : i32
      "tpu.region"() ({
        %run_scoped3A = tpu.sem_alloc : memref<!tpu.dma_semaphore, #tpu.memory_space<semaphore_mem>>
        %dma_start3A = tpu.memref_slice %arg3[%mul3A_239] : memref<964608xi32, #tpu.memory_space<hbm>> -> memref<384xi32, #tpu.memory_space<hbm>>
        %dma_start3A_347 = tpu.memref_slice %arg3[%mul3A_239] : memref<964608xi32, #tpu.memory_space<hbm>> -> memref<384xi32, #tpu.memory_space<hbm>>
        tpu.enqueue_dma source(%dma_start3A_347 : memref<384xi32, #tpu.memory_space<hbm>>) target(%arg10 : memref<384xi32, #tpu.memory_space<vmem>>) target_semaphore(%run_scoped3A : memref<!tpu.dma_semaphore, #tpu.memory_space<semaphore_mem>>)
        %dma_wait3A = tpu.memref_slice %arg3[%mul3A_239] : memref<964608xi32, #tpu.memory_space<hbm>> -> memref<384xi32, #tpu.memory_space<hbm>>
        %dma_wait3A_348 = tpu.memref_slice %arg3[%mul3A_239] : memref<964608xi32, #tpu.memory_space<hbm>> -> memref<384xi32, #tpu.memory_space<hbm>>
        tpu.wait_dma2 semaphore(%run_scoped3A : memref<!tpu.dma_semaphore, #tpu.memory_space<semaphore_mem>>) src(%dma_wait3A_348 : memref<384xi32, #tpu.memory_space<hbm>>) dst(%arg10 : memref<384xi32, #tpu.memory_space<vmem>>)
        tpu.yield
      }) : () -> ()
      %get3A = arith.constant 256 : index
      %get3A_240 = tpu.vector_load %arg10[%get3A] {strides = array<i32>} : memref<384xi32, #tpu.memory_space<vmem>>, vector<16xi32>,
      %get3A_241 = vector.shape_cast %get3A_240 : vector<16xi32> to vector<16xi32>
      %eq3A = vector.broadcast %add3A_177 : i32 to vector<16xi32>
      %eq3A_242 = arith.cmpi eq, %get3A_241, %eq3A : vector<16xi32>
      %get3A_243 = arith.constant 128 : index
      %get3A_244 = tpu.vector_load %arg10[%get3A_243] {strides = array<i32>} : memref<384xi32, #tpu.memory_space<vmem>>, vector<16xi32>,
      %get3A_245 = vector.shape_cast %get3A_244 : vector<16xi32> to vector<16xi32>
      %broadcast_in_dim3A = vector.broadcast %add3A_1 : i32 to vector<16xi32>
      %select_n3A = arith.select %eq3A_242, %get3A_245, %broadcast_in_dim3A : vector<16xi1>, vector<16xi32>
      %swap3A = arith.constant 0 : index
      %swap3A_246 = tpu.vector_load %arg11[%swap3A] {strides = array<i32>} : memref<128xi32, #tpu.memory_space<vmem>>, vector<16xi32>,
      %swap3A_247 = vector.shape_cast %swap3A_246 : vector<16xi32> to vector<16xi32>
      %swap3A_248 = vector.shape_cast %select_n3A : vector<16xi32> to vector<16xi32>
      tpu.vector_store %arg11[%swap3A], %swap3A_248 {strides = array<i32>} : memref<128xi32, #tpu.memory_space<vmem>>, vector<16xi32>,
      %get3A_249 = arith.constant 272 : index
      %get3A_250 = tpu.vector_load %arg10[%get3A_249] {strides = array<i32>} : memref<384xi32, #tpu.memory_space<vmem>>, vector<16xi32>,
      %get3A_251 = vector.shape_cast %get3A_250 : vector<16xi32> to vector<16xi32>
      %eq3A_252 = vector.broadcast %add3A_177 : i32 to vector<16xi32>
      %eq3A_253 = arith.cmpi eq, %get3A_251, %eq3A_252 : vector<16xi32>
      %get3A_254 = arith.constant 144 : index
      %get3A_255 = tpu.vector_load %arg10[%get3A_254] {strides = array<i32>} : memref<384xi32, #tpu.memory_space<vmem>>, vector<16xi32>,
      %get3A_256 = vector.shape_cast %get3A_255 : vector<16xi32> to vector<16xi32>
      %broadcast_in_dim3A_257 = vector.broadcast %add3A_1 : i32 to vector<16xi32>
      %select_n3A_258 = arith.select %eq3A_253, %get3A_256, %broadcast_in_dim3A_257 : vector<16xi1>, vector<16xi32>
      %swap3A_259 = arith.constant 16 : index
      %swap3A_260 = tpu.vector_load %arg11[%swap3A_259] {strides = array<i32>} : memref<128xi32, #tpu.memory_space<vmem>>, vector<16xi32>,
      %swap3A_261 = vector.shape_cast %swap3A_260 : vector<16xi32> to vector<16xi32>
      %swap3A_262 = vector.shape_cast %select_n3A_258 : vector<16xi32> to vector<16xi32>
      tpu.vector_store %arg11[%swap3A_259], %swap3A_262 {strides = array<i32>} : memref<128xi32, #tpu.memory_space<vmem>>, vector<16xi32>,
      %get3A_263 = arith.constant 288 : index
      %get3A_264 = tpu.vector_load %arg10[%get3A_263] {strides = array<i32>} : memref<384xi32, #tpu.memory_space<vmem>>, vector<16xi32>,
      %get3A_265 = vector.shape_cast %get3A_264 : vector<16xi32> to vector<16xi32>
      %eq3A_266 = vector.broadcast %add3A_177 : i32 to vector<16xi32>
      %eq3A_267 = arith.cmpi eq, %get3A_265, %eq3A_266 : vector<16xi32>
      %get3A_268 = arith.constant 160 : index
      %get3A_269 = tpu.vector_load %arg10[%get3A_268] {strides = array<i32>} : memref<384xi32, #tpu.memory_space<vmem>>, vector<16xi32>,
      %get3A_270 = vector.shape_cast %get3A_269 : vector<16xi32> to vector<16xi32>
      %broadcast_in_dim3A_271 = vector.broadcast %add3A_1 : i32 to vector<16xi32>
      %select_n3A_272 = arith.select %eq3A_267, %get3A_270, %broadcast_in_dim3A_271 : vector<16xi1>, vector<16xi32>
      %swap3A_273 = arith.constant 32 : index
      %swap3A_274 = tpu.vector_load %arg11[%swap3A_273] {strides = array<i32>} : memref<128xi32, #tpu.memory_space<vmem>>, vector<16xi32>,
      %swap3A_275 = vector.shape_cast %swap3A_274 : vector<16xi32> to vector<16xi32>
      %swap3A_276 = vector.shape_cast %select_n3A_272 : vector<16xi32> to vector<16xi32>
      tpu.vector_store %arg11[%swap3A_273], %swap3A_276 {strides = array<i32>} : memref<128xi32, #tpu.memory_space<vmem>>, vector<16xi32>,
      %get3A_277 = arith.constant 304 : index
      %get3A_278 = tpu.vector_load %arg10[%get3A_277] {strides = array<i32>} : memref<384xi32, #tpu.memory_space<vmem>>, vector<16xi32>,
      %get3A_279 = vector.shape_cast %get3A_278 : vector<16xi32> to vector<16xi32>
      %eq3A_280 = vector.broadcast %add3A_177 : i32 to vector<16xi32>
      %eq3A_281 = arith.cmpi eq, %get3A_279, %eq3A_280 : vector<16xi32>
      %get3A_282 = arith.constant 176 : index
      %get3A_283 = tpu.vector_load %arg10[%get3A_282] {strides = array<i32>} : memref<384xi32, #tpu.memory_space<vmem>>, vector<16xi32>,
      %get3A_284 = vector.shape_cast %get3A_283 : vector<16xi32> to vector<16xi32>
      %broadcast_in_dim3A_285 = vector.broadcast %add3A_1 : i32 to vector<16xi32>
      %select_n3A_286 = arith.select %eq3A_281, %get3A_284, %broadcast_in_dim3A_285 : vector<16xi1>, vector<16xi32>
      %swap3A_287 = arith.constant 48 : index
      %swap3A_288 = tpu.vector_load %arg11[%swap3A_287] {strides = array<i32>} : memref<128xi32, #tpu.memory_space<vmem>>, vector<16xi32>,
      %swap3A_289 = vector.shape_cast %swap3A_288 : vector<16xi32> to vector<16xi32>
      %swap3A_290 = vector.shape_cast %select_n3A_286 : vector<16xi32> to vector<16xi32>
      tpu.vector_store %arg11[%swap3A_287], %swap3A_290 {strides = array<i32>} : memref<128xi32, #tpu.memory_space<vmem>>, vector<16xi32>,
      %get3A_291 = arith.constant 320 : index
      %get3A_292 = tpu.vector_load %arg10[%get3A_291] {strides = array<i32>} : memref<384xi32, #tpu.memory_space<vmem>>, vector<16xi32>,
      %get3A_293 = vector.shape_cast %get3A_292 : vector<16xi32> to vector<16xi32>
      %eq3A_294 = vector.broadcast %add3A_177 : i32 to vector<16xi32>
      %eq3A_295 = arith.cmpi eq, %get3A_293, %eq3A_294 : vector<16xi32>
      %get3A_296 = arith.constant 192 : index
      %get3A_297 = tpu.vector_load %arg10[%get3A_296] {strides = array<i32>} : memref<384xi32, #tpu.memory_space<vmem>>, vector<16xi32>,
      %get3A_298 = vector.shape_cast %get3A_297 : vector<16xi32> to vector<16xi32>
      %broadcast_in_dim3A_299 = vector.broadcast %add3A_1 : i32 to vector<16xi32>
      %select_n3A_300 = arith.select %eq3A_295, %get3A_298, %broadcast_in_dim3A_299 : vector<16xi1>, vector<16xi32>
      %swap3A_301 = arith.constant 64 : index
      %swap3A_302 = tpu.vector_load %arg11[%swap3A_301] {strides = array<i32>} : memref<128xi32, #tpu.memory_space<vmem>>, vector<16xi32>,
      %swap3A_303 = vector.shape_cast %swap3A_302 : vector<16xi32> to vector<16xi32>
      %swap3A_304 = vector.shape_cast %select_n3A_300 : vector<16xi32> to vector<16xi32>
      tpu.vector_store %arg11[%swap3A_301], %swap3A_304 {strides = array<i32>} : memref<128xi32, #tpu.memory_space<vmem>>, vector<16xi32>,
      %get3A_305 = arith.constant 336 : index
      %get3A_306 = tpu.vector_load %arg10[%get3A_305] {strides = array<i32>} : memref<384xi32, #tpu.memory_space<vmem>>, vector<16xi32>,
      %get3A_307 = vector.shape_cast %get3A_306 : vector<16xi32> to vector<16xi32>
      %eq3A_308 = vector.broadcast %add3A_177 : i32 to vector<16xi32>
      %eq3A_309 = arith.cmpi eq, %get3A_307, %eq3A_308 : vector<16xi32>
      %get3A_310 = arith.constant 208 : index
      %get3A_311 = tpu.vector_load %arg10[%get3A_310] {strides = array<i32>} : memref<384xi32, #tpu.memory_space<vmem>>, vector<16xi32>,
      %get3A_312 = vector.shape_cast %get3A_311 : vector<16xi32> to vector<16xi32>
      %broadcast_in_dim3A_313 = vector.broadcast %add3A_1 : i32 to vector<16xi32>
      %select_n3A_314 = arith.select %eq3A_309, %get3A_312, %broadcast_in_dim3A_313 : vector<16xi1>, vector<16xi32>
      %swap3A_315 = arith.constant 80 : index
      %swap3A_316 = tpu.vector_load %arg11[%swap3A_315] {strides = array<i32>} : memref<128xi32, #tpu.memory_space<vmem>>, vector<16xi32>,
      %swap3A_317 = vector.shape_cast %swap3A_316 : vector<16xi32> to vector<16xi32>
      %swap3A_318 = vector.shape_cast %select_n3A_314 : vector<16xi32> to vector<16xi32>
      tpu.vector_store %arg11[%swap3A_315], %swap3A_318 {strides = array<i32>} : memref<128xi32, #tpu.memory_space<vmem>>, vector<16xi32>,
      %get3A_319 = arith.constant 352 : index
      %get3A_320 = tpu.vector_load %arg10[%get3A_319] {strides = array<i32>} : memref<384xi32, #tpu.memory_space<vmem>>, vector<16xi32>,
      %get3A_321 = vector.shape_cast %get3A_320 : vector<16xi32> to vector<16xi32>
      %eq3A_322 = vector.broadcast %add3A_177 : i32 to vector<16xi32>
      %eq3A_323 = arith.cmpi eq, %get3A_321, %eq3A_322 : vector<16xi32>
      %get3A_324 = arith.constant 224 : index
      %get3A_325 = tpu.vector_load %arg10[%get3A_324] {strides = array<i32>} : memref<384xi32, #tpu.memory_space<vmem>>, vector<16xi32>,
      %get3A_326 = vector.shape_cast %get3A_325 : vector<16xi32> to vector<16xi32>
      %broadcast_in_dim3A_327 = vector.broadcast %add3A_1 : i32 to vector<16xi32>
      %select_n3A_328 = arith.select %eq3A_323, %get3A_326, %broadcast_in_dim3A_327 : vector<16xi1>, vector<16xi32>
      %swap3A_329 = arith.constant 96 : index
      %swap3A_330 = tpu.vector_load %arg11[%swap3A_329] {strides = array<i32>} : memref<128xi32, #tpu.memory_space<vmem>>, vector<16xi32>,
      %swap3A_331 = vector.shape_cast %swap3A_330 : vector<16xi32> to vector<16xi32>
      %swap3A_332 = vector.shape_cast %select_n3A_328 : vector<16xi32> to vector<16xi32>
      tpu.vector_store %arg11[%swap3A_329], %swap3A_332 {strides = array<i32>} : memref<128xi32, #tpu.memory_space<vmem>>, vector<16xi32>,
      %get3A_333 = arith.constant 368 : index
      %get3A_334 = tpu.vector_load %arg10[%get3A_333] {strides = array<i32>} : memref<384xi32, #tpu.memory_space<vmem>>, vector<16xi32>,
      %get3A_335 = vector.shape_cast %get3A_334 : vector<16xi32> to vector<16xi32>
      %eq3A_336 = vector.broadcast %add3A_177 : i32 to vector<16xi32>
      %eq3A_337 = arith.cmpi eq, %get3A_335, %eq3A_336 : vector<16xi32>
      %get3A_338 = arith.constant 240 : index
      %get3A_339 = tpu.vector_load %arg10[%get3A_338] {strides = array<i32>} : memref<384xi32, #tpu.memory_space<vmem>>, vector<16xi32>,
      %get3A_340 = vector.shape_cast %get3A_339 : vector<16xi32> to vector<16xi32>
      %broadcast_in_dim3A_341 = vector.broadcast %add3A_1 : i32 to vector<16xi32>
      %select_n3A_342 = arith.select %eq3A_337, %get3A_340, %broadcast_in_dim3A_341 : vector<16xi1>, vector<16xi32>
      %swap3A_343 = arith.constant 112 : index
      %swap3A_344 = tpu.vector_load %arg11[%swap3A_343] {strides = array<i32>} : memref<128xi32, #tpu.memory_space<vmem>>, vector<16xi32>,
      %swap3A_345 = vector.shape_cast %swap3A_344 : vector<16xi32> to vector<16xi32>
      %swap3A_346 = vector.shape_cast %select_n3A_342 : vector<16xi32> to vector<16xi32>
      tpu.vector_store %arg11[%swap3A_343], %swap3A_346 {strides = array<i32>} : memref<128xi32, #tpu.memory_space<vmem>>, vector<16xi32>,
      "tpu.region"() ({
        %run_scoped3A = tpu.sem_alloc : memref<!tpu.dma_semaphore, #tpu.memory_space<semaphore_mem>>
        %dma_start3A = arith.constant 0 : i32
        %dma_start3A_347 = arith.constant 0 : i32
        %dma_start3A_348 = tpu.memref_slice %arg8[%dma_start3A, %dma_start3A_347] : memref<10112x128xf32, #tpu.memory_space<vmem_shared>> -> memref<10112x128xf32, #tpu.memory_space<vmem_shared>>
        tpu.enqueue_indirect_dma source(%arg12 : memref<128x128xf32, #tpu.memory_space<vmem>>) target(%dma_start3A_348 : memref<10112x128xf32, #tpu.memory_space<vmem_shared>>) offsets(%arg11 : memref<128xi32, #tpu.memory_space<vmem>>) semaphore(%run_scoped3A : memref<!tpu.dma_semaphore, #tpu.memory_space<semaphore_mem>>) {add = true}
        %dma_wait3A = arith.constant 0 : i32
        %dma_wait3A_349 = arith.constant 0 : i32
        %dma_wait3A_350 = tpu.memref_slice %arg8[%dma_wait3A, %dma_wait3A_349] : memref<10112x128xf32, #tpu.memory_space<vmem_shared>> -> memref<10112x128xf32, #tpu.memory_space<vmem_shared>>
        tpu.wait_indirect_dma semaphore(%run_scoped3A : memref<!tpu.dma_semaphore, #tpu.memory_space<semaphore_mem>>) src(%arg12 : memref<128x128xf32, #tpu.memory_space<vmem>>) dst(%dma_wait3A_350 : memref<10112x128xf32, #tpu.memory_space<vmem_shared>>)
        tpu.yield
      }) : () -> ()
    }
    %scan3A_194 = arith.constant 157 : i32
    %barrier3A_195 = arith.constant 0 : index
    tpu.barrier barrier_id(%barrier3A_195)
    %add3A_196 = arith.constant 0 : i32
    %add3A_197 = arith.addi %mul3A_0, %add3A_196 : i32
    "tpu.region"() ({
      %run_scoped3A = tpu.sem_alloc : memref<!tpu.dma_semaphore, #tpu.memory_space<semaphore_mem>>
      %dma_start3A = arith.constant 0 : i32
      %dma_start3A_232 = arith.constant 0 : i32
      %dma_start3A_233 = tpu.memref_slice %arg12[%dma_start3A, %dma_start3A_232] : memref<128x128xf32, #tpu.memory_space<vmem>> -> memref<128x128xf32, #tpu.memory_space<vmem>>
      %dma_start3A_234 = arith.constant 0 : i32
      %dma_start3A_235 = tpu.memref_slice %arg8[%add3A_197, %dma_start3A_234] : memref<10112x128xf32, #tpu.memory_space<vmem_shared>> -> memref<128x128xf32, #tpu.memory_space<vmem_shared>>
      %dma_start3A_236 = arith.constant 0 : i32
      %dma_start3A_237 = arith.constant 0 : i32
      %dma_start3A_238 = tpu.memref_slice %arg12[%dma_start3A_236, %dma_start3A_237] : memref<128x128xf32, #tpu.memory_space<vmem>> -> memref<128x128xf32, #tpu.memory_space<vmem>>
      %dma_start3A_239 = arith.constant 0 : i32
      %dma_start3A_240 = tpu.memref_slice %arg8[%add3A_197, %dma_start3A_239] : memref<10112x128xf32, #tpu.memory_space<vmem_shared>> -> memref<128x128xf32, #tpu.memory_space<vmem_shared>>
      tpu.enqueue_dma source(%dma_start3A_240 : memref<128x128xf32, #tpu.memory_space<vmem_shared>>) target(%dma_start3A_238 : memref<128x128xf32, #tpu.memory_space<vmem>>) target_semaphore(%run_scoped3A : memref<!tpu.dma_semaphore, #tpu.memory_space<semaphore_mem>>)
      %dma_wait3A = arith.constant 0 : i32
      %dma_wait3A_241 = arith.constant 0 : i32
      %dma_wait3A_242 = tpu.memref_slice %arg12[%dma_wait3A, %dma_wait3A_241] : memref<128x128xf32, #tpu.memory_space<vmem>> -> memref<128x128xf32, #tpu.memory_space<vmem>>
      %dma_wait3A_243 = arith.constant 0 : i32
      %dma_wait3A_244 = tpu.memref_slice %arg8[%add3A_197, %dma_wait3A_243] : memref<10112x128xf32, #tpu.memory_space<vmem_shared>> -> memref<128x128xf32, #tpu.memory_space<vmem_shared>>
      %dma_wait3A_245 = arith.constant 0 : i32
      %dma_wait3A_246 = arith.constant 0 : i32
      %dma_wait3A_247 = tpu.memref_slice %arg12[%dma_wait3A_245, %dma_wait3A_246] : memref<128x128xf32, #tpu.memory_space<vmem>> -> memref<128x128xf32, #tpu.memory_space<vmem>>
      %dma_wait3A_248 = arith.constant 0 : i32
      %dma_wait3A_249 = tpu.memref_slice %arg8[%add3A_197, %dma_wait3A_248] : memref<10112x128xf32, #tpu.memory_space<vmem_shared>> -> memref<128x128xf32, #tpu.memory_space<vmem_shared>>
      tpu.wait_dma2 semaphore(%run_scoped3A : memref<!tpu.dma_semaphore, #tpu.memory_space<semaphore_mem>>) src(%dma_wait3A_249 : memref<128x128xf32, #tpu.memory_space<vmem_shared>>) dst(%dma_wait3A_247 : memref<128x128xf32, #tpu.memory_space<vmem>>)
      tpu.yield
    }) : () -> ()
    %mul3A_198 = arith.constant 10112 : i32
    %mul3A_199 = arith.muli %add3A_177, %mul3A_198 : i32
    %add3A_200 = arith.addi %mul3A_199, %mul3A_0 : i32
    %add3A_201 = arith.constant 0 : i32
    %add3A_202 = arith.addi %add3A_200, %add3A_201 : i32
    "tpu.region"() ({
      %run_scoped3A = tpu.sem_alloc : memref<!tpu.dma_semaphore, #tpu.memory_space<semaphore_mem>>
      %dma_start3A = arith.constant 0 : i32
      %dma_start3A_232 = arith.constant 0 : i32
      %dma_start3A_233 = tpu.memref_slice %arg12[%dma_start3A, %dma_start3A_232] : memref<128x128xf32, #tpu.memory_space<vmem>> -> memref<128x128xf32, #tpu.memory_space<vmem>>
      %dma_start3A_234 = arith.constant 0 : i32
      %dma_start3A_235 = tpu.memref_slice %arg7[%add3A_202, %dma_start3A_234] : memref<40448x128xf32, #tpu.memory_space<hbm>> -> memref<128x128xf32, #tpu.memory_space<hbm>>
      %dma_start3A_236 = arith.constant 0 : i32
      %dma_start3A_237 = tpu.memref_slice %arg7[%add3A_202, %dma_start3A_236] : memref<40448x128xf32, #tpu.memory_space<hbm>> -> memref<128x128xf32, #tpu.memory_space<hbm>>
      %dma_start3A_238 = arith.constant 0 : i32
      %dma_start3A_239 = arith.constant 0 : i32
      %dma_start3A_240 = tpu.memref_slice %arg12[%dma_start3A_238, %dma_start3A_239] : memref<128x128xf32, #tpu.memory_space<vmem>> -> memref<128x128xf32, #tpu.memory_space<vmem>>
      tpu.enqueue_dma source(%dma_start3A_240 : memref<128x128xf32, #tpu.memory_space<vmem>>) target(%dma_start3A_237 : memref<128x128xf32, #tpu.memory_space<hbm>>) target_semaphore(%run_scoped3A : memref<!tpu.dma_semaphore, #tpu.memory_space<semaphore_mem>>)
      %dma_wait3A = arith.constant 0 : i32
      %dma_wait3A_241 = arith.constant 0 : i32
      %dma_wait3A_242 = tpu.memref_slice %arg12[%dma_wait3A, %dma_wait3A_241] : memref<128x128xf32, #tpu.memory_space<vmem>> -> memref<128x128xf32, #tpu.memory_space<vmem>>
      %dma_wait3A_243 = arith.constant 0 : i32
      %dma_wait3A_244 = tpu.memref_slice %arg7[%add3A_202, %dma_wait3A_243] : memref<40448x128xf32, #tpu.memory_space<hbm>> -> memref<128x128xf32, #tpu.memory_space<hbm>>
      %dma_wait3A_245 = arith.constant 0 : i32
      %dma_wait3A_246 = tpu.memref_slice %arg7[%add3A_202, %dma_wait3A_245] : memref<40448x128xf32, #tpu.memory_space<hbm>> -> memref<128x128xf32, #tpu.memory_space<hbm>>
      %dma_wait3A_247 = arith.constant 0 : i32
      %dma_wait3A_248 = arith.constant 0 : i32
      %dma_wait3A_249 = tpu.memref_slice %arg12[%dma_wait3A_247, %dma_wait3A_248] : memref<128x128xf32, #tpu.memory_space<vmem>> -> memref<128x128xf32, #tpu.memory_space<vmem>>
      tpu.wait_dma2 semaphore(%run_scoped3A : memref<!tpu.dma_semaphore, #tpu.memory_space<semaphore_mem>>) src(%dma_wait3A_249 : memref<128x128xf32, #tpu.memory_space<vmem>>) dst(%dma_wait3A_246 : memref<128x128xf32, #tpu.memory_space<hbm>>)
      tpu.yield
    }) : () -> ()
    %add3A_203 = arith.constant 128 : i32
    %add3A_204 = arith.addi %mul3A_0, %add3A_203 : i32
    "tpu.region"() ({
      %run_scoped3A = tpu.sem_alloc : memref<!tpu.dma_semaphore, #tpu.memory_space<semaphore_mem>>
      %dma_start3A = arith.constant 0 : i32
      %dma_start3A_232 = arith.constant 0 : i32
      %dma_start3A_233 = tpu.memref_slice %arg12[%dma_start3A, %dma_start3A_232] : memref<128x128xf32, #tpu.memory_space<vmem>> -> memref<128x128xf32, #tpu.memory_space<vmem>>
      %dma_start3A_234 = arith.constant 0 : i32
      %dma_start3A_235 = tpu.memref_slice %arg8[%add3A_204, %dma_start3A_234] : memref<10112x128xf32, #tpu.memory_space<vmem_shared>> -> memref<128x128xf32, #tpu.memory_space<vmem_shared>>
      %dma_start3A_236 = arith.constant 0 : i32
      %dma_start3A_237 = arith.constant 0 : i32
      %dma_start3A_238 = tpu.memref_slice %arg12[%dma_start3A_236, %dma_start3A_237] : memref<128x128xf32, #tpu.memory_space<vmem>> -> memref<128x128xf32, #tpu.memory_space<vmem>>
      %dma_start3A_239 = arith.constant 0 : i32
      %dma_start3A_240 = tpu.memref_slice %arg8[%add3A_204, %dma_start3A_239] : memref<10112x128xf32, #tpu.memory_space<vmem_shared>> -> memref<128x128xf32, #tpu.memory_space<vmem_shared>>
      tpu.enqueue_dma source(%dma_start3A_240 : memref<128x128xf32, #tpu.memory_space<vmem_shared>>) target(%dma_start3A_238 : memref<128x128xf32, #tpu.memory_space<vmem>>) target_semaphore(%run_scoped3A : memref<!tpu.dma_semaphore, #tpu.memory_space<semaphore_mem>>)
      %dma_wait3A = arith.constant 0 : i32
      %dma_wait3A_241 = arith.constant 0 : i32
      %dma_wait3A_242 = tpu.memref_slice %arg12[%dma_wait3A, %dma_wait3A_241] : memref<128x128xf32, #tpu.memory_space<vmem>> -> memref<128x128xf32, #tpu.memory_space<vmem>>
      %dma_wait3A_243 = arith.constant 0 : i32
      %dma_wait3A_244 = tpu.memref_slice %arg8[%add3A_204, %dma_wait3A_243] : memref<10112x128xf32, #tpu.memory_space<vmem_shared>> -> memref<128x128xf32, #tpu.memory_space<vmem_shared>>
      %dma_wait3A_245 = arith.constant 0 : i32
      %dma_wait3A_246 = arith.constant 0 : i32
      %dma_wait3A_247 = tpu.memref_slice %arg12[%dma_wait3A_245, %dma_wait3A_246] : memref<128x128xf32, #tpu.memory_space<vmem>> -> memref<128x128xf32, #tpu.memory_space<vmem>>
      %dma_wait3A_248 = arith.constant 0 : i32
      %dma_wait3A_249 = tpu.memref_slice %arg8[%add3A_204, %dma_wait3A_248] : memref<10112x128xf32, #tpu.memory_space<vmem_shared>> -> memref<128x128xf32, #tpu.memory_space<vmem_shared>>
      tpu.wait_dma2 semaphore(%run_scoped3A : memref<!tpu.dma_semaphore, #tpu.memory_space<semaphore_mem>>) src(%dma_wait3A_249 : memref<128x128xf32, #tpu.memory_space<vmem_shared>>) dst(%dma_wait3A_247 : memref<128x128xf32, #tpu.memory_space<vmem>>)
      tpu.yield
    }) : () -> ()
    %mul3A_205 = arith.constant 10112 : i32
    %mul3A_206 = arith.muli %add3A_177, %mul3A_205 : i32
    %add3A_207 = arith.addi %mul3A_206, %mul3A_0 : i32
    %add3A_208 = arith.constant 128 : i32
    %add3A_209 = arith.addi %add3A_207, %add3A_208 : i32
    "tpu.region"() ({
      %run_scoped3A = tpu.sem_alloc : memref<!tpu.dma_semaphore, #tpu.memory_space<semaphore_mem>>
      %dma_start3A = arith.constant 0 : i32
      %dma_start3A_232 = arith.constant 0 : i32
      %dma_start3A_233 = tpu.memref_slice %arg12[%dma_start3A, %dma_start3A_232] : memref<128x128xf32, #tpu.memory_space<vmem>> -> memref<128x128xf32, #tpu.memory_space<vmem>>
      %dma_start3A_234 = arith.constant 0 : i32
      %dma_start3A_235 = tpu.memref_slice %arg7[%add3A_209, %dma_start3A_234] : memref<40448x128xf32, #tpu.memory_space<hbm>> -> memref<128x128xf32, #tpu.memory_space<hbm>>
      %dma_start3A_236 = arith.constant 0 : i32
      %dma_start3A_237 = tpu.memref_slice %arg7[%add3A_209, %dma_start3A_236] : memref<40448x128xf32, #tpu.memory_space<hbm>> -> memref<128x128xf32, #tpu.memory_space<hbm>>
      %dma_start3A_238 = arith.constant 0 : i32
      %dma_start3A_239 = arith.constant 0 : i32
      %dma_start3A_240 = tpu.memref_slice %arg12[%dma_start3A_238, %dma_start3A_239] : memref<128x128xf32, #tpu.memory_space<vmem>> -> memref<128x128xf32, #tpu.memory_space<vmem>>
      tpu.enqueue_dma source(%dma_start3A_240 : memref<128x128xf32, #tpu.memory_space<vmem>>) target(%dma_start3A_237 : memref<128x128xf32, #tpu.memory_space<hbm>>) target_semaphore(%run_scoped3A : memref<!tpu.dma_semaphore, #tpu.memory_space<semaphore_mem>>)
      %dma_wait3A = arith.constant 0 : i32
      %dma_wait3A_241 = arith.constant 0 : i32
      %dma_wait3A_242 = tpu.memref_slice %arg12[%dma_wait3A, %dma_wait3A_241] : memref<128x128xf32, #tpu.memory_space<vmem>> -> memref<128x128xf32, #tpu.memory_space<vmem>>
      %dma_wait3A_243 = arith.constant 0 : i32
      %dma_wait3A_244 = tpu.memref_slice %arg7[%add3A_209, %dma_wait3A_243] : memref<40448x128xf32, #tpu.memory_space<hbm>> -> memref<128x128xf32, #tpu.memory_space<hbm>>
      %dma_wait3A_245 = arith.constant 0 : i32
      %dma_wait3A_246 = tpu.memref_slice %arg7[%add3A_209, %dma_wait3A_245] : memref<40448x128xf32, #tpu.memory_space<hbm>> -> memref<128x128xf32, #tpu.memory_space<hbm>>
      %dma_wait3A_247 = arith.constant 0 : i32
      %dma_wait3A_248 = arith.constant 0 : i32
      %dma_wait3A_249 = tpu.memref_slice %arg12[%dma_wait3A_247, %dma_wait3A_248] : memref<128x128xf32, #tpu.memory_space<vmem>> -> memref<128x128xf32, #tpu.memory_space<vmem>>
      tpu.wait_dma2 semaphore(%run_scoped3A : memref<!tpu.dma_semaphore, #tpu.memory_space<semaphore_mem>>) src(%dma_wait3A_249 : memref<128x128xf32, #tpu.memory_space<vmem>>) dst(%dma_wait3A_246 : memref<128x128xf32, #tpu.memory_space<hbm>>)
      tpu.yield
    }) : () -> ()
    %add3A_210 = arith.constant 256 : i32
    %add3A_211 = arith.addi %mul3A_0, %add3A_210 : i32
    "tpu.region"() ({
      %run_scoped3A = tpu.sem_alloc : memref<!tpu.dma_semaphore, #tpu.memory_space<semaphore_mem>>
      %dma_start3A = arith.constant 0 : i32
      %dma_start3A_232 = arith.constant 0 : i32
      %dma_start3A_233 = tpu.memref_slice %arg12[%dma_start3A, %dma_start3A_232] : memref<128x128xf32, #tpu.memory_space<vmem>> -> memref<128x128xf32, #tpu.memory_space<vmem>>
      %dma_start3A_234 = arith.constant 0 : i32
      %dma_start3A_235 = tpu.memref_slice %arg8[%add3A_211, %dma_start3A_234] : memref<10112x128xf32, #tpu.memory_space<vmem_shared>> -> memref<128x128xf32, #tpu.memory_space<vmem_shared>>
      %dma_start3A_236 = arith.constant 0 : i32
      %dma_start3A_237 = arith.constant 0 : i32
      %dma_start3A_238 = tpu.memref_slice %arg12[%dma_start3A_236, %dma_start3A_237] : memref<128x128xf32, #tpu.memory_space<vmem>> -> memref<128x128xf32, #tpu.memory_space<vmem>>
      %dma_start3A_239 = arith.constant 0 : i32
      %dma_start3A_240 = tpu.memref_slice %arg8[%add3A_211, %dma_start3A_239] : memref<10112x128xf32, #tpu.memory_space<vmem_shared>> -> memref<128x128xf32, #tpu.memory_space<vmem_shared>>
      tpu.enqueue_dma source(%dma_start3A_240 : memref<128x128xf32, #tpu.memory_space<vmem_shared>>) target(%dma_start3A_238 : memref<128x128xf32, #tpu.memory_space<vmem>>) target_semaphore(%run_scoped3A : memref<!tpu.dma_semaphore, #tpu.memory_space<semaphore_mem>>)
      %dma_wait3A = arith.constant 0 : i32
      %dma_wait3A_241 = arith.constant 0 : i32
      %dma_wait3A_242 = tpu.memref_slice %arg12[%dma_wait3A, %dma_wait3A_241] : memref<128x128xf32, #tpu.memory_space<vmem>> -> memref<128x128xf32, #tpu.memory_space<vmem>>
      %dma_wait3A_243 = arith.constant 0 : i32
      %dma_wait3A_244 = tpu.memref_slice %arg8[%add3A_211, %dma_wait3A_243] : memref<10112x128xf32, #tpu.memory_space<vmem_shared>> -> memref<128x128xf32, #tpu.memory_space<vmem_shared>>
      %dma_wait3A_245 = arith.constant 0 : i32
      %dma_wait3A_246 = arith.constant 0 : i32
      %dma_wait3A_247 = tpu.memref_slice %arg12[%dma_wait3A_245, %dma_wait3A_246] : memref<128x128xf32, #tpu.memory_space<vmem>> -> memref<128x128xf32, #tpu.memory_space<vmem>>
      %dma_wait3A_248 = arith.constant 0 : i32
      %dma_wait3A_249 = tpu.memref_slice %arg8[%add3A_211, %dma_wait3A_248] : memref<10112x128xf32, #tpu.memory_space<vmem_shared>> -> memref<128x128xf32, #tpu.memory_space<vmem_shared>>
      tpu.wait_dma2 semaphore(%run_scoped3A : memref<!tpu.dma_semaphore, #tpu.memory_space<semaphore_mem>>) src(%dma_wait3A_249 : memref<128x128xf32, #tpu.memory_space<vmem_shared>>) dst(%dma_wait3A_247 : memref<128x128xf32, #tpu.memory_space<vmem>>)
      tpu.yield
    }) : () -> ()
    %mul3A_212 = arith.constant 10112 : i32
    %mul3A_213 = arith.muli %add3A_177, %mul3A_212 : i32
    %add3A_214 = arith.addi %mul3A_213, %mul3A_0 : i32
    %add3A_215 = arith.constant 256 : i32
    %add3A_216 = arith.addi %add3A_214, %add3A_215 : i32
    "tpu.region"() ({
      %run_scoped3A = tpu.sem_alloc : memref<!tpu.dma_semaphore, #tpu.memory_space<semaphore_mem>>
      %dma_start3A = arith.constant 0 : i32
      %dma_start3A_232 = arith.constant 0 : i32
      %dma_start3A_233 = tpu.memref_slice %arg12[%dma_start3A, %dma_start3A_232] : memref<128x128xf32, #tpu.memory_space<vmem>> -> memref<128x128xf32, #tpu.memory_space<vmem>>
      %dma_start3A_234 = arith.constant 0 : i32
      %dma_start3A_235 = tpu.memref_slice %arg7[%add3A_216, %dma_start3A_234] : memref<40448x128xf32, #tpu.memory_space<hbm>> -> memref<128x128xf32, #tpu.memory_space<hbm>>
      %dma_start3A_236 = arith.constant 0 : i32
      %dma_start3A_237 = tpu.memref_slice %arg7[%add3A_216, %dma_start3A_236] : memref<40448x128xf32, #tpu.memory_space<hbm>> -> memref<128x128xf32, #tpu.memory_space<hbm>>
      %dma_start3A_238 = arith.constant 0 : i32
      %dma_start3A_239 = arith.constant 0 : i32
      %dma_start3A_240 = tpu.memref_slice %arg12[%dma_start3A_238, %dma_start3A_239] : memref<128x128xf32, #tpu.memory_space<vmem>> -> memref<128x128xf32, #tpu.memory_space<vmem>>
      tpu.enqueue_dma source(%dma_start3A_240 : memref<128x128xf32, #tpu.memory_space<vmem>>) target(%dma_start3A_237 : memref<128x128xf32, #tpu.memory_space<hbm>>) target_semaphore(%run_scoped3A : memref<!tpu.dma_semaphore, #tpu.memory_space<semaphore_mem>>)
      %dma_wait3A = arith.constant 0 : i32
      %dma_wait3A_241 = arith.constant 0 : i32
      %dma_wait3A_242 = tpu.memref_slice %arg12[%dma_wait3A, %dma_wait3A_241] : memref<128x128xf32, #tpu.memory_space<vmem>> -> memref<128x128xf32, #tpu.memory_space<vmem>>
      %dma_wait3A_243 = arith.constant 0 : i32
      %dma_wait3A_244 = tpu.memref_slice %arg7[%add3A_216, %dma_wait3A_243] : memref<40448x128xf32, #tpu.memory_space<hbm>> -> memref<128x128xf32, #tpu.memory_space<hbm>>
      %dma_wait3A_245 = arith.constant 0 : i32
      %dma_wait3A_246 = tpu.memref_slice %arg7[%add3A_216, %dma_wait3A_245] : memref<40448x128xf32, #tpu.memory_space<hbm>> -> memref<128x128xf32, #tpu.memory_space<hbm>>
      %dma_wait3A_247 = arith.constant 0 : i32
      %dma_wait3A_248 = arith.constant 0 : i32
      %dma_wait3A_249 = tpu.memref_slice %arg12[%dma_wait3A_247, %dma_wait3A_248] : memref<128x128xf32, #tpu.memory_space<vmem>> -> memref<128x128xf32, #tpu.memory_space<vmem>>
      tpu.wait_dma2 semaphore(%run_scoped3A : memref<!tpu.dma_semaphore, #tpu.memory_space<semaphore_mem>>) src(%dma_wait3A_249 : memref<128x128xf32, #tpu.memory_space<vmem>>) dst(%dma_wait3A_246 : memref<128x128xf32, #tpu.memory_space<hbm>>)
      tpu.yield
    }) : () -> ()
    %add3A_217 = arith.constant 384 : i32
    %add3A_218 = arith.addi %mul3A_0, %add3A_217 : i32
    "tpu.region"() ({
      %run_scoped3A = tpu.sem_alloc : memref<!tpu.dma_semaphore, #tpu.memory_space<semaphore_mem>>
      %dma_start3A = arith.constant 0 : i32
      %dma_start3A_232 = arith.constant 0 : i32
      %dma_start3A_233 = tpu.memref_slice %arg12[%dma_start3A, %dma_start3A_232] : memref<128x128xf32, #tpu.memory_space<vmem>> -> memref<128x128xf32, #tpu.memory_space<vmem>>
      %dma_start3A_234 = arith.constant 0 : i32
      %dma_start3A_235 = tpu.memref_slice %arg8[%add3A_218, %dma_start3A_234] : memref<10112x128xf32, #tpu.memory_space<vmem_shared>> -> memref<128x128xf32, #tpu.memory_space<vmem_shared>>
      %dma_start3A_236 = arith.constant 0 : i32
      %dma_start3A_237 = arith.constant 0 : i32
      %dma_start3A_238 = tpu.memref_slice %arg12[%dma_start3A_236, %dma_start3A_237] : memref<128x128xf32, #tpu.memory_space<vmem>> -> memref<128x128xf32, #tpu.memory_space<vmem>>
      %dma_start3A_239 = arith.constant 0 : i32
      %dma_start3A_240 = tpu.memref_slice %arg8[%add3A_218, %dma_start3A_239] : memref<10112x128xf32, #tpu.memory_space<vmem_shared>> -> memref<128x128xf32, #tpu.memory_space<vmem_shared>>
      tpu.enqueue_dma source(%dma_start3A_240 : memref<128x128xf32, #tpu.memory_space<vmem_shared>>) target(%dma_start3A_238 : memref<128x128xf32, #tpu.memory_space<vmem>>) target_semaphore(%run_scoped3A : memref<!tpu.dma_semaphore, #tpu.memory_space<semaphore_mem>>)
      %dma_wait3A = arith.constant 0 : i32
      %dma_wait3A_241 = arith.constant 0 : i32
      %dma_wait3A_242 = tpu.memref_slice %arg12[%dma_wait3A, %dma_wait3A_241] : memref<128x128xf32, #tpu.memory_space<vmem>> -> memref<128x128xf32, #tpu.memory_space<vmem>>
      %dma_wait3A_243 = arith.constant 0 : i32
      %dma_wait3A_244 = tpu.memref_slice %arg8[%add3A_218, %dma_wait3A_243] : memref<10112x128xf32, #tpu.memory_space<vmem_shared>> -> memref<128x128xf32, #tpu.memory_space<vmem_shared>>
      %dma_wait3A_245 = arith.constant 0 : i32
      %dma_wait3A_246 = arith.constant 0 : i32
      %dma_wait3A_247 = tpu.memref_slice %arg12[%dma_wait3A_245, %dma_wait3A_246] : memref<128x128xf32, #tpu.memory_space<vmem>> -> memref<128x128xf32, #tpu.memory_space<vmem>>
      %dma_wait3A_248 = arith.constant 0 : i32
      %dma_wait3A_249 = tpu.memref_slice %arg8[%add3A_218, %dma_wait3A_248] : memref<10112x128xf32, #tpu.memory_space<vmem_shared>> -> memref<128x128xf32, #tpu.memory_space<vmem_shared>>
      tpu.wait_dma2 semaphore(%run_scoped3A : memref<!tpu.dma_semaphore, #tpu.memory_space<semaphore_mem>>) src(%dma_wait3A_249 : memref<128x128xf32, #tpu.memory_space<vmem_shared>>) dst(%dma_wait3A_247 : memref<128x128xf32, #tpu.memory_space<vmem>>)
      tpu.yield
    }) : () -> ()
    %mul3A_219 = arith.constant 10112 : i32
    %mul3A_220 = arith.muli %add3A_177, %mul3A_219 : i32
    %add3A_221 = arith.addi %mul3A_220, %mul3A_0 : i32
    %add3A_222 = arith.constant 384 : i32
    %add3A_223 = arith.addi %add3A_221, %add3A_222 : i32
    "tpu.region"() ({
      %run_scoped3A = tpu.sem_alloc : memref<!tpu.dma_semaphore, #tpu.memory_space<semaphore_mem>>
      %dma_start3A = arith.constant 0 : i32
      %dma_start3A_232 = arith.constant 0 : i32
      %dma_start3A_233 = tpu.memref_slice %arg12[%dma_start3A, %dma_start3A_232] : memref<128x128xf32, #tpu.memory_space<vmem>> -> memref<128x128xf32, #tpu.memory_space<vmem>>
      %dma_start3A_234 = arith.constant 0 : i32
      %dma_start3A_235 = tpu.memref_slice %arg7[%add3A_223, %dma_start3A_234] : memref<40448x128xf32, #tpu.memory_space<hbm>> -> memref<128x128xf32, #tpu.memory_space<hbm>>
      %dma_start3A_236 = arith.constant 0 : i32
      %dma_start3A_237 = tpu.memref_slice %arg7[%add3A_223, %dma_start3A_236] : memref<40448x128xf32, #tpu.memory_space<hbm>> -> memref<128x128xf32, #tpu.memory_space<hbm>>
      %dma_start3A_238 = arith.constant 0 : i32
      %dma_start3A_239 = arith.constant 0 : i32
      %dma_start3A_240 = tpu.memref_slice %arg12[%dma_start3A_238, %dma_start3A_239] : memref<128x128xf32, #tpu.memory_space<vmem>> -> memref<128x128xf32, #tpu.memory_space<vmem>>
      tpu.enqueue_dma source(%dma_start3A_240 : memref<128x128xf32, #tpu.memory_space<vmem>>) target(%dma_start3A_237 : memref<128x128xf32, #tpu.memory_space<hbm>>) target_semaphore(%run_scoped3A : memref<!tpu.dma_semaphore, #tpu.memory_space<semaphore_mem>>)
      %dma_wait3A = arith.constant 0 : i32
      %dma_wait3A_241 = arith.constant 0 : i32
      %dma_wait3A_242 = tpu.memref_slice %arg12[%dma_wait3A, %dma_wait3A_241] : memref<128x128xf32, #tpu.memory_space<vmem>> -> memref<128x128xf32, #tpu.memory_space<vmem>>
      %dma_wait3A_243 = arith.constant 0 : i32
      %dma_wait3A_244 = tpu.memref_slice %arg7[%add3A_223, %dma_wait3A_243] : memref<40448x128xf32, #tpu.memory_space<hbm>> -> memref<128x128xf32, #tpu.memory_space<hbm>>
      %dma_wait3A_245 = arith.constant 0 : i32
      %dma_wait3A_246 = tpu.memref_slice %arg7[%add3A_223, %dma_wait3A_245] : memref<40448x128xf32, #tpu.memory_space<hbm>> -> memref<128x128xf32, #tpu.memory_space<hbm>>
      %dma_wait3A_247 = arith.constant 0 : i32
      %dma_wait3A_248 = arith.constant 0 : i32
      %dma_wait3A_249 = tpu.memref_slice %arg12[%dma_wait3A_247, %dma_wait3A_248] : memref<128x128xf32, #tpu.memory_space<vmem>> -> memref<128x128xf32, #tpu.memory_space<vmem>>
      tpu.wait_dma2 semaphore(%run_scoped3A : memref<!tpu.dma_semaphore, #tpu.memory_space<semaphore_mem>>) src(%dma_wait3A_249 : memref<128x128xf32, #tpu.memory_space<vmem>>) dst(%dma_wait3A_246 : memref<128x128xf32, #tpu.memory_space<hbm>>)
      tpu.yield
    }) : () -> ()
    %add3A_224 = arith.constant 512 : i32
    %add3A_225 = arith.addi %mul3A_0, %add3A_224 : i32
    "tpu.region"() ({
      %run_scoped3A = tpu.sem_alloc : memref<!tpu.dma_semaphore, #tpu.memory_space<semaphore_mem>>
      %dma_start3A = arith.constant 0 : i32
      %dma_start3A_232 = arith.constant 0 : i32
      %dma_start3A_233 = tpu.memref_slice %arg12[%dma_start3A, %dma_start3A_232] : memref<128x128xf32, #tpu.memory_space<vmem>> -> memref<120x128xf32, #tpu.memory_space<vmem>>
      %dma_start3A_234 = arith.constant 0 : i32
      %dma_start3A_235 = tpu.memref_slice %arg8[%add3A_225, %dma_start3A_234] : memref<10112x128xf32, #tpu.memory_space<vmem_shared>> -> memref<120x128xf32, #tpu.memory_space<vmem_shared>>
      %dma_start3A_236 = arith.constant 0 : i32
      %dma_start3A_237 = arith.constant 0 : i32
      %dma_start3A_238 = tpu.memref_slice %arg12[%dma_start3A_236, %dma_start3A_237] : memref<128x128xf32, #tpu.memory_space<vmem>> -> memref<120x128xf32, #tpu.memory_space<vmem>>
      %dma_start3A_239 = arith.constant 0 : i32
      %dma_start3A_240 = tpu.memref_slice %arg8[%add3A_225, %dma_start3A_239] : memref<10112x128xf32, #tpu.memory_space<vmem_shared>> -> memref<120x128xf32, #tpu.memory_space<vmem_shared>>
      tpu.enqueue_dma source(%dma_start3A_240 : memref<120x128xf32, #tpu.memory_space<vmem_shared>>) target(%dma_start3A_238 : memref<120x128xf32, #tpu.memory_space<vmem>>) target_semaphore(%run_scoped3A : memref<!tpu.dma_semaphore, #tpu.memory_space<semaphore_mem>>)
      %dma_wait3A = arith.constant 0 : i32
      %dma_wait3A_241 = arith.constant 0 : i32
      %dma_wait3A_242 = tpu.memref_slice %arg12[%dma_wait3A, %dma_wait3A_241] : memref<128x128xf32, #tpu.memory_space<vmem>> -> memref<120x128xf32, #tpu.memory_space<vmem>>
      %dma_wait3A_243 = arith.constant 0 : i32
      %dma_wait3A_244 = tpu.memref_slice %arg8[%add3A_225, %dma_wait3A_243] : memref<10112x128xf32, #tpu.memory_space<vmem_shared>> -> memref<120x128xf32, #tpu.memory_space<vmem_shared>>
      %dma_wait3A_245 = arith.constant 0 : i32
      %dma_wait3A_246 = arith.constant 0 : i32
      %dma_wait3A_247 = tpu.memref_slice %arg12[%dma_wait3A_245, %dma_wait3A_246] : memref<128x128xf32, #tpu.memory_space<vmem>> -> memref<120x128xf32, #tpu.memory_space<vmem>>
      %dma_wait3A_248 = arith.constant 0 : i32
      %dma_wait3A_249 = tpu.memref_slice %arg8[%add3A_225, %dma_wait3A_248] : memref<10112x128xf32, #tpu.memory_space<vmem_shared>> -> memref<120x128xf32, #tpu.memory_space<vmem_shared>>
      tpu.wait_dma2 semaphore(%run_scoped3A : memref<!tpu.dma_semaphore, #tpu.memory_space<semaphore_mem>>) src(%dma_wait3A_249 : memref<120x128xf32, #tpu.memory_space<vmem_shared>>) dst(%dma_wait3A_247 : memref<120x128xf32, #tpu.memory_space<vmem>>)
      tpu.yield
    }) : () -> ()
    %mul3A_226 = arith.constant 10112 : i32
    %mul3A_227 = arith.muli %add3A_177, %mul3A_226 : i32
    %add3A_228 = arith.addi %mul3A_227, %mul3A_0 : i32
    %add3A_229 = arith.constant 512 : i32
    %add3A_230 = arith.addi %add3A_228, %add3A_229 : i32
    "tpu.region"() ({
      %run_scoped3A = tpu.sem_alloc : memref<!tpu.dma_semaphore, #tpu.memory_space<semaphore_mem>>
      %dma_start3A = arith.constant 0 : i32
      %dma_start3A_232 = arith.constant 0 : i32
      %dma_start3A_233 = tpu.memref_slice %arg12[%dma_start3A, %dma_start3A_232] : memref<128x128xf32, #tpu.memory_space<vmem>> -> memref<120x128xf32, #tpu.memory_space<vmem>>
      %dma_start3A_234 = arith.constant 0 : i32
      %dma_start3A_235 = tpu.memref_slice %arg7[%add3A_230, %dma_start3A_234] : memref<40448x128xf32, #tpu.memory_space<hbm>> -> memref<120x128xf32, #tpu.memory_space<hbm>>
      %dma_start3A_236 = arith.constant 0 : i32
      %dma_start3A_237 = tpu.memref_slice %arg7[%add3A_230, %dma_start3A_236] : memref<40448x128xf32, #tpu.memory_space<hbm>> -> memref<120x128xf32, #tpu.memory_space<hbm>>
      %dma_start3A_238 = arith.constant 0 : i32
      %dma_start3A_239 = arith.constant 0 : i32
      %dma_start3A_240 = tpu.memref_slice %arg12[%dma_start3A_238, %dma_start3A_239] : memref<128x128xf32, #tpu.memory_space<vmem>> -> memref<120x128xf32, #tpu.memory_space<vmem>>
      tpu.enqueue_dma source(%dma_start3A_240 : memref<120x128xf32, #tpu.memory_space<vmem>>) target(%dma_start3A_237 : memref<120x128xf32, #tpu.memory_space<hbm>>) target_semaphore(%run_scoped3A : memref<!tpu.dma_semaphore, #tpu.memory_space<semaphore_mem>>)
      %dma_wait3A = arith.constant 0 : i32
      %dma_wait3A_241 = arith.constant 0 : i32
      %dma_wait3A_242 = tpu.memref_slice %arg12[%dma_wait3A, %dma_wait3A_241] : memref<128x128xf32, #tpu.memory_space<vmem>> -> memref<120x128xf32, #tpu.memory_space<vmem>>
      %dma_wait3A_243 = arith.constant 0 : i32
      %dma_wait3A_244 = tpu.memref_slice %arg7[%add3A_230, %dma_wait3A_243] : memref<40448x128xf32, #tpu.memory_space<hbm>> -> memref<120x128xf32, #tpu.memory_space<hbm>>
      %dma_wait3A_245 = arith.constant 0 : i32
      %dma_wait3A_246 = tpu.memref_slice %arg7[%add3A_230, %dma_wait3A_245] : memref<40448x128xf32, #tpu.memory_space<hbm>> -> memref<120x128xf32, #tpu.memory_space<hbm>>
      %dma_wait3A_247 = arith.constant 0 : i32
      %dma_wait3A_248 = arith.constant 0 : i32
      %dma_wait3A_249 = tpu.memref_slice %arg12[%dma_wait3A_247, %dma_wait3A_248] : memref<128x128xf32, #tpu.memory_space<vmem>> -> memref<120x128xf32, #tpu.memory_space<vmem>>
      tpu.wait_dma2 semaphore(%run_scoped3A : memref<!tpu.dma_semaphore, #tpu.memory_space<semaphore_mem>>) src(%dma_wait3A_249 : memref<120x128xf32, #tpu.memory_space<vmem>>) dst(%dma_wait3A_246 : memref<120x128xf32, #tpu.memory_space<hbm>>)
      tpu.yield
    }) : () -> ()
    %barrier3A_231 = arith.constant 0 : index
    tpu.barrier barrier_id(%barrier3A_231)
    return
  }
}

#map = affine_map<(d0, d1) -> (0, 0)>
#map1 = affine_map<(d0, d1) -> (0)>
module attributes {stable_mosaic.version = 14 : i64} {
  func.func @sc_rgcn_agg(%arg0: i32, %arg1: i32, %arg2: memref<10000x128xf32, #tpu.memory_space<hbm>>, %arg3: memref<964608xi32, #tpu.memory_space<hbm>>, %arg4: memref<640x128xf32, #tpu.memory_space<hbm>>, %arg5: memref<128x128xf32, #tpu.memory_space<hbm>>, %arg6: memref<40448x128xf32, #tpu.memory_space<hbm>>, %arg7: memref<10112x128xf32, #tpu.memory_space<vmem_shared>>, %arg8: memref<128xi32, #tpu.memory_space<vmem>>, %arg9: memref<384xi32, #tpu.memory_space<vmem>>, %arg10: memref<128xi32, #tpu.memory_space<vmem>>, %arg11: memref<128x128xf32, #tpu.memory_space<vmem>>, %arg12: memref<!tpu.dma_semaphore, #tpu.memory_space<semaphore_mem>>) attributes {dimension_semantics = [#tpu.dimension_semantics<core_parallel>, #tpu.dimension_semantics<subcore_parallel>], iteration_bounds = array<i64: 2, 16>, scalar_prefetch = 0 : i64, scratch_operands = 6 : i64, tpu.core_type = #tpu.core_type<sc_vector_subcore>, window_params = [{transform_indices = #map}, {transform_indices = #map1}, {transform_indices = #map}, {transform_indices = #map}, {transform_indices = #map}]} {
    %mul3A = arith.constant 632 : i32
    %mul3A_0 = arith.muli %arg1, %mul3A : i32
    %add3A = arith.constant 10000 : i32
    %add3A_1 = arith.addi %add3A, %arg1 : i32
    %mul3A_2 = arith.constant 2 : i32
    %mul3A_3 = arith.muli %mul3A_2, %arg0 : i32
    %add3A_4 = arith.constant 0 : i32
    %add3A_5 = arith.addi %mul3A_3, %add3A_4 : i32
    "tpu.region"() ({
      %run_scoped3A = tpu.sem_alloc : memref<!tpu.dma_semaphore, #tpu.memory_space<semaphore_mem>>
      %dma_start3A = arith.constant 0 : i32
      %dma_start3A_116 = arith.constant 0 : i32
      %dma_start3A_117 = tpu.memref_slice %arg4[%dma_start3A, %dma_start3A_116] : memref<640x128xf32, #tpu.memory_space<hbm>> -> memref<128x128xf32, #tpu.memory_space<hbm>>
      %dma_start3A_118 = arith.constant 0 : i32
      %dma_start3A_119 = arith.constant 0 : i32
      %dma_start3A_120 = tpu.memref_slice %arg4[%dma_start3A_118, %dma_start3A_119] : memref<640x128xf32, #tpu.memory_space<hbm>> -> memref<128x128xf32, #tpu.memory_space<hbm>>
      tpu.enqueue_dma source(%dma_start3A_120 : memref<128x128xf32, #tpu.memory_space<hbm>>) target(%arg11 : memref<128x128xf32, #tpu.memory_space<vmem>>) target_semaphore(%run_scoped3A : memref<!tpu.dma_semaphore, #tpu.memory_space<semaphore_mem>>)
      %dma_wait3A = arith.constant 0 : i32
      %dma_wait3A_121 = arith.constant 0 : i32
      %dma_wait3A_122 = tpu.memref_slice %arg4[%dma_wait3A, %dma_wait3A_121] : memref<640x128xf32, #tpu.memory_space<hbm>> -> memref<128x128xf32, #tpu.memory_space<hbm>>
      %dma_wait3A_123 = arith.constant 0 : i32
      %dma_wait3A_124 = arith.constant 0 : i32
      %dma_wait3A_125 = tpu.memref_slice %arg4[%dma_wait3A_123, %dma_wait3A_124] : memref<640x128xf32, #tpu.memory_space<hbm>> -> memref<128x128xf32, #tpu.memory_space<hbm>>
      tpu.wait_dma2 semaphore(%run_scoped3A : memref<!tpu.dma_semaphore, #tpu.memory_space<semaphore_mem>>) src(%dma_wait3A_125 : memref<128x128xf32, #tpu.memory_space<hbm>>) dst(%arg11 : memref<128x128xf32, #tpu.memory_space<vmem>>)
      tpu.yield
    }) : () -> ()
    %add3A_6 = arith.constant 0 : i32
    %add3A_7 = arith.addi %mul3A_0, %add3A_6 : i32
    "tpu.region"() ({
      %run_scoped3A = tpu.sem_alloc : memref<!tpu.dma_semaphore, #tpu.memory_space<semaphore_mem>>
      %dma_start3A = arith.constant 0 : i32
      %dma_start3A_116 = arith.constant 0 : i32
      %dma_start3A_117 = tpu.memref_slice %arg11[%dma_start3A, %dma_start3A_116] : memref<128x128xf32, #tpu.memory_space<vmem>> -> memref<128x128xf32, #tpu.memory_space<vmem>>
      %dma_start3A_118 = arith.constant 0 : i32
      %dma_start3A_119 = tpu.memref_slice %arg7[%add3A_7, %dma_start3A_118] : memref<10112x128xf32, #tpu.memory_space<vmem_shared>> -> memref<128x128xf32, #tpu.memory_space<vmem_shared>>
      %dma_start3A_120 = arith.constant 0 : i32
      %dma_start3A_121 = tpu.memref_slice %arg7[%add3A_7, %dma_start3A_120] : memref<10112x128xf32, #tpu.memory_space<vmem_shared>> -> memref<128x128xf32, #tpu.memory_space<vmem_shared>>
      %dma_start3A_122 = arith.constant 0 : i32
      %dma_start3A_123 = arith.constant 0 : i32
      %dma_start3A_124 = tpu.memref_slice %arg11[%dma_start3A_122, %dma_start3A_123] : memref<128x128xf32, #tpu.memory_space<vmem>> -> memref<128x128xf32, #tpu.memory_space<vmem>>
      tpu.enqueue_dma source(%dma_start3A_124 : memref<128x128xf32, #tpu.memory_space<vmem>>) target(%dma_start3A_121 : memref<128x128xf32, #tpu.memory_space<vmem_shared>>) target_semaphore(%run_scoped3A : memref<!tpu.dma_semaphore, #tpu.memory_space<semaphore_mem>>)
      %dma_wait3A = arith.constant 0 : i32
      %dma_wait3A_125 = arith.constant 0 : i32
      %dma_wait3A_126 = tpu.memref_slice %arg11[%dma_wait3A, %dma_wait3A_125] : memref<128x128xf32, #tpu.memory_space<vmem>> -> memref<128x128xf32, #tpu.memory_space<vmem>>
      %dma_wait3A_127 = arith.constant 0 : i32
      %dma_wait3A_128 = tpu.memref_slice %arg7[%add3A_7, %dma_wait3A_127] : memref<10112x128xf32, #tpu.memory_space<vmem_shared>> -> memref<128x128xf32, #tpu.memory_space<vmem_shared>>
      %dma_wait3A_129 = arith.constant 0 : i32
      %dma_wait3A_130 = tpu.memref_slice %arg7[%add3A_7, %dma_wait3A_129] : memref<10112x128xf32, #tpu.memory_space<vmem_shared>> -> memref<128x128xf32, #tpu.memory_space<vmem_shared>>
      %dma_wait3A_131 = arith.constant 0 : i32
      %dma_wait3A_132 = arith.constant 0 : i32
      %dma_wait3A_133 = tpu.memref_slice %arg11[%dma_wait3A_131, %dma_wait3A_132] : memref<128x128xf32, #tpu.memory_space<vmem>> -> memref<128x128xf32, #tpu.memory_space<vmem>>
      tpu.wait_dma2 semaphore(%run_scoped3A : memref<!tpu.dma_semaphore, #tpu.memory_space<semaphore_mem>>) src(%dma_wait3A_133 : memref<128x128xf32, #tpu.memory_space<vmem>>) dst(%dma_wait3A_130 : memref<128x128xf32, #tpu.memory_space<vmem_shared>>)
      tpu.yield
    }) : () -> ()
    %add3A_8 = arith.constant 128 : i32
    %add3A_9 = arith.addi %mul3A_0, %add3A_8 : i32
    "tpu.region"() ({
      %run_scoped3A = tpu.sem_alloc : memref<!tpu.dma_semaphore, #tpu.memory_space<semaphore_mem>>
      %dma_start3A = arith.constant 0 : i32
      %dma_start3A_116 = arith.constant 0 : i32
      %dma_start3A_117 = tpu.memref_slice %arg11[%dma_start3A, %dma_start3A_116] : memref<128x128xf32, #tpu.memory_space<vmem>> -> memref<128x128xf32, #tpu.memory_space<vmem>>
      %dma_start3A_118 = arith.constant 0 : i32
      %dma_start3A_119 = tpu.memref_slice %arg7[%add3A_9, %dma_start3A_118] : memref<10112x128xf32, #tpu.memory_space<vmem_shared>> -> memref<128x128xf32, #tpu.memory_space<vmem_shared>>
      %dma_start3A_120 = arith.constant 0 : i32
      %dma_start3A_121 = tpu.memref_slice %arg7[%add3A_9, %dma_start3A_120] : memref<10112x128xf32, #tpu.memory_space<vmem_shared>> -> memref<128x128xf32, #tpu.memory_space<vmem_shared>>
      %dma_start3A_122 = arith.constant 0 : i32
      %dma_start3A_123 = arith.constant 0 : i32
      %dma_start3A_124 = tpu.memref_slice %arg11[%dma_start3A_122, %dma_start3A_123] : memref<128x128xf32, #tpu.memory_space<vmem>> -> memref<128x128xf32, #tpu.memory_space<vmem>>
      tpu.enqueue_dma source(%dma_start3A_124 : memref<128x128xf32, #tpu.memory_space<vmem>>) target(%dma_start3A_121 : memref<128x128xf32, #tpu.memory_space<vmem_shared>>) target_semaphore(%run_scoped3A : memref<!tpu.dma_semaphore, #tpu.memory_space<semaphore_mem>>)
      %dma_wait3A = arith.constant 0 : i32
      %dma_wait3A_125 = arith.constant 0 : i32
      %dma_wait3A_126 = tpu.memref_slice %arg11[%dma_wait3A, %dma_wait3A_125] : memref<128x128xf32, #tpu.memory_space<vmem>> -> memref<128x128xf32, #tpu.memory_space<vmem>>
      %dma_wait3A_127 = arith.constant 0 : i32
      %dma_wait3A_128 = tpu.memref_slice %arg7[%add3A_9, %dma_wait3A_127] : memref<10112x128xf32, #tpu.memory_space<vmem_shared>> -> memref<128x128xf32, #tpu.memory_space<vmem_shared>>
      %dma_wait3A_129 = arith.constant 0 : i32
      %dma_wait3A_130 = tpu.memref_slice %arg7[%add3A_9, %dma_wait3A_129] : memref<10112x128xf32, #tpu.memory_space<vmem_shared>> -> memref<128x128xf32, #tpu.memory_space<vmem_shared>>
      %dma_wait3A_131 = arith.constant 0 : i32
      %dma_wait3A_132 = arith.constant 0 : i32
      %dma_wait3A_133 = tpu.memref_slice %arg11[%dma_wait3A_131, %dma_wait3A_132] : memref<128x128xf32, #tpu.memory_space<vmem>> -> memref<128x128xf32, #tpu.memory_space<vmem>>
      tpu.wait_dma2 semaphore(%run_scoped3A : memref<!tpu.dma_semaphore, #tpu.memory_space<semaphore_mem>>) src(%dma_wait3A_133 : memref<128x128xf32, #tpu.memory_space<vmem>>) dst(%dma_wait3A_130 : memref<128x128xf32, #tpu.memory_space<vmem_shared>>)
      tpu.yield
    }) : () -> ()
    %add3A_10 = arith.constant 256 : i32
    %add3A_11 = arith.addi %mul3A_0, %add3A_10 : i32
    "tpu.region"() ({
      %run_scoped3A = tpu.sem_alloc : memref<!tpu.dma_semaphore, #tpu.memory_space<semaphore_mem>>
      %dma_start3A = arith.constant 0 : i32
      %dma_start3A_116 = arith.constant 0 : i32
      %dma_start3A_117 = tpu.memref_slice %arg11[%dma_start3A, %dma_start3A_116] : memref<128x128xf32, #tpu.memory_space<vmem>> -> memref<128x128xf32, #tpu.memory_space<vmem>>
      %dma_start3A_118 = arith.constant 0 : i32
      %dma_start3A_119 = tpu.memref_slice %arg7[%add3A_11, %dma_start3A_118] : memref<10112x128xf32, #tpu.memory_space<vmem_shared>> -> memref<128x128xf32, #tpu.memory_space<vmem_shared>>
      %dma_start3A_120 = arith.constant 0 : i32
      %dma_start3A_121 = tpu.memref_slice %arg7[%add3A_11, %dma_start3A_120] : memref<10112x128xf32, #tpu.memory_space<vmem_shared>> -> memref<128x128xf32, #tpu.memory_space<vmem_shared>>
      %dma_start3A_122 = arith.constant 0 : i32
      %dma_start3A_123 = arith.constant 0 : i32
      %dma_start3A_124 = tpu.memref_slice %arg11[%dma_start3A_122, %dma_start3A_123] : memref<128x128xf32, #tpu.memory_space<vmem>> -> memref<128x128xf32, #tpu.memory_space<vmem>>
      tpu.enqueue_dma source(%dma_start3A_124 : memref<128x128xf32, #tpu.memory_space<vmem>>) target(%dma_start3A_121 : memref<128x128xf32, #tpu.memory_space<vmem_shared>>) target_semaphore(%run_scoped3A : memref<!tpu.dma_semaphore, #tpu.memory_space<semaphore_mem>>)
      %dma_wait3A = arith.constant 0 : i32
      %dma_wait3A_125 = arith.constant 0 : i32
      %dma_wait3A_126 = tpu.memref_slice %arg11[%dma_wait3A, %dma_wait3A_125] : memref<128x128xf32, #tpu.memory_space<vmem>> -> memref<128x128xf32, #tpu.memory_space<vmem>>
      %dma_wait3A_127 = arith.constant 0 : i32
      %dma_wait3A_128 = tpu.memref_slice %arg7[%add3A_11, %dma_wait3A_127] : memref<10112x128xf32, #tpu.memory_space<vmem_shared>> -> memref<128x128xf32, #tpu.memory_space<vmem_shared>>
      %dma_wait3A_129 = arith.constant 0 : i32
      %dma_wait3A_130 = tpu.memref_slice %arg7[%add3A_11, %dma_wait3A_129] : memref<10112x128xf32, #tpu.memory_space<vmem_shared>> -> memref<128x128xf32, #tpu.memory_space<vmem_shared>>
      %dma_wait3A_131 = arith.constant 0 : i32
      %dma_wait3A_132 = arith.constant 0 : i32
      %dma_wait3A_133 = tpu.memref_slice %arg11[%dma_wait3A_131, %dma_wait3A_132] : memref<128x128xf32, #tpu.memory_space<vmem>> -> memref<128x128xf32, #tpu.memory_space<vmem>>
      tpu.wait_dma2 semaphore(%run_scoped3A : memref<!tpu.dma_semaphore, #tpu.memory_space<semaphore_mem>>) src(%dma_wait3A_133 : memref<128x128xf32, #tpu.memory_space<vmem>>) dst(%dma_wait3A_130 : memref<128x128xf32, #tpu.memory_space<vmem_shared>>)
      tpu.yield
    }) : () -> ()
    %add3A_12 = arith.constant 384 : i32
    %add3A_13 = arith.addi %mul3A_0, %add3A_12 : i32
    "tpu.region"() ({
      %run_scoped3A = tpu.sem_alloc : memref<!tpu.dma_semaphore, #tpu.memory_space<semaphore_mem>>
      %dma_start3A = arith.constant 0 : i32
      %dma_start3A_116 = arith.constant 0 : i32
      %dma_start3A_117 = tpu.memref_slice %arg11[%dma_start3A, %dma_start3A_116] : memref<128x128xf32, #tpu.memory_space<vmem>> -> memref<128x128xf32, #tpu.memory_space<vmem>>
      %dma_start3A_118 = arith.constant 0 : i32
      %dma_start3A_119 = tpu.memref_slice %arg7[%add3A_13, %dma_start3A_118] : memref<10112x128xf32, #tpu.memory_space<vmem_shared>> -> memref<128x128xf32, #tpu.memory_space<vmem_shared>>
      %dma_start3A_120 = arith.constant 0 : i32
      %dma_start3A_121 = tpu.memref_slice %arg7[%add3A_13, %dma_start3A_120] : memref<10112x128xf32, #tpu.memory_space<vmem_shared>> -> memref<128x128xf32, #tpu.memory_space<vmem_shared>>
      %dma_start3A_122 = arith.constant 0 : i32
      %dma_start3A_123 = arith.constant 0 : i32
      %dma_start3A_124 = tpu.memref_slice %arg11[%dma_start3A_122, %dma_start3A_123] : memref<128x128xf32, #tpu.memory_space<vmem>> -> memref<128x128xf32, #tpu.memory_space<vmem>>
      tpu.enqueue_dma source(%dma_start3A_124 : memref<128x128xf32, #tpu.memory_space<vmem>>) target(%dma_start3A_121 : memref<128x128xf32, #tpu.memory_space<vmem_shared>>) target_semaphore(%run_scoped3A : memref<!tpu.dma_semaphore, #tpu.memory_space<semaphore_mem>>)
      %dma_wait3A = arith.constant 0 : i32
      %dma_wait3A_125 = arith.constant 0 : i32
      %dma_wait3A_126 = tpu.memref_slice %arg11[%dma_wait3A, %dma_wait3A_125] : memref<128x128xf32, #tpu.memory_space<vmem>> -> memref<128x128xf32, #tpu.memory_space<vmem>>
      %dma_wait3A_127 = arith.constant 0 : i32
      %dma_wait3A_128 = tpu.memref_slice %arg7[%add3A_13, %dma_wait3A_127] : memref<10112x128xf32, #tpu.memory_space<vmem_shared>> -> memref<128x128xf32, #tpu.memory_space<vmem_shared>>
      %dma_wait3A_129 = arith.constant 0 : i32
      %dma_wait3A_130 = tpu.memref_slice %arg7[%add3A_13, %dma_wait3A_129] : memref<10112x128xf32, #tpu.memory_space<vmem_shared>> -> memref<128x128xf32, #tpu.memory_space<vmem_shared>>
      %dma_wait3A_131 = arith.constant 0 : i32
      %dma_wait3A_132 = arith.constant 0 : i32
      %dma_wait3A_133 = tpu.memref_slice %arg11[%dma_wait3A_131, %dma_wait3A_132] : memref<128x128xf32, #tpu.memory_space<vmem>> -> memref<128x128xf32, #tpu.memory_space<vmem>>
      tpu.wait_dma2 semaphore(%run_scoped3A : memref<!tpu.dma_semaphore, #tpu.memory_space<semaphore_mem>>) src(%dma_wait3A_133 : memref<128x128xf32, #tpu.memory_space<vmem>>) dst(%dma_wait3A_130 : memref<128x128xf32, #tpu.memory_space<vmem_shared>>)
      tpu.yield
    }) : () -> ()
    %add3A_14 = arith.constant 512 : i32
    %add3A_15 = arith.addi %mul3A_0, %add3A_14 : i32
    "tpu.region"() ({
      %run_scoped3A = tpu.sem_alloc : memref<!tpu.dma_semaphore, #tpu.memory_space<semaphore_mem>>
      %dma_start3A = arith.constant 0 : i32
      %dma_start3A_116 = arith.constant 0 : i32
      %dma_start3A_117 = tpu.memref_slice %arg11[%dma_start3A, %dma_start3A_116] : memref<128x128xf32, #tpu.memory_space<vmem>> -> memref<120x128xf32, #tpu.memory_space<vmem>>
      %dma_start3A_118 = arith.constant 0 : i32
      %dma_start3A_119 = tpu.memref_slice %arg7[%add3A_15, %dma_start3A_118] : memref<10112x128xf32, #tpu.memory_space<vmem_shared>> -> memref<120x128xf32, #tpu.memory_space<vmem_shared>>
      %dma_start3A_120 = arith.constant 0 : i32
      %dma_start3A_121 = tpu.memref_slice %arg7[%add3A_15, %dma_start3A_120] : memref<10112x128xf32, #tpu.memory_space<vmem_shared>> -> memref<120x128xf32, #tpu.memory_space<vmem_shared>>
      %dma_start3A_122 = arith.constant 0 : i32
      %dma_start3A_123 = arith.constant 0 : i32
      %dma_start3A_124 = tpu.memref_slice %arg11[%dma_start3A_122, %dma_start3A_123] : memref<128x128xf32, #tpu.memory_space<vmem>> -> memref<120x128xf32, #tpu.memory_space<vmem>>
      tpu.enqueue_dma source(%dma_start3A_124 : memref<120x128xf32, #tpu.memory_space<vmem>>) target(%dma_start3A_121 : memref<120x128xf32, #tpu.memory_space<vmem_shared>>) target_semaphore(%run_scoped3A : memref<!tpu.dma_semaphore, #tpu.memory_space<semaphore_mem>>)
      %dma_wait3A = arith.constant 0 : i32
      %dma_wait3A_125 = arith.constant 0 : i32
      %dma_wait3A_126 = tpu.memref_slice %arg11[%dma_wait3A, %dma_wait3A_125] : memref<128x128xf32, #tpu.memory_space<vmem>> -> memref<120x128xf32, #tpu.memory_space<vmem>>
      %dma_wait3A_127 = arith.constant 0 : i32
      %dma_wait3A_128 = tpu.memref_slice %arg7[%add3A_15, %dma_wait3A_127] : memref<10112x128xf32, #tpu.memory_space<vmem_shared>> -> memref<120x128xf32, #tpu.memory_space<vmem_shared>>
      %dma_wait3A_129 = arith.constant 0 : i32
      %dma_wait3A_130 = tpu.memref_slice %arg7[%add3A_15, %dma_wait3A_129] : memref<10112x128xf32, #tpu.memory_space<vmem_shared>> -> memref<120x128xf32, #tpu.memory_space<vmem_shared>>
      %dma_wait3A_131 = arith.constant 0 : i32
      %dma_wait3A_132 = arith.constant 0 : i32
      %dma_wait3A_133 = tpu.memref_slice %arg11[%dma_wait3A_131, %dma_wait3A_132] : memref<128x128xf32, #tpu.memory_space<vmem>> -> memref<120x128xf32, #tpu.memory_space<vmem>>
      tpu.wait_dma2 semaphore(%run_scoped3A : memref<!tpu.dma_semaphore, #tpu.memory_space<semaphore_mem>>) src(%dma_wait3A_133 : memref<120x128xf32, #tpu.memory_space<vmem>>) dst(%dma_wait3A_130 : memref<120x128xf32, #tpu.memory_space<vmem_shared>>)
      tpu.yield
    }) : () -> ()
    %barrier3A = arith.constant 0 : index
    tpu.barrier barrier_id(%barrier3A)
    %scan3A = arith.constant 0 : i32
    %scan3A_16 = arith.constant 0 : i32
    %scan3A_17 = arith.constant 157 : i32
    %scan3A_18 = arith.addi %scan3A_16, %scan3A_17 : i32
    %scan3A_19 = arith.constant 1 : i32
    scf.for %scan3A_116 = %scan3A_16 to %scan3A_18 step %scan3A_19  : i32 {
      %mul3A_117 = arith.constant 157 : i32
      %mul3A_118 = arith.muli %arg1, %mul3A_117 : i32
      %add3A_119 = arith.addi %mul3A_118, %scan3A_116 : i32
      %mul3A_120 = arith.constant 3 : i32
      %mul3A_121 = arith.muli %add3A_119, %mul3A_120 : i32
      %mul3A_122 = arith.constant 128 : i32
      %mul3A_123 = arith.muli %mul3A_121, %mul3A_122 : i32
      "tpu.region"() ({
        %run_scoped3A = tpu.sem_alloc : memref<!tpu.dma_semaphore, #tpu.memory_space<semaphore_mem>>
        %dma_start3A_291 = tpu.memref_slice %arg3[%mul3A_123] : memref<964608xi32, #tpu.memory_space<hbm>> -> memref<384xi32, #tpu.memory_space<hbm>>
        %dma_start3A_292 = tpu.memref_slice %arg3[%mul3A_123] : memref<964608xi32, #tpu.memory_space<hbm>> -> memref<384xi32, #tpu.memory_space<hbm>>
        tpu.enqueue_dma source(%dma_start3A_292 : memref<384xi32, #tpu.memory_space<hbm>>) target(%arg9 : memref<384xi32, #tpu.memory_space<vmem>>) target_semaphore(%run_scoped3A : memref<!tpu.dma_semaphore, #tpu.memory_space<semaphore_mem>>)
        %dma_wait3A_293 = tpu.memref_slice %arg3[%mul3A_123] : memref<964608xi32, #tpu.memory_space<hbm>> -> memref<384xi32, #tpu.memory_space<hbm>>
        %dma_wait3A_294 = tpu.memref_slice %arg3[%mul3A_123] : memref<964608xi32, #tpu.memory_space<hbm>> -> memref<384xi32, #tpu.memory_space<hbm>>
        tpu.wait_dma2 semaphore(%run_scoped3A : memref<!tpu.dma_semaphore, #tpu.memory_space<semaphore_mem>>) src(%dma_wait3A_294 : memref<384xi32, #tpu.memory_space<hbm>>) dst(%arg9 : memref<384xi32, #tpu.memory_space<vmem>>)
        tpu.yield
      }) : () -> ()
      %get3A = arith.constant 256 : index
      %get3A_124 = tpu.vector_load %arg9[%get3A] {strides = array<i32>} : memref<384xi32, #tpu.memory_space<vmem>>, vector<16xi32>,
      %get3A_125 = vector.shape_cast %get3A_124 : vector<16xi32> to vector<16xi32>
      %eq3A = vector.broadcast %add3A_5 : i32 to vector<16xi32>
      %eq3A_126 = arith.cmpi eq, %get3A_125, %eq3A : vector<16xi32>
      %get3A_127 = arith.constant 128 : index
      %get3A_128 = tpu.vector_load %arg9[%get3A_127] {strides = array<i32>} : memref<384xi32, #tpu.memory_space<vmem>>, vector<16xi32>,
      %get3A_129 = vector.shape_cast %get3A_128 : vector<16xi32> to vector<16xi32>
      %broadcast_in_dim3A = vector.broadcast %add3A_1 : i32 to vector<16xi32>
      %select_n3A = arith.select %eq3A_126, %get3A_129, %broadcast_in_dim3A : vector<16xi1>, vector<16xi32>
      %swap3A = arith.constant 0 : index
      %swap3A_130 = tpu.vector_load %arg10[%swap3A] {strides = array<i32>} : memref<128xi32, #tpu.memory_space<vmem>>, vector<16xi32>,
      %swap3A_131 = vector.shape_cast %swap3A_130 : vector<16xi32> to vector<16xi32>
      %swap3A_132 = vector.shape_cast %select_n3A : vector<16xi32> to vector<16xi32>
      tpu.vector_store %arg10[%swap3A], %swap3A_132 {strides = array<i32>} : memref<128xi32, #tpu.memory_space<vmem>>, vector<16xi32>,
      %get3A_133 = arith.constant 0 : index
      %get3A_134 = tpu.vector_load %arg9[%get3A_133] {strides = array<i32>} : memref<384xi32, #tpu.memory_space<vmem>>, vector<16xi32>,
      %get3A_135 = vector.shape_cast %get3A_134 : vector<16xi32> to vector<16xi32>
      %swap3A_136 = arith.constant 0 : index
      %swap3A_137 = tpu.vector_load %arg8[%swap3A_136] {strides = array<i32>} : memref<128xi32, #tpu.memory_space<vmem>>, vector<16xi32>,
      %swap3A_138 = vector.shape_cast %swap3A_137 : vector<16xi32> to vector<16xi32>
      %swap3A_139 = vector.shape_cast %get3A_135 : vector<16xi32> to vector<16xi32>
      tpu.vector_store %arg8[%swap3A_136], %swap3A_139 {strides = array<i32>} : memref<128xi32, #tpu.memory_space<vmem>>, vector<16xi32>,
      %get3A_140 = arith.constant 272 : index
      %get3A_141 = tpu.vector_load %arg9[%get3A_140] {strides = array<i32>} : memref<384xi32, #tpu.memory_space<vmem>>, vector<16xi32>,
      %get3A_142 = vector.shape_cast %get3A_141 : vector<16xi32> to vector<16xi32>
      %eq3A_143 = vector.broadcast %add3A_5 : i32 to vector<16xi32>
      %eq3A_144 = arith.cmpi eq, %get3A_142, %eq3A_143 : vector<16xi32>
      %get3A_145 = arith.constant 144 : index
      %get3A_146 = tpu.vector_load %arg9[%get3A_145] {strides = array<i32>} : memref<384xi32, #tpu.memory_space<vmem>>, vector<16xi32>,
      %get3A_147 = vector.shape_cast %get3A_146 : vector<16xi32> to vector<16xi32>
      %broadcast_in_dim3A_148 = vector.broadcast %add3A_1 : i32 to vector<16xi32>
      %select_n3A_149 = arith.select %eq3A_144, %get3A_147, %broadcast_in_dim3A_148 : vector<16xi1>, vector<16xi32>
      %swap3A_150 = arith.constant 16 : index
      %swap3A_151 = tpu.vector_load %arg10[%swap3A_150] {strides = array<i32>} : memref<128xi32, #tpu.memory_space<vmem>>, vector<16xi32>,
      %swap3A_152 = vector.shape_cast %swap3A_151 : vector<16xi32> to vector<16xi32>
      %swap3A_153 = vector.shape_cast %select_n3A_149 : vector<16xi32> to vector<16xi32>
      tpu.vector_store %arg10[%swap3A_150], %swap3A_153 {strides = array<i32>} : memref<128xi32, #tpu.memory_space<vmem>>, vector<16xi32>,
      %get3A_154 = arith.constant 16 : index
      %get3A_155 = tpu.vector_load %arg9[%get3A_154] {strides = array<i32>} : memref<384xi32, #tpu.memory_space<vmem>>, vector<16xi32>,
      %get3A_156 = vector.shape_cast %get3A_155 : vector<16xi32> to vector<16xi32>
      %swap3A_157 = arith.constant 16 : index
      %swap3A_158 = tpu.vector_load %arg8[%swap3A_157] {strides = array<i32>} : memref<128xi32, #tpu.memory_space<vmem>>, vector<16xi32>,
      %swap3A_159 = vector.shape_cast %swap3A_158 : vector<16xi32> to vector<16xi32>
      %swap3A_160 = vector.shape_cast %get3A_156 : vector<16xi32> to vector<16xi32>
      tpu.vector_store %arg8[%swap3A_157], %swap3A_160 {strides = array<i32>} : memref<128xi32, #tpu.memory_space<vmem>>, vector<16xi32>,
      %get3A_161 = arith.constant 288 : index
      %get3A_162 = tpu.vector_load %arg9[%get3A_161] {strides = array<i32>} : memref<384xi32, #tpu.memory_space<vmem>>, vector<16xi32>,
      %get3A_163 = vector.shape_cast %get3A_162 : vector<16xi32> to vector<16xi32>
      %eq3A_164 = vector.broadcast %add3A_5 : i32 to vector<16xi32>
      %eq3A_165 = arith.cmpi eq, %get3A_163, %eq3A_164 : vector<16xi32>
      %get3A_166 = arith.constant 160 : index
      %get3A_167 = tpu.vector_load %arg9[%get3A_166] {strides = array<i32>} : memref<384xi32, #tpu.memory_space<vmem>>, vector<16xi32>,
      %get3A_168 = vector.shape_cast %get3A_167 : vector<16xi32> to vector<16xi32>
      %broadcast_in_dim3A_169 = vector.broadcast %add3A_1 : i32 to vector<16xi32>
      %select_n3A_170 = arith.select %eq3A_165, %get3A_168, %broadcast_in_dim3A_169 : vector<16xi1>, vector<16xi32>
      %swap3A_171 = arith.constant 32 : index
      %swap3A_172 = tpu.vector_load %arg10[%swap3A_171] {strides = array<i32>} : memref<128xi32, #tpu.memory_space<vmem>>, vector<16xi32>,
      %swap3A_173 = vector.shape_cast %swap3A_172 : vector<16xi32> to vector<16xi32>
      %swap3A_174 = vector.shape_cast %select_n3A_170 : vector<16xi32> to vector<16xi32>
      tpu.vector_store %arg10[%swap3A_171], %swap3A_174 {strides = array<i32>} : memref<128xi32, #tpu.memory_space<vmem>>, vector<16xi32>,
      %get3A_175 = arith.constant 32 : index
      %get3A_176 = tpu.vector_load %arg9[%get3A_175] {strides = array<i32>} : memref<384xi32, #tpu.memory_space<vmem>>, vector<16xi32>,
      %get3A_177 = vector.shape_cast %get3A_176 : vector<16xi32> to vector<16xi32>
      %swap3A_178 = arith.constant 32 : index
      %swap3A_179 = tpu.vector_load %arg8[%swap3A_178] {strides = array<i32>} : memref<128xi32, #tpu.memory_space<vmem>>, vector<16xi32>,
      %swap3A_180 = vector.shape_cast %swap3A_179 : vector<16xi32> to vector<16xi32>
      %swap3A_181 = vector.shape_cast %get3A_177 : vector<16xi32> to vector<16xi32>
      tpu.vector_store %arg8[%swap3A_178], %swap3A_181 {strides = array<i32>} : memref<128xi32, #tpu.memory_space<vmem>>, vector<16xi32>,
      %get3A_182 = arith.constant 304 : index
      %get3A_183 = tpu.vector_load %arg9[%get3A_182] {strides = array<i32>} : memref<384xi32, #tpu.memory_space<vmem>>, vector<16xi32>,
      %get3A_184 = vector.shape_cast %get3A_183 : vector<16xi32> to vector<16xi32>
      %eq3A_185 = vector.broadcast %add3A_5 : i32 to vector<16xi32>
      %eq3A_186 = arith.cmpi eq, %get3A_184, %eq3A_185 : vector<16xi32>
      %get3A_187 = arith.constant 176 : index
      %get3A_188 = tpu.vector_load %arg9[%get3A_187] {strides = array<i32>} : memref<384xi32, #tpu.memory_space<vmem>>, vector<16xi32>,
      %get3A_189 = vector.shape_cast %get3A_188 : vector<16xi32> to vector<16xi32>
      %broadcast_in_dim3A_190 = vector.broadcast %add3A_1 : i32 to vector<16xi32>
      %select_n3A_191 = arith.select %eq3A_186, %get3A_189, %broadcast_in_dim3A_190 : vector<16xi1>, vector<16xi32>
      %swap3A_192 = arith.constant 48 : index
      %swap3A_193 = tpu.vector_load %arg10[%swap3A_192] {strides = array<i32>} : memref<128xi32, #tpu.memory_space<vmem>>, vector<16xi32>,
      %swap3A_194 = vector.shape_cast %swap3A_193 : vector<16xi32> to vector<16xi32>
      %swap3A_195 = vector.shape_cast %select_n3A_191 : vector<16xi32> to vector<16xi32>
      tpu.vector_store %arg10[%swap3A_192], %swap3A_195 {strides = array<i32>} : memref<128xi32, #tpu.memory_space<vmem>>, vector<16xi32>,
      %get3A_196 = arith.constant 48 : index
      %get3A_197 = tpu.vector_load %arg9[%get3A_196] {strides = array<i32>} : memref<384xi32, #tpu.memory_space<vmem>>, vector<16xi32>,
      %get3A_198 = vector.shape_cast %get3A_197 : vector<16xi32> to vector<16xi32>
      %swap3A_199 = arith.constant 48 : index
      %swap3A_200 = tpu.vector_load %arg8[%swap3A_199] {strides = array<i32>} : memref<128xi32, #tpu.memory_space<vmem>>, vector<16xi32>,
      %swap3A_201 = vector.shape_cast %swap3A_200 : vector<16xi32> to vector<16xi32>
      %swap3A_202 = vector.shape_cast %get3A_198 : vector<16xi32> to vector<16xi32>
      tpu.vector_store %arg8[%swap3A_199], %swap3A_202 {strides = array<i32>} : memref<128xi32, #tpu.memory_space<vmem>>, vector<16xi32>,
      %get3A_203 = arith.constant 320 : index
      %get3A_204 = tpu.vector_load %arg9[%get3A_203] {strides = array<i32>} : memref<384xi32, #tpu.memory_space<vmem>>, vector<16xi32>,
      %get3A_205 = vector.shape_cast %get3A_204 : vector<16xi32> to vector<16xi32>
      %eq3A_206 = vector.broadcast %add3A_5 : i32 to vector<16xi32>
      %eq3A_207 = arith.cmpi eq, %get3A_205, %eq3A_206 : vector<16xi32>
      %get3A_208 = arith.constant 192 : index
      %get3A_209 = tpu.vector_load %arg9[%get3A_208] {strides = array<i32>} : memref<384xi32, #tpu.memory_space<vmem>>, vector<16xi32>,
      %get3A_210 = vector.shape_cast %get3A_209 : vector<16xi32> to vector<16xi32>
      %broadcast_in_dim3A_211 = vector.broadcast %add3A_1 : i32 to vector<16xi32>
      %select_n3A_212 = arith.select %eq3A_207, %get3A_210, %broadcast_in_dim3A_211 : vector<16xi1>, vector<16xi32>
      %swap3A_213 = arith.constant 64 : index
      %swap3A_214 = tpu.vector_load %arg10[%swap3A_213] {strides = array<i32>} : memref<128xi32, #tpu.memory_space<vmem>>, vector<16xi32>,
      %swap3A_215 = vector.shape_cast %swap3A_214 : vector<16xi32> to vector<16xi32>
      %swap3A_216 = vector.shape_cast %select_n3A_212 : vector<16xi32> to vector<16xi32>
      tpu.vector_store %arg10[%swap3A_213], %swap3A_216 {strides = array<i32>} : memref<128xi32, #tpu.memory_space<vmem>>, vector<16xi32>,
      %get3A_217 = arith.constant 64 : index
      %get3A_218 = tpu.vector_load %arg9[%get3A_217] {strides = array<i32>} : memref<384xi32, #tpu.memory_space<vmem>>, vector<16xi32>,
      %get3A_219 = vector.shape_cast %get3A_218 : vector<16xi32> to vector<16xi32>
      %swap3A_220 = arith.constant 64 : index
      %swap3A_221 = tpu.vector_load %arg8[%swap3A_220] {strides = array<i32>} : memref<128xi32, #tpu.memory_space<vmem>>, vector<16xi32>,
      %swap3A_222 = vector.shape_cast %swap3A_221 : vector<16xi32> to vector<16xi32>
      %swap3A_223 = vector.shape_cast %get3A_219 : vector<16xi32> to vector<16xi32>
      tpu.vector_store %arg8[%swap3A_220], %swap3A_223 {strides = array<i32>} : memref<128xi32, #tpu.memory_space<vmem>>, vector<16xi32>,
      %get3A_224 = arith.constant 336 : index
      %get3A_225 = tpu.vector_load %arg9[%get3A_224] {strides = array<i32>} : memref<384xi32, #tpu.memory_space<vmem>>, vector<16xi32>,
      %get3A_226 = vector.shape_cast %get3A_225 : vector<16xi32> to vector<16xi32>
      %eq3A_227 = vector.broadcast %add3A_5 : i32 to vector<16xi32>
      %eq3A_228 = arith.cmpi eq, %get3A_226, %eq3A_227 : vector<16xi32>
      %get3A_229 = arith.constant 208 : index
      %get3A_230 = tpu.vector_load %arg9[%get3A_229] {strides = array<i32>} : memref<384xi32, #tpu.memory_space<vmem>>, vector<16xi32>,
      %get3A_231 = vector.shape_cast %get3A_230 : vector<16xi32> to vector<16xi32>
      %broadcast_in_dim3A_232 = vector.broadcast %add3A_1 : i32 to vector<16xi32>
      %select_n3A_233 = arith.select %eq3A_228, %get3A_231, %broadcast_in_dim3A_232 : vector<16xi1>, vector<16xi32>
      %swap3A_234 = arith.constant 80 : index
      %swap3A_235 = tpu.vector_load %arg10[%swap3A_234] {strides = array<i32>} : memref<128xi32, #tpu.memory_space<vmem>>, vector<16xi32>,
      %swap3A_236 = vector.shape_cast %swap3A_235 : vector<16xi32> to vector<16xi32>
      %swap3A_237 = vector.shape_cast %select_n3A_233 : vector<16xi32> to vector<16xi32>
      tpu.vector_store %arg10[%swap3A_234], %swap3A_237 {strides = array<i32>} : memref<128xi32, #tpu.memory_space<vmem>>, vector<16xi32>,
      %get3A_238 = arith.constant 80 : index
      %get3A_239 = tpu.vector_load %arg9[%get3A_238] {strides = array<i32>} : memref<384xi32, #tpu.memory_space<vmem>>, vector<16xi32>,
      %get3A_240 = vector.shape_cast %get3A_239 : vector<16xi32> to vector<16xi32>
      %swap3A_241 = arith.constant 80 : index
      %swap3A_242 = tpu.vector_load %arg8[%swap3A_241] {strides = array<i32>} : memref<128xi32, #tpu.memory_space<vmem>>, vector<16xi32>,
      %swap3A_243 = vector.shape_cast %swap3A_242 : vector<16xi32> to vector<16xi32>
      %swap3A_244 = vector.shape_cast %get3A_240 : vector<16xi32> to vector<16xi32>
      tpu.vector_store %arg8[%swap3A_241], %swap3A_244 {strides = array<i32>} : memref<128xi32, #tpu.memory_space<vmem>>, vector<16xi32>,
      %get3A_245 = arith.constant 352 : index
      %get3A_246 = tpu.vector_load %arg9[%get3A_245] {strides = array<i32>} : memref<384xi32, #tpu.memory_space<vmem>>, vector<16xi32>,
      %get3A_247 = vector.shape_cast %get3A_246 : vector<16xi32> to vector<16xi32>
      %eq3A_248 = vector.broadcast %add3A_5 : i32 to vector<16xi32>
      %eq3A_249 = arith.cmpi eq, %get3A_247, %eq3A_248 : vector<16xi32>
      %get3A_250 = arith.constant 224 : index
      %get3A_251 = tpu.vector_load %arg9[%get3A_250] {strides = array<i32>} : memref<384xi32, #tpu.memory_space<vmem>>, vector<16xi32>,
      %get3A_252 = vector.shape_cast %get3A_251 : vector<16xi32> to vector<16xi32>
      %broadcast_in_dim3A_253 = vector.broadcast %add3A_1 : i32 to vector<16xi32>
      %select_n3A_254 = arith.select %eq3A_249, %get3A_252, %broadcast_in_dim3A_253 : vector<16xi1>, vector<16xi32>
      %swap3A_255 = arith.constant 96 : index
      %swap3A_256 = tpu.vector_load %arg10[%swap3A_255] {strides = array<i32>} : memref<128xi32, #tpu.memory_space<vmem>>, vector<16xi32>,
      %swap3A_257 = vector.shape_cast %swap3A_256 : vector<16xi32> to vector<16xi32>
      %swap3A_258 = vector.shape_cast %select_n3A_254 : vector<16xi32> to vector<16xi32>
      tpu.vector_store %arg10[%swap3A_255], %swap3A_258 {strides = array<i32>} : memref<128xi32, #tpu.memory_space<vmem>>, vector<16xi32>,
      %get3A_259 = arith.constant 96 : index
      %get3A_260 = tpu.vector_load %arg9[%get3A_259] {strides = array<i32>} : memref<384xi32, #tpu.memory_space<vmem>>, vector<16xi32>,
      %get3A_261 = vector.shape_cast %get3A_260 : vector<16xi32> to vector<16xi32>
      %swap3A_262 = arith.constant 96 : index
      %swap3A_263 = tpu.vector_load %arg8[%swap3A_262] {strides = array<i32>} : memref<128xi32, #tpu.memory_space<vmem>>, vector<16xi32>,
      %swap3A_264 = vector.shape_cast %swap3A_263 : vector<16xi32> to vector<16xi32>
      %swap3A_265 = vector.shape_cast %get3A_261 : vector<16xi32> to vector<16xi32>
      tpu.vector_store %arg8[%swap3A_262], %swap3A_265 {strides = array<i32>} : memref<128xi32, #tpu.memory_space<vmem>>, vector<16xi32>,
      %get3A_266 = arith.constant 368 : index
      %get3A_267 = tpu.vector_load %arg9[%get3A_266] {strides = array<i32>} : memref<384xi32, #tpu.memory_space<vmem>>, vector<16xi32>,
      %get3A_268 = vector.shape_cast %get3A_267 : vector<16xi32> to vector<16xi32>
      %eq3A_269 = vector.broadcast %add3A_5 : i32 to vector<16xi32>
      %eq3A_270 = arith.cmpi eq, %get3A_268, %eq3A_269 : vector<16xi32>
      %get3A_271 = arith.constant 240 : index
      %get3A_272 = tpu.vector_load %arg9[%get3A_271] {strides = array<i32>} : memref<384xi32, #tpu.memory_space<vmem>>, vector<16xi32>,
      %get3A_273 = vector.shape_cast %get3A_272 : vector<16xi32> to vector<16xi32>
      %broadcast_in_dim3A_274 = vector.broadcast %add3A_1 : i32 to vector<16xi32>
      %select_n3A_275 = arith.select %eq3A_270, %get3A_273, %broadcast_in_dim3A_274 : vector<16xi1>, vector<16xi32>
      %swap3A_276 = arith.constant 112 : index
      %swap3A_277 = tpu.vector_load %arg10[%swap3A_276] {strides = array<i32>} : memref<128xi32, #tpu.memory_space<vmem>>, vector<16xi32>,
      %swap3A_278 = vector.shape_cast %swap3A_277 : vector<16xi32> to vector<16xi32>
      %swap3A_279 = vector.shape_cast %select_n3A_275 : vector<16xi32> to vector<16xi32>
      tpu.vector_store %arg10[%swap3A_276], %swap3A_279 {strides = array<i32>} : memref<128xi32, #tpu.memory_space<vmem>>, vector<16xi32>,
      %get3A_280 = arith.constant 112 : index
      %get3A_281 = tpu.vector_load %arg9[%get3A_280] {strides = array<i32>} : memref<384xi32, #tpu.memory_space<vmem>>, vector<16xi32>,
      %get3A_282 = vector.shape_cast %get3A_281 : vector<16xi32> to vector<16xi32>
      %swap3A_283 = arith.constant 112 : index
      %swap3A_284 = tpu.vector_load %arg8[%swap3A_283] {strides = array<i32>} : memref<128xi32, #tpu.memory_space<vmem>>, vector<16xi32>,
      %swap3A_285 = vector.shape_cast %swap3A_284 : vector<16xi32> to vector<16xi32>
      %swap3A_286 = vector.shape_cast %get3A_282 : vector<16xi32> to vector<16xi32>
      tpu.vector_store %arg8[%swap3A_283], %swap3A_286 {strides = array<i32>} : memref<128xi32, #tpu.memory_space<vmem>>, vector<16xi32>,
      %dma_start3A = arith.constant 0 : i32
      %dma_start3A_287 = arith.constant 0 : i32
      %dma_start3A_288 = tpu.memref_slice %arg2[%dma_start3A, %dma_start3A_287] : memref<10000x128xf32, #tpu.memory_space<hbm>> -> memref<10000x128xf32, #tpu.memory_space<hbm>>
      tpu.enqueue_indirect_dma source(%dma_start3A_288 : memref<10000x128xf32, #tpu.memory_space<hbm>>) target(%arg11 : memref<128x128xf32, #tpu.memory_space<vmem>>) offsets(%arg8 : memref<128xi32, #tpu.memory_space<vmem>>) semaphore(%arg12 : memref<!tpu.dma_semaphore, #tpu.memory_space<semaphore_mem>>)
      %dma_wait3A = arith.constant 0 : i32
      %dma_wait3A_289 = arith.constant 0 : i32
      %dma_wait3A_290 = tpu.memref_slice %arg2[%dma_wait3A, %dma_wait3A_289] : memref<10000x128xf32, #tpu.memory_space<hbm>> -> memref<10000x128xf32, #tpu.memory_space<hbm>>
      tpu.wait_indirect_dma semaphore(%arg12 : memref<!tpu.dma_semaphore, #tpu.memory_space<semaphore_mem>>) src(%dma_wait3A_290 : memref<10000x128xf32, #tpu.memory_space<hbm>>) dst(%arg11 : memref<128x128xf32, #tpu.memory_space<vmem>>)
      "tpu.region"() ({
        %run_scoped3A = tpu.sem_alloc : memref<!tpu.dma_semaphore, #tpu.memory_space<semaphore_mem>>
        %dma_start3A_291 = arith.constant 0 : i32
        %dma_start3A_292 = arith.constant 0 : i32
        %dma_start3A_293 = tpu.memref_slice %arg7[%dma_start3A_291, %dma_start3A_292] : memref<10112x128xf32, #tpu.memory_space<vmem_shared>> -> memref<10112x128xf32, #tpu.memory_space<vmem_shared>>
        tpu.enqueue_indirect_dma source(%arg11 : memref<128x128xf32, #tpu.memory_space<vmem>>) target(%dma_start3A_293 : memref<10112x128xf32, #tpu.memory_space<vmem_shared>>) offsets(%arg10 : memref<128xi32, #tpu.memory_space<vmem>>) semaphore(%run_scoped3A : memref<!tpu.dma_semaphore, #tpu.memory_space<semaphore_mem>>) {add = true}
        %dma_wait3A_294 = arith.constant 0 : i32
        %dma_wait3A_295 = arith.constant 0 : i32
        %dma_wait3A_296 = tpu.memref_slice %arg7[%dma_wait3A_294, %dma_wait3A_295] : memref<10112x128xf32, #tpu.memory_space<vmem_shared>> -> memref<10112x128xf32, #tpu.memory_space<vmem_shared>>
        tpu.wait_indirect_dma semaphore(%run_scoped3A : memref<!tpu.dma_semaphore, #tpu.memory_space<semaphore_mem>>) src(%arg11 : memref<128x128xf32, #tpu.memory_space<vmem>>) dst(%dma_wait3A_296 : memref<10112x128xf32, #tpu.memory_space<vmem_shared>>)
        tpu.yield
      }) : () -> ()
    }
    %scan3A_20 = arith.constant 157 : i32
    %barrier3A_21 = arith.constant 0 : index
    tpu.barrier barrier_id(%barrier3A_21)
    %add3A_22 = arith.constant 0 : i32
    %add3A_23 = arith.addi %mul3A_0, %add3A_22 : i32
    "tpu.region"() ({
      %run_scoped3A = tpu.sem_alloc : memref<!tpu.dma_semaphore, #tpu.memory_space<semaphore_mem>>
      %dma_start3A = arith.constant 0 : i32
      %dma_start3A_116 = arith.constant 0 : i32
      %dma_start3A_117 = tpu.memref_slice %arg11[%dma_start3A, %dma_start3A_116] : memref<128x128xf32, #tpu.memory_space<vmem>> -> memref<128x128xf32, #tpu.memory_space<vmem>>
      %dma_start3A_118 = arith.constant 0 : i32
      %dma_start3A_119 = tpu.memref_slice %arg7[%add3A_23, %dma_start3A_118] : memref<10112x128xf32, #tpu.memory_space<vmem_shared>> -> memref<128x128xf32, #tpu.memory_space<vmem_shared>>
      %dma_start3A_120 = arith.constant 0 : i32
      %dma_start3A_121 = arith.constant 0 : i32
      %dma_start3A_122 = tpu.memref_slice %arg11[%dma_start3A_120, %dma_start3A_121] : memref<128x128xf32, #tpu.memory_space<vmem>> -> memref<128x128xf32, #tpu.memory_space<vmem>>
      %dma_start3A_123 = arith.constant 0 : i32
      %dma_start3A_124 = tpu.memref_slice %arg7[%add3A_23, %dma_start3A_123] : memref<10112x128xf32, #tpu.memory_space<vmem_shared>> -> memref<128x128xf32, #tpu.memory_space<vmem_shared>>
      tpu.enqueue_dma source(%dma_start3A_124 : memref<128x128xf32, #tpu.memory_space<vmem_shared>>) target(%dma_start3A_122 : memref<128x128xf32, #tpu.memory_space<vmem>>) target_semaphore(%run_scoped3A : memref<!tpu.dma_semaphore, #tpu.memory_space<semaphore_mem>>)
      %dma_wait3A = arith.constant 0 : i32
      %dma_wait3A_125 = arith.constant 0 : i32
      %dma_wait3A_126 = tpu.memref_slice %arg11[%dma_wait3A, %dma_wait3A_125] : memref<128x128xf32, #tpu.memory_space<vmem>> -> memref<128x128xf32, #tpu.memory_space<vmem>>
      %dma_wait3A_127 = arith.constant 0 : i32
      %dma_wait3A_128 = tpu.memref_slice %arg7[%add3A_23, %dma_wait3A_127] : memref<10112x128xf32, #tpu.memory_space<vmem_shared>> -> memref<128x128xf32, #tpu.memory_space<vmem_shared>>
      %dma_wait3A_129 = arith.constant 0 : i32
      %dma_wait3A_130 = arith.constant 0 : i32
      %dma_wait3A_131 = tpu.memref_slice %arg11[%dma_wait3A_129, %dma_wait3A_130] : memref<128x128xf32, #tpu.memory_space<vmem>> -> memref<128x128xf32, #tpu.memory_space<vmem>>
      %dma_wait3A_132 = arith.constant 0 : i32
      %dma_wait3A_133 = tpu.memref_slice %arg7[%add3A_23, %dma_wait3A_132] : memref<10112x128xf32, #tpu.memory_space<vmem_shared>> -> memref<128x128xf32, #tpu.memory_space<vmem_shared>>
      tpu.wait_dma2 semaphore(%run_scoped3A : memref<!tpu.dma_semaphore, #tpu.memory_space<semaphore_mem>>) src(%dma_wait3A_133 : memref<128x128xf32, #tpu.memory_space<vmem_shared>>) dst(%dma_wait3A_131 : memref<128x128xf32, #tpu.memory_space<vmem>>)
      tpu.yield
    }) : () -> ()
    %mul3A_24 = arith.constant 10112 : i32
    %mul3A_25 = arith.muli %add3A_5, %mul3A_24 : i32
    %add3A_26 = arith.addi %mul3A_25, %mul3A_0 : i32
    %add3A_27 = arith.constant 0 : i32
    %add3A_28 = arith.addi %add3A_26, %add3A_27 : i32
    "tpu.region"() ({
      %run_scoped3A = tpu.sem_alloc : memref<!tpu.dma_semaphore, #tpu.memory_space<semaphore_mem>>
      %dma_start3A = arith.constant 0 : i32
      %dma_start3A_116 = arith.constant 0 : i32
      %dma_start3A_117 = tpu.memref_slice %arg11[%dma_start3A, %dma_start3A_116] : memref<128x128xf32, #tpu.memory_space<vmem>> -> memref<128x128xf32, #tpu.memory_space<vmem>>
      %dma_start3A_118 = arith.constant 0 : i32
      %dma_start3A_119 = tpu.memref_slice %arg6[%add3A_28, %dma_start3A_118] : memref<40448x128xf32, #tpu.memory_space<hbm>> -> memref<128x128xf32, #tpu.memory_space<hbm>>
      %dma_start3A_120 = arith.constant 0 : i32
      %dma_start3A_121 = tpu.memref_slice %arg6[%add3A_28, %dma_start3A_120] : memref<40448x128xf32, #tpu.memory_space<hbm>> -> memref<128x128xf32, #tpu.memory_space<hbm>>
      %dma_start3A_122 = arith.constant 0 : i32
      %dma_start3A_123 = arith.constant 0 : i32
      %dma_start3A_124 = tpu.memref_slice %arg11[%dma_start3A_122, %dma_start3A_123] : memref<128x128xf32, #tpu.memory_space<vmem>> -> memref<128x128xf32, #tpu.memory_space<vmem>>
      tpu.enqueue_dma source(%dma_start3A_124 : memref<128x128xf32, #tpu.memory_space<vmem>>) target(%dma_start3A_121 : memref<128x128xf32, #tpu.memory_space<hbm>>) target_semaphore(%run_scoped3A : memref<!tpu.dma_semaphore, #tpu.memory_space<semaphore_mem>>)
      %dma_wait3A = arith.constant 0 : i32
      %dma_wait3A_125 = arith.constant 0 : i32
      %dma_wait3A_126 = tpu.memref_slice %arg11[%dma_wait3A, %dma_wait3A_125] : memref<128x128xf32, #tpu.memory_space<vmem>> -> memref<128x128xf32, #tpu.memory_space<vmem>>
      %dma_wait3A_127 = arith.constant 0 : i32
      %dma_wait3A_128 = tpu.memref_slice %arg6[%add3A_28, %dma_wait3A_127] : memref<40448x128xf32, #tpu.memory_space<hbm>> -> memref<128x128xf32, #tpu.memory_space<hbm>>
      %dma_wait3A_129 = arith.constant 0 : i32
      %dma_wait3A_130 = tpu.memref_slice %arg6[%add3A_28, %dma_wait3A_129] : memref<40448x128xf32, #tpu.memory_space<hbm>> -> memref<128x128xf32, #tpu.memory_space<hbm>>
      %dma_wait3A_131 = arith.constant 0 : i32
      %dma_wait3A_132 = arith.constant 0 : i32
      %dma_wait3A_133 = tpu.memref_slice %arg11[%dma_wait3A_131, %dma_wait3A_132] : memref<128x128xf32, #tpu.memory_space<vmem>> -> memref<128x128xf32, #tpu.memory_space<vmem>>
      tpu.wait_dma2 semaphore(%run_scoped3A : memref<!tpu.dma_semaphore, #tpu.memory_space<semaphore_mem>>) src(%dma_wait3A_133 : memref<128x128xf32, #tpu.memory_space<vmem>>) dst(%dma_wait3A_130 : memref<128x128xf32, #tpu.memory_space<hbm>>)
      tpu.yield
    }) : () -> ()
    %add3A_29 = arith.constant 128 : i32
    %add3A_30 = arith.addi %mul3A_0, %add3A_29 : i32
    "tpu.region"() ({
      %run_scoped3A = tpu.sem_alloc : memref<!tpu.dma_semaphore, #tpu.memory_space<semaphore_mem>>
      %dma_start3A = arith.constant 0 : i32
      %dma_start3A_116 = arith.constant 0 : i32
      %dma_start3A_117 = tpu.memref_slice %arg11[%dma_start3A, %dma_start3A_116] : memref<128x128xf32, #tpu.memory_space<vmem>> -> memref<128x128xf32, #tpu.memory_space<vmem>>
      %dma_start3A_118 = arith.constant 0 : i32
      %dma_start3A_119 = tpu.memref_slice %arg7[%add3A_30, %dma_start3A_118] : memref<10112x128xf32, #tpu.memory_space<vmem_shared>> -> memref<128x128xf32, #tpu.memory_space<vmem_shared>>
      %dma_start3A_120 = arith.constant 0 : i32
      %dma_start3A_121 = arith.constant 0 : i32
      %dma_start3A_122 = tpu.memref_slice %arg11[%dma_start3A_120, %dma_start3A_121] : memref<128x128xf32, #tpu.memory_space<vmem>> -> memref<128x128xf32, #tpu.memory_space<vmem>>
      %dma_start3A_123 = arith.constant 0 : i32
      %dma_start3A_124 = tpu.memref_slice %arg7[%add3A_30, %dma_start3A_123] : memref<10112x128xf32, #tpu.memory_space<vmem_shared>> -> memref<128x128xf32, #tpu.memory_space<vmem_shared>>
      tpu.enqueue_dma source(%dma_start3A_124 : memref<128x128xf32, #tpu.memory_space<vmem_shared>>) target(%dma_start3A_122 : memref<128x128xf32, #tpu.memory_space<vmem>>) target_semaphore(%run_scoped3A : memref<!tpu.dma_semaphore, #tpu.memory_space<semaphore_mem>>)
      %dma_wait3A = arith.constant 0 : i32
      %dma_wait3A_125 = arith.constant 0 : i32
      %dma_wait3A_126 = tpu.memref_slice %arg11[%dma_wait3A, %dma_wait3A_125] : memref<128x128xf32, #tpu.memory_space<vmem>> -> memref<128x128xf32, #tpu.memory_space<vmem>>
      %dma_wait3A_127 = arith.constant 0 : i32
      %dma_wait3A_128 = tpu.memref_slice %arg7[%add3A_30, %dma_wait3A_127] : memref<10112x128xf32, #tpu.memory_space<vmem_shared>> -> memref<128x128xf32, #tpu.memory_space<vmem_shared>>
      %dma_wait3A_129 = arith.constant 0 : i32
      %dma_wait3A_130 = arith.constant 0 : i32
      %dma_wait3A_131 = tpu.memref_slice %arg11[%dma_wait3A_129, %dma_wait3A_130] : memref<128x128xf32, #tpu.memory_space<vmem>> -> memref<128x128xf32, #tpu.memory_space<vmem>>
      %dma_wait3A_132 = arith.constant 0 : i32
      %dma_wait3A_133 = tpu.memref_slice %arg7[%add3A_30, %dma_wait3A_132] : memref<10112x128xf32, #tpu.memory_space<vmem_shared>> -> memref<128x128xf32, #tpu.memory_space<vmem_shared>>
      tpu.wait_dma2 semaphore(%run_scoped3A : memref<!tpu.dma_semaphore, #tpu.memory_space<semaphore_mem>>) src(%dma_wait3A_133 : memref<128x128xf32, #tpu.memory_space<vmem_shared>>) dst(%dma_wait3A_131 : memref<128x128xf32, #tpu.memory_space<vmem>>)
      tpu.yield
    }) : () -> ()
    %mul3A_31 = arith.constant 10112 : i32
    %mul3A_32 = arith.muli %add3A_5, %mul3A_31 : i32
    %add3A_33 = arith.addi %mul3A_32, %mul3A_0 : i32
    %add3A_34 = arith.constant 128 : i32
    %add3A_35 = arith.addi %add3A_33, %add3A_34 : i32
    "tpu.region"() ({
      %run_scoped3A = tpu.sem_alloc : memref<!tpu.dma_semaphore, #tpu.memory_space<semaphore_mem>>
      %dma_start3A = arith.constant 0 : i32
      %dma_start3A_116 = arith.constant 0 : i32
      %dma_start3A_117 = tpu.memref_slice %arg11[%dma_start3A, %dma_start3A_116] : memref<128x128xf32, #tpu.memory_space<vmem>> -> memref<128x128xf32, #tpu.memory_space<vmem>>
      %dma_start3A_118 = arith.constant 0 : i32
      %dma_start3A_119 = tpu.memref_slice %arg6[%add3A_35, %dma_start3A_118] : memref<40448x128xf32, #tpu.memory_space<hbm>> -> memref<128x128xf32, #tpu.memory_space<hbm>>
      %dma_start3A_120 = arith.constant 0 : i32
      %dma_start3A_121 = tpu.memref_slice %arg6[%add3A_35, %dma_start3A_120] : memref<40448x128xf32, #tpu.memory_space<hbm>> -> memref<128x128xf32, #tpu.memory_space<hbm>>
      %dma_start3A_122 = arith.constant 0 : i32
      %dma_start3A_123 = arith.constant 0 : i32
      %dma_start3A_124 = tpu.memref_slice %arg11[%dma_start3A_122, %dma_start3A_123] : memref<128x128xf32, #tpu.memory_space<vmem>> -> memref<128x128xf32, #tpu.memory_space<vmem>>
      tpu.enqueue_dma source(%dma_start3A_124 : memref<128x128xf32, #tpu.memory_space<vmem>>) target(%dma_start3A_121 : memref<128x128xf32, #tpu.memory_space<hbm>>) target_semaphore(%run_scoped3A : memref<!tpu.dma_semaphore, #tpu.memory_space<semaphore_mem>>)
      %dma_wait3A = arith.constant 0 : i32
      %dma_wait3A_125 = arith.constant 0 : i32
      %dma_wait3A_126 = tpu.memref_slice %arg11[%dma_wait3A, %dma_wait3A_125] : memref<128x128xf32, #tpu.memory_space<vmem>> -> memref<128x128xf32, #tpu.memory_space<vmem>>
      %dma_wait3A_127 = arith.constant 0 : i32
      %dma_wait3A_128 = tpu.memref_slice %arg6[%add3A_35, %dma_wait3A_127] : memref<40448x128xf32, #tpu.memory_space<hbm>> -> memref<128x128xf32, #tpu.memory_space<hbm>>
      %dma_wait3A_129 = arith.constant 0 : i32
      %dma_wait3A_130 = tpu.memref_slice %arg6[%add3A_35, %dma_wait3A_129] : memref<40448x128xf32, #tpu.memory_space<hbm>> -> memref<128x128xf32, #tpu.memory_space<hbm>>
      %dma_wait3A_131 = arith.constant 0 : i32
      %dma_wait3A_132 = arith.constant 0 : i32
      %dma_wait3A_133 = tpu.memref_slice %arg11[%dma_wait3A_131, %dma_wait3A_132] : memref<128x128xf32, #tpu.memory_space<vmem>> -> memref<128x128xf32, #tpu.memory_space<vmem>>
      tpu.wait_dma2 semaphore(%run_scoped3A : memref<!tpu.dma_semaphore, #tpu.memory_space<semaphore_mem>>) src(%dma_wait3A_133 : memref<128x128xf32, #tpu.memory_space<vmem>>) dst(%dma_wait3A_130 : memref<128x128xf32, #tpu.memory_space<hbm>>)
      tpu.yield
    }) : () -> ()
    %add3A_36 = arith.constant 256 : i32
    %add3A_37 = arith.addi %mul3A_0, %add3A_36 : i32
    "tpu.region"() ({
      %run_scoped3A = tpu.sem_alloc : memref<!tpu.dma_semaphore, #tpu.memory_space<semaphore_mem>>
      %dma_start3A = arith.constant 0 : i32
      %dma_start3A_116 = arith.constant 0 : i32
      %dma_start3A_117 = tpu.memref_slice %arg11[%dma_start3A, %dma_start3A_116] : memref<128x128xf32, #tpu.memory_space<vmem>> -> memref<128x128xf32, #tpu.memory_space<vmem>>
      %dma_start3A_118 = arith.constant 0 : i32
      %dma_start3A_119 = tpu.memref_slice %arg7[%add3A_37, %dma_start3A_118] : memref<10112x128xf32, #tpu.memory_space<vmem_shared>> -> memref<128x128xf32, #tpu.memory_space<vmem_shared>>
      %dma_start3A_120 = arith.constant 0 : i32
      %dma_start3A_121 = arith.constant 0 : i32
      %dma_start3A_122 = tpu.memref_slice %arg11[%dma_start3A_120, %dma_start3A_121] : memref<128x128xf32, #tpu.memory_space<vmem>> -> memref<128x128xf32, #tpu.memory_space<vmem>>
      %dma_start3A_123 = arith.constant 0 : i32
      %dma_start3A_124 = tpu.memref_slice %arg7[%add3A_37, %dma_start3A_123] : memref<10112x128xf32, #tpu.memory_space<vmem_shared>> -> memref<128x128xf32, #tpu.memory_space<vmem_shared>>
      tpu.enqueue_dma source(%dma_start3A_124 : memref<128x128xf32, #tpu.memory_space<vmem_shared>>) target(%dma_start3A_122 : memref<128x128xf32, #tpu.memory_space<vmem>>) target_semaphore(%run_scoped3A : memref<!tpu.dma_semaphore, #tpu.memory_space<semaphore_mem>>)
      %dma_wait3A = arith.constant 0 : i32
      %dma_wait3A_125 = arith.constant 0 : i32
      %dma_wait3A_126 = tpu.memref_slice %arg11[%dma_wait3A, %dma_wait3A_125] : memref<128x128xf32, #tpu.memory_space<vmem>> -> memref<128x128xf32, #tpu.memory_space<vmem>>
      %dma_wait3A_127 = arith.constant 0 : i32
      %dma_wait3A_128 = tpu.memref_slice %arg7[%add3A_37, %dma_wait3A_127] : memref<10112x128xf32, #tpu.memory_space<vmem_shared>> -> memref<128x128xf32, #tpu.memory_space<vmem_shared>>
      %dma_wait3A_129 = arith.constant 0 : i32
      %dma_wait3A_130 = arith.constant 0 : i32
      %dma_wait3A_131 = tpu.memref_slice %arg11[%dma_wait3A_129, %dma_wait3A_130] : memref<128x128xf32, #tpu.memory_space<vmem>> -> memref<128x128xf32, #tpu.memory_space<vmem>>
      %dma_wait3A_132 = arith.constant 0 : i32
      %dma_wait3A_133 = tpu.memref_slice %arg7[%add3A_37, %dma_wait3A_132] : memref<10112x128xf32, #tpu.memory_space<vmem_shared>> -> memref<128x128xf32, #tpu.memory_space<vmem_shared>>
      tpu.wait_dma2 semaphore(%run_scoped3A : memref<!tpu.dma_semaphore, #tpu.memory_space<semaphore_mem>>) src(%dma_wait3A_133 : memref<128x128xf32, #tpu.memory_space<vmem_shared>>) dst(%dma_wait3A_131 : memref<128x128xf32, #tpu.memory_space<vmem>>)
      tpu.yield
    }) : () -> ()
    %mul3A_38 = arith.constant 10112 : i32
    %mul3A_39 = arith.muli %add3A_5, %mul3A_38 : i32
    %add3A_40 = arith.addi %mul3A_39, %mul3A_0 : i32
    %add3A_41 = arith.constant 256 : i32
    %add3A_42 = arith.addi %add3A_40, %add3A_41 : i32
    "tpu.region"() ({
      %run_scoped3A = tpu.sem_alloc : memref<!tpu.dma_semaphore, #tpu.memory_space<semaphore_mem>>
      %dma_start3A = arith.constant 0 : i32
      %dma_start3A_116 = arith.constant 0 : i32
      %dma_start3A_117 = tpu.memref_slice %arg11[%dma_start3A, %dma_start3A_116] : memref<128x128xf32, #tpu.memory_space<vmem>> -> memref<128x128xf32, #tpu.memory_space<vmem>>
      %dma_start3A_118 = arith.constant 0 : i32
      %dma_start3A_119 = tpu.memref_slice %arg6[%add3A_42, %dma_start3A_118] : memref<40448x128xf32, #tpu.memory_space<hbm>> -> memref<128x128xf32, #tpu.memory_space<hbm>>
      %dma_start3A_120 = arith.constant 0 : i32
      %dma_start3A_121 = tpu.memref_slice %arg6[%add3A_42, %dma_start3A_120] : memref<40448x128xf32, #tpu.memory_space<hbm>> -> memref<128x128xf32, #tpu.memory_space<hbm>>
      %dma_start3A_122 = arith.constant 0 : i32
      %dma_start3A_123 = arith.constant 0 : i32
      %dma_start3A_124 = tpu.memref_slice %arg11[%dma_start3A_122, %dma_start3A_123] : memref<128x128xf32, #tpu.memory_space<vmem>> -> memref<128x128xf32, #tpu.memory_space<vmem>>
      tpu.enqueue_dma source(%dma_start3A_124 : memref<128x128xf32, #tpu.memory_space<vmem>>) target(%dma_start3A_121 : memref<128x128xf32, #tpu.memory_space<hbm>>) target_semaphore(%run_scoped3A : memref<!tpu.dma_semaphore, #tpu.memory_space<semaphore_mem>>)
      %dma_wait3A = arith.constant 0 : i32
      %dma_wait3A_125 = arith.constant 0 : i32
      %dma_wait3A_126 = tpu.memref_slice %arg11[%dma_wait3A, %dma_wait3A_125] : memref<128x128xf32, #tpu.memory_space<vmem>> -> memref<128x128xf32, #tpu.memory_space<vmem>>
      %dma_wait3A_127 = arith.constant 0 : i32
      %dma_wait3A_128 = tpu.memref_slice %arg6[%add3A_42, %dma_wait3A_127] : memref<40448x128xf32, #tpu.memory_space<hbm>> -> memref<128x128xf32, #tpu.memory_space<hbm>>
      %dma_wait3A_129 = arith.constant 0 : i32
      %dma_wait3A_130 = tpu.memref_slice %arg6[%add3A_42, %dma_wait3A_129] : memref<40448x128xf32, #tpu.memory_space<hbm>> -> memref<128x128xf32, #tpu.memory_space<hbm>>
      %dma_wait3A_131 = arith.constant 0 : i32
      %dma_wait3A_132 = arith.constant 0 : i32
      %dma_wait3A_133 = tpu.memref_slice %arg11[%dma_wait3A_131, %dma_wait3A_132] : memref<128x128xf32, #tpu.memory_space<vmem>> -> memref<128x128xf32, #tpu.memory_space<vmem>>
      tpu.wait_dma2 semaphore(%run_scoped3A : memref<!tpu.dma_semaphore, #tpu.memory_space<semaphore_mem>>) src(%dma_wait3A_133 : memref<128x128xf32, #tpu.memory_space<vmem>>) dst(%dma_wait3A_130 : memref<128x128xf32, #tpu.memory_space<hbm>>)
      tpu.yield
    }) : () -> ()
    %add3A_43 = arith.constant 384 : i32
    %add3A_44 = arith.addi %mul3A_0, %add3A_43 : i32
    "tpu.region"() ({
      %run_scoped3A = tpu.sem_alloc : memref<!tpu.dma_semaphore, #tpu.memory_space<semaphore_mem>>
      %dma_start3A = arith.constant 0 : i32
      %dma_start3A_116 = arith.constant 0 : i32
      %dma_start3A_117 = tpu.memref_slice %arg11[%dma_start3A, %dma_start3A_116] : memref<128x128xf32, #tpu.memory_space<vmem>> -> memref<128x128xf32, #tpu.memory_space<vmem>>
      %dma_start3A_118 = arith.constant 0 : i32
      %dma_start3A_119 = tpu.memref_slice %arg7[%add3A_44, %dma_start3A_118] : memref<10112x128xf32, #tpu.memory_space<vmem_shared>> -> memref<128x128xf32, #tpu.memory_space<vmem_shared>>
      %dma_start3A_120 = arith.constant 0 : i32
      %dma_start3A_121 = arith.constant 0 : i32
      %dma_start3A_122 = tpu.memref_slice %arg11[%dma_start3A_120, %dma_start3A_121] : memref<128x128xf32, #tpu.memory_space<vmem>> -> memref<128x128xf32, #tpu.memory_space<vmem>>
      %dma_start3A_123 = arith.constant 0 : i32
      %dma_start3A_124 = tpu.memref_slice %arg7[%add3A_44, %dma_start3A_123] : memref<10112x128xf32, #tpu.memory_space<vmem_shared>> -> memref<128x128xf32, #tpu.memory_space<vmem_shared>>
      tpu.enqueue_dma source(%dma_start3A_124 : memref<128x128xf32, #tpu.memory_space<vmem_shared>>) target(%dma_start3A_122 : memref<128x128xf32, #tpu.memory_space<vmem>>) target_semaphore(%run_scoped3A : memref<!tpu.dma_semaphore, #tpu.memory_space<semaphore_mem>>)
      %dma_wait3A = arith.constant 0 : i32
      %dma_wait3A_125 = arith.constant 0 : i32
      %dma_wait3A_126 = tpu.memref_slice %arg11[%dma_wait3A, %dma_wait3A_125] : memref<128x128xf32, #tpu.memory_space<vmem>> -> memref<128x128xf32, #tpu.memory_space<vmem>>
      %dma_wait3A_127 = arith.constant 0 : i32
      %dma_wait3A_128 = tpu.memref_slice %arg7[%add3A_44, %dma_wait3A_127] : memref<10112x128xf32, #tpu.memory_space<vmem_shared>> -> memref<128x128xf32, #tpu.memory_space<vmem_shared>>
      %dma_wait3A_129 = arith.constant 0 : i32
      %dma_wait3A_130 = arith.constant 0 : i32
      %dma_wait3A_131 = tpu.memref_slice %arg11[%dma_wait3A_129, %dma_wait3A_130] : memref<128x128xf32, #tpu.memory_space<vmem>> -> memref<128x128xf32, #tpu.memory_space<vmem>>
      %dma_wait3A_132 = arith.constant 0 : i32
      %dma_wait3A_133 = tpu.memref_slice %arg7[%add3A_44, %dma_wait3A_132] : memref<10112x128xf32, #tpu.memory_space<vmem_shared>> -> memref<128x128xf32, #tpu.memory_space<vmem_shared>>
      tpu.wait_dma2 semaphore(%run_scoped3A : memref<!tpu.dma_semaphore, #tpu.memory_space<semaphore_mem>>) src(%dma_wait3A_133 : memref<128x128xf32, #tpu.memory_space<vmem_shared>>) dst(%dma_wait3A_131 : memref<128x128xf32, #tpu.memory_space<vmem>>)
      tpu.yield
    }) : () -> ()
    %mul3A_45 = arith.constant 10112 : i32
    %mul3A_46 = arith.muli %add3A_5, %mul3A_45 : i32
    %add3A_47 = arith.addi %mul3A_46, %mul3A_0 : i32
    %add3A_48 = arith.constant 384 : i32
    %add3A_49 = arith.addi %add3A_47, %add3A_48 : i32
    "tpu.region"() ({
      %run_scoped3A = tpu.sem_alloc : memref<!tpu.dma_semaphore, #tpu.memory_space<semaphore_mem>>
      %dma_start3A = arith.constant 0 : i32
      %dma_start3A_116 = arith.constant 0 : i32
      %dma_start3A_117 = tpu.memref_slice %arg11[%dma_start3A, %dma_start3A_116] : memref<128x128xf32, #tpu.memory_space<vmem>> -> memref<128x128xf32, #tpu.memory_space<vmem>>
      %dma_start3A_118 = arith.constant 0 : i32
      %dma_start3A_119 = tpu.memref_slice %arg6[%add3A_49, %dma_start3A_118] : memref<40448x128xf32, #tpu.memory_space<hbm>> -> memref<128x128xf32, #tpu.memory_space<hbm>>
      %dma_start3A_120 = arith.constant 0 : i32
      %dma_start3A_121 = tpu.memref_slice %arg6[%add3A_49, %dma_start3A_120] : memref<40448x128xf32, #tpu.memory_space<hbm>> -> memref<128x128xf32, #tpu.memory_space<hbm>>
      %dma_start3A_122 = arith.constant 0 : i32
      %dma_start3A_123 = arith.constant 0 : i32
      %dma_start3A_124 = tpu.memref_slice %arg11[%dma_start3A_122, %dma_start3A_123] : memref<128x128xf32, #tpu.memory_space<vmem>> -> memref<128x128xf32, #tpu.memory_space<vmem>>
      tpu.enqueue_dma source(%dma_start3A_124 : memref<128x128xf32, #tpu.memory_space<vmem>>) target(%dma_start3A_121 : memref<128x128xf32, #tpu.memory_space<hbm>>) target_semaphore(%run_scoped3A : memref<!tpu.dma_semaphore, #tpu.memory_space<semaphore_mem>>)
      %dma_wait3A = arith.constant 0 : i32
      %dma_wait3A_125 = arith.constant 0 : i32
      %dma_wait3A_126 = tpu.memref_slice %arg11[%dma_wait3A, %dma_wait3A_125] : memref<128x128xf32, #tpu.memory_space<vmem>> -> memref<128x128xf32, #tpu.memory_space<vmem>>
      %dma_wait3A_127 = arith.constant 0 : i32
      %dma_wait3A_128 = tpu.memref_slice %arg6[%add3A_49, %dma_wait3A_127] : memref<40448x128xf32, #tpu.memory_space<hbm>> -> memref<128x128xf32, #tpu.memory_space<hbm>>
      %dma_wait3A_129 = arith.constant 0 : i32
      %dma_wait3A_130 = tpu.memref_slice %arg6[%add3A_49, %dma_wait3A_129] : memref<40448x128xf32, #tpu.memory_space<hbm>> -> memref<128x128xf32, #tpu.memory_space<hbm>>
      %dma_wait3A_131 = arith.constant 0 : i32
      %dma_wait3A_132 = arith.constant 0 : i32
      %dma_wait3A_133 = tpu.memref_slice %arg11[%dma_wait3A_131, %dma_wait3A_132] : memref<128x128xf32, #tpu.memory_space<vmem>> -> memref<128x128xf32, #tpu.memory_space<vmem>>
      tpu.wait_dma2 semaphore(%run_scoped3A : memref<!tpu.dma_semaphore, #tpu.memory_space<semaphore_mem>>) src(%dma_wait3A_133 : memref<128x128xf32, #tpu.memory_space<vmem>>) dst(%dma_wait3A_130 : memref<128x128xf32, #tpu.memory_space<hbm>>)
      tpu.yield
    }) : () -> ()
    %add3A_50 = arith.constant 512 : i32
    %add3A_51 = arith.addi %mul3A_0, %add3A_50 : i32
    "tpu.region"() ({
      %run_scoped3A = tpu.sem_alloc : memref<!tpu.dma_semaphore, #tpu.memory_space<semaphore_mem>>
      %dma_start3A = arith.constant 0 : i32
      %dma_start3A_116 = arith.constant 0 : i32
      %dma_start3A_117 = tpu.memref_slice %arg11[%dma_start3A, %dma_start3A_116] : memref<128x128xf32, #tpu.memory_space<vmem>> -> memref<120x128xf32, #tpu.memory_space<vmem>>
      %dma_start3A_118 = arith.constant 0 : i32
      %dma_start3A_119 = tpu.memref_slice %arg7[%add3A_51, %dma_start3A_118] : memref<10112x128xf32, #tpu.memory_space<vmem_shared>> -> memref<120x128xf32, #tpu.memory_space<vmem_shared>>
      %dma_start3A_120 = arith.constant 0 : i32
      %dma_start3A_121 = arith.constant 0 : i32
      %dma_start3A_122 = tpu.memref_slice %arg11[%dma_start3A_120, %dma_start3A_121] : memref<128x128xf32, #tpu.memory_space<vmem>> -> memref<120x128xf32, #tpu.memory_space<vmem>>
      %dma_start3A_123 = arith.constant 0 : i32
      %dma_start3A_124 = tpu.memref_slice %arg7[%add3A_51, %dma_start3A_123] : memref<10112x128xf32, #tpu.memory_space<vmem_shared>> -> memref<120x128xf32, #tpu.memory_space<vmem_shared>>
      tpu.enqueue_dma source(%dma_start3A_124 : memref<120x128xf32, #tpu.memory_space<vmem_shared>>) target(%dma_start3A_122 : memref<120x128xf32, #tpu.memory_space<vmem>>) target_semaphore(%run_scoped3A : memref<!tpu.dma_semaphore, #tpu.memory_space<semaphore_mem>>)
      %dma_wait3A = arith.constant 0 : i32
      %dma_wait3A_125 = arith.constant 0 : i32
      %dma_wait3A_126 = tpu.memref_slice %arg11[%dma_wait3A, %dma_wait3A_125] : memref<128x128xf32, #tpu.memory_space<vmem>> -> memref<120x128xf32, #tpu.memory_space<vmem>>
      %dma_wait3A_127 = arith.constant 0 : i32
      %dma_wait3A_128 = tpu.memref_slice %arg7[%add3A_51, %dma_wait3A_127] : memref<10112x128xf32, #tpu.memory_space<vmem_shared>> -> memref<120x128xf32, #tpu.memory_space<vmem_shared>>
      %dma_wait3A_129 = arith.constant 0 : i32
      %dma_wait3A_130 = arith.constant 0 : i32
      %dma_wait3A_131 = tpu.memref_slice %arg11[%dma_wait3A_129, %dma_wait3A_130] : memref<128x128xf32, #tpu.memory_space<vmem>> -> memref<120x128xf32, #tpu.memory_space<vmem>>
      %dma_wait3A_132 = arith.constant 0 : i32
      %dma_wait3A_133 = tpu.memref_slice %arg7[%add3A_51, %dma_wait3A_132] : memref<10112x128xf32, #tpu.memory_space<vmem_shared>> -> memref<120x128xf32, #tpu.memory_space<vmem_shared>>
      tpu.wait_dma2 semaphore(%run_scoped3A : memref<!tpu.dma_semaphore, #tpu.memory_space<semaphore_mem>>) src(%dma_wait3A_133 : memref<120x128xf32, #tpu.memory_space<vmem_shared>>) dst(%dma_wait3A_131 : memref<120x128xf32, #tpu.memory_space<vmem>>)
      tpu.yield
    }) : () -> ()
    %mul3A_52 = arith.constant 10112 : i32
    %mul3A_53 = arith.muli %add3A_5, %mul3A_52 : i32
    %add3A_54 = arith.addi %mul3A_53, %mul3A_0 : i32
    %add3A_55 = arith.constant 512 : i32
    %add3A_56 = arith.addi %add3A_54, %add3A_55 : i32
    "tpu.region"() ({
      %run_scoped3A = tpu.sem_alloc : memref<!tpu.dma_semaphore, #tpu.memory_space<semaphore_mem>>
      %dma_start3A = arith.constant 0 : i32
      %dma_start3A_116 = arith.constant 0 : i32
      %dma_start3A_117 = tpu.memref_slice %arg11[%dma_start3A, %dma_start3A_116] : memref<128x128xf32, #tpu.memory_space<vmem>> -> memref<120x128xf32, #tpu.memory_space<vmem>>
      %dma_start3A_118 = arith.constant 0 : i32
      %dma_start3A_119 = tpu.memref_slice %arg6[%add3A_56, %dma_start3A_118] : memref<40448x128xf32, #tpu.memory_space<hbm>> -> memref<120x128xf32, #tpu.memory_space<hbm>>
      %dma_start3A_120 = arith.constant 0 : i32
      %dma_start3A_121 = tpu.memref_slice %arg6[%add3A_56, %dma_start3A_120] : memref<40448x128xf32, #tpu.memory_space<hbm>> -> memref<120x128xf32, #tpu.memory_space<hbm>>
      %dma_start3A_122 = arith.constant 0 : i32
      %dma_start3A_123 = arith.constant 0 : i32
      %dma_start3A_124 = tpu.memref_slice %arg11[%dma_start3A_122, %dma_start3A_123] : memref<128x128xf32, #tpu.memory_space<vmem>> -> memref<120x128xf32, #tpu.memory_space<vmem>>
      tpu.enqueue_dma source(%dma_start3A_124 : memref<120x128xf32, #tpu.memory_space<vmem>>) target(%dma_start3A_121 : memref<120x128xf32, #tpu.memory_space<hbm>>) target_semaphore(%run_scoped3A : memref<!tpu.dma_semaphore, #tpu.memory_space<semaphore_mem>>)
      %dma_wait3A = arith.constant 0 : i32
      %dma_wait3A_125 = arith.constant 0 : i32
      %dma_wait3A_126 = tpu.memref_slice %arg11[%dma_wait3A, %dma_wait3A_125] : memref<128x128xf32, #tpu.memory_space<vmem>> -> memref<120x128xf32, #tpu.memory_space<vmem>>
      %dma_wait3A_127 = arith.constant 0 : i32
      %dma_wait3A_128 = tpu.memref_slice %arg6[%add3A_56, %dma_wait3A_127] : memref<40448x128xf32, #tpu.memory_space<hbm>> -> memref<120x128xf32, #tpu.memory_space<hbm>>
      %dma_wait3A_129 = arith.constant 0 : i32
      %dma_wait3A_130 = tpu.memref_slice %arg6[%add3A_56, %dma_wait3A_129] : memref<40448x128xf32, #tpu.memory_space<hbm>> -> memref<120x128xf32, #tpu.memory_space<hbm>>
      %dma_wait3A_131 = arith.constant 0 : i32
      %dma_wait3A_132 = arith.constant 0 : i32
      %dma_wait3A_133 = tpu.memref_slice %arg11[%dma_wait3A_131, %dma_wait3A_132] : memref<128x128xf32, #tpu.memory_space<vmem>> -> memref<120x128xf32, #tpu.memory_space<vmem>>
      tpu.wait_dma2 semaphore(%run_scoped3A : memref<!tpu.dma_semaphore, #tpu.memory_space<semaphore_mem>>) src(%dma_wait3A_133 : memref<120x128xf32, #tpu.memory_space<vmem>>) dst(%dma_wait3A_130 : memref<120x128xf32, #tpu.memory_space<hbm>>)
      tpu.yield
    }) : () -> ()
    %barrier3A_57 = arith.constant 0 : index
    tpu.barrier barrier_id(%barrier3A_57)
    %mul3A_58 = arith.constant 2 : i32
    %mul3A_59 = arith.muli %mul3A_58, %arg0 : i32
    %add3A_60 = arith.constant 1 : i32
    %add3A_61 = arith.addi %mul3A_59, %add3A_60 : i32
    "tpu.region"() ({
      %run_scoped3A = tpu.sem_alloc : memref<!tpu.dma_semaphore, #tpu.memory_space<semaphore_mem>>
      %dma_start3A = arith.constant 0 : i32
      %dma_start3A_116 = arith.constant 0 : i32
      %dma_start3A_117 = tpu.memref_slice %arg4[%dma_start3A, %dma_start3A_116] : memref<640x128xf32, #tpu.memory_space<hbm>> -> memref<128x128xf32, #tpu.memory_space<hbm>>
      %dma_start3A_118 = arith.constant 0 : i32
      %dma_start3A_119 = arith.constant 0 : i32
      %dma_start3A_120 = tpu.memref_slice %arg4[%dma_start3A_118, %dma_start3A_119] : memref<640x128xf32, #tpu.memory_space<hbm>> -> memref<128x128xf32, #tpu.memory_space<hbm>>
      tpu.enqueue_dma source(%dma_start3A_120 : memref<128x128xf32, #tpu.memory_space<hbm>>) target(%arg11 : memref<128x128xf32, #tpu.memory_space<vmem>>) target_semaphore(%run_scoped3A : memref<!tpu.dma_semaphore, #tpu.memory_space<semaphore_mem>>)
      %dma_wait3A = arith.constant 0 : i32
      %dma_wait3A_121 = arith.constant 0 : i32
      %dma_wait3A_122 = tpu.memref_slice %arg4[%dma_wait3A, %dma_wait3A_121] : memref<640x128xf32, #tpu.memory_space<hbm>> -> memref<128x128xf32, #tpu.memory_space<hbm>>
      %dma_wait3A_123 = arith.constant 0 : i32
      %dma_wait3A_124 = arith.constant 0 : i32
      %dma_wait3A_125 = tpu.memref_slice %arg4[%dma_wait3A_123, %dma_wait3A_124] : memref<640x128xf32, #tpu.memory_space<hbm>> -> memref<128x128xf32, #tpu.memory_space<hbm>>
      tpu.wait_dma2 semaphore(%run_scoped3A : memref<!tpu.dma_semaphore, #tpu.memory_space<semaphore_mem>>) src(%dma_wait3A_125 : memref<128x128xf32, #tpu.memory_space<hbm>>) dst(%arg11 : memref<128x128xf32, #tpu.memory_space<vmem>>)
      tpu.yield
    }) : () -> ()
    %add3A_62 = arith.constant 0 : i32
    %add3A_63 = arith.addi %mul3A_0, %add3A_62 : i32
    "tpu.region"() ({
      %run_scoped3A = tpu.sem_alloc : memref<!tpu.dma_semaphore, #tpu.memory_space<semaphore_mem>>
      %dma_start3A = arith.constant 0 : i32
      %dma_start3A_116 = arith.constant 0 : i32
      %dma_start3A_117 = tpu.memref_slice %arg11[%dma_start3A, %dma_start3A_116] : memref<128x128xf32, #tpu.memory_space<vmem>> -> memref<128x128xf32, #tpu.memory_space<vmem>>
      %dma_start3A_118 = arith.constant 0 : i32
      %dma_start3A_119 = tpu.memref_slice %arg7[%add3A_63, %dma_start3A_118] : memref<10112x128xf32, #tpu.memory_space<vmem_shared>> -> memref<128x128xf32, #tpu.memory_space<vmem_shared>>
      %dma_start3A_120 = arith.constant 0 : i32
      %dma_start3A_121 = tpu.memref_slice %arg7[%add3A_63, %dma_start3A_120] : memref<10112x128xf32, #tpu.memory_space<vmem_shared>> -> memref<128x128xf32, #tpu.memory_space<vmem_shared>>
      %dma_start3A_122 = arith.constant 0 : i32
      %dma_start3A_123 = arith.constant 0 : i32
      %dma_start3A_124 = tpu.memref_slice %arg11[%dma_start3A_122, %dma_start3A_123] : memref<128x128xf32, #tpu.memory_space<vmem>> -> memref<128x128xf32, #tpu.memory_space<vmem>>
      tpu.enqueue_dma source(%dma_start3A_124 : memref<128x128xf32, #tpu.memory_space<vmem>>) target(%dma_start3A_121 : memref<128x128xf32, #tpu.memory_space<vmem_shared>>) target_semaphore(%run_scoped3A : memref<!tpu.dma_semaphore, #tpu.memory_space<semaphore_mem>>)
      %dma_wait3A = arith.constant 0 : i32
      %dma_wait3A_125 = arith.constant 0 : i32
      %dma_wait3A_126 = tpu.memref_slice %arg11[%dma_wait3A, %dma_wait3A_125] : memref<128x128xf32, #tpu.memory_space<vmem>> -> memref<128x128xf32, #tpu.memory_space<vmem>>
      %dma_wait3A_127 = arith.constant 0 : i32
      %dma_wait3A_128 = tpu.memref_slice %arg7[%add3A_63, %dma_wait3A_127] : memref<10112x128xf32, #tpu.memory_space<vmem_shared>> -> memref<128x128xf32, #tpu.memory_space<vmem_shared>>
      %dma_wait3A_129 = arith.constant 0 : i32
      %dma_wait3A_130 = tpu.memref_slice %arg7[%add3A_63, %dma_wait3A_129] : memref<10112x128xf32, #tpu.memory_space<vmem_shared>> -> memref<128x128xf32, #tpu.memory_space<vmem_shared>>
      %dma_wait3A_131 = arith.constant 0 : i32
      %dma_wait3A_132 = arith.constant 0 : i32
      %dma_wait3A_133 = tpu.memref_slice %arg11[%dma_wait3A_131, %dma_wait3A_132] : memref<128x128xf32, #tpu.memory_space<vmem>> -> memref<128x128xf32, #tpu.memory_space<vmem>>
      tpu.wait_dma2 semaphore(%run_scoped3A : memref<!tpu.dma_semaphore, #tpu.memory_space<semaphore_mem>>) src(%dma_wait3A_133 : memref<128x128xf32, #tpu.memory_space<vmem>>) dst(%dma_wait3A_130 : memref<128x128xf32, #tpu.memory_space<vmem_shared>>)
      tpu.yield
    }) : () -> ()
    %add3A_64 = arith.constant 128 : i32
    %add3A_65 = arith.addi %mul3A_0, %add3A_64 : i32
    "tpu.region"() ({
      %run_scoped3A = tpu.sem_alloc : memref<!tpu.dma_semaphore, #tpu.memory_space<semaphore_mem>>
      %dma_start3A = arith.constant 0 : i32
      %dma_start3A_116 = arith.constant 0 : i32
      %dma_start3A_117 = tpu.memref_slice %arg11[%dma_start3A, %dma_start3A_116] : memref<128x128xf32, #tpu.memory_space<vmem>> -> memref<128x128xf32, #tpu.memory_space<vmem>>
      %dma_start3A_118 = arith.constant 0 : i32
      %dma_start3A_119 = tpu.memref_slice %arg7[%add3A_65, %dma_start3A_118] : memref<10112x128xf32, #tpu.memory_space<vmem_shared>> -> memref<128x128xf32, #tpu.memory_space<vmem_shared>>
      %dma_start3A_120 = arith.constant 0 : i32
      %dma_start3A_121 = tpu.memref_slice %arg7[%add3A_65, %dma_start3A_120] : memref<10112x128xf32, #tpu.memory_space<vmem_shared>> -> memref<128x128xf32, #tpu.memory_space<vmem_shared>>
      %dma_start3A_122 = arith.constant 0 : i32
      %dma_start3A_123 = arith.constant 0 : i32
      %dma_start3A_124 = tpu.memref_slice %arg11[%dma_start3A_122, %dma_start3A_123] : memref<128x128xf32, #tpu.memory_space<vmem>> -> memref<128x128xf32, #tpu.memory_space<vmem>>
      tpu.enqueue_dma source(%dma_start3A_124 : memref<128x128xf32, #tpu.memory_space<vmem>>) target(%dma_start3A_121 : memref<128x128xf32, #tpu.memory_space<vmem_shared>>) target_semaphore(%run_scoped3A : memref<!tpu.dma_semaphore, #tpu.memory_space<semaphore_mem>>)
      %dma_wait3A = arith.constant 0 : i32
      %dma_wait3A_125 = arith.constant 0 : i32
      %dma_wait3A_126 = tpu.memref_slice %arg11[%dma_wait3A, %dma_wait3A_125] : memref<128x128xf32, #tpu.memory_space<vmem>> -> memref<128x128xf32, #tpu.memory_space<vmem>>
      %dma_wait3A_127 = arith.constant 0 : i32
      %dma_wait3A_128 = tpu.memref_slice %arg7[%add3A_65, %dma_wait3A_127] : memref<10112x128xf32, #tpu.memory_space<vmem_shared>> -> memref<128x128xf32, #tpu.memory_space<vmem_shared>>
      %dma_wait3A_129 = arith.constant 0 : i32
      %dma_wait3A_130 = tpu.memref_slice %arg7[%add3A_65, %dma_wait3A_129] : memref<10112x128xf32, #tpu.memory_space<vmem_shared>> -> memref<128x128xf32, #tpu.memory_space<vmem_shared>>
      %dma_wait3A_131 = arith.constant 0 : i32
      %dma_wait3A_132 = arith.constant 0 : i32
      %dma_wait3A_133 = tpu.memref_slice %arg11[%dma_wait3A_131, %dma_wait3A_132] : memref<128x128xf32, #tpu.memory_space<vmem>> -> memref<128x128xf32, #tpu.memory_space<vmem>>
      tpu.wait_dma2 semaphore(%run_scoped3A : memref<!tpu.dma_semaphore, #tpu.memory_space<semaphore_mem>>) src(%dma_wait3A_133 : memref<128x128xf32, #tpu.memory_space<vmem>>) dst(%dma_wait3A_130 : memref<128x128xf32, #tpu.memory_space<vmem_shared>>)
      tpu.yield
    }) : () -> ()
    %add3A_66 = arith.constant 256 : i32
    %add3A_67 = arith.addi %mul3A_0, %add3A_66 : i32
    "tpu.region"() ({
      %run_scoped3A = tpu.sem_alloc : memref<!tpu.dma_semaphore, #tpu.memory_space<semaphore_mem>>
      %dma_start3A = arith.constant 0 : i32
      %dma_start3A_116 = arith.constant 0 : i32
      %dma_start3A_117 = tpu.memref_slice %arg11[%dma_start3A, %dma_start3A_116] : memref<128x128xf32, #tpu.memory_space<vmem>> -> memref<128x128xf32, #tpu.memory_space<vmem>>
      %dma_start3A_118 = arith.constant 0 : i32
      %dma_start3A_119 = tpu.memref_slice %arg7[%add3A_67, %dma_start3A_118] : memref<10112x128xf32, #tpu.memory_space<vmem_shared>> -> memref<128x128xf32, #tpu.memory_space<vmem_shared>>
      %dma_start3A_120 = arith.constant 0 : i32
      %dma_start3A_121 = tpu.memref_slice %arg7[%add3A_67, %dma_start3A_120] : memref<10112x128xf32, #tpu.memory_space<vmem_shared>> -> memref<128x128xf32, #tpu.memory_space<vmem_shared>>
      %dma_start3A_122 = arith.constant 0 : i32
      %dma_start3A_123 = arith.constant 0 : i32
      %dma_start3A_124 = tpu.memref_slice %arg11[%dma_start3A_122, %dma_start3A_123] : memref<128x128xf32, #tpu.memory_space<vmem>> -> memref<128x128xf32, #tpu.memory_space<vmem>>
      tpu.enqueue_dma source(%dma_start3A_124 : memref<128x128xf32, #tpu.memory_space<vmem>>) target(%dma_start3A_121 : memref<128x128xf32, #tpu.memory_space<vmem_shared>>) target_semaphore(%run_scoped3A : memref<!tpu.dma_semaphore, #tpu.memory_space<semaphore_mem>>)
      %dma_wait3A = arith.constant 0 : i32
      %dma_wait3A_125 = arith.constant 0 : i32
      %dma_wait3A_126 = tpu.memref_slice %arg11[%dma_wait3A, %dma_wait3A_125] : memref<128x128xf32, #tpu.memory_space<vmem>> -> memref<128x128xf32, #tpu.memory_space<vmem>>
      %dma_wait3A_127 = arith.constant 0 : i32
      %dma_wait3A_128 = tpu.memref_slice %arg7[%add3A_67, %dma_wait3A_127] : memref<10112x128xf32, #tpu.memory_space<vmem_shared>> -> memref<128x128xf32, #tpu.memory_space<vmem_shared>>
      %dma_wait3A_129 = arith.constant 0 : i32
      %dma_wait3A_130 = tpu.memref_slice %arg7[%add3A_67, %dma_wait3A_129] : memref<10112x128xf32, #tpu.memory_space<vmem_shared>> -> memref<128x128xf32, #tpu.memory_space<vmem_shared>>
      %dma_wait3A_131 = arith.constant 0 : i32
      %dma_wait3A_132 = arith.constant 0 : i32
      %dma_wait3A_133 = tpu.memref_slice %arg11[%dma_wait3A_131, %dma_wait3A_132] : memref<128x128xf32, #tpu.memory_space<vmem>> -> memref<128x128xf32, #tpu.memory_space<vmem>>
      tpu.wait_dma2 semaphore(%run_scoped3A : memref<!tpu.dma_semaphore, #tpu.memory_space<semaphore_mem>>) src(%dma_wait3A_133 : memref<128x128xf32, #tpu.memory_space<vmem>>) dst(%dma_wait3A_130 : memref<128x128xf32, #tpu.memory_space<vmem_shared>>)
      tpu.yield
    }) : () -> ()
    %add3A_68 = arith.constant 384 : i32
    %add3A_69 = arith.addi %mul3A_0, %add3A_68 : i32
    "tpu.region"() ({
      %run_scoped3A = tpu.sem_alloc : memref<!tpu.dma_semaphore, #tpu.memory_space<semaphore_mem>>
      %dma_start3A = arith.constant 0 : i32
      %dma_start3A_116 = arith.constant 0 : i32
      %dma_start3A_117 = tpu.memref_slice %arg11[%dma_start3A, %dma_start3A_116] : memref<128x128xf32, #tpu.memory_space<vmem>> -> memref<128x128xf32, #tpu.memory_space<vmem>>
      %dma_start3A_118 = arith.constant 0 : i32
      %dma_start3A_119 = tpu.memref_slice %arg7[%add3A_69, %dma_start3A_118] : memref<10112x128xf32, #tpu.memory_space<vmem_shared>> -> memref<128x128xf32, #tpu.memory_space<vmem_shared>>
      %dma_start3A_120 = arith.constant 0 : i32
      %dma_start3A_121 = tpu.memref_slice %arg7[%add3A_69, %dma_start3A_120] : memref<10112x128xf32, #tpu.memory_space<vmem_shared>> -> memref<128x128xf32, #tpu.memory_space<vmem_shared>>
      %dma_start3A_122 = arith.constant 0 : i32
      %dma_start3A_123 = arith.constant 0 : i32
      %dma_start3A_124 = tpu.memref_slice %arg11[%dma_start3A_122, %dma_start3A_123] : memref<128x128xf32, #tpu.memory_space<vmem>> -> memref<128x128xf32, #tpu.memory_space<vmem>>
      tpu.enqueue_dma source(%dma_start3A_124 : memref<128x128xf32, #tpu.memory_space<vmem>>) target(%dma_start3A_121 : memref<128x128xf32, #tpu.memory_space<vmem_shared>>) target_semaphore(%run_scoped3A : memref<!tpu.dma_semaphore, #tpu.memory_space<semaphore_mem>>)
      %dma_wait3A = arith.constant 0 : i32
      %dma_wait3A_125 = arith.constant 0 : i32
      %dma_wait3A_126 = tpu.memref_slice %arg11[%dma_wait3A, %dma_wait3A_125] : memref<128x128xf32, #tpu.memory_space<vmem>> -> memref<128x128xf32, #tpu.memory_space<vmem>>
      %dma_wait3A_127 = arith.constant 0 : i32
      %dma_wait3A_128 = tpu.memref_slice %arg7[%add3A_69, %dma_wait3A_127] : memref<10112x128xf32, #tpu.memory_space<vmem_shared>> -> memref<128x128xf32, #tpu.memory_space<vmem_shared>>
      %dma_wait3A_129 = arith.constant 0 : i32
      %dma_wait3A_130 = tpu.memref_slice %arg7[%add3A_69, %dma_wait3A_129] : memref<10112x128xf32, #tpu.memory_space<vmem_shared>> -> memref<128x128xf32, #tpu.memory_space<vmem_shared>>
      %dma_wait3A_131 = arith.constant 0 : i32
      %dma_wait3A_132 = arith.constant 0 : i32
      %dma_wait3A_133 = tpu.memref_slice %arg11[%dma_wait3A_131, %dma_wait3A_132] : memref<128x128xf32, #tpu.memory_space<vmem>> -> memref<128x128xf32, #tpu.memory_space<vmem>>
      tpu.wait_dma2 semaphore(%run_scoped3A : memref<!tpu.dma_semaphore, #tpu.memory_space<semaphore_mem>>) src(%dma_wait3A_133 : memref<128x128xf32, #tpu.memory_space<vmem>>) dst(%dma_wait3A_130 : memref<128x128xf32, #tpu.memory_space<vmem_shared>>)
      tpu.yield
    }) : () -> ()
    %add3A_70 = arith.constant 512 : i32
    %add3A_71 = arith.addi %mul3A_0, %add3A_70 : i32
    "tpu.region"() ({
      %run_scoped3A = tpu.sem_alloc : memref<!tpu.dma_semaphore, #tpu.memory_space<semaphore_mem>>
      %dma_start3A = arith.constant 0 : i32
      %dma_start3A_116 = arith.constant 0 : i32
      %dma_start3A_117 = tpu.memref_slice %arg11[%dma_start3A, %dma_start3A_116] : memref<128x128xf32, #tpu.memory_space<vmem>> -> memref<120x128xf32, #tpu.memory_space<vmem>>
      %dma_start3A_118 = arith.constant 0 : i32
      %dma_start3A_119 = tpu.memref_slice %arg7[%add3A_71, %dma_start3A_118] : memref<10112x128xf32, #tpu.memory_space<vmem_shared>> -> memref<120x128xf32, #tpu.memory_space<vmem_shared>>
      %dma_start3A_120 = arith.constant 0 : i32
      %dma_start3A_121 = tpu.memref_slice %arg7[%add3A_71, %dma_start3A_120] : memref<10112x128xf32, #tpu.memory_space<vmem_shared>> -> memref<120x128xf32, #tpu.memory_space<vmem_shared>>
      %dma_start3A_122 = arith.constant 0 : i32
      %dma_start3A_123 = arith.constant 0 : i32
      %dma_start3A_124 = tpu.memref_slice %arg11[%dma_start3A_122, %dma_start3A_123] : memref<128x128xf32, #tpu.memory_space<vmem>> -> memref<120x128xf32, #tpu.memory_space<vmem>>
      tpu.enqueue_dma source(%dma_start3A_124 : memref<120x128xf32, #tpu.memory_space<vmem>>) target(%dma_start3A_121 : memref<120x128xf32, #tpu.memory_space<vmem_shared>>) target_semaphore(%run_scoped3A : memref<!tpu.dma_semaphore, #tpu.memory_space<semaphore_mem>>)
      %dma_wait3A = arith.constant 0 : i32
      %dma_wait3A_125 = arith.constant 0 : i32
      %dma_wait3A_126 = tpu.memref_slice %arg11[%dma_wait3A, %dma_wait3A_125] : memref<128x128xf32, #tpu.memory_space<vmem>> -> memref<120x128xf32, #tpu.memory_space<vmem>>
      %dma_wait3A_127 = arith.constant 0 : i32
      %dma_wait3A_128 = tpu.memref_slice %arg7[%add3A_71, %dma_wait3A_127] : memref<10112x128xf32, #tpu.memory_space<vmem_shared>> -> memref<120x128xf32, #tpu.memory_space<vmem_shared>>
      %dma_wait3A_129 = arith.constant 0 : i32
      %dma_wait3A_130 = tpu.memref_slice %arg7[%add3A_71, %dma_wait3A_129] : memref<10112x128xf32, #tpu.memory_space<vmem_shared>> -> memref<120x128xf32, #tpu.memory_space<vmem_shared>>
      %dma_wait3A_131 = arith.constant 0 : i32
      %dma_wait3A_132 = arith.constant 0 : i32
      %dma_wait3A_133 = tpu.memref_slice %arg11[%dma_wait3A_131, %dma_wait3A_132] : memref<128x128xf32, #tpu.memory_space<vmem>> -> memref<120x128xf32, #tpu.memory_space<vmem>>
      tpu.wait_dma2 semaphore(%run_scoped3A : memref<!tpu.dma_semaphore, #tpu.memory_space<semaphore_mem>>) src(%dma_wait3A_133 : memref<120x128xf32, #tpu.memory_space<vmem>>) dst(%dma_wait3A_130 : memref<120x128xf32, #tpu.memory_space<vmem_shared>>)
      tpu.yield
    }) : () -> ()
    %barrier3A_72 = arith.constant 0 : index
    tpu.barrier barrier_id(%barrier3A_72)
    %scan3A_73 = arith.constant 0 : i32
    %scan3A_74 = arith.constant 0 : i32
    %scan3A_75 = arith.constant 157 : i32
    %scan3A_76 = arith.addi %scan3A_74, %scan3A_75 : i32
    %scan3A_77 = arith.constant 1 : i32
    scf.for %scan3A_116 = %scan3A_74 to %scan3A_76 step %scan3A_77  : i32 {
      %mul3A_117 = arith.constant 157 : i32
      %mul3A_118 = arith.muli %arg1, %mul3A_117 : i32
      %add3A_119 = arith.addi %mul3A_118, %scan3A_116 : i32
      %mul3A_120 = arith.constant 3 : i32
      %mul3A_121 = arith.muli %add3A_119, %mul3A_120 : i32
      %mul3A_122 = arith.constant 128 : i32
      %mul3A_123 = arith.muli %mul3A_121, %mul3A_122 : i32
      "tpu.region"() ({
        %run_scoped3A = tpu.sem_alloc : memref<!tpu.dma_semaphore, #tpu.memory_space<semaphore_mem>>
        %dma_start3A_291 = tpu.memref_slice %arg3[%mul3A_123] : memref<964608xi32, #tpu.memory_space<hbm>> -> memref<384xi32, #tpu.memory_space<hbm>>
        %dma_start3A_292 = tpu.memref_slice %arg3[%mul3A_123] : memref<964608xi32, #tpu.memory_space<hbm>> -> memref<384xi32, #tpu.memory_space<hbm>>
        tpu.enqueue_dma source(%dma_start3A_292 : memref<384xi32, #tpu.memory_space<hbm>>) target(%arg9 : memref<384xi32, #tpu.memory_space<vmem>>) target_semaphore(%run_scoped3A : memref<!tpu.dma_semaphore, #tpu.memory_space<semaphore_mem>>)
        %dma_wait3A_293 = tpu.memref_slice %arg3[%mul3A_123] : memref<964608xi32, #tpu.memory_space<hbm>> -> memref<384xi32, #tpu.memory_space<hbm>>
        %dma_wait3A_294 = tpu.memref_slice %arg3[%mul3A_123] : memref<964608xi32, #tpu.memory_space<hbm>> -> memref<384xi32, #tpu.memory_space<hbm>>
        tpu.wait_dma2 semaphore(%run_scoped3A : memref<!tpu.dma_semaphore, #tpu.memory_space<semaphore_mem>>) src(%dma_wait3A_294 : memref<384xi32, #tpu.memory_space<hbm>>) dst(%arg9 : memref<384xi32, #tpu.memory_space<vmem>>)
        tpu.yield
      }) : () -> ()
      %get3A = arith.constant 256 : index
      %get3A_124 = tpu.vector_load %arg9[%get3A] {strides = array<i32>} : memref<384xi32, #tpu.memory_space<vmem>>, vector<16xi32>,
      %get3A_125 = vector.shape_cast %get3A_124 : vector<16xi32> to vector<16xi32>
      %eq3A = vector.broadcast %add3A_61 : i32 to vector<16xi32>
      %eq3A_126 = arith.cmpi eq, %get3A_125, %eq3A : vector<16xi32>
      %get3A_127 = arith.constant 128 : index
      %get3A_128 = tpu.vector_load %arg9[%get3A_127] {strides = array<i32>} : memref<384xi32, #tpu.memory_space<vmem>>, vector<16xi32>,
      %get3A_129 = vector.shape_cast %get3A_128 : vector<16xi32> to vector<16xi32>
      %broadcast_in_dim3A = vector.broadcast %add3A_1 : i32 to vector<16xi32>
      %select_n3A = arith.select %eq3A_126, %get3A_129, %broadcast_in_dim3A : vector<16xi1>, vector<16xi32>
      %swap3A = arith.constant 0 : index
      %swap3A_130 = tpu.vector_load %arg10[%swap3A] {strides = array<i32>} : memref<128xi32, #tpu.memory_space<vmem>>, vector<16xi32>,
      %swap3A_131 = vector.shape_cast %swap3A_130 : vector<16xi32> to vector<16xi32>
      %swap3A_132 = vector.shape_cast %select_n3A : vector<16xi32> to vector<16xi32>
      tpu.vector_store %arg10[%swap3A], %swap3A_132 {strides = array<i32>} : memref<128xi32, #tpu.memory_space<vmem>>, vector<16xi32>,
      %get3A_133 = arith.constant 0 : index
      %get3A_134 = tpu.vector_load %arg9[%get3A_133] {strides = array<i32>} : memref<384xi32, #tpu.memory_space<vmem>>, vector<16xi32>,
      %get3A_135 = vector.shape_cast %get3A_134 : vector<16xi32> to vector<16xi32>
      %swap3A_136 = arith.constant 0 : index
      %swap3A_137 = tpu.vector_load %arg8[%swap3A_136] {strides = array<i32>} : memref<128xi32, #tpu.memory_space<vmem>>, vector<16xi32>,
      %swap3A_138 = vector.shape_cast %swap3A_137 : vector<16xi32> to vector<16xi32>
      %swap3A_139 = vector.shape_cast %get3A_135 : vector<16xi32> to vector<16xi32>
      tpu.vector_store %arg8[%swap3A_136], %swap3A_139 {strides = array<i32>} : memref<128xi32, #tpu.memory_space<vmem>>, vector<16xi32>,
      %get3A_140 = arith.constant 272 : index
      %get3A_141 = tpu.vector_load %arg9[%get3A_140] {strides = array<i32>} : memref<384xi32, #tpu.memory_space<vmem>>, vector<16xi32>,
      %get3A_142 = vector.shape_cast %get3A_141 : vector<16xi32> to vector<16xi32>
      %eq3A_143 = vector.broadcast %add3A_61 : i32 to vector<16xi32>
      %eq3A_144 = arith.cmpi eq, %get3A_142, %eq3A_143 : vector<16xi32>
      %get3A_145 = arith.constant 144 : index
      %get3A_146 = tpu.vector_load %arg9[%get3A_145] {strides = array<i32>} : memref<384xi32, #tpu.memory_space<vmem>>, vector<16xi32>,
      %get3A_147 = vector.shape_cast %get3A_146 : vector<16xi32> to vector<16xi32>
      %broadcast_in_dim3A_148 = vector.broadcast %add3A_1 : i32 to vector<16xi32>
      %select_n3A_149 = arith.select %eq3A_144, %get3A_147, %broadcast_in_dim3A_148 : vector<16xi1>, vector<16xi32>
      %swap3A_150 = arith.constant 16 : index
      %swap3A_151 = tpu.vector_load %arg10[%swap3A_150] {strides = array<i32>} : memref<128xi32, #tpu.memory_space<vmem>>, vector<16xi32>,
      %swap3A_152 = vector.shape_cast %swap3A_151 : vector<16xi32> to vector<16xi32>
      %swap3A_153 = vector.shape_cast %select_n3A_149 : vector<16xi32> to vector<16xi32>
      tpu.vector_store %arg10[%swap3A_150], %swap3A_153 {strides = array<i32>} : memref<128xi32, #tpu.memory_space<vmem>>, vector<16xi32>,
      %get3A_154 = arith.constant 16 : index
      %get3A_155 = tpu.vector_load %arg9[%get3A_154] {strides = array<i32>} : memref<384xi32, #tpu.memory_space<vmem>>, vector<16xi32>,
      %get3A_156 = vector.shape_cast %get3A_155 : vector<16xi32> to vector<16xi32>
      %swap3A_157 = arith.constant 16 : index
      %swap3A_158 = tpu.vector_load %arg8[%swap3A_157] {strides = array<i32>} : memref<128xi32, #tpu.memory_space<vmem>>, vector<16xi32>,
      %swap3A_159 = vector.shape_cast %swap3A_158 : vector<16xi32> to vector<16xi32>
      %swap3A_160 = vector.shape_cast %get3A_156 : vector<16xi32> to vector<16xi32>
      tpu.vector_store %arg8[%swap3A_157], %swap3A_160 {strides = array<i32>} : memref<128xi32, #tpu.memory_space<vmem>>, vector<16xi32>,
      %get3A_161 = arith.constant 288 : index
      %get3A_162 = tpu.vector_load %arg9[%get3A_161] {strides = array<i32>} : memref<384xi32, #tpu.memory_space<vmem>>, vector<16xi32>,
      %get3A_163 = vector.shape_cast %get3A_162 : vector<16xi32> to vector<16xi32>
      %eq3A_164 = vector.broadcast %add3A_61 : i32 to vector<16xi32>
      %eq3A_165 = arith.cmpi eq, %get3A_163, %eq3A_164 : vector<16xi32>
      %get3A_166 = arith.constant 160 : index
      %get3A_167 = tpu.vector_load %arg9[%get3A_166] {strides = array<i32>} : memref<384xi32, #tpu.memory_space<vmem>>, vector<16xi32>,
      %get3A_168 = vector.shape_cast %get3A_167 : vector<16xi32> to vector<16xi32>
      %broadcast_in_dim3A_169 = vector.broadcast %add3A_1 : i32 to vector<16xi32>
      %select_n3A_170 = arith.select %eq3A_165, %get3A_168, %broadcast_in_dim3A_169 : vector<16xi1>, vector<16xi32>
      %swap3A_171 = arith.constant 32 : index
      %swap3A_172 = tpu.vector_load %arg10[%swap3A_171] {strides = array<i32>} : memref<128xi32, #tpu.memory_space<vmem>>, vector<16xi32>,
      %swap3A_173 = vector.shape_cast %swap3A_172 : vector<16xi32> to vector<16xi32>
      %swap3A_174 = vector.shape_cast %select_n3A_170 : vector<16xi32> to vector<16xi32>
      tpu.vector_store %arg10[%swap3A_171], %swap3A_174 {strides = array<i32>} : memref<128xi32, #tpu.memory_space<vmem>>, vector<16xi32>,
      %get3A_175 = arith.constant 32 : index
      %get3A_176 = tpu.vector_load %arg9[%get3A_175] {strides = array<i32>} : memref<384xi32, #tpu.memory_space<vmem>>, vector<16xi32>,
      %get3A_177 = vector.shape_cast %get3A_176 : vector<16xi32> to vector<16xi32>
      %swap3A_178 = arith.constant 32 : index
      %swap3A_179 = tpu.vector_load %arg8[%swap3A_178] {strides = array<i32>} : memref<128xi32, #tpu.memory_space<vmem>>, vector<16xi32>,
      %swap3A_180 = vector.shape_cast %swap3A_179 : vector<16xi32> to vector<16xi32>
      %swap3A_181 = vector.shape_cast %get3A_177 : vector<16xi32> to vector<16xi32>
      tpu.vector_store %arg8[%swap3A_178], %swap3A_181 {strides = array<i32>} : memref<128xi32, #tpu.memory_space<vmem>>, vector<16xi32>,
      %get3A_182 = arith.constant 304 : index
      %get3A_183 = tpu.vector_load %arg9[%get3A_182] {strides = array<i32>} : memref<384xi32, #tpu.memory_space<vmem>>, vector<16xi32>,
      %get3A_184 = vector.shape_cast %get3A_183 : vector<16xi32> to vector<16xi32>
      %eq3A_185 = vector.broadcast %add3A_61 : i32 to vector<16xi32>
      %eq3A_186 = arith.cmpi eq, %get3A_184, %eq3A_185 : vector<16xi32>
      %get3A_187 = arith.constant 176 : index
      %get3A_188 = tpu.vector_load %arg9[%get3A_187] {strides = array<i32>} : memref<384xi32, #tpu.memory_space<vmem>>, vector<16xi32>,
      %get3A_189 = vector.shape_cast %get3A_188 : vector<16xi32> to vector<16xi32>
      %broadcast_in_dim3A_190 = vector.broadcast %add3A_1 : i32 to vector<16xi32>
      %select_n3A_191 = arith.select %eq3A_186, %get3A_189, %broadcast_in_dim3A_190 : vector<16xi1>, vector<16xi32>
      %swap3A_192 = arith.constant 48 : index
      %swap3A_193 = tpu.vector_load %arg10[%swap3A_192] {strides = array<i32>} : memref<128xi32, #tpu.memory_space<vmem>>, vector<16xi32>,
      %swap3A_194 = vector.shape_cast %swap3A_193 : vector<16xi32> to vector<16xi32>
      %swap3A_195 = vector.shape_cast %select_n3A_191 : vector<16xi32> to vector<16xi32>
      tpu.vector_store %arg10[%swap3A_192], %swap3A_195 {strides = array<i32>} : memref<128xi32, #tpu.memory_space<vmem>>, vector<16xi32>,
      %get3A_196 = arith.constant 48 : index
      %get3A_197 = tpu.vector_load %arg9[%get3A_196] {strides = array<i32>} : memref<384xi32, #tpu.memory_space<vmem>>, vector<16xi32>,
      %get3A_198 = vector.shape_cast %get3A_197 : vector<16xi32> to vector<16xi32>
      %swap3A_199 = arith.constant 48 : index
      %swap3A_200 = tpu.vector_load %arg8[%swap3A_199] {strides = array<i32>} : memref<128xi32, #tpu.memory_space<vmem>>, vector<16xi32>,
      %swap3A_201 = vector.shape_cast %swap3A_200 : vector<16xi32> to vector<16xi32>
      %swap3A_202 = vector.shape_cast %get3A_198 : vector<16xi32> to vector<16xi32>
      tpu.vector_store %arg8[%swap3A_199], %swap3A_202 {strides = array<i32>} : memref<128xi32, #tpu.memory_space<vmem>>, vector<16xi32>,
      %get3A_203 = arith.constant 320 : index
      %get3A_204 = tpu.vector_load %arg9[%get3A_203] {strides = array<i32>} : memref<384xi32, #tpu.memory_space<vmem>>, vector<16xi32>,
      %get3A_205 = vector.shape_cast %get3A_204 : vector<16xi32> to vector<16xi32>
      %eq3A_206 = vector.broadcast %add3A_61 : i32 to vector<16xi32>
      %eq3A_207 = arith.cmpi eq, %get3A_205, %eq3A_206 : vector<16xi32>
      %get3A_208 = arith.constant 192 : index
      %get3A_209 = tpu.vector_load %arg9[%get3A_208] {strides = array<i32>} : memref<384xi32, #tpu.memory_space<vmem>>, vector<16xi32>,
      %get3A_210 = vector.shape_cast %get3A_209 : vector<16xi32> to vector<16xi32>
      %broadcast_in_dim3A_211 = vector.broadcast %add3A_1 : i32 to vector<16xi32>
      %select_n3A_212 = arith.select %eq3A_207, %get3A_210, %broadcast_in_dim3A_211 : vector<16xi1>, vector<16xi32>
      %swap3A_213 = arith.constant 64 : index
      %swap3A_214 = tpu.vector_load %arg10[%swap3A_213] {strides = array<i32>} : memref<128xi32, #tpu.memory_space<vmem>>, vector<16xi32>,
      %swap3A_215 = vector.shape_cast %swap3A_214 : vector<16xi32> to vector<16xi32>
      %swap3A_216 = vector.shape_cast %select_n3A_212 : vector<16xi32> to vector<16xi32>
      tpu.vector_store %arg10[%swap3A_213], %swap3A_216 {strides = array<i32>} : memref<128xi32, #tpu.memory_space<vmem>>, vector<16xi32>,
      %get3A_217 = arith.constant 64 : index
      %get3A_218 = tpu.vector_load %arg9[%get3A_217] {strides = array<i32>} : memref<384xi32, #tpu.memory_space<vmem>>, vector<16xi32>,
      %get3A_219 = vector.shape_cast %get3A_218 : vector<16xi32> to vector<16xi32>
      %swap3A_220 = arith.constant 64 : index
      %swap3A_221 = tpu.vector_load %arg8[%swap3A_220] {strides = array<i32>} : memref<128xi32, #tpu.memory_space<vmem>>, vector<16xi32>,
      %swap3A_222 = vector.shape_cast %swap3A_221 : vector<16xi32> to vector<16xi32>
      %swap3A_223 = vector.shape_cast %get3A_219 : vector<16xi32> to vector<16xi32>
      tpu.vector_store %arg8[%swap3A_220], %swap3A_223 {strides = array<i32>} : memref<128xi32, #tpu.memory_space<vmem>>, vector<16xi32>,
      %get3A_224 = arith.constant 336 : index
      %get3A_225 = tpu.vector_load %arg9[%get3A_224] {strides = array<i32>} : memref<384xi32, #tpu.memory_space<vmem>>, vector<16xi32>,
      %get3A_226 = vector.shape_cast %get3A_225 : vector<16xi32> to vector<16xi32>
      %eq3A_227 = vector.broadcast %add3A_61 : i32 to vector<16xi32>
      %eq3A_228 = arith.cmpi eq, %get3A_226, %eq3A_227 : vector<16xi32>
      %get3A_229 = arith.constant 208 : index
      %get3A_230 = tpu.vector_load %arg9[%get3A_229] {strides = array<i32>} : memref<384xi32, #tpu.memory_space<vmem>>, vector<16xi32>,
      %get3A_231 = vector.shape_cast %get3A_230 : vector<16xi32> to vector<16xi32>
      %broadcast_in_dim3A_232 = vector.broadcast %add3A_1 : i32 to vector<16xi32>
      %select_n3A_233 = arith.select %eq3A_228, %get3A_231, %broadcast_in_dim3A_232 : vector<16xi1>, vector<16xi32>
      %swap3A_234 = arith.constant 80 : index
      %swap3A_235 = tpu.vector_load %arg10[%swap3A_234] {strides = array<i32>} : memref<128xi32, #tpu.memory_space<vmem>>, vector<16xi32>,
      %swap3A_236 = vector.shape_cast %swap3A_235 : vector<16xi32> to vector<16xi32>
      %swap3A_237 = vector.shape_cast %select_n3A_233 : vector<16xi32> to vector<16xi32>
      tpu.vector_store %arg10[%swap3A_234], %swap3A_237 {strides = array<i32>} : memref<128xi32, #tpu.memory_space<vmem>>, vector<16xi32>,
      %get3A_238 = arith.constant 80 : index
      %get3A_239 = tpu.vector_load %arg9[%get3A_238] {strides = array<i32>} : memref<384xi32, #tpu.memory_space<vmem>>, vector<16xi32>,
      %get3A_240 = vector.shape_cast %get3A_239 : vector<16xi32> to vector<16xi32>
      %swap3A_241 = arith.constant 80 : index
      %swap3A_242 = tpu.vector_load %arg8[%swap3A_241] {strides = array<i32>} : memref<128xi32, #tpu.memory_space<vmem>>, vector<16xi32>,
      %swap3A_243 = vector.shape_cast %swap3A_242 : vector<16xi32> to vector<16xi32>
      %swap3A_244 = vector.shape_cast %get3A_240 : vector<16xi32> to vector<16xi32>
      tpu.vector_store %arg8[%swap3A_241], %swap3A_244 {strides = array<i32>} : memref<128xi32, #tpu.memory_space<vmem>>, vector<16xi32>,
      %get3A_245 = arith.constant 352 : index
      %get3A_246 = tpu.vector_load %arg9[%get3A_245] {strides = array<i32>} : memref<384xi32, #tpu.memory_space<vmem>>, vector<16xi32>,
      %get3A_247 = vector.shape_cast %get3A_246 : vector<16xi32> to vector<16xi32>
      %eq3A_248 = vector.broadcast %add3A_61 : i32 to vector<16xi32>
      %eq3A_249 = arith.cmpi eq, %get3A_247, %eq3A_248 : vector<16xi32>
      %get3A_250 = arith.constant 224 : index
      %get3A_251 = tpu.vector_load %arg9[%get3A_250] {strides = array<i32>} : memref<384xi32, #tpu.memory_space<vmem>>, vector<16xi32>,
      %get3A_252 = vector.shape_cast %get3A_251 : vector<16xi32> to vector<16xi32>
      %broadcast_in_dim3A_253 = vector.broadcast %add3A_1 : i32 to vector<16xi32>
      %select_n3A_254 = arith.select %eq3A_249, %get3A_252, %broadcast_in_dim3A_253 : vector<16xi1>, vector<16xi32>
      %swap3A_255 = arith.constant 96 : index
      %swap3A_256 = tpu.vector_load %arg10[%swap3A_255] {strides = array<i32>} : memref<128xi32, #tpu.memory_space<vmem>>, vector<16xi32>,
      %swap3A_257 = vector.shape_cast %swap3A_256 : vector<16xi32> to vector<16xi32>
      %swap3A_258 = vector.shape_cast %select_n3A_254 : vector<16xi32> to vector<16xi32>
      tpu.vector_store %arg10[%swap3A_255], %swap3A_258 {strides = array<i32>} : memref<128xi32, #tpu.memory_space<vmem>>, vector<16xi32>,
      %get3A_259 = arith.constant 96 : index
      %get3A_260 = tpu.vector_load %arg9[%get3A_259] {strides = array<i32>} : memref<384xi32, #tpu.memory_space<vmem>>, vector<16xi32>,
      %get3A_261 = vector.shape_cast %get3A_260 : vector<16xi32> to vector<16xi32>
      %swap3A_262 = arith.constant 96 : index
      %swap3A_263 = tpu.vector_load %arg8[%swap3A_262] {strides = array<i32>} : memref<128xi32, #tpu.memory_space<vmem>>, vector<16xi32>,
      %swap3A_264 = vector.shape_cast %swap3A_263 : vector<16xi32> to vector<16xi32>
      %swap3A_265 = vector.shape_cast %get3A_261 : vector<16xi32> to vector<16xi32>
      tpu.vector_store %arg8[%swap3A_262], %swap3A_265 {strides = array<i32>} : memref<128xi32, #tpu.memory_space<vmem>>, vector<16xi32>,
      %get3A_266 = arith.constant 368 : index
      %get3A_267 = tpu.vector_load %arg9[%get3A_266] {strides = array<i32>} : memref<384xi32, #tpu.memory_space<vmem>>, vector<16xi32>,
      %get3A_268 = vector.shape_cast %get3A_267 : vector<16xi32> to vector<16xi32>
      %eq3A_269 = vector.broadcast %add3A_61 : i32 to vector<16xi32>
      %eq3A_270 = arith.cmpi eq, %get3A_268, %eq3A_269 : vector<16xi32>
      %get3A_271 = arith.constant 240 : index
      %get3A_272 = tpu.vector_load %arg9[%get3A_271] {strides = array<i32>} : memref<384xi32, #tpu.memory_space<vmem>>, vector<16xi32>,
      %get3A_273 = vector.shape_cast %get3A_272 : vector<16xi32> to vector<16xi32>
      %broadcast_in_dim3A_274 = vector.broadcast %add3A_1 : i32 to vector<16xi32>
      %select_n3A_275 = arith.select %eq3A_270, %get3A_273, %broadcast_in_dim3A_274 : vector<16xi1>, vector<16xi32>
      %swap3A_276 = arith.constant 112 : index
      %swap3A_277 = tpu.vector_load %arg10[%swap3A_276] {strides = array<i32>} : memref<128xi32, #tpu.memory_space<vmem>>, vector<16xi32>,
      %swap3A_278 = vector.shape_cast %swap3A_277 : vector<16xi32> to vector<16xi32>
      %swap3A_279 = vector.shape_cast %select_n3A_275 : vector<16xi32> to vector<16xi32>
      tpu.vector_store %arg10[%swap3A_276], %swap3A_279 {strides = array<i32>} : memref<128xi32, #tpu.memory_space<vmem>>, vector<16xi32>,
      %get3A_280 = arith.constant 112 : index
      %get3A_281 = tpu.vector_load %arg9[%get3A_280] {strides = array<i32>} : memref<384xi32, #tpu.memory_space<vmem>>, vector<16xi32>,
      %get3A_282 = vector.shape_cast %get3A_281 : vector<16xi32> to vector<16xi32>
      %swap3A_283 = arith.constant 112 : index
      %swap3A_284 = tpu.vector_load %arg8[%swap3A_283] {strides = array<i32>} : memref<128xi32, #tpu.memory_space<vmem>>, vector<16xi32>,
      %swap3A_285 = vector.shape_cast %swap3A_284 : vector<16xi32> to vector<16xi32>
      %swap3A_286 = vector.shape_cast %get3A_282 : vector<16xi32> to vector<16xi32>
      tpu.vector_store %arg8[%swap3A_283], %swap3A_286 {strides = array<i32>} : memref<128xi32, #tpu.memory_space<vmem>>, vector<16xi32>,
      %dma_start3A = arith.constant 0 : i32
      %dma_start3A_287 = arith.constant 0 : i32
      %dma_start3A_288 = tpu.memref_slice %arg2[%dma_start3A, %dma_start3A_287] : memref<10000x128xf32, #tpu.memory_space<hbm>> -> memref<10000x128xf32, #tpu.memory_space<hbm>>
      tpu.enqueue_indirect_dma source(%dma_start3A_288 : memref<10000x128xf32, #tpu.memory_space<hbm>>) target(%arg11 : memref<128x128xf32, #tpu.memory_space<vmem>>) offsets(%arg8 : memref<128xi32, #tpu.memory_space<vmem>>) semaphore(%arg12 : memref<!tpu.dma_semaphore, #tpu.memory_space<semaphore_mem>>)
      %dma_wait3A = arith.constant 0 : i32
      %dma_wait3A_289 = arith.constant 0 : i32
      %dma_wait3A_290 = tpu.memref_slice %arg2[%dma_wait3A, %dma_wait3A_289] : memref<10000x128xf32, #tpu.memory_space<hbm>> -> memref<10000x128xf32, #tpu.memory_space<hbm>>
      tpu.wait_indirect_dma semaphore(%arg12 : memref<!tpu.dma_semaphore, #tpu.memory_space<semaphore_mem>>) src(%dma_wait3A_290 : memref<10000x128xf32, #tpu.memory_space<hbm>>) dst(%arg11 : memref<128x128xf32, #tpu.memory_space<vmem>>)
      "tpu.region"() ({
        %run_scoped3A = tpu.sem_alloc : memref<!tpu.dma_semaphore, #tpu.memory_space<semaphore_mem>>
        %dma_start3A_291 = arith.constant 0 : i32
        %dma_start3A_292 = arith.constant 0 : i32
        %dma_start3A_293 = tpu.memref_slice %arg7[%dma_start3A_291, %dma_start3A_292] : memref<10112x128xf32, #tpu.memory_space<vmem_shared>> -> memref<10112x128xf32, #tpu.memory_space<vmem_shared>>
        tpu.enqueue_indirect_dma source(%arg11 : memref<128x128xf32, #tpu.memory_space<vmem>>) target(%dma_start3A_293 : memref<10112x128xf32, #tpu.memory_space<vmem_shared>>) offsets(%arg10 : memref<128xi32, #tpu.memory_space<vmem>>) semaphore(%run_scoped3A : memref<!tpu.dma_semaphore, #tpu.memory_space<semaphore_mem>>) {add = true}
        %dma_wait3A_294 = arith.constant 0 : i32
        %dma_wait3A_295 = arith.constant 0 : i32
        %dma_wait3A_296 = tpu.memref_slice %arg7[%dma_wait3A_294, %dma_wait3A_295] : memref<10112x128xf32, #tpu.memory_space<vmem_shared>> -> memref<10112x128xf32, #tpu.memory_space<vmem_shared>>
        tpu.wait_indirect_dma semaphore(%run_scoped3A : memref<!tpu.dma_semaphore, #tpu.memory_space<semaphore_mem>>) src(%arg11 : memref<128x128xf32, #tpu.memory_space<vmem>>) dst(%dma_wait3A_296 : memref<10112x128xf32, #tpu.memory_space<vmem_shared>>)
        tpu.yield
      }) : () -> ()
    }
    %scan3A_78 = arith.constant 157 : i32
    %barrier3A_79 = arith.constant 0 : index
    tpu.barrier barrier_id(%barrier3A_79)
    %add3A_80 = arith.constant 0 : i32
    %add3A_81 = arith.addi %mul3A_0, %add3A_80 : i32
    "tpu.region"() ({
      %run_scoped3A = tpu.sem_alloc : memref<!tpu.dma_semaphore, #tpu.memory_space<semaphore_mem>>
      %dma_start3A = arith.constant 0 : i32
      %dma_start3A_116 = arith.constant 0 : i32
      %dma_start3A_117 = tpu.memref_slice %arg11[%dma_start3A, %dma_start3A_116] : memref<128x128xf32, #tpu.memory_space<vmem>> -> memref<128x128xf32, #tpu.memory_space<vmem>>
      %dma_start3A_118 = arith.constant 0 : i32
      %dma_start3A_119 = tpu.memref_slice %arg7[%add3A_81, %dma_start3A_118] : memref<10112x128xf32, #tpu.memory_space<vmem_shared>> -> memref<128x128xf32, #tpu.memory_space<vmem_shared>>
      %dma_start3A_120 = arith.constant 0 : i32
      %dma_start3A_121 = arith.constant 0 : i32
      %dma_start3A_122 = tpu.memref_slice %arg11[%dma_start3A_120, %dma_start3A_121] : memref<128x128xf32, #tpu.memory_space<vmem>> -> memref<128x128xf32, #tpu.memory_space<vmem>>
      %dma_start3A_123 = arith.constant 0 : i32
      %dma_start3A_124 = tpu.memref_slice %arg7[%add3A_81, %dma_start3A_123] : memref<10112x128xf32, #tpu.memory_space<vmem_shared>> -> memref<128x128xf32, #tpu.memory_space<vmem_shared>>
      tpu.enqueue_dma source(%dma_start3A_124 : memref<128x128xf32, #tpu.memory_space<vmem_shared>>) target(%dma_start3A_122 : memref<128x128xf32, #tpu.memory_space<vmem>>) target_semaphore(%run_scoped3A : memref<!tpu.dma_semaphore, #tpu.memory_space<semaphore_mem>>)
      %dma_wait3A = arith.constant 0 : i32
      %dma_wait3A_125 = arith.constant 0 : i32
      %dma_wait3A_126 = tpu.memref_slice %arg11[%dma_wait3A, %dma_wait3A_125] : memref<128x128xf32, #tpu.memory_space<vmem>> -> memref<128x128xf32, #tpu.memory_space<vmem>>
      %dma_wait3A_127 = arith.constant 0 : i32
      %dma_wait3A_128 = tpu.memref_slice %arg7[%add3A_81, %dma_wait3A_127] : memref<10112x128xf32, #tpu.memory_space<vmem_shared>> -> memref<128x128xf32, #tpu.memory_space<vmem_shared>>
      %dma_wait3A_129 = arith.constant 0 : i32
      %dma_wait3A_130 = arith.constant 0 : i32
      %dma_wait3A_131 = tpu.memref_slice %arg11[%dma_wait3A_129, %dma_wait3A_130] : memref<128x128xf32, #tpu.memory_space<vmem>> -> memref<128x128xf32, #tpu.memory_space<vmem>>
      %dma_wait3A_132 = arith.constant 0 : i32
      %dma_wait3A_133 = tpu.memref_slice %arg7[%add3A_81, %dma_wait3A_132] : memref<10112x128xf32, #tpu.memory_space<vmem_shared>> -> memref<128x128xf32, #tpu.memory_space<vmem_shared>>
      tpu.wait_dma2 semaphore(%run_scoped3A : memref<!tpu.dma_semaphore, #tpu.memory_space<semaphore_mem>>) src(%dma_wait3A_133 : memref<128x128xf32, #tpu.memory_space<vmem_shared>>) dst(%dma_wait3A_131 : memref<128x128xf32, #tpu.memory_space<vmem>>)
      tpu.yield
    }) : () -> ()
    %mul3A_82 = arith.constant 10112 : i32
    %mul3A_83 = arith.muli %add3A_61, %mul3A_82 : i32
    %add3A_84 = arith.addi %mul3A_83, %mul3A_0 : i32
    %add3A_85 = arith.constant 0 : i32
    %add3A_86 = arith.addi %add3A_84, %add3A_85 : i32
    "tpu.region"() ({
      %run_scoped3A = tpu.sem_alloc : memref<!tpu.dma_semaphore, #tpu.memory_space<semaphore_mem>>
      %dma_start3A = arith.constant 0 : i32
      %dma_start3A_116 = arith.constant 0 : i32
      %dma_start3A_117 = tpu.memref_slice %arg11[%dma_start3A, %dma_start3A_116] : memref<128x128xf32, #tpu.memory_space<vmem>> -> memref<128x128xf32, #tpu.memory_space<vmem>>
      %dma_start3A_118 = arith.constant 0 : i32
      %dma_start3A_119 = tpu.memref_slice %arg6[%add3A_86, %dma_start3A_118] : memref<40448x128xf32, #tpu.memory_space<hbm>> -> memref<128x128xf32, #tpu.memory_space<hbm>>
      %dma_start3A_120 = arith.constant 0 : i32
      %dma_start3A_121 = tpu.memref_slice %arg6[%add3A_86, %dma_start3A_120] : memref<40448x128xf32, #tpu.memory_space<hbm>> -> memref<128x128xf32, #tpu.memory_space<hbm>>
      %dma_start3A_122 = arith.constant 0 : i32
      %dma_start3A_123 = arith.constant 0 : i32
      %dma_start3A_124 = tpu.memref_slice %arg11[%dma_start3A_122, %dma_start3A_123] : memref<128x128xf32, #tpu.memory_space<vmem>> -> memref<128x128xf32, #tpu.memory_space<vmem>>
      tpu.enqueue_dma source(%dma_start3A_124 : memref<128x128xf32, #tpu.memory_space<vmem>>) target(%dma_start3A_121 : memref<128x128xf32, #tpu.memory_space<hbm>>) target_semaphore(%run_scoped3A : memref<!tpu.dma_semaphore, #tpu.memory_space<semaphore_mem>>)
      %dma_wait3A = arith.constant 0 : i32
      %dma_wait3A_125 = arith.constant 0 : i32
      %dma_wait3A_126 = tpu.memref_slice %arg11[%dma_wait3A, %dma_wait3A_125] : memref<128x128xf32, #tpu.memory_space<vmem>> -> memref<128x128xf32, #tpu.memory_space<vmem>>
      %dma_wait3A_127 = arith.constant 0 : i32
      %dma_wait3A_128 = tpu.memref_slice %arg6[%add3A_86, %dma_wait3A_127] : memref<40448x128xf32, #tpu.memory_space<hbm>> -> memref<128x128xf32, #tpu.memory_space<hbm>>
      %dma_wait3A_129 = arith.constant 0 : i32
      %dma_wait3A_130 = tpu.memref_slice %arg6[%add3A_86, %dma_wait3A_129] : memref<40448x128xf32, #tpu.memory_space<hbm>> -> memref<128x128xf32, #tpu.memory_space<hbm>>
      %dma_wait3A_131 = arith.constant 0 : i32
      %dma_wait3A_132 = arith.constant 0 : i32
      %dma_wait3A_133 = tpu.memref_slice %arg11[%dma_wait3A_131, %dma_wait3A_132] : memref<128x128xf32, #tpu.memory_space<vmem>> -> memref<128x128xf32, #tpu.memory_space<vmem>>
      tpu.wait_dma2 semaphore(%run_scoped3A : memref<!tpu.dma_semaphore, #tpu.memory_space<semaphore_mem>>) src(%dma_wait3A_133 : memref<128x128xf32, #tpu.memory_space<vmem>>) dst(%dma_wait3A_130 : memref<128x128xf32, #tpu.memory_space<hbm>>)
      tpu.yield
    }) : () -> ()
    %add3A_87 = arith.constant 128 : i32
    %add3A_88 = arith.addi %mul3A_0, %add3A_87 : i32
    "tpu.region"() ({
      %run_scoped3A = tpu.sem_alloc : memref<!tpu.dma_semaphore, #tpu.memory_space<semaphore_mem>>
      %dma_start3A = arith.constant 0 : i32
      %dma_start3A_116 = arith.constant 0 : i32
      %dma_start3A_117 = tpu.memref_slice %arg11[%dma_start3A, %dma_start3A_116] : memref<128x128xf32, #tpu.memory_space<vmem>> -> memref<128x128xf32, #tpu.memory_space<vmem>>
      %dma_start3A_118 = arith.constant 0 : i32
      %dma_start3A_119 = tpu.memref_slice %arg7[%add3A_88, %dma_start3A_118] : memref<10112x128xf32, #tpu.memory_space<vmem_shared>> -> memref<128x128xf32, #tpu.memory_space<vmem_shared>>
      %dma_start3A_120 = arith.constant 0 : i32
      %dma_start3A_121 = arith.constant 0 : i32
      %dma_start3A_122 = tpu.memref_slice %arg11[%dma_start3A_120, %dma_start3A_121] : memref<128x128xf32, #tpu.memory_space<vmem>> -> memref<128x128xf32, #tpu.memory_space<vmem>>
      %dma_start3A_123 = arith.constant 0 : i32
      %dma_start3A_124 = tpu.memref_slice %arg7[%add3A_88, %dma_start3A_123] : memref<10112x128xf32, #tpu.memory_space<vmem_shared>> -> memref<128x128xf32, #tpu.memory_space<vmem_shared>>
      tpu.enqueue_dma source(%dma_start3A_124 : memref<128x128xf32, #tpu.memory_space<vmem_shared>>) target(%dma_start3A_122 : memref<128x128xf32, #tpu.memory_space<vmem>>) target_semaphore(%run_scoped3A : memref<!tpu.dma_semaphore, #tpu.memory_space<semaphore_mem>>)
      %dma_wait3A = arith.constant 0 : i32
      %dma_wait3A_125 = arith.constant 0 : i32
      %dma_wait3A_126 = tpu.memref_slice %arg11[%dma_wait3A, %dma_wait3A_125] : memref<128x128xf32, #tpu.memory_space<vmem>> -> memref<128x128xf32, #tpu.memory_space<vmem>>
      %dma_wait3A_127 = arith.constant 0 : i32
      %dma_wait3A_128 = tpu.memref_slice %arg7[%add3A_88, %dma_wait3A_127] : memref<10112x128xf32, #tpu.memory_space<vmem_shared>> -> memref<128x128xf32, #tpu.memory_space<vmem_shared>>
      %dma_wait3A_129 = arith.constant 0 : i32
      %dma_wait3A_130 = arith.constant 0 : i32
      %dma_wait3A_131 = tpu.memref_slice %arg11[%dma_wait3A_129, %dma_wait3A_130] : memref<128x128xf32, #tpu.memory_space<vmem>> -> memref<128x128xf32, #tpu.memory_space<vmem>>
      %dma_wait3A_132 = arith.constant 0 : i32
      %dma_wait3A_133 = tpu.memref_slice %arg7[%add3A_88, %dma_wait3A_132] : memref<10112x128xf32, #tpu.memory_space<vmem_shared>> -> memref<128x128xf32, #tpu.memory_space<vmem_shared>>
      tpu.wait_dma2 semaphore(%run_scoped3A : memref<!tpu.dma_semaphore, #tpu.memory_space<semaphore_mem>>) src(%dma_wait3A_133 : memref<128x128xf32, #tpu.memory_space<vmem_shared>>) dst(%dma_wait3A_131 : memref<128x128xf32, #tpu.memory_space<vmem>>)
      tpu.yield
    }) : () -> ()
    %mul3A_89 = arith.constant 10112 : i32
    %mul3A_90 = arith.muli %add3A_61, %mul3A_89 : i32
    %add3A_91 = arith.addi %mul3A_90, %mul3A_0 : i32
    %add3A_92 = arith.constant 128 : i32
    %add3A_93 = arith.addi %add3A_91, %add3A_92 : i32
    "tpu.region"() ({
      %run_scoped3A = tpu.sem_alloc : memref<!tpu.dma_semaphore, #tpu.memory_space<semaphore_mem>>
      %dma_start3A = arith.constant 0 : i32
      %dma_start3A_116 = arith.constant 0 : i32
      %dma_start3A_117 = tpu.memref_slice %arg11[%dma_start3A, %dma_start3A_116] : memref<128x128xf32, #tpu.memory_space<vmem>> -> memref<128x128xf32, #tpu.memory_space<vmem>>
      %dma_start3A_118 = arith.constant 0 : i32
      %dma_start3A_119 = tpu.memref_slice %arg6[%add3A_93, %dma_start3A_118] : memref<40448x128xf32, #tpu.memory_space<hbm>> -> memref<128x128xf32, #tpu.memory_space<hbm>>
      %dma_start3A_120 = arith.constant 0 : i32
      %dma_start3A_121 = tpu.memref_slice %arg6[%add3A_93, %dma_start3A_120] : memref<40448x128xf32, #tpu.memory_space<hbm>> -> memref<128x128xf32, #tpu.memory_space<hbm>>
      %dma_start3A_122 = arith.constant 0 : i32
      %dma_start3A_123 = arith.constant 0 : i32
      %dma_start3A_124 = tpu.memref_slice %arg11[%dma_start3A_122, %dma_start3A_123] : memref<128x128xf32, #tpu.memory_space<vmem>> -> memref<128x128xf32, #tpu.memory_space<vmem>>
      tpu.enqueue_dma source(%dma_start3A_124 : memref<128x128xf32, #tpu.memory_space<vmem>>) target(%dma_start3A_121 : memref<128x128xf32, #tpu.memory_space<hbm>>) target_semaphore(%run_scoped3A : memref<!tpu.dma_semaphore, #tpu.memory_space<semaphore_mem>>)
      %dma_wait3A = arith.constant 0 : i32
      %dma_wait3A_125 = arith.constant 0 : i32
      %dma_wait3A_126 = tpu.memref_slice %arg11[%dma_wait3A, %dma_wait3A_125] : memref<128x128xf32, #tpu.memory_space<vmem>> -> memref<128x128xf32, #tpu.memory_space<vmem>>
      %dma_wait3A_127 = arith.constant 0 : i32
      %dma_wait3A_128 = tpu.memref_slice %arg6[%add3A_93, %dma_wait3A_127] : memref<40448x128xf32, #tpu.memory_space<hbm>> -> memref<128x128xf32, #tpu.memory_space<hbm>>
      %dma_wait3A_129 = arith.constant 0 : i32
      %dma_wait3A_130 = tpu.memref_slice %arg6[%add3A_93, %dma_wait3A_129] : memref<40448x128xf32, #tpu.memory_space<hbm>> -> memref<128x128xf32, #tpu.memory_space<hbm>>
      %dma_wait3A_131 = arith.constant 0 : i32
      %dma_wait3A_132 = arith.constant 0 : i32
      %dma_wait3A_133 = tpu.memref_slice %arg11[%dma_wait3A_131, %dma_wait3A_132] : memref<128x128xf32, #tpu.memory_space<vmem>> -> memref<128x128xf32, #tpu.memory_space<vmem>>
      tpu.wait_dma2 semaphore(%run_scoped3A : memref<!tpu.dma_semaphore, #tpu.memory_space<semaphore_mem>>) src(%dma_wait3A_133 : memref<128x128xf32, #tpu.memory_space<vmem>>) dst(%dma_wait3A_130 : memref<128x128xf32, #tpu.memory_space<hbm>>)
      tpu.yield
    }) : () -> ()
    %add3A_94 = arith.constant 256 : i32
    %add3A_95 = arith.addi %mul3A_0, %add3A_94 : i32
    "tpu.region"() ({
      %run_scoped3A = tpu.sem_alloc : memref<!tpu.dma_semaphore, #tpu.memory_space<semaphore_mem>>
      %dma_start3A = arith.constant 0 : i32
      %dma_start3A_116 = arith.constant 0 : i32
      %dma_start3A_117 = tpu.memref_slice %arg11[%dma_start3A, %dma_start3A_116] : memref<128x128xf32, #tpu.memory_space<vmem>> -> memref<128x128xf32, #tpu.memory_space<vmem>>
      %dma_start3A_118 = arith.constant 0 : i32
      %dma_start3A_119 = tpu.memref_slice %arg7[%add3A_95, %dma_start3A_118] : memref<10112x128xf32, #tpu.memory_space<vmem_shared>> -> memref<128x128xf32, #tpu.memory_space<vmem_shared>>
      %dma_start3A_120 = arith.constant 0 : i32
      %dma_start3A_121 = arith.constant 0 : i32
      %dma_start3A_122 = tpu.memref_slice %arg11[%dma_start3A_120, %dma_start3A_121] : memref<128x128xf32, #tpu.memory_space<vmem>> -> memref<128x128xf32, #tpu.memory_space<vmem>>
      %dma_start3A_123 = arith.constant 0 : i32
      %dma_start3A_124 = tpu.memref_slice %arg7[%add3A_95, %dma_start3A_123] : memref<10112x128xf32, #tpu.memory_space<vmem_shared>> -> memref<128x128xf32, #tpu.memory_space<vmem_shared>>
      tpu.enqueue_dma source(%dma_start3A_124 : memref<128x128xf32, #tpu.memory_space<vmem_shared>>) target(%dma_start3A_122 : memref<128x128xf32, #tpu.memory_space<vmem>>) target_semaphore(%run_scoped3A : memref<!tpu.dma_semaphore, #tpu.memory_space<semaphore_mem>>)
      %dma_wait3A = arith.constant 0 : i32
      %dma_wait3A_125 = arith.constant 0 : i32
      %dma_wait3A_126 = tpu.memref_slice %arg11[%dma_wait3A, %dma_wait3A_125] : memref<128x128xf32, #tpu.memory_space<vmem>> -> memref<128x128xf32, #tpu.memory_space<vmem>>
      %dma_wait3A_127 = arith.constant 0 : i32
      %dma_wait3A_128 = tpu.memref_slice %arg7[%add3A_95, %dma_wait3A_127] : memref<10112x128xf32, #tpu.memory_space<vmem_shared>> -> memref<128x128xf32, #tpu.memory_space<vmem_shared>>
      %dma_wait3A_129 = arith.constant 0 : i32
      %dma_wait3A_130 = arith.constant 0 : i32
      %dma_wait3A_131 = tpu.memref_slice %arg11[%dma_wait3A_129, %dma_wait3A_130] : memref<128x128xf32, #tpu.memory_space<vmem>> -> memref<128x128xf32, #tpu.memory_space<vmem>>
      %dma_wait3A_132 = arith.constant 0 : i32
      %dma_wait3A_133 = tpu.memref_slice %arg7[%add3A_95, %dma_wait3A_132] : memref<10112x128xf32, #tpu.memory_space<vmem_shared>> -> memref<128x128xf32, #tpu.memory_space<vmem_shared>>
      tpu.wait_dma2 semaphore(%run_scoped3A : memref<!tpu.dma_semaphore, #tpu.memory_space<semaphore_mem>>) src(%dma_wait3A_133 : memref<128x128xf32, #tpu.memory_space<vmem_shared>>) dst(%dma_wait3A_131 : memref<128x128xf32, #tpu.memory_space<vmem>>)
      tpu.yield
    }) : () -> ()
    %mul3A_96 = arith.constant 10112 : i32
    %mul3A_97 = arith.muli %add3A_61, %mul3A_96 : i32
    %add3A_98 = arith.addi %mul3A_97, %mul3A_0 : i32
    %add3A_99 = arith.constant 256 : i32
    %add3A_100 = arith.addi %add3A_98, %add3A_99 : i32
    "tpu.region"() ({
      %run_scoped3A = tpu.sem_alloc : memref<!tpu.dma_semaphore, #tpu.memory_space<semaphore_mem>>
      %dma_start3A = arith.constant 0 : i32
      %dma_start3A_116 = arith.constant 0 : i32
      %dma_start3A_117 = tpu.memref_slice %arg11[%dma_start3A, %dma_start3A_116] : memref<128x128xf32, #tpu.memory_space<vmem>> -> memref<128x128xf32, #tpu.memory_space<vmem>>
      %dma_start3A_118 = arith.constant 0 : i32
      %dma_start3A_119 = tpu.memref_slice %arg6[%add3A_100, %dma_start3A_118] : memref<40448x128xf32, #tpu.memory_space<hbm>> -> memref<128x128xf32, #tpu.memory_space<hbm>>
      %dma_start3A_120 = arith.constant 0 : i32
      %dma_start3A_121 = tpu.memref_slice %arg6[%add3A_100, %dma_start3A_120] : memref<40448x128xf32, #tpu.memory_space<hbm>> -> memref<128x128xf32, #tpu.memory_space<hbm>>
      %dma_start3A_122 = arith.constant 0 : i32
      %dma_start3A_123 = arith.constant 0 : i32
      %dma_start3A_124 = tpu.memref_slice %arg11[%dma_start3A_122, %dma_start3A_123] : memref<128x128xf32, #tpu.memory_space<vmem>> -> memref<128x128xf32, #tpu.memory_space<vmem>>
      tpu.enqueue_dma source(%dma_start3A_124 : memref<128x128xf32, #tpu.memory_space<vmem>>) target(%dma_start3A_121 : memref<128x128xf32, #tpu.memory_space<hbm>>) target_semaphore(%run_scoped3A : memref<!tpu.dma_semaphore, #tpu.memory_space<semaphore_mem>>)
      %dma_wait3A = arith.constant 0 : i32
      %dma_wait3A_125 = arith.constant 0 : i32
      %dma_wait3A_126 = tpu.memref_slice %arg11[%dma_wait3A, %dma_wait3A_125] : memref<128x128xf32, #tpu.memory_space<vmem>> -> memref<128x128xf32, #tpu.memory_space<vmem>>
      %dma_wait3A_127 = arith.constant 0 : i32
      %dma_wait3A_128 = tpu.memref_slice %arg6[%add3A_100, %dma_wait3A_127] : memref<40448x128xf32, #tpu.memory_space<hbm>> -> memref<128x128xf32, #tpu.memory_space<hbm>>
      %dma_wait3A_129 = arith.constant 0 : i32
      %dma_wait3A_130 = tpu.memref_slice %arg6[%add3A_100, %dma_wait3A_129] : memref<40448x128xf32, #tpu.memory_space<hbm>> -> memref<128x128xf32, #tpu.memory_space<hbm>>
      %dma_wait3A_131 = arith.constant 0 : i32
      %dma_wait3A_132 = arith.constant 0 : i32
      %dma_wait3A_133 = tpu.memref_slice %arg11[%dma_wait3A_131, %dma_wait3A_132] : memref<128x128xf32, #tpu.memory_space<vmem>> -> memref<128x128xf32, #tpu.memory_space<vmem>>
      tpu.wait_dma2 semaphore(%run_scoped3A : memref<!tpu.dma_semaphore, #tpu.memory_space<semaphore_mem>>) src(%dma_wait3A_133 : memref<128x128xf32, #tpu.memory_space<vmem>>) dst(%dma_wait3A_130 : memref<128x128xf32, #tpu.memory_space<hbm>>)
      tpu.yield
    }) : () -> ()
    %add3A_101 = arith.constant 384 : i32
    %add3A_102 = arith.addi %mul3A_0, %add3A_101 : i32
    "tpu.region"() ({
      %run_scoped3A = tpu.sem_alloc : memref<!tpu.dma_semaphore, #tpu.memory_space<semaphore_mem>>
      %dma_start3A = arith.constant 0 : i32
      %dma_start3A_116 = arith.constant 0 : i32
      %dma_start3A_117 = tpu.memref_slice %arg11[%dma_start3A, %dma_start3A_116] : memref<128x128xf32, #tpu.memory_space<vmem>> -> memref<128x128xf32, #tpu.memory_space<vmem>>
      %dma_start3A_118 = arith.constant 0 : i32
      %dma_start3A_119 = tpu.memref_slice %arg7[%add3A_102, %dma_start3A_118] : memref<10112x128xf32, #tpu.memory_space<vmem_shared>> -> memref<128x128xf32, #tpu.memory_space<vmem_shared>>
      %dma_start3A_120 = arith.constant 0 : i32
      %dma_start3A_121 = arith.constant 0 : i32
      %dma_start3A_122 = tpu.memref_slice %arg11[%dma_start3A_120, %dma_start3A_121] : memref<128x128xf32, #tpu.memory_space<vmem>> -> memref<128x128xf32, #tpu.memory_space<vmem>>
      %dma_start3A_123 = arith.constant 0 : i32
      %dma_start3A_124 = tpu.memref_slice %arg7[%add3A_102, %dma_start3A_123] : memref<10112x128xf32, #tpu.memory_space<vmem_shared>> -> memref<128x128xf32, #tpu.memory_space<vmem_shared>>
      tpu.enqueue_dma source(%dma_start3A_124 : memref<128x128xf32, #tpu.memory_space<vmem_shared>>) target(%dma_start3A_122 : memref<128x128xf32, #tpu.memory_space<vmem>>) target_semaphore(%run_scoped3A : memref<!tpu.dma_semaphore, #tpu.memory_space<semaphore_mem>>)
      %dma_wait3A = arith.constant 0 : i32
      %dma_wait3A_125 = arith.constant 0 : i32
      %dma_wait3A_126 = tpu.memref_slice %arg11[%dma_wait3A, %dma_wait3A_125] : memref<128x128xf32, #tpu.memory_space<vmem>> -> memref<128x128xf32, #tpu.memory_space<vmem>>
      %dma_wait3A_127 = arith.constant 0 : i32
      %dma_wait3A_128 = tpu.memref_slice %arg7[%add3A_102, %dma_wait3A_127] : memref<10112x128xf32, #tpu.memory_space<vmem_shared>> -> memref<128x128xf32, #tpu.memory_space<vmem_shared>>
      %dma_wait3A_129 = arith.constant 0 : i32
      %dma_wait3A_130 = arith.constant 0 : i32
      %dma_wait3A_131 = tpu.memref_slice %arg11[%dma_wait3A_129, %dma_wait3A_130] : memref<128x128xf32, #tpu.memory_space<vmem>> -> memref<128x128xf32, #tpu.memory_space<vmem>>
      %dma_wait3A_132 = arith.constant 0 : i32
      %dma_wait3A_133 = tpu.memref_slice %arg7[%add3A_102, %dma_wait3A_132] : memref<10112x128xf32, #tpu.memory_space<vmem_shared>> -> memref<128x128xf32, #tpu.memory_space<vmem_shared>>
      tpu.wait_dma2 semaphore(%run_scoped3A : memref<!tpu.dma_semaphore, #tpu.memory_space<semaphore_mem>>) src(%dma_wait3A_133 : memref<128x128xf32, #tpu.memory_space<vmem_shared>>) dst(%dma_wait3A_131 : memref<128x128xf32, #tpu.memory_space<vmem>>)
      tpu.yield
    }) : () -> ()
    %mul3A_103 = arith.constant 10112 : i32
    %mul3A_104 = arith.muli %add3A_61, %mul3A_103 : i32
    %add3A_105 = arith.addi %mul3A_104, %mul3A_0 : i32
    %add3A_106 = arith.constant 384 : i32
    %add3A_107 = arith.addi %add3A_105, %add3A_106 : i32
    "tpu.region"() ({
      %run_scoped3A = tpu.sem_alloc : memref<!tpu.dma_semaphore, #tpu.memory_space<semaphore_mem>>
      %dma_start3A = arith.constant 0 : i32
      %dma_start3A_116 = arith.constant 0 : i32
      %dma_start3A_117 = tpu.memref_slice %arg11[%dma_start3A, %dma_start3A_116] : memref<128x128xf32, #tpu.memory_space<vmem>> -> memref<128x128xf32, #tpu.memory_space<vmem>>
      %dma_start3A_118 = arith.constant 0 : i32
      %dma_start3A_119 = tpu.memref_slice %arg6[%add3A_107, %dma_start3A_118] : memref<40448x128xf32, #tpu.memory_space<hbm>> -> memref<128x128xf32, #tpu.memory_space<hbm>>
      %dma_start3A_120 = arith.constant 0 : i32
      %dma_start3A_121 = tpu.memref_slice %arg6[%add3A_107, %dma_start3A_120] : memref<40448x128xf32, #tpu.memory_space<hbm>> -> memref<128x128xf32, #tpu.memory_space<hbm>>
      %dma_start3A_122 = arith.constant 0 : i32
      %dma_start3A_123 = arith.constant 0 : i32
      %dma_start3A_124 = tpu.memref_slice %arg11[%dma_start3A_122, %dma_start3A_123] : memref<128x128xf32, #tpu.memory_space<vmem>> -> memref<128x128xf32, #tpu.memory_space<vmem>>
      tpu.enqueue_dma source(%dma_start3A_124 : memref<128x128xf32, #tpu.memory_space<vmem>>) target(%dma_start3A_121 : memref<128x128xf32, #tpu.memory_space<hbm>>) target_semaphore(%run_scoped3A : memref<!tpu.dma_semaphore, #tpu.memory_space<semaphore_mem>>)
      %dma_wait3A = arith.constant 0 : i32
      %dma_wait3A_125 = arith.constant 0 : i32
      %dma_wait3A_126 = tpu.memref_slice %arg11[%dma_wait3A, %dma_wait3A_125] : memref<128x128xf32, #tpu.memory_space<vmem>> -> memref<128x128xf32, #tpu.memory_space<vmem>>
      %dma_wait3A_127 = arith.constant 0 : i32
      %dma_wait3A_128 = tpu.memref_slice %arg6[%add3A_107, %dma_wait3A_127] : memref<40448x128xf32, #tpu.memory_space<hbm>> -> memref<128x128xf32, #tpu.memory_space<hbm>>
      %dma_wait3A_129 = arith.constant 0 : i32
      %dma_wait3A_130 = tpu.memref_slice %arg6[%add3A_107, %dma_wait3A_129] : memref<40448x128xf32, #tpu.memory_space<hbm>> -> memref<128x128xf32, #tpu.memory_space<hbm>>
      %dma_wait3A_131 = arith.constant 0 : i32
      %dma_wait3A_132 = arith.constant 0 : i32
      %dma_wait3A_133 = tpu.memref_slice %arg11[%dma_wait3A_131, %dma_wait3A_132] : memref<128x128xf32, #tpu.memory_space<vmem>> -> memref<128x128xf32, #tpu.memory_space<vmem>>
      tpu.wait_dma2 semaphore(%run_scoped3A : memref<!tpu.dma_semaphore, #tpu.memory_space<semaphore_mem>>) src(%dma_wait3A_133 : memref<128x128xf32, #tpu.memory_space<vmem>>) dst(%dma_wait3A_130 : memref<128x128xf32, #tpu.memory_space<hbm>>)
      tpu.yield
    }) : () -> ()
    %add3A_108 = arith.constant 512 : i32
    %add3A_109 = arith.addi %mul3A_0, %add3A_108 : i32
    "tpu.region"() ({
      %run_scoped3A = tpu.sem_alloc : memref<!tpu.dma_semaphore, #tpu.memory_space<semaphore_mem>>
      %dma_start3A = arith.constant 0 : i32
      %dma_start3A_116 = arith.constant 0 : i32
      %dma_start3A_117 = tpu.memref_slice %arg11[%dma_start3A, %dma_start3A_116] : memref<128x128xf32, #tpu.memory_space<vmem>> -> memref<120x128xf32, #tpu.memory_space<vmem>>
      %dma_start3A_118 = arith.constant 0 : i32
      %dma_start3A_119 = tpu.memref_slice %arg7[%add3A_109, %dma_start3A_118] : memref<10112x128xf32, #tpu.memory_space<vmem_shared>> -> memref<120x128xf32, #tpu.memory_space<vmem_shared>>
      %dma_start3A_120 = arith.constant 0 : i32
      %dma_start3A_121 = arith.constant 0 : i32
      %dma_start3A_122 = tpu.memref_slice %arg11[%dma_start3A_120, %dma_start3A_121] : memref<128x128xf32, #tpu.memory_space<vmem>> -> memref<120x128xf32, #tpu.memory_space<vmem>>
      %dma_start3A_123 = arith.constant 0 : i32
      %dma_start3A_124 = tpu.memref_slice %arg7[%add3A_109, %dma_start3A_123] : memref<10112x128xf32, #tpu.memory_space<vmem_shared>> -> memref<120x128xf32, #tpu.memory_space<vmem_shared>>
      tpu.enqueue_dma source(%dma_start3A_124 : memref<120x128xf32, #tpu.memory_space<vmem_shared>>) target(%dma_start3A_122 : memref<120x128xf32, #tpu.memory_space<vmem>>) target_semaphore(%run_scoped3A : memref<!tpu.dma_semaphore, #tpu.memory_space<semaphore_mem>>)
      %dma_wait3A = arith.constant 0 : i32
      %dma_wait3A_125 = arith.constant 0 : i32
      %dma_wait3A_126 = tpu.memref_slice %arg11[%dma_wait3A, %dma_wait3A_125] : memref<128x128xf32, #tpu.memory_space<vmem>> -> memref<120x128xf32, #tpu.memory_space<vmem>>
      %dma_wait3A_127 = arith.constant 0 : i32
      %dma_wait3A_128 = tpu.memref_slice %arg7[%add3A_109, %dma_wait3A_127] : memref<10112x128xf32, #tpu.memory_space<vmem_shared>> -> memref<120x128xf32, #tpu.memory_space<vmem_shared>>
      %dma_wait3A_129 = arith.constant 0 : i32
      %dma_wait3A_130 = arith.constant 0 : i32
      %dma_wait3A_131 = tpu.memref_slice %arg11[%dma_wait3A_129, %dma_wait3A_130] : memref<128x128xf32, #tpu.memory_space<vmem>> -> memref<120x128xf32, #tpu.memory_space<vmem>>
      %dma_wait3A_132 = arith.constant 0 : i32
      %dma_wait3A_133 = tpu.memref_slice %arg7[%add3A_109, %dma_wait3A_132] : memref<10112x128xf32, #tpu.memory_space<vmem_shared>> -> memref<120x128xf32, #tpu.memory_space<vmem_shared>>
      tpu.wait_dma2 semaphore(%run_scoped3A : memref<!tpu.dma_semaphore, #tpu.memory_space<semaphore_mem>>) src(%dma_wait3A_133 : memref<120x128xf32, #tpu.memory_space<vmem_shared>>) dst(%dma_wait3A_131 : memref<120x128xf32, #tpu.memory_space<vmem>>)
      tpu.yield
    }) : () -> ()
    %mul3A_110 = arith.constant 10112 : i32
    %mul3A_111 = arith.muli %add3A_61, %mul3A_110 : i32
    %add3A_112 = arith.addi %mul3A_111, %mul3A_0 : i32
    %add3A_113 = arith.constant 512 : i32
    %add3A_114 = arith.addi %add3A_112, %add3A_113 : i32
    "tpu.region"() ({
      %run_scoped3A = tpu.sem_alloc : memref<!tpu.dma_semaphore, #tpu.memory_space<semaphore_mem>>
      %dma_start3A = arith.constant 0 : i32
      %dma_start3A_116 = arith.constant 0 : i32
      %dma_start3A_117 = tpu.memref_slice %arg11[%dma_start3A, %dma_start3A_116] : memref<128x128xf32, #tpu.memory_space<vmem>> -> memref<120x128xf32, #tpu.memory_space<vmem>>
      %dma_start3A_118 = arith.constant 0 : i32
      %dma_start3A_119 = tpu.memref_slice %arg6[%add3A_114, %dma_start3A_118] : memref<40448x128xf32, #tpu.memory_space<hbm>> -> memref<120x128xf32, #tpu.memory_space<hbm>>
      %dma_start3A_120 = arith.constant 0 : i32
      %dma_start3A_121 = tpu.memref_slice %arg6[%add3A_114, %dma_start3A_120] : memref<40448x128xf32, #tpu.memory_space<hbm>> -> memref<120x128xf32, #tpu.memory_space<hbm>>
      %dma_start3A_122 = arith.constant 0 : i32
      %dma_start3A_123 = arith.constant 0 : i32
      %dma_start3A_124 = tpu.memref_slice %arg11[%dma_start3A_122, %dma_start3A_123] : memref<128x128xf32, #tpu.memory_space<vmem>> -> memref<120x128xf32, #tpu.memory_space<vmem>>
      tpu.enqueue_dma source(%dma_start3A_124 : memref<120x128xf32, #tpu.memory_space<vmem>>) target(%dma_start3A_121 : memref<120x128xf32, #tpu.memory_space<hbm>>) target_semaphore(%run_scoped3A : memref<!tpu.dma_semaphore, #tpu.memory_space<semaphore_mem>>)
      %dma_wait3A = arith.constant 0 : i32
      %dma_wait3A_125 = arith.constant 0 : i32
      %dma_wait3A_126 = tpu.memref_slice %arg11[%dma_wait3A, %dma_wait3A_125] : memref<128x128xf32, #tpu.memory_space<vmem>> -> memref<120x128xf32, #tpu.memory_space<vmem>>
      %dma_wait3A_127 = arith.constant 0 : i32
      %dma_wait3A_128 = tpu.memref_slice %arg6[%add3A_114, %dma_wait3A_127] : memref<40448x128xf32, #tpu.memory_space<hbm>> -> memref<120x128xf32, #tpu.memory_space<hbm>>
      %dma_wait3A_129 = arith.constant 0 : i32
      %dma_wait3A_130 = tpu.memref_slice %arg6[%add3A_114, %dma_wait3A_129] : memref<40448x128xf32, #tpu.memory_space<hbm>> -> memref<120x128xf32, #tpu.memory_space<hbm>>
      %dma_wait3A_131 = arith.constant 0 : i32
      %dma_wait3A_132 = arith.constant 0 : i32
      %dma_wait3A_133 = tpu.memref_slice %arg11[%dma_wait3A_131, %dma_wait3A_132] : memref<128x128xf32, #tpu.memory_space<vmem>> -> memref<120x128xf32, #tpu.memory_space<vmem>>
      tpu.wait_dma2 semaphore(%run_scoped3A : memref<!tpu.dma_semaphore, #tpu.memory_space<semaphore_mem>>) src(%dma_wait3A_133 : memref<120x128xf32, #tpu.memory_space<vmem>>) dst(%dma_wait3A_130 : memref<120x128xf32, #tpu.memory_space<hbm>>)
      tpu.yield
    }) : () -> ()
    %barrier3A_115 = arith.constant 0 : index
    tpu.barrier barrier_id(%barrier3A_115)
    return
  }
}

module attributes {stable_mosaic.version = 14 : i64} {
  func.func @tc_rgcn_layer0(%arg0: i32, %arg1: memref<1000x128xf32, #tpu.memory_space<vmem>>, %arg2: memref<4x1000x128xf32, #tpu.memory_space<vmem>>, %arg3: memref<4x1000x128xf32, #tpu.memory_space<vmem>>, %arg4: memref<128x128xf32, #tpu.memory_space<vmem>>, %arg5: memref<4x128x128xf32, #tpu.memory_space<vmem>>, %arg6: memref<1x128xf32, #tpu.memory_space<vmem>>, %arg7: memref<1000x128xf32, #tpu.memory_space<vmem>>) attributes {dimension_semantics = [#tpu.dimension_semantics<arbitrary>], iteration_bounds = array<i64: 10>, scalar_prefetch = 0 : i64, scratch_operands = 0 : i64, tpu.core_type = #tpu.core_type<tc>, window_params = [{transform_indices = @transform_0, window_bounds = array<i64: 1000, 128>}, {transform_indices = @transform_1, window_bounds = array<i64: 4, 1000, 128>}, {transform_indices = @transform_2, window_bounds = array<i64: 4, 1000, 128>}, {pipeline_mode = #tpu.pipeline_mode<synchronous>, transform_indices = @transform_3, window_bounds = array<i64: 128, 128>}, {pipeline_mode = #tpu.pipeline_mode<synchronous>, transform_indices = @transform_4, window_bounds = array<i64: 4, 128, 128>}, {pipeline_mode = #tpu.pipeline_mode<synchronous>, transform_indices = @transform_5, window_bounds = array<i64: 1, 128>}, {transform_indices = @transform_6, window_bounds = array<i64: 1000, 128>}]} {
    %get3A = arith.constant 0 : index
    %get3A_0 = arith.constant 0 : index
    %get3A_1 = vector.load %arg1[%get3A, %get3A_0] : memref<1000x128xf32, #tpu.memory_space<vmem>>, vector<1000x128xf32>
    %get3A_2 = arith.constant 0 : index
    %get3A_3 = arith.constant 0 : index
    %get3A_4 = vector.load %arg4[%get3A_2, %get3A_3] : memref<128x128xf32, #tpu.memory_space<vmem>>, vector<128x128xf32>
    %dot_general3A = arith.constant dense<0.000000e+00> : vector<1000x128xf32>
    %dot_general3A_5 = tpu.matmul %get3A_1, %get3A_4, %dot_general3A {dimension_numbers = #tpu.dot_dimension_numbers<[1], [0], [0], [1], [0, 0, 1, 1], [], []>, transpose_lhs_hint = false} : vector<1000x128xf32>, vector<128x128xf32>, vector<1000x128xf32> -> vector<1000x128xf32>
    %get3A_6 = arith.constant 0 : index
    %get3A_7 = arith.constant 0 : index
    %get3A_8 = arith.constant 0 : index
    %get3A_9 = vector.load %arg2[%get3A_6, %get3A_7, %get3A_8] : memref<4x1000x128xf32, #tpu.memory_space<vmem>>, vector<1x1000x128xf32>
    %get3A_10 = vector.shape_cast %get3A_9 : vector<1x1000x128xf32> to vector<1000x128xf32>
    %get3A_11 = arith.constant 0 : index
    %get3A_12 = arith.constant 0 : index
    %get3A_13 = arith.constant 0 : index
    %get3A_14 = vector.load %arg3[%get3A_11, %get3A_12, %get3A_13] : memref<4x1000x128xf32, #tpu.memory_space<vmem>>, vector<1x1000x128xf32>
    %get3A_15 = vector.shape_cast %get3A_14 : vector<1x1000x128xf32> to vector<1000x128xf32>
    %slice3A = vector.extract_strided_slice %get3A_15 {offsets = [0, 0], sizes = [1000, 1], strides = [1, 1]} : vector<1000x128xf32> to vector<1000x1xf32>
    %max3A = arith.constant 1.000000e+00 : f32
    %max3A_16 = vector.broadcast %max3A : f32 to vector<1000x1xf32>
    %max3A_17 = arith.maximumf %slice3A, %max3A_16 : vector<1000x1xf32>
    %div3A = vector.broadcast %max3A_17 : vector<1000x1xf32> to vector<1000x128xf32>
    %div3A_18 = arith.divf %get3A_10, %div3A : vector<1000x128xf32>
    %get3A_19 = arith.constant 0 : index
    %get3A_20 = arith.constant 0 : index
    %get3A_21 = arith.constant 0 : index
    %get3A_22 = vector.load %arg5[%get3A_19, %get3A_20, %get3A_21] : memref<4x128x128xf32, #tpu.memory_space<vmem>>, vector<1x128x128xf32>
    %get3A_23 = vector.shape_cast %get3A_22 : vector<1x128x128xf32> to vector<128x128xf32>
    %dot_general3A_24 = arith.constant dense<0.000000e+00> : vector<1000x128xf32>
    %dot_general3A_25 = tpu.matmul %div3A_18, %get3A_23, %dot_general3A_24 {dimension_numbers = #tpu.dot_dimension_numbers<[1], [0], [0], [1], [0, 0, 1, 1], [], []>, transpose_lhs_hint = false} : vector<1000x128xf32>, vector<128x128xf32>, vector<1000x128xf32> -> vector<1000x128xf32>
    %add3A = arith.addf %dot_general3A_5, %dot_general3A_25 : vector<1000x128xf32>
    %get3A_26 = arith.constant 1 : index
    %get3A_27 = arith.constant 0 : index
    %get3A_28 = arith.constant 0 : index
    %get3A_29 = vector.load %arg2[%get3A_26, %get3A_27, %get3A_28] : memref<4x1000x128xf32, #tpu.memory_space<vmem>>, vector<1x1000x128xf32>
    %get3A_30 = vector.shape_cast %get3A_29 : vector<1x1000x128xf32> to vector<1000x128xf32>
    %get3A_31 = arith.constant 1 : index
    %get3A_32 = arith.constant 0 : index
    %get3A_33 = arith.constant 0 : index
    %get3A_34 = vector.load %arg3[%get3A_31, %get3A_32, %get3A_33] : memref<4x1000x128xf32, #tpu.memory_space<vmem>>, vector<1x1000x128xf32>
    %get3A_35 = vector.shape_cast %get3A_34 : vector<1x1000x128xf32> to vector<1000x128xf32>
    %slice3A_36 = vector.extract_strided_slice %get3A_35 {offsets = [0, 0], sizes = [1000, 1], strides = [1, 1]} : vector<1000x128xf32> to vector<1000x1xf32>
    %max3A_37 = arith.constant 1.000000e+00 : f32
    %max3A_38 = vector.broadcast %max3A_37 : f32 to vector<1000x1xf32>
    %max3A_39 = arith.maximumf %slice3A_36, %max3A_38 : vector<1000x1xf32>
    %div3A_40 = vector.broadcast %max3A_39 : vector<1000x1xf32> to vector<1000x128xf32>
    %div3A_41 = arith.divf %get3A_30, %div3A_40 : vector<1000x128xf32>
    %get3A_42 = arith.constant 1 : index
    %get3A_43 = arith.constant 0 : index
    %get3A_44 = arith.constant 0 : index
    %get3A_45 = vector.load %arg5[%get3A_42, %get3A_43, %get3A_44] : memref<4x128x128xf32, #tpu.memory_space<vmem>>, vector<1x128x128xf32>
    %get3A_46 = vector.shape_cast %get3A_45 : vector<1x128x128xf32> to vector<128x128xf32>
    %dot_general3A_47 = arith.constant dense<0.000000e+00> : vector<1000x128xf32>
    %dot_general3A_48 = tpu.matmul %div3A_41, %get3A_46, %dot_general3A_47 {dimension_numbers = #tpu.dot_dimension_numbers<[1], [0], [0], [1], [0, 0, 1, 1], [], []>, transpose_lhs_hint = false} : vector<1000x128xf32>, vector<128x128xf32>, vector<1000x128xf32> -> vector<1000x128xf32>
    %add3A_49 = arith.addf %add3A, %dot_general3A_48 : vector<1000x128xf32>
    %get3A_50 = arith.constant 2 : index
    %get3A_51 = arith.constant 0 : index
    %get3A_52 = arith.constant 0 : index
    %get3A_53 = vector.load %arg2[%get3A_50, %get3A_51, %get3A_52] : memref<4x1000x128xf32, #tpu.memory_space<vmem>>, vector<1x1000x128xf32>
    %get3A_54 = vector.shape_cast %get3A_53 : vector<1x1000x128xf32> to vector<1000x128xf32>
    %get3A_55 = arith.constant 2 : index
    %get3A_56 = arith.constant 0 : index
    %get3A_57 = arith.constant 0 : index
    %get3A_58 = vector.load %arg3[%get3A_55, %get3A_56, %get3A_57] : memref<4x1000x128xf32, #tpu.memory_space<vmem>>, vector<1x1000x128xf32>
    %get3A_59 = vector.shape_cast %get3A_58 : vector<1x1000x128xf32> to vector<1000x128xf32>
    %slice3A_60 = vector.extract_strided_slice %get3A_59 {offsets = [0, 0], sizes = [1000, 1], strides = [1, 1]} : vector<1000x128xf32> to vector<1000x1xf32>
    %max3A_61 = arith.constant 1.000000e+00 : f32
    %max3A_62 = vector.broadcast %max3A_61 : f32 to vector<1000x1xf32>
    %max3A_63 = arith.maximumf %slice3A_60, %max3A_62 : vector<1000x1xf32>
    %div3A_64 = vector.broadcast %max3A_63 : vector<1000x1xf32> to vector<1000x128xf32>
    %div3A_65 = arith.divf %get3A_54, %div3A_64 : vector<1000x128xf32>
    %get3A_66 = arith.constant 2 : index
    %get3A_67 = arith.constant 0 : index
    %get3A_68 = arith.constant 0 : index
    %get3A_69 = vector.load %arg5[%get3A_66, %get3A_67, %get3A_68] : memref<4x128x128xf32, #tpu.memory_space<vmem>>, vector<1x128x128xf32>
    %get3A_70 = vector.shape_cast %get3A_69 : vector<1x128x128xf32> to vector<128x128xf32>
    %dot_general3A_71 = arith.constant dense<0.000000e+00> : vector<1000x128xf32>
    %dot_general3A_72 = tpu.matmul %div3A_65, %get3A_70, %dot_general3A_71 {dimension_numbers = #tpu.dot_dimension_numbers<[1], [0], [0], [1], [0, 0, 1, 1], [], []>, transpose_lhs_hint = false} : vector<1000x128xf32>, vector<128x128xf32>, vector<1000x128xf32> -> vector<1000x128xf32>
    %add3A_73 = arith.addf %add3A_49, %dot_general3A_72 : vector<1000x128xf32>
    %get3A_74 = arith.constant 3 : index
    %get3A_75 = arith.constant 0 : index
    %get3A_76 = arith.constant 0 : index
    %get3A_77 = vector.load %arg2[%get3A_74, %get3A_75, %get3A_76] : memref<4x1000x128xf32, #tpu.memory_space<vmem>>, vector<1x1000x128xf32>
    %get3A_78 = vector.shape_cast %get3A_77 : vector<1x1000x128xf32> to vector<1000x128xf32>
    %get3A_79 = arith.constant 3 : index
    %get3A_80 = arith.constant 0 : index
    %get3A_81 = arith.constant 0 : index
    %get3A_82 = vector.load %arg3[%get3A_79, %get3A_80, %get3A_81] : memref<4x1000x128xf32, #tpu.memory_space<vmem>>, vector<1x1000x128xf32>
    %get3A_83 = vector.shape_cast %get3A_82 : vector<1x1000x128xf32> to vector<1000x128xf32>
    %slice3A_84 = vector.extract_strided_slice %get3A_83 {offsets = [0, 0], sizes = [1000, 1], strides = [1, 1]} : vector<1000x128xf32> to vector<1000x1xf32>
    %max3A_85 = arith.constant 1.000000e+00 : f32
    %max3A_86 = vector.broadcast %max3A_85 : f32 to vector<1000x1xf32>
    %max3A_87 = arith.maximumf %slice3A_84, %max3A_86 : vector<1000x1xf32>
    %div3A_88 = vector.broadcast %max3A_87 : vector<1000x1xf32> to vector<1000x128xf32>
    %div3A_89 = arith.divf %get3A_78, %div3A_88 : vector<1000x128xf32>
    %get3A_90 = arith.constant 3 : index
    %get3A_91 = arith.constant 0 : index
    %get3A_92 = arith.constant 0 : index
    %get3A_93 = vector.load %arg5[%get3A_90, %get3A_91, %get3A_92] : memref<4x128x128xf32, #tpu.memory_space<vmem>>, vector<1x128x128xf32>
    %get3A_94 = vector.shape_cast %get3A_93 : vector<1x128x128xf32> to vector<128x128xf32>
    %dot_general3A_95 = arith.constant dense<0.000000e+00> : vector<1000x128xf32>
    %dot_general3A_96 = tpu.matmul %div3A_89, %get3A_94, %dot_general3A_95 {dimension_numbers = #tpu.dot_dimension_numbers<[1], [0], [0], [1], [0, 0, 1, 1], [], []>, transpose_lhs_hint = false} : vector<1000x128xf32>, vector<128x128xf32>, vector<1000x128xf32> -> vector<1000x128xf32>
    %add3A_97 = arith.addf %add3A_73, %dot_general3A_96 : vector<1000x128xf32>
    %get3A_98 = arith.constant 0 : index
    %get3A_99 = arith.constant 0 : index
    %get3A_100 = vector.load %arg6[%get3A_98, %get3A_99] : memref<1x128xf32, #tpu.memory_space<vmem>>, vector<1x128xf32>
    %add3A_101 = vector.broadcast %get3A_100 : vector<1x128xf32> to vector<1000x128xf32>
    %add3A_102 = arith.addf %add3A_97, %add3A_101 : vector<1000x128xf32>
    %max3A_103 = arith.constant 0.000000e+00 : f32
    %max3A_104 = vector.broadcast %max3A_103 : f32 to vector<1000x128xf32>
    %max3A_105 = arith.maximumf %add3A_102, %max3A_104 : vector<1000x128xf32>
    %swap3A = arith.constant 0 : index
    %swap3A_106 = arith.constant 0 : index
    %swap3A_107 = vector.load %arg7[%swap3A, %swap3A_106] : memref<1000x128xf32, #tpu.memory_space<vmem>>, vector<1000x128xf32>
    tpu.vector_store %arg7[%swap3A, %swap3A_106], %max3A_105 {strides = array<i32>} : memref<1000x128xf32, #tpu.memory_space<vmem>>, vector<1000x128xf32>,
    return
  }
  func.func @transform_0(%arg0: i32) -> (i32, i32) {
    %c0_i32 = arith.constant 0 : i32
    %c0_i32_0 = arith.constant 0 : i32
    return %arg0, %c0_i32 : i32, i32
  }
  func.func @transform_1(%arg0: i32) -> (i32, i32, i32) {
    %c0_i32 = arith.constant 0 : i32
    %c0_i32_0 = arith.constant 0 : i32
    %c0_i32_1 = arith.constant 0 : i32
    return %c0_i32, %arg0, %c0_i32_0 : i32, i32, i32
  }
  func.func @transform_2(%arg0: i32) -> (i32, i32, i32) {
    %c0_i32 = arith.constant 0 : i32
    %c0_i32_0 = arith.constant 0 : i32
    %c0_i32_1 = arith.constant 0 : i32
    return %c0_i32, %arg0, %c0_i32_0 : i32, i32, i32
  }
  func.func @transform_3(%arg0: i32) -> (i32, i32) {
    %c0_i32 = arith.constant 0 : i32
    %c0_i32_0 = arith.constant 0 : i32
    %c0_i32_1 = arith.constant 0 : i32
    return %c0_i32, %c0_i32_0 : i32, i32
  }
  func.func @transform_4(%arg0: i32) -> (i32, i32, i32) {
    %c0_i32 = arith.constant 0 : i32
    %c0_i32_0 = arith.constant 0 : i32
    %c0_i32_1 = arith.constant 0 : i32
    %c0_i32_2 = arith.constant 0 : i32
    return %c0_i32, %c0_i32_0, %c0_i32_1 : i32, i32, i32
  }
  func.func @transform_5(%arg0: i32) -> (i32, i32) {
    %c0_i32 = arith.constant 0 : i32
    %c0_i32_0 = arith.constant 0 : i32
    %c0_i32_1 = arith.constant 0 : i32
    return %c0_i32, %c0_i32_0 : i32, i32
  }
  func.func @transform_6(%arg0: i32) -> (i32, i32) {
    %c0_i32 = arith.constant 0 : i32
    %c0_i32_0 = arith.constant 0 : i32
    return %arg0, %c0_i32 : i32, i32
  }
}

module attributes {stable_mosaic.version = 14 : i64} {
  func.func @tc_rgcn_layer1_cls(%arg0: i32, %arg1: memref<1000x128xf32, #tpu.memory_space<vmem>>, %arg2: memref<4x1000x128xf32, #tpu.memory_space<vmem>>, %arg3: memref<4x1000x128xf32, #tpu.memory_space<vmem>>, %arg4: memref<128x128xf32, #tpu.memory_space<vmem>>, %arg5: memref<4x128x128xf32, #tpu.memory_space<vmem>>, %arg6: memref<1x128xf32, #tpu.memory_space<vmem>>, %arg7: memref<128x128xf32, #tpu.memory_space<vmem>>, %arg8: memref<1x128xf32, #tpu.memory_space<vmem>>, %arg9: memref<1000x128xf32, #tpu.memory_space<vmem>>) attributes {dimension_semantics = [#tpu.dimension_semantics<arbitrary>], iteration_bounds = array<i64: 6>, scalar_prefetch = 0 : i64, scratch_operands = 0 : i64, tpu.core_type = #tpu.core_type<tc>, window_params = [{transform_indices = @transform_0, window_bounds = array<i64: 1000, 128>}, {transform_indices = @transform_1, window_bounds = array<i64: 4, 1000, 128>}, {transform_indices = @transform_2, window_bounds = array<i64: 4, 1000, 128>}, {pipeline_mode = #tpu.pipeline_mode<synchronous>, transform_indices = @transform_3, window_bounds = array<i64: 128, 128>}, {pipeline_mode = #tpu.pipeline_mode<synchronous>, transform_indices = @transform_4, window_bounds = array<i64: 4, 128, 128>}, {pipeline_mode = #tpu.pipeline_mode<synchronous>, transform_indices = @transform_5, window_bounds = array<i64: 1, 128>}, {pipeline_mode = #tpu.pipeline_mode<synchronous>, transform_indices = @transform_6, window_bounds = array<i64: 128, 128>}, {pipeline_mode = #tpu.pipeline_mode<synchronous>, transform_indices = @transform_7, window_bounds = array<i64: 1, 128>}, {transform_indices = @transform_8, window_bounds = array<i64: 1000, 128>}]} {
    %get3A = arith.constant 0 : index
    %get3A_0 = arith.constant 0 : index
    %get3A_1 = vector.load %arg1[%get3A, %get3A_0] : memref<1000x128xf32, #tpu.memory_space<vmem>>, vector<1000x128xf32>
    %get3A_2 = arith.constant 0 : index
    %get3A_3 = arith.constant 0 : index
    %get3A_4 = vector.load %arg4[%get3A_2, %get3A_3] : memref<128x128xf32, #tpu.memory_space<vmem>>, vector<128x128xf32>
    %dot_general3A = arith.constant dense<0.000000e+00> : vector<1000x128xf32>
    %dot_general3A_5 = tpu.matmul %get3A_1, %get3A_4, %dot_general3A {dimension_numbers = #tpu.dot_dimension_numbers<[1], [0], [0], [1], [0, 0, 1, 1], [], []>, transpose_lhs_hint = false} : vector<1000x128xf32>, vector<128x128xf32>, vector<1000x128xf32> -> vector<1000x128xf32>
    %get3A_6 = arith.constant 0 : index
    %get3A_7 = arith.constant 0 : index
    %get3A_8 = arith.constant 0 : index
    %get3A_9 = vector.load %arg2[%get3A_6, %get3A_7, %get3A_8] : memref<4x1000x128xf32, #tpu.memory_space<vmem>>, vector<1x1000x128xf32>
    %get3A_10 = vector.shape_cast %get3A_9 : vector<1x1000x128xf32> to vector<1000x128xf32>
    %get3A_11 = arith.constant 0 : index
    %get3A_12 = arith.constant 0 : index
    %get3A_13 = arith.constant 0 : index
    %get3A_14 = vector.load %arg3[%get3A_11, %get3A_12, %get3A_13] : memref<4x1000x128xf32, #tpu.memory_space<vmem>>, vector<1x1000x128xf32>
    %get3A_15 = vector.shape_cast %get3A_14 : vector<1x1000x128xf32> to vector<1000x128xf32>
    %slice3A = vector.extract_strided_slice %get3A_15 {offsets = [0, 0], sizes = [1000, 1], strides = [1, 1]} : vector<1000x128xf32> to vector<1000x1xf32>
    %max3A = arith.constant 1.000000e+00 : f32
    %max3A_16 = vector.broadcast %max3A : f32 to vector<1000x1xf32>
    %max3A_17 = arith.maximumf %slice3A, %max3A_16 : vector<1000x1xf32>
    %div3A = vector.broadcast %max3A_17 : vector<1000x1xf32> to vector<1000x128xf32>
    %div3A_18 = arith.divf %get3A_10, %div3A : vector<1000x128xf32>
    %get3A_19 = arith.constant 0 : index
    %get3A_20 = arith.constant 0 : index
    %get3A_21 = arith.constant 0 : index
    %get3A_22 = vector.load %arg5[%get3A_19, %get3A_20, %get3A_21] : memref<4x128x128xf32, #tpu.memory_space<vmem>>, vector<1x128x128xf32>
    %get3A_23 = vector.shape_cast %get3A_22 : vector<1x128x128xf32> to vector<128x128xf32>
    %dot_general3A_24 = arith.constant dense<0.000000e+00> : vector<1000x128xf32>
    %dot_general3A_25 = tpu.matmul %div3A_18, %get3A_23, %dot_general3A_24 {dimension_numbers = #tpu.dot_dimension_numbers<[1], [0], [0], [1], [0, 0, 1, 1], [], []>, transpose_lhs_hint = false} : vector<1000x128xf32>, vector<128x128xf32>, vector<1000x128xf32> -> vector<1000x128xf32>
    %add3A = arith.addf %dot_general3A_5, %dot_general3A_25 : vector<1000x128xf32>
    %get3A_26 = arith.constant 1 : index
    %get3A_27 = arith.constant 0 : index
    %get3A_28 = arith.constant 0 : index
    %get3A_29 = vector.load %arg2[%get3A_26, %get3A_27, %get3A_28] : memref<4x1000x128xf32, #tpu.memory_space<vmem>>, vector<1x1000x128xf32>
    %get3A_30 = vector.shape_cast %get3A_29 : vector<1x1000x128xf32> to vector<1000x128xf32>
    %get3A_31 = arith.constant 1 : index
    %get3A_32 = arith.constant 0 : index
    %get3A_33 = arith.constant 0 : index
    %get3A_34 = vector.load %arg3[%get3A_31, %get3A_32, %get3A_33] : memref<4x1000x128xf32, #tpu.memory_space<vmem>>, vector<1x1000x128xf32>
    %get3A_35 = vector.shape_cast %get3A_34 : vector<1x1000x128xf32> to vector<1000x128xf32>
    %slice3A_36 = vector.extract_strided_slice %get3A_35 {offsets = [0, 0], sizes = [1000, 1], strides = [1, 1]} : vector<1000x128xf32> to vector<1000x1xf32>
    %max3A_37 = arith.constant 1.000000e+00 : f32
    %max3A_38 = vector.broadcast %max3A_37 : f32 to vector<1000x1xf32>
    %max3A_39 = arith.maximumf %slice3A_36, %max3A_38 : vector<1000x1xf32>
    %div3A_40 = vector.broadcast %max3A_39 : vector<1000x1xf32> to vector<1000x128xf32>
    %div3A_41 = arith.divf %get3A_30, %div3A_40 : vector<1000x128xf32>
    %get3A_42 = arith.constant 1 : index
    %get3A_43 = arith.constant 0 : index
    %get3A_44 = arith.constant 0 : index
    %get3A_45 = vector.load %arg5[%get3A_42, %get3A_43, %get3A_44] : memref<4x128x128xf32, #tpu.memory_space<vmem>>, vector<1x128x128xf32>
    %get3A_46 = vector.shape_cast %get3A_45 : vector<1x128x128xf32> to vector<128x128xf32>
    %dot_general3A_47 = arith.constant dense<0.000000e+00> : vector<1000x128xf32>
    %dot_general3A_48 = tpu.matmul %div3A_41, %get3A_46, %dot_general3A_47 {dimension_numbers = #tpu.dot_dimension_numbers<[1], [0], [0], [1], [0, 0, 1, 1], [], []>, transpose_lhs_hint = false} : vector<1000x128xf32>, vector<128x128xf32>, vector<1000x128xf32> -> vector<1000x128xf32>
    %add3A_49 = arith.addf %add3A, %dot_general3A_48 : vector<1000x128xf32>
    %get3A_50 = arith.constant 2 : index
    %get3A_51 = arith.constant 0 : index
    %get3A_52 = arith.constant 0 : index
    %get3A_53 = vector.load %arg2[%get3A_50, %get3A_51, %get3A_52] : memref<4x1000x128xf32, #tpu.memory_space<vmem>>, vector<1x1000x128xf32>
    %get3A_54 = vector.shape_cast %get3A_53 : vector<1x1000x128xf32> to vector<1000x128xf32>
    %get3A_55 = arith.constant 2 : index
    %get3A_56 = arith.constant 0 : index
    %get3A_57 = arith.constant 0 : index
    %get3A_58 = vector.load %arg3[%get3A_55, %get3A_56, %get3A_57] : memref<4x1000x128xf32, #tpu.memory_space<vmem>>, vector<1x1000x128xf32>
    %get3A_59 = vector.shape_cast %get3A_58 : vector<1x1000x128xf32> to vector<1000x128xf32>
    %slice3A_60 = vector.extract_strided_slice %get3A_59 {offsets = [0, 0], sizes = [1000, 1], strides = [1, 1]} : vector<1000x128xf32> to vector<1000x1xf32>
    %max3A_61 = arith.constant 1.000000e+00 : f32
    %max3A_62 = vector.broadcast %max3A_61 : f32 to vector<1000x1xf32>
    %max3A_63 = arith.maximumf %slice3A_60, %max3A_62 : vector<1000x1xf32>
    %div3A_64 = vector.broadcast %max3A_63 : vector<1000x1xf32> to vector<1000x128xf32>
    %div3A_65 = arith.divf %get3A_54, %div3A_64 : vector<1000x128xf32>
    %get3A_66 = arith.constant 2 : index
    %get3A_67 = arith.constant 0 : index
    %get3A_68 = arith.constant 0 : index
    %get3A_69 = vector.load %arg5[%get3A_66, %get3A_67, %get3A_68] : memref<4x128x128xf32, #tpu.memory_space<vmem>>, vector<1x128x128xf32>
    %get3A_70 = vector.shape_cast %get3A_69 : vector<1x128x128xf32> to vector<128x128xf32>
    %dot_general3A_71 = arith.constant dense<0.000000e+00> : vector<1000x128xf32>
    %dot_general3A_72 = tpu.matmul %div3A_65, %get3A_70, %dot_general3A_71 {dimension_numbers = #tpu.dot_dimension_numbers<[1], [0], [0], [1], [0, 0, 1, 1], [], []>, transpose_lhs_hint = false} : vector<1000x128xf32>, vector<128x128xf32>, vector<1000x128xf32> -> vector<1000x128xf32>
    %add3A_73 = arith.addf %add3A_49, %dot_general3A_72 : vector<1000x128xf32>
    %get3A_74 = arith.constant 3 : index
    %get3A_75 = arith.constant 0 : index
    %get3A_76 = arith.constant 0 : index
    %get3A_77 = vector.load %arg2[%get3A_74, %get3A_75, %get3A_76] : memref<4x1000x128xf32, #tpu.memory_space<vmem>>, vector<1x1000x128xf32>
    %get3A_78 = vector.shape_cast %get3A_77 : vector<1x1000x128xf32> to vector<1000x128xf32>
    %get3A_79 = arith.constant 3 : index
    %get3A_80 = arith.constant 0 : index
    %get3A_81 = arith.constant 0 : index
    %get3A_82 = vector.load %arg3[%get3A_79, %get3A_80, %get3A_81] : memref<4x1000x128xf32, #tpu.memory_space<vmem>>, vector<1x1000x128xf32>
    %get3A_83 = vector.shape_cast %get3A_82 : vector<1x1000x128xf32> to vector<1000x128xf32>
    %slice3A_84 = vector.extract_strided_slice %get3A_83 {offsets = [0, 0], sizes = [1000, 1], strides = [1, 1]} : vector<1000x128xf32> to vector<1000x1xf32>
    %max3A_85 = arith.constant 1.000000e+00 : f32
    %max3A_86 = vector.broadcast %max3A_85 : f32 to vector<1000x1xf32>
    %max3A_87 = arith.maximumf %slice3A_84, %max3A_86 : vector<1000x1xf32>
    %div3A_88 = vector.broadcast %max3A_87 : vector<1000x1xf32> to vector<1000x128xf32>
    %div3A_89 = arith.divf %get3A_78, %div3A_88 : vector<1000x128xf32>
    %get3A_90 = arith.constant 3 : index
    %get3A_91 = arith.constant 0 : index
    %get3A_92 = arith.constant 0 : index
    %get3A_93 = vector.load %arg5[%get3A_90, %get3A_91, %get3A_92] : memref<4x128x128xf32, #tpu.memory_space<vmem>>, vector<1x128x128xf32>
    %get3A_94 = vector.shape_cast %get3A_93 : vector<1x128x128xf32> to vector<128x128xf32>
    %dot_general3A_95 = arith.constant dense<0.000000e+00> : vector<1000x128xf32>
    %dot_general3A_96 = tpu.matmul %div3A_89, %get3A_94, %dot_general3A_95 {dimension_numbers = #tpu.dot_dimension_numbers<[1], [0], [0], [1], [0, 0, 1, 1], [], []>, transpose_lhs_hint = false} : vector<1000x128xf32>, vector<128x128xf32>, vector<1000x128xf32> -> vector<1000x128xf32>
    %add3A_97 = arith.addf %add3A_73, %dot_general3A_96 : vector<1000x128xf32>
    %get3A_98 = arith.constant 0 : index
    %get3A_99 = arith.constant 0 : index
    %get3A_100 = vector.load %arg6[%get3A_98, %get3A_99] : memref<1x128xf32, #tpu.memory_space<vmem>>, vector<1x128xf32>
    %add3A_101 = vector.broadcast %get3A_100 : vector<1x128xf32> to vector<1000x128xf32>
    %add3A_102 = arith.addf %add3A_97, %add3A_101 : vector<1000x128xf32>
    %max3A_103 = arith.constant 0.000000e+00 : f32
    %max3A_104 = vector.broadcast %max3A_103 : f32 to vector<1000x128xf32>
    %max3A_105 = arith.maximumf %add3A_102, %max3A_104 : vector<1000x128xf32>
    %get3A_106 = arith.constant 0 : index
    %get3A_107 = arith.constant 0 : index
    %get3A_108 = vector.load %arg7[%get3A_106, %get3A_107] : memref<128x128xf32, #tpu.memory_space<vmem>>, vector<128x128xf32>
    %dot_general3A_109 = arith.constant dense<0.000000e+00> : vector<1000x128xf32>
    %dot_general3A_110 = tpu.matmul %max3A_105, %get3A_108, %dot_general3A_109 {dimension_numbers = #tpu.dot_dimension_numbers<[1], [0], [0], [1], [0, 0, 1, 1], [], []>, transpose_lhs_hint = false} : vector<1000x128xf32>, vector<128x128xf32>, vector<1000x128xf32> -> vector<1000x128xf32>
    %get3A_111 = arith.constant 0 : index
    %get3A_112 = arith.constant 0 : index
    %get3A_113 = vector.load %arg8[%get3A_111, %get3A_112] : memref<1x128xf32, #tpu.memory_space<vmem>>, vector<1x128xf32>
    %add3A_114 = vector.broadcast %get3A_113 : vector<1x128xf32> to vector<1000x128xf32>
    %add3A_115 = arith.addf %dot_general3A_110, %add3A_114 : vector<1000x128xf32>
    %swap3A = arith.constant 0 : index
    %swap3A_116 = arith.constant 0 : index
    %swap3A_117 = vector.load %arg9[%swap3A, %swap3A_116] : memref<1000x128xf32, #tpu.memory_space<vmem>>, vector<1000x128xf32>
    tpu.vector_store %arg9[%swap3A, %swap3A_116], %add3A_115 {strides = array<i32>} : memref<1000x128xf32, #tpu.memory_space<vmem>>, vector<1000x128xf32>,
    return
  }
  func.func @transform_0(%arg0: i32) -> (i32, i32) {
    %c0_i32 = arith.constant 0 : i32
    %c0_i32_0 = arith.constant 0 : i32
    return %arg0, %c0_i32 : i32, i32
  }
  func.func @transform_1(%arg0: i32) -> (i32, i32, i32) {
    %c0_i32 = arith.constant 0 : i32
    %c0_i32_0 = arith.constant 0 : i32
    %c0_i32_1 = arith.constant 0 : i32
    return %c0_i32, %arg0, %c0_i32_0 : i32, i32, i32
  }
  func.func @transform_2(%arg0: i32) -> (i32, i32, i32) {
    %c0_i32 = arith.constant 0 : i32
    %c0_i32_0 = arith.constant 0 : i32
    %c0_i32_1 = arith.constant 0 : i32
    return %c0_i32, %arg0, %c0_i32_0 : i32, i32, i32
  }
  func.func @transform_3(%arg0: i32) -> (i32, i32) {
    %c0_i32 = arith.constant 0 : i32
    %c0_i32_0 = arith.constant 0 : i32
    %c0_i32_1 = arith.constant 0 : i32
    return %c0_i32, %c0_i32_0 : i32, i32
  }
  func.func @transform_4(%arg0: i32) -> (i32, i32, i32) {
    %c0_i32 = arith.constant 0 : i32
    %c0_i32_0 = arith.constant 0 : i32
    %c0_i32_1 = arith.constant 0 : i32
    %c0_i32_2 = arith.constant 0 : i32
    return %c0_i32, %c0_i32_0, %c0_i32_1 : i32, i32, i32
  }
  func.func @transform_5(%arg0: i32) -> (i32, i32) {
    %c0_i32 = arith.constant 0 : i32
    %c0_i32_0 = arith.constant 0 : i32
    %c0_i32_1 = arith.constant 0 : i32
    return %c0_i32, %c0_i32_0 : i32, i32
  }
  func.func @transform_6(%arg0: i32) -> (i32, i32) {
    %c0_i32 = arith.constant 0 : i32
    %c0_i32_0 = arith.constant 0 : i32
    %c0_i32_1 = arith.constant 0 : i32
    return %c0_i32, %c0_i32_0 : i32, i32
  }
  func.func @transform_7(%arg0: i32) -> (i32, i32) {
    %c0_i32 = arith.constant 0 : i32
    %c0_i32_0 = arith.constant 0 : i32
    %c0_i32_1 = arith.constant 0 : i32
    return %c0_i32, %c0_i32_0 : i32, i32
  }
  func.func @transform_8(%arg0: i32) -> (i32, i32) {
    %c0_i32 = arith.constant 0 : i32
    %c0_i32_0 = arith.constant 0 : i32
    return %arg0, %c0_i32 : i32, i32
  }
}

</mosaic_0001>

<sc_bundles>
// kernel: sc_rgcn_agg.3.cloned.1.call-start
scs
__scs_entry_jumppad:
0x0: {  	(pc) =	sbr.rel $0x88, $3  }
0x1: {  	(tag) =	ssettag $0x0;
	lr =	simm.s32 $0x1  }
0x2: {  	[smem:$0x3F8C] =	sst lr;
	_ =	strace $0xD0000000  }
0x3: {  	_ = 	snop  }
0x4: {  	_ = 	snop  }
0x5: {  	_ = 	snop  }
0x6: {  	_ = 	snop  }
0x7: {  	_ = 	snop  }
__scs_overlays_trampoline_lowered:
0x8: {  	[smem:$0x3F9B] =	sst s0  }
0x9: {  	[smem:$0x3F9C] =	sst s1  }
0xa: {  	[smem:$0x3F9D] =	sst s2  }
0xb: {  	[smem:$0x3F9E] =	sst s3  }
0xc: {  	[smem:$0x3F9F] =	sst s4  }
0xd: {  	[smem:$0x3FA0] =	sst s5  }
0xe: {  	[smem:$0x3FA1] =	sst s6  }
0xf: {  	[smem:$0x3FA2] =	sst s7  }
0x10: {  	[smem:$0x3FA3] =	sst s8  }
0x11: {  	[smem:$0x3FA4] =	sst s9;
	s0 =	simm.s32 @!p0 $0x0  }
0x12: {  	s1 =	sld [smem:$0x3F8A];
	s0 =	simm.s32 @p0 $0x1  }
0x13: {  	[smem:$0x3FA5] =	sst s0;
	s0 =	simm.s32 @!p1 $0x0  }
0x14: {  	s2 =	sld [smem:$0x3F89];
	s0 =	simm.s32 @p1 $0x1  }
0x15: {  	[smem:$0x3FA6] =	sst s0;
	s0 =	simm.s32 @!p2 $0x0  }
0x16: {  	s3 =	sld [smem:$0x3FDB];
	s0 =	simm.s32 @p2 $0x1  }
0x17: {  	s4 =	simm.s32 $0x1BF5;
	[smem:$0x3FA8] =	sst s0  }
0x18: {  	s0 =	sld [smem:$0x3F8B];
	_ =	swait.ge [sflag:s4], $0x0  }
0x19: {  	s7 =	sld [smem:$0x3F8C]  }
0x1a: {  	s8 =	sadd.s32 $0xFFFFE003, lr  }
0x1b: {  	s9 =	sadd.s32 $0xFFFFFEF7, lr;
	s5 =	simm.s32 $0xFFFFFFFF;
	p2 =	slt.u32 s8, $0xFFFFF086  }
0x1c: {  	p1 =	slt.u32 s9, $0xF7A;
	s5 =	simm.s32 @!p2 $0x0  }
0x1d: {  	s5 =	simm.s32 @p1 $0x1;
	p0 =	seq.s32 s7, s2  }
0x1e: {  	s7 =	smul.u32 @!p0 $0xF7A, s2;
	p2 =	seq.s32 @!p0 s5, $0x0  }
0x1f: {  	s9 =	smul.u32 $0xF7A, s1;
	s8 =	simm.s32 @!p0 $0x1BF5;
	p2 =	por !p2, p0  }
0x20: {  	[sflag:s8] =	ssyncset.s32 @!p0 $0xFFFFF086;
	s6 =	sadd.s32 @!p0 s3, s7;
	s7 =	simm.s32 @!p0 $0x108  }
0x21: {  	s3 =	sadd.s32 s3, s9;
	s6 =	sadd.s32 @!p0 $0x88, s6;
	s7 =	simm.s32 @p2 $0x1082  }
0x22: {  	[simem:s7], [sflag:s8] =	dma.local @!p0 [hbm:s6], $0xF7A  }
0x23: {  	s9 =	sor.u32 $0xD0000000, s2;
	s6 =	simm.s32 $0x108;
	_ =	swait.ge @!p0 [sflag:s8], $0x0  }
0x24: {  	s3 =	sadd.s32 $0x88, s3;
	s6 =	simm.s32 @!p1 $0x1082;
	[sflag:s4] =	ssyncset.s32 $0xFFFFF086  }
0x25: {  	[simem:s6], [sflag:s4] =	dma.local [hbm:s3], $0xF7A  }
0x26: {  	[smem:$0x3F8C] =	sst s1;
	(tag) =	ssettag s2;
	_ =	strace s9  }
0x27: {  	s1 =	sld [smem:$0x3F9C]  }
0x28: {  	s2 =	sld [smem:$0x3F9D]  }
0x29: {  	s4 =	sld [smem:$0x3F9F]  }
0x2a: {  	p0 =	seq.s32 s5, $0x0;
	s5 =	sld [smem:$0x3FA0]  }
0x2b: {  	s6 =	sld [smem:$0x3FA1]  }
0x2c: {  	s7 =	sld [smem:$0x3FA2]  }
0x2d: {  	s3 =	simm.s32 $0x108;
	s8 =	sld [smem:$0x3FA3]  }
0x2e: {  	s3 =	simm.s32 @!p0 $0x1082;
	s9 =	sld [smem:$0x3FA4]  }
0x2f: {  	lr =	sadd.s32 s0, s3;
	s0 =	sld [smem:$0x3F9B]  }
0x30: {  	s3 =	sld [smem:$0x3F9E]  }
0x31: {  	[smem:$0x3FA7] =	sst s10  }
0x32: {  	s10 =	sld [smem:$0x3FA5];
	_ =	sdelay $0x3  }
0x33: {  	p0 =	seq.s32 s10, $0x1;
	s10 =	sld [smem:$0x3FA7];
	_ =	sdelay $0x3  }
0x34: {  	[smem:$0x3FA7] =	sst s10  }
0x35: {  	s10 =	sld [smem:$0x3FA6];
	_ =	sdelay $0x3  }
0x36: {  	p1 =	seq.s32 s10, $0x1;
	s10 =	sld [smem:$0x3FA7];
	_ =	sdelay $0x3  }
0x37: {  	[smem:$0x3FA7] =	sst s10  }
0x38: {  	s10 =	sld [smem:$0x3FA8]  }
0x39: {  	_ = 	snop;
	(pc) =	sbr.ind lr, $3  }
0x3a: {  	_ = 	snop  }
0x3b: {  	_ = 	snop  }
0x3c: {  	p2 =	seq.s32 s10, $0x1;
	s10 =	sld [smem:$0x3FA7]  }
0x3d: {  	_ =	shalt  }
0x3e: {  	_ =	shalt  }
0x3f: {  	_ =	shalt  }
0x40: {  	_ =	shalt  }
0x41: {  	_ =	shalt  }
0x42: {  	_ =	shalt  }
0x43: {  	_ =	shalt  }
0x44: {  	_ =	shalt  }
0x45: {  	_ =	shalt  }
0x46: {  	_ =	shalt  }
0x47: {  	_ =	shalt  }
0x48: {  	_ =	shalt  }
0x49: {  	_ =	shalt  }
0x4a: {  	_ =	shalt  }
0x4b: {  	_ =	shalt  }
0x4c: {  	_ =	shalt  }
0x4d: {  	_ =	shalt  }
0x4e: {  	_ =	shalt  }
0x4f: {  	_ =	shalt  }
0x50: {  	_ =	shalt  }
0x51: {  	_ =	shalt  }
0x52: {  	_ =	shalt  }
0x53: {  	_ =	shalt  }
0x54: {  	_ =	shalt  }
0x55: {  	_ =	shalt  }
0x56: {  	_ =	shalt  }
0x57: {  	_ =	shalt  }
0x58: {  	_ =	shalt  }
0x59: {  	_ =	shalt  }
0x5a: {  	_ =	shalt  }
0x5b: {  	_ =	shalt  }
0x5c: {  	_ =	shalt  }
0x5d: {  	_ =	shalt  }
0x5e: {  	_ =	shalt  }
0x5f: {  	_ =	shalt  }
0x60: {  	_ =	shalt  }
0x61: {  	_ =	shalt  }
0x62: {  	_ =	shalt  }
0x63: {  	_ =	shalt  }
0x64: {  	_ =	shalt  }
0x65: {  	_ =	shalt  }
0x66: {  	_ =	shalt  }
0x67: {  	_ =	shalt  }
0x68: {  	_ =	shalt  }
0x69: {  	_ =	shalt  }
0x6a: {  	_ =	shalt  }
0x6b: {  	_ =	shalt  }
0x6c: {  	_ =	shalt  }
0x6d: {  	_ =	shalt  }
0x6e: {  	_ =	shalt  }
0x6f: {  	_ =	shalt  }
0x70: {  	_ =	shalt  }
0x71: {  	_ =	shalt  }
0x72: {  	_ =	shalt  }
0x73: {  	_ =	shalt  }
0x74: {  	_ =	shalt  }
0x75: {  	_ =	shalt  }
0x76: {  	_ =	shalt  }
0x77: {  	_ =	shalt  }
0x78: {  	_ =	shalt  }
0x79: {  	_ =	shalt  }
0x7a: {  	_ =	shalt  }
0x7b: {  	_ =	shalt  }
0x7c: {  	_ =	shalt  }
0x7d: {  	_ =	shalt  }
0x7e: {  	_ =	shalt  }
0x7f: {  	_ =	shalt  }
0x80: {  	_ =	shalt  }
0x81: {  	_ =	shalt  }
0x82: {  	_ =	shalt  }
0x83: {  	_ =	shalt  }
0x84: {  	_ =	shalt  }
0x85: {  	_ =	shalt  }
0x86: {  	_ =	shalt  }
0x87: {  	_ =	shalt  }
.Lfunc_end0:
.L_simem_size_0:
called_computation.1_lowered:
.L_overlay_start_0:
0x88: {  	s2 =	sld [smem:$0x3FD9]  }
0x89: {  	s3 =	sld [smem:$0x3FFE];
	_ =	sdelay $0x1  }
0x8a: {  	s1 =	srdreg.scid  }
0x8b: {  	s0 =	sand.u32 $0x1, s1  }
0x8c: {  	s16 =	sshll.u32 s0, $0xA;
	s2 =	sadd.s32 s3, s2  }
0x8d: {  	s2 =	sadd.s32 s2, s16  }
0x8e: {  	[smem:$0x3FB3] =	sst s2  }
0x8f: {  	_ = 	snop  }
0x90: {  	(tm) =	ssettm $0x1  }
0x91: {  	s17 =	sld [smem:$0x3FFB];
	_ =	sdelay $0x3  }
0x92: {  	_ =	strace s17  }
0x93: {  	s2 =	sld [smem:$0x3FFC];
	_ =	sdelay $0x3  }
0x94: {  	_ =	strace s2  }
0x95: {  	s2 =	sld [smem:$0x3FFD];
	_ =	sdelay $0x3  }
0x96: {  	_ =	strace s2  }
0x97: {  	_ =	strace $0x8FFFFFFF  }
0x98: {  	s18 =	sld [smem:$0x3FDB];
	_ =	sdelay $0x1  }
0x99: {  	s19 =	simm.s32 $_scs_section_size  }
0x9a: {  	s4 =	simm.s32 $_size__tile_overlayer_lowered;
	s5 =	simm.s32 $_tile_overlayer_lowered  }
0x9b: {  	s22 =	simm.s32 $0x1BFF;
	s21 =	sshll.u32 s5, $0x1;
	s2 =	sadd.s32 s19, s18  }
0x9c: {  	s6 =	simm.s32 $0x0;
	s20 =	sshll.u32 s4, $0x1;
	s4 =	sadd.s32 s21, s2  }
0x9d: {  	[timem:s6], [sflag:s22] =	dma.local [hbm:s4], s20  }
0x9e: {  	_ =	swait.ge [sflag:s22], s20  }
0x9f: {  	s3 =	ssub.s32 $0x0, s20;
	[sflag:s22] =	ssyncset.done $0x0  }
0xa0: {  	[sflag:s22] =	ssyncadd.s32 s3;
	_ =	sdelay $0x1  }
0xa1: {  	s23 =	simm.s32 $0x1B8B  }
0xa2: {  	_ =	swait.ge [sflag:s23], $0x1  }
0xa3: {  	[sflag:s23] =	ssyncset.done $0x0  }
0xa4: {  	s25 =	simm.s32 $0x1B8E;
	s24 =	sld [smem:$0x3FFE];
	[sflag:s23] =	ssyncadd.s32 $0xFFFFFFFF  }
0xa5: {  	s26 =	simm.s32 $execute0_lowered;
	[smem:$0x3FD2] =	sst s25  }
0xa6: {  	s4 =	sshll.u32 s26, $0x1;
	_ =	strace $0x80000049;
	[dreg:$0x1] =	wrdreg $0xFFFFFFFF  }
0xa7: {  	s28 =	simm.s32 $_size_execute0_lowered;
	s2 =	sadd.s32 s2, s4;
	[dreg:$0x0] =	wrdreg $0x0  }
0xa8: {  	s4 =	sshll.u32 s28, $0x1;
	[dreg:$0x2] =	wrdreg s2  }
0xa9: {  	[dreg:$0x3] =	wrdreg s4  }
0xaa: {  	[dreg:$0x4] =	wrdreg $0xC0  }
0xab: {  	_ =	task [dreg:s6], $0x5FFFF  }
0xac: {  	[dreg:$0x1] =	wrdreg $0xFFFFFFFF  }
0xad: {  	[dreg:$0x0] =	wrdreg $0x60  }
0xae: {  	[dreg:$0x2] =	wrdreg s24  }
0xaf: {  	[dreg:$0x3] =	wrdreg $0x0  }
0xb0: {  	[dreg:$0x4] =	wrdreg $0x9  }
0xb1: {  	_ =	task.clear_ibuf [dreg:s6], $0x5FFFF;
	_ =	strace $0x90000049  }
0xb2: {  	s29 =	simm.s32 $0x9;
	_ =	strace $0x8000004B  }
0xb3: {  	_ =	swait.ge [sflag:s29], $0x1  }
0xb4: {  	[sflag:s29] =	ssyncadd.s32 $0xFFFFFFFF  }
0xb5: {  	_ =	strace $0x9000004B  }
0xb6: {  	_ =	sfence  }
0xb7: {  	s30 =	sld [smem:$0x0];
	_ =	sdelay $0x2  }
0xb8: {  	s31 =	sshll.u32 s1, $0xD;
	s1 =	sshrl.u32 s1, $0x2  }
0xb9: {  	s3 =	sand.u32 $0x4000, s31;
	s1 =	sadd.s32 s1, s30  }
0xba: {  	s0 =	sor.u32 s3, s0;
	s1 =	sshll.u32 s1, $0x11  }
0xbb: {  	s0 =	sor.u32 s1, s0  }
0xbc: {  	s0 =	sadd.s32 $0x8F2B, s0  }
0xbd: {  	[sflag:s0] =	ssyncadd.remote.s32 $0x1  }
0xbe: {  	_ =	sfence.sel $0xFFFF  }
0xbf: {  	[dreg:$0x0] =	wrdreg $0xFFFFFFFF;
	(pc) =	sbr.abs _section_cstart, $3  }
0xc0: {  	[dreg:$0x1] =	wrdreg $0xFFFFFFFF  }
0xc1: {  	_ =	task.clear_ibuf [dreg:s6], $0x2FFFF;
	_ =	strace $0x9FFFFFFF  }
0xc2: {  	(tm) =	ssettm $0x7FFFFFFF  }
0xc3: {  	_ =	shalt  }
tec
execute0_lowered:
.L_overlay_start_1:
0x0: {  	(tag) =	ssettag $0x1  }
0x1: {  	s0 =	rddreg [dreg:$0x0]  }
0x2: {  	s2 =	rddreg [dreg:$0x1]  }
0x3: {  	s3 =	simm.s32 $0x0;
	s10 =	stileid.u32;
	s5 =	srdreg.scid  }
0x4: {  	s28 =	simm.s32 $0x13C00;
	[smem:$0x7FF] =	sst s3;
	s1 =	smul.u32 $0x1D70, s10  }
0x5: {  	s4 =	sadd.s32 $0x20A00, s0;
	s6 =	sand.u32 $0x1, s5;
	s11 =	smul.u32 $0x278, s10  }
0x6: {  	s5 =	sadd.s32 $0x47C00, s0;
	s9 =	smul.u32 $0x4F000, s10;
	s29 =	sor.u32 $0x2710, s10  }
0x7: {  	_ =	strace $0x8000004A;
	s7 =	ssub.s32 $0x2, s6;
	s23 =	smul.u32 $0x4F00, s6  }
0x8: {  	s30 =	sshll.u32 s6, $0x1;
	s31 =	sshllo.u32 s6, $0x1;
	v1 =	vmov s29;
	s29 =	simm.s32 $0x1  }
0x9: {  	s1 =	sadd.s32 s1, s0;
	s0 =	sadd.s32 $0x4AC00, s0;
	s8 =	sshrl.u32 s7, $0x1  }
0xa: {  	s24 =	sshrl.u32 s9, $0x2;
	s12 =	smul.u32 $0x2780, s31;
	v0 =	vmov s30;
	s30 =	simm.s32 $0x13E00  }
0xb: {  	v2 =	vmov s31;
	s31 =	simm.s32 $0x0;
	s21 =	ssub.s32 s7, s8;
	s6 =	sadd.s32 s24, s2  }
0xc: {  	s25 =	sadd.s32 s11, s23;
	s22 =	sadd.s32 $0x3200, s1;
	s23 =	simm.s32 $0x13E80  }
0xd: {  	s24 =	simm.s32 $0x2;
	s7 =	sadd.s32 $0x4000, s6;
	s8 =	sadd.s32 $0x8000, s6  }
0xe: {  	s26 =	sshll.u32 s25, $0x4;
	s9 =	sadd.s32 $0xC000, s6;
	s13 =	sadd.s32 s11, s12  }
0xf: {  	s11 =	sadd.s32 $0x10000, s6;
	s21 =	smax.u32 s21, $0x1;
	s25 =	simm.s32 $0x13C80  }
0x10: {  	s10 =	sadd.s32 s0, s26;
	s15 =	sshll.u32 s13, $0x4;
	s26 =	simm.s32 $0x80  }
0x11: {  	s12 =	sadd.s32 $0x800, s10;
	s13 =	sadd.s32 $0x1000, s10;
	s15 =	sadd.s32 s0, s15  }
0x12: {  	s14 =	sadd.s32 $0x1800, s10;
	s16 =	sadd.s32 $0x2000, s10;
	s17 =	sadd.s32 $0x800, s15  }
0x13: {  	s18 =	sadd.s32 $0x1000, s15;
	s19 =	sadd.s32 $0x1800, s15;
	s20 =	sadd.s32 $0x2000, s15  }
.LBB2_1:
0x14: {  	[tilespmem:s23], [sflag:$0x2] =	stream.linear.gather [hbm4b:s5+s3], $0x4000, $0x38;
	[tilespmem:$0x17E80] =	vst v63  }
0x15: {  	_ =	swait.ge [sflag:s24], $0x4000  }
0x16: {  	[sflag:s24] =	ssyncset.done $0x0  }
0x17: {  	[sflag:s24] =	ssyncadd.s32 $0xFFFFC000  }
0x18: {  	[spmem:s6] =	stream.linear.scatter [tilespmem:s23], [sflag:$0x2], $0x4000, $0x38;
	[tilespmem:$0x17E80] =	vst v63  }
0x19: {  	_ =	swait.ge [sflag:s24], $0x4000  }
0x1a: {  	[sflag:s24] =	ssyncset.done $0x0  }
0x1b: {  	[sflag:s24] =	ssyncadd.s32 $0xFFFFC000  }
0x1c: {  	[spmem:s7] =	stream.linear.scatter [tilespmem:s23], [sflag:$0x2], $0x4000, $0x38;
	[tilespmem:$0x17E80] =	vst v63  }
0x1d: {  	_ =	swait.ge [sflag:s24], $0x4000  }
0x1e: {  	[sflag:s24] =	ssyncset.done $0x0  }
0x1f: {  	[sflag:s24] =	ssyncadd.s32 $0xFFFFC000  }
0x20: {  	[spmem:s8] =	stream.linear.scatter [tilespmem:s23], [sflag:$0x2], $0x4000, $0x38;
	[tilespmem:$0x17E80] =	vst v63  }
0x21: {  	_ =	swait.ge [sflag:s24], $0x4000  }
0x22: {  	[sflag:s24] =	ssyncset.done $0x0  }
0x23: {  	[sflag:s24] =	ssyncadd.s32 $0xFFFFC000  }
0x24: {  	[spmem:s9] =	stream.linear.scatter [tilespmem:s23], [sflag:$0x2], $0x4000, $0x38;
	[tilespmem:$0x17E80] =	vst v63  }
0x25: {  	_ =	swait.ge [sflag:s24], $0x4000  }
0x26: {  	[sflag:s24] =	ssyncset.done $0x0  }
0x27: {  	[sflag:s24] =	ssyncadd.s32 $0xFFFFC000  }
0x28: {  	[spmem:s11] =	stream.linear.scatter [tilespmem:s23], [sflag:$0x2], $0x3C00, $0x38;
	[tilespmem:$0x17E80] =	vst v63  }
0x29: {  	_ =	swait.ge [sflag:s24], $0x3C00  }
0x2a: {  	[sflag:s24] =	ssyncset.done $0x0  }
0x2b: {  	[sflag:s24] =	ssyncadd.s32 $0xFFFFC400  }
0x2c: {  	s0 =	sadd.s32 $0x0, s22;
	[bflag:$0x0] =	sbarrier.arrive $0xFFFF  }
0x2d: {  	[tilespmem:s25], [sflag:$0x2] =	stream.linear.gather [hbm4b:s0+s3], $0x180, $0x38;
	[tilespmem:$0x17E80] =	vst v63  }
0x2e: {  	_ =	swait.ge [sflag:s24], $0x180  }
0x2f: {  	[sflag:s24] =	ssyncset.done $0x0  }
0x30: {  	[sflag:s24] =	ssyncadd.s32 $0xFFFFFE80  }
0x31: {  	v5 =	vld [tilespmem:$0x13CA0]  }
0x32: {  	v6 =	vld [tilespmem:$0x13D50]  }
0x33: {  	v7 =	vld [tilespmem:$0x13D00]  }
0x34: {  	v8 =	vld [tilespmem:$0x13D60]  }
0x35: {  	v9 =	vld [tilespmem:$0x13D10]  }
0x36: {  	v3 =	vld [tilespmem:$0x13DC0]  }
0x37: {  	v4 =	vld [tilespmem:$0x13DB0]  }
0x38: {  	s0 =	simm.s32 $0x30;
	[tilespmem:$0x13C20] =	vst v5;
	v5 =	vld [tilespmem:$0x13DA0]  }
.LBB2_2:
0x39: {  	p0 =	sne.s32 s0, $0x1D40;
	v10 =	vld [tilespmem:$0x13DF0];
	s1 =	smov.u32 s0;
	s0 =	sadd.s32 $0x30, s0  }
0x3a: {  	v11 =	vld [tilespmem:$0x13D90]  }
0x3b: {  	v12 =	vld [tilespmem:$0x13DE0]  }
0x3c: {  	v13 =	vld [tilespmem:$0x13D80]  }
0x3d: {  	v14 =	vld [tilespmem:$0x13DD0]  }
0x3e: {  	v15 =	vld [tilespmem:$0x13CD0]  }
0x3f: {  	vm0 =	veq.s32 v11, v0;
	v11 =	vld [tilespmem:$0x13D70]  }
0x40: {  	v9 =	vsel vm0, v9, v1;
	vm0 =	veq.s32 v12, v0;
	v12 =	vld [tilespmem:$0x13CE0]  }
0x41: {  	vm1 =	veq.s32 v13, v0;
	[tilespmem:$0x13E10] =	vst v9;
	v8 =	vsel vm0, v8, v1;
	v9 =	vld [tilespmem:$0x13CF0]  }
0x42: {  	v7 =	vsel vm1, v7, v1;
	v13 =	vld [tilespmem:$0x13CC0];
	vm0 =	veq.s32 v14, v0;
	[tilespmem:$0x13E60] =	vst v8  }
0x43: {  	[tilespmem:$0x13E00] =	vst v7;
	v7 =	vld [tilespmem:$0x13D20];
	v6 =	vsel vm0, v6, v1;
	vm0 =	veq.s32 v10, v0  }
0x44: {  	v8 =	vld [tilespmem:$0x13D30];
	[tilespmem:$0x13C50] =	vst v15;
	v10 =	vsel vm0, v11, v1  }
0x45: {  	v11 =	vld [tilespmem:$0x13C80];
	[tilespmem:$0x13E50] =	vst v6  }
0x46: {  	v6 =	vld [tilespmem:$0x13D40];
	[tilespmem:$0x13C60] =	vst v12  }
0x47: {  	vm0 =	veq.s32 v5, v0;
	v12 =	vld [tilespmem:$0x13C90];
	[tilespmem:$0x13C40] =	vst v13  }
0x48: {  	v5 =	vsel vm0, v7, v1;
	vm0 =	veq.s32 v4, v0;
	v4 =	vld [tilespmem:$0x13CB0];
	[tilespmem:$0x13E70] =	vst v10  }
0x49: {  	v7 =	vsel vm0, v8, v1;
	[tilespmem:$0x13C70] =	vst v9  }
0x4a: {  	vm0 =	veq.s32 v3, v0;
	[tilespmem:$0x13C00] =	vst v11  }
0x4b: {  	[tilespmem:$0x13E30] =	vst v7;
	v3 =	vsel vm0, v6, v1  }
0x4c: {  	[tilespmem:$0x13C10] =	vst v12  }
0x4d: {  	[tilespmem:$0x13C30] =	vst v4  }
0x4e: {  	[tilespmem:$0x13E40] =	vst v3  }
0x4f: {  	[tilespmem:$0x13E20] =	vst v5  }
0x50: {  	[tilespmem:s23], [sflag:$0x1] =	stream.indirect.gather [hbm4b:s4+s26], $0x80, s28, s26, $0xb8;
	[tilespmem:$0x17E80] =	vst v63  }
0x51: {  	_ =	swait.ge [sflag:s29], $0x4000  }
0x52: {  	[sflag:s29] =	ssyncset.done $0x0  }
0x53: {  	[sflag:s29] =	ssyncadd.s32 $0xFFFFC000  }
0x54: {  	[spmem:s2] =	stream.indirect.scatter.add.f32 [tilespmem:s23], [sflag:$0x2], $0x80, s30, s26, $0xb8;
	[tilespmem:$0x17E80] =	vst v63  }
0x55: {  	_ =	swait.ge [sflag:s24], $0x4000  }
0x56: {  	[sflag:s24] =	ssyncset.done $0x0  }
0x57: {  	s1 =	sadd.s32 s1, s22;
	[sflag:s24] =	ssyncadd.s32 $0xFFFFC000  }
0x58: {  	[tilespmem:s25], [sflag:$0x2] =	stream.linear.gather [hbm4b:s1+s3], $0x180, $0x38;
	[tilespmem:$0x17E80] =	vst v63  }
0x59: {  	_ =	swait.ge [sflag:s24], $0x180  }
0x5a: {  	[sflag:s24] =	ssyncset.done $0x0  }
0x5b: {  	[sflag:s24] =	ssyncadd.s32 $0xFFFFFE80  }
0x5c: {  	v3 =	vld [tilespmem:$0x13CA0]  }
0x5d: {  	v6 =	vld [tilespmem:$0x13D50]  }
0x5e: {  	v7 =	vld [tilespmem:$0x13D00]  }
.Ltmp0:
0x5f: {  	v8 =	vld [tilespmem:$0x13D60];
	(pc) =	sbr.rel @p0 .LBB2_2-.Ltmp0, $4  }
0x60: {  	v9 =	vld [tilespmem:$0x13D10]  }
0x61: {  	[tilespmem:$0x13C20] =	vst v3;
	v3 =	vld [tilespmem:$0x13DC0]  }
0x62: {  	v4 =	vld [tilespmem:$0x13DB0]  }
0x63: {  	v5 =	vld [tilespmem:$0x13DA0]  }
0x64: {  	v10 =	vld [tilespmem:$0x13D90]  }
0x65: {  	v11 =	vld [tilespmem:$0x13DE0]  }
0x66: {  	v15 =	vld [tilespmem:$0x13CD0]  }
0x67: {  	v63 =	vld [tilespmem:$0x13C80]  }
0x68: {  	v12 =	vld [tilespmem:$0x13D80]  }
0x69: {  	v14 =	vld [tilespmem:$0x13DD0]  }
0x6a: {  	v13 =	vld [tilespmem:$0x13DF0]  }
0x6b: {  	vm0 =	veq.s32 v10, v0;
	v10 =	vld [tilespmem:$0x13D70];
	[tilespmem:$0x13C50] =	vst v15  }
0x6c: {  	vm10 =	veq.s32 v11, v0;
	v11 =	vld [tilespmem:$0x13CE0];
	[tilespmem:$0x13C00] =	vst v63;
	v9 =	vsel vm0, v9, v1  }
0x6d: {  	vm1 =	veq.s32 v12, v0;
	v8 =	vsel vm10, v8, v1;
	[tilespmem:$0x13E10] =	vst v9;
	v9 =	vld [tilespmem:$0x13CC0]  }
0x6e: {  	vm11 =	veq.s32 v14, v0;
	v7 =	vsel vm1, v7, v1;
	[tilespmem:$0x13E60] =	vst v8;
	v8 =	vld [tilespmem:$0x13CF0]  }
0x6f: {  	v6 =	vsel vm11, v6, v1;
	[tilespmem:$0x13E00] =	vst v7;
	v7 =	vld [tilespmem:$0x13D30]  }
0x70: {  	vm12 =	veq.s32 v13, v0;
	[tilespmem:$0x13E50] =	vst v6;
	v6 =	vld [tilespmem:$0x13D40]  }
0x71: {  	[tilespmem:$0x13C60] =	vst v11;
	v10 =	vsel vm12, v10, v1;
	v11 =	vld [tilespmem:$0x13C90]  }
0x72: {  	[tilespmem:$0x13E70] =	vst v10;
	v10 =	vld [tilespmem:$0x13D20]  }
0x73: {  	vm13 =	veq.s32 v4, v0;
	[tilespmem:$0x13C40] =	vst v9;
	v9 =	vld [tilespmem:$0x13CB0]  }
0x74: {  	vm14 =	veq.s32 v3, v0;
	[tilespmem:$0x13C70] =	vst v8;
	v4 =	vsel vm13, v7, v1  }
0x75: {  	v3 =	vsel vm14, v6, v1;
	[tilespmem:$0x13E30] =	vst v4  }
0x76: {  	[tilespmem:$0x13E40] =	vst v3  }
0x77: {  	vm15 =	veq.s32 v5, v0;
	[tilespmem:$0x13C10] =	vst v11  }
0x78: {  	v4 =	vsel vm15, v10, v1;
	[tilespmem:$0x13C30] =	vst v9  }
0x79: {  	[tilespmem:$0x13E20] =	vst v4  }
0x7a: {  	[tilespmem:s23], [sflag:$0x1] =	stream.indirect.gather [hbm4b:s4+s26], $0x80, s28, s26, $0xb8;
	[tilespmem:$0x17E80] =	vst v63  }
0x7b: {  	_ =	swait.ge [sflag:s29], $0x4000  }
0x7c: {  	[sflag:s29] =	ssyncset.done $0x0  }
0x7d: {  	[sflag:s29] =	ssyncadd.s32 $0xFFFFC000  }
0x7e: {  	[spmem:s2] =	stream.indirect.scatter.add.f32 [tilespmem:s23], [sflag:$0x2], $0x80, s30, s26, $0xb8;
	[tilespmem:$0x17E80] =	vst v63  }
0x7f: {  	_ =	swait.ge [sflag:s24], $0x4000  }
0x80: {  	[sflag:s24] =	ssyncset.done $0x0  }
0x81: {  	[sflag:s24] =	ssyncadd.s32 $0xFFFFC000  }
0x82: {  	[bflag:$0x0] =	sbarrier.arrive $0xFFFF  }
0x83: {  	[tilespmem:s23], [sflag:$0x2] =	stream.linear.gather [spmem:s6], $0x4000, $0x38;
	[tilespmem:$0x17E80] =	vst v63  }
0x84: {  	_ =	swait.ge [sflag:s24], $0x4000  }
0x85: {  	[sflag:s24] =	ssyncset.done $0x0  }
0x86: {  	s0 =	simm.s32 $0x0;
	[sflag:s24] =	ssyncadd.s32 $0xFFFFC000  }
0x87: {  	[hbm4b:s10+s0] =	stream.linear.scatter [tilespmem:s23], [sflag:$0x2], $0x4000, $0x38;
	[tilespmem:$0x17E80] =	vst v63  }
0x88: {  	_ =	swait.ge [sflag:s24], $0x4000  }
0x89: {  	[sflag:s24] =	ssyncset.done $0x0  }
0x8a: {  	[sflag:s24] =	ssyncadd.s32 $0xFFFFC000  }
0x8b: {  	[tilespmem:s23], [sflag:$0x2] =	stream.linear.gather [spmem:s7], $0x4000, $0x38;
	[tilespmem:$0x17E80] =	vst v63  }
0x8c: {  	_ =	swait.ge [sflag:s24], $0x4000  }
0x8d: {  	[sflag:s24] =	ssyncset.done $0x0  }
0x8e: {  	[sflag:s24] =	ssyncadd.s32 $0xFFFFC000  }
0x8f: {  	[hbm4b:s12+s0] =	stream.linear.scatter [tilespmem:s23], [sflag:$0x2], $0x4000, $0x38;
	[tilespmem:$0x17E80] =	vst v63  }
0x90: {  	_ =	swait.ge [sflag:s24], $0x4000  }
0x91: {  	[sflag:s24] =	ssyncset.done $0x0  }
0x92: {  	[sflag:s24] =	ssyncadd.s32 $0xFFFFC000  }
0x93: {  	[tilespmem:s23], [sflag:$0x2] =	stream.linear.gather [spmem:s8], $0x4000, $0x38;
	[tilespmem:$0x17E80] =	vst v63  }
0x94: {  	_ =	swait.ge [sflag:s24], $0x4000  }
0x95: {  	[sflag:s24] =	ssyncset.done $0x0  }
0x96: {  	[sflag:s24] =	ssyncadd.s32 $0xFFFFC000  }
0x97: {  	[hbm4b:s13+s0] =	stream.linear.scatter [tilespmem:s23], [sflag:$0x2], $0x4000, $0x38;
	[tilespmem:$0x17E80] =	vst v63  }
0x98: {  	_ =	swait.ge [sflag:s24], $0x4000  }
0x99: {  	[sflag:s24] =	ssyncset.done $0x0  }
0x9a: {  	[sflag:s24] =	ssyncadd.s32 $0xFFFFC000  }
0x9b: {  	[tilespmem:s23], [sflag:$0x2] =	stream.linear.gather [spmem:s9], $0x4000, $0x38;
	[tilespmem:$0x17E80] =	vst v63  }
0x9c: {  	_ =	swait.ge [sflag:s24], $0x4000  }
0x9d: {  	[sflag:s24] =	ssyncset.done $0x0  }
0x9e: {  	[sflag:s24] =	ssyncadd.s32 $0xFFFFC000  }
0x9f: {  	[hbm4b:s14+s0] =	stream.linear.scatter [tilespmem:s23], [sflag:$0x2], $0x4000, $0x38;
	[tilespmem:$0x17E80] =	vst v63  }
0xa0: {  	_ =	swait.ge [sflag:s24], $0x4000  }
0xa1: {  	[sflag:s24] =	ssyncset.done $0x0  }
0xa2: {  	[sflag:s24] =	ssyncadd.s32 $0xFFFFC000  }
0xa3: {  	[tilespmem:s23], [sflag:$0x2] =	stream.linear.gather [spmem:s11], $0x3C00, $0x38;
	[tilespmem:$0x17E80] =	vst v63  }
0xa4: {  	_ =	swait.ge [sflag:s24], $0x3C00  }
0xa5: {  	[sflag:s24] =	ssyncset.done $0x0  }
0xa6: {  	[sflag:s24] =	ssyncadd.s32 $0xFFFFC400  }
0xa7: {  	[hbm4b:s16+s0] =	stream.linear.scatter [tilespmem:s23], [sflag:$0x2], $0x3C00, $0x38;
	[tilespmem:$0x17E80] =	vst v63  }
0xa8: {  	_ =	swait.ge [sflag:s24], $0x3C00  }
0xa9: {  	[sflag:s24] =	ssyncset.done $0x0  }
0xaa: {  	[sflag:s24] =	ssyncadd.s32 $0xFFFFC400  }
0xab: {  	[bflag:$0x0] =	sbarrier.arrive $0xFFFF  }
0xac: {  	[tilespmem:s23], [sflag:$0x2] =	stream.linear.gather [hbm4b:s5+s0], $0x4000, $0x38;
	[tilespmem:$0x17E80] =	vst v63  }
0xad: {  	_ =	swait.ge [sflag:s24], $0x4000  }
0xae: {  	[sflag:s24] =	ssyncset.done $0x0  }
0xaf: {  	[sflag:s24] =	ssyncadd.s32 $0xFFFFC000  }
0xb0: {  	[spmem:s6] =	stream.linear.scatter [tilespmem:s23], [sflag:$0x2], $0x4000, $0x38;
	[tilespmem:$0x17E80] =	vst v63  }
0xb1: {  	_ =	swait.ge [sflag:s24], $0x4000  }
0xb2: {  	[sflag:s24] =	ssyncset.done $0x0  }
0xb3: {  	[sflag:s24] =	ssyncadd.s32 $0xFFFFC000  }
0xb4: {  	[spmem:s7] =	stream.linear.scatter [tilespmem:s23], [sflag:$0x2], $0x4000, $0x38;
	[tilespmem:$0x17E80] =	vst v63  }
0xb5: {  	_ =	swait.ge [sflag:s24], $0x4000  }
0xb6: {  	[sflag:s24] =	ssyncset.done $0x0  }
0xb7: {  	[sflag:s24] =	ssyncadd.s32 $0xFFFFC000  }
0xb8: {  	[spmem:s8] =	stream.linear.scatter [tilespmem:s23], [sflag:$0x2], $0x4000, $0x38;
	[tilespmem:$0x17E80] =	vst v63  }
0xb9: {  	_ =	swait.ge [sflag:s24], $0x4000  }
0xba: {  	[sflag:s24] =	ssyncset.done $0x0  }
0xbb: {  	[sflag:s24] =	ssyncadd.s32 $0xFFFFC000  }
0xbc: {  	[spmem:s9] =	stream.linear.scatter [tilespmem:s23], [sflag:$0x2], $0x4000, $0x38;
	[tilespmem:$0x17E80] =	vst v63  }
0xbd: {  	_ =	swait.ge [sflag:s24], $0x4000  }
0xbe: {  	[sflag:s24] =	ssyncset.done $0x0  }
0xbf: {  	[sflag:s24] =	ssyncadd.s32 $0xFFFFC000  }
0xc0: {  	[spmem:s11] =	stream.linear.scatter [tilespmem:s23], [sflag:$0x2], $0x3C00, $0x38;
	[tilespmem:$0x17E80] =	vst v63  }
0xc1: {  	_ =	swait.ge [sflag:s24], $0x3C00  }
0xc2: {  	[sflag:s24] =	ssyncset.done $0x0  }
0xc3: {  	[sflag:s24] =	ssyncadd.s32 $0xFFFFC400  }
0xc4: {  	s1 =	sadd.s32 $0x0, s22;
	[bflag:$0x0] =	sbarrier.arrive $0xFFFF  }
0xc5: {  	[tilespmem:s25], [sflag:$0x2] =	stream.linear.gather [hbm4b:s1+s3], $0x180, $0x38;
	[tilespmem:$0x17E80] =	vst v63  }
0xc6: {  	_ =	swait.ge [sflag:s24], $0x180  }
0xc7: {  	[sflag:s24] =	ssyncset.done $0x0  }
0xc8: {  	[sflag:s24] =	ssyncadd.s32 $0xFFFFFE80  }
0xc9: {  	v5 =	vld [tilespmem:$0x13CA0]  }
0xca: {  	v6 =	vld [tilespmem:$0x13D50]  }
0xcb: {  	v7 =	vld [tilespmem:$0x13D00]  }
0xcc: {  	v8 =	vld [tilespmem:$0x13D60]  }
0xcd: {  	v9 =	vld [tilespmem:$0x13D10]  }
0xce: {  	v3 =	vld [tilespmem:$0x13DC0]  }
0xcf: {  	v4 =	vld [tilespmem:$0x13DB0]  }
0xd0: {  	s0 =	simm.s32 $0x30;
	[tilespmem:$0x13C20] =	vst v5;
	v5 =	vld [tilespmem:$0x13DA0]  }
.LBB2_4:
0xd1: {  	p0 =	sne.s32 s0, $0x1D40;
	v10 =	vld [tilespmem:$0x13DF0];
	s1 =	smov.u32 s0;
	s0 =	sadd.s32 $0x30, s0  }
0xd2: {  	v11 =	vld [tilespmem:$0x13D90]  }
0xd3: {  	v12 =	vld [tilespmem:$0x13DE0]  }
0xd4: {  	v13 =	vld [tilespmem:$0x13D80]  }
0xd5: {  	v14 =	vld [tilespmem:$0x13DD0]  }
0xd6: {  	v15 =	vld [tilespmem:$0x13CD0]  }
0xd7: {  	vm0 =	veq.s32 v11, v2;
	v11 =	vld [tilespmem:$0x13D70]  }
0xd8: {  	v9 =	vsel vm0, v9, v1;
	vm0 =	veq.s32 v12, v2;
	v12 =	vld [tilespmem:$0x13CE0]  }
0xd9: {  	vm1 =	veq.s32 v13, v2;
	[tilespmem:$0x13E10] =	vst v9;
	v8 =	vsel vm0, v8, v1;
	v9 =	vld [tilespmem:$0x13CF0]  }
0xda: {  	v7 =	vsel vm1, v7, v1;
	v13 =	vld [tilespmem:$0x13CC0];
	vm0 =	veq.s32 v14, v2;
	[tilespmem:$0x13E60] =	vst v8  }
0xdb: {  	[tilespmem:$0x13E00] =	vst v7;
	v7 =	vld [tilespmem:$0x13D20];
	v6 =	vsel vm0, v6, v1;
	vm0 =	veq.s32 v10, v2  }
0xdc: {  	v8 =	vld [tilespmem:$0x13D30];
	[tilespmem:$0x13C50] =	vst v15;
	v10 =	vsel vm0, v11, v1  }
0xdd: {  	v11 =	vld [tilespmem:$0x13C80];
	[tilespmem:$0x13E50] =	vst v6  }
0xde: {  	v6 =	vld [tilespmem:$0x13D40];
	[tilespmem:$0x13C60] =	vst v12  }
0xdf: {  	vm0 =	veq.s32 v5, v2;
	v12 =	vld [tilespmem:$0x13C90];
	[tilespmem:$0x13C40] =	vst v13  }
0xe0: {  	v5 =	vsel vm0, v7, v1;
	vm0 =	veq.s32 v4, v2;
	v4 =	vld [tilespmem:$0x13CB0];
	[tilespmem:$0x13E70] =	vst v10  }
0xe1: {  	v7 =	vsel vm0, v8, v1;
	[tilespmem:$0x13C70] =	vst v9  }
0xe2: {  	vm0 =	veq.s32 v3, v2;
	[tilespmem:$0x13C00] =	vst v11  }
0xe3: {  	[tilespmem:$0x13E30] =	vst v7;
	v3 =	vsel vm0, v6, v1  }
0xe4: {  	[tilespmem:$0x13C10] =	vst v12  }
0xe5: {  	[tilespmem:$0x13C30] =	vst v4  }
0xe6: {  	[tilespmem:$0x13E40] =	vst v3  }
0xe7: {  	[tilespmem:$0x13E20] =	vst v5  }
0xe8: {  	[tilespmem:s23], [sflag:$0x1] =	stream.indirect.gather [hbm4b:s4+s26], $0x80, s28, s26, $0xb8;
	[tilespmem:$0x17E80] =	vst v63  }
0xe9: {  	_ =	swait.ge [sflag:s29], $0x4000  }
0xea: {  	[sflag:s29] =	ssyncset.done $0x0  }
0xeb: {  	[sflag:s29] =	ssyncadd.s32 $0xFFFFC000  }
0xec: {  	[spmem:s2] =	stream.indirect.scatter.add.f32 [tilespmem:s23], [sflag:$0x2], $0x80, s30, s26, $0xb8;
	[tilespmem:$0x17E80] =	vst v63  }
0xed: {  	_ =	swait.ge [sflag:s24], $0x4000  }
0xee: {  	[sflag:s24] =	ssyncset.done $0x0  }
0xef: {  	s1 =	sadd.s32 s1, s22;
	[sflag:s24] =	ssyncadd.s32 $0xFFFFC000  }
0xf0: {  	[tilespmem:s25], [sflag:$0x2] =	stream.linear.gather [hbm4b:s1+s3], $0x180, $0x38;
	[tilespmem:$0x17E80] =	vst v63  }
0xf1: {  	_ =	swait.ge [sflag:s24], $0x180  }
0xf2: {  	[sflag:s24] =	ssyncset.done $0x0  }
0xf3: {  	[sflag:s24] =	ssyncadd.s32 $0xFFFFFE80  }
0xf4: {  	v3 =	vld [tilespmem:$0x13CA0]  }
0xf5: {  	v6 =	vld [tilespmem:$0x13D50]  }
0xf6: {  	v7 =	vld [tilespmem:$0x13D00]  }
.Ltmp1:
0xf7: {  	v8 =	vld [tilespmem:$0x13D60];
	(pc) =	sbr.rel @p0 .LBB2_4-.Ltmp1, $4  }
0xf8: {  	v9 =	vld [tilespmem:$0x13D10]  }
0xf9: {  	[tilespmem:$0x13C20] =	vst v3;
	v3 =	vld [tilespmem:$0x13DC0]  }
0xfa: {  	v4 =	vld [tilespmem:$0x13DB0]  }
0xfb: {  	v5 =	vld [tilespmem:$0x13DA0]  }
0xfc: {  	v10 =	vld [tilespmem:$0x13D90]  }
0xfd: {  	v15 =	vld [tilespmem:$0x13CD0]  }
0xfe: {  	v54 =	vld [tilespmem:$0x13CE0]  }
0xff: {  	v55 =	vld [tilespmem:$0x13CC0]  }
0x100: {  	v56 =	vld [tilespmem:$0x13CF0]  }
0x101: {  	v57 =	vld [tilespmem:$0x13D30]  }
0x102: {  	v58 =	vld [tilespmem:$0x13C80]  }
0x103: {  	v60 =	vld [tilespmem:$0x13C90];
	[tilespmem:$0x13C50] =	vst v15  }
0x104: {  	v61 =	vld [tilespmem:$0x13CB0];
	[tilespmem:$0x13C60] =	vst v54  }
0x105: {  	v59 =	vld [tilespmem:$0x13D40];
	[tilespmem:$0x13C40] =	vst v55  }
0x106: {  	v62 =	vld [tilespmem:$0x13D20];
	[tilespmem:$0x13C70] =	vst v56  }
0x107: {  	v11 =	vld [tilespmem:$0x13DE0];
	[tilespmem:$0x13C00] =	vst v58  }
0x108: {  	v12 =	vld [tilespmem:$0x13D80];
	vm13 =	veq.s32 v4, v2;
	[tilespmem:$0x13C10] =	vst v60  }
0x109: {  	v14 =	vld [tilespmem:$0x13DD0];
	vm14 =	veq.s32 v3, v2;
	v4 =	vsel vm13, v57, v1;
	[tilespmem:$0x13C30] =	vst v61  }
0x10a: {  	v13 =	vld [tilespmem:$0x13DF0];
	vm15 =	veq.s32 v5, v2;
	v3 =	vsel vm14, v59, v1;
	[tilespmem:$0x13E30] =	vst v4  }
0x10b: {  	v53 =	vld [tilespmem:$0x13D70];
	vm0 =	veq.s32 v10, v2;
	v63 =	vsel vm15, v62, v1;
	[tilespmem:$0x13E40] =	vst v3  }
0x10c: {  	vm10 =	veq.s32 v11, v2;
	v9 =	vsel vm0, v9, v1;
	[tilespmem:$0x13E20] =	vst v63  }
0x10d: {  	vm1 =	veq.s32 v12, v2;
	v8 =	vsel vm10, v8, v1;
	[tilespmem:$0x13E10] =	vst v9  }
0x10e: {  	vm11 =	veq.s32 v14, v2;
	v7 =	vsel vm1, v7, v1;
	[tilespmem:$0x13E60] =	vst v8  }
0x10f: {  	vm12 =	veq.s32 v13, v2;
	v6 =	vsel vm11, v6, v1;
	[tilespmem:$0x13E00] =	vst v7  }
0x110: {  	v10 =	vsel vm12, v53, v1;
	[tilespmem:$0x13E50] =	vst v6  }
0x111: {  	[tilespmem:$0x13E70] =	vst v10  }
0x112: {  	[tilespmem:s23], [sflag:$0x1] =	stream.indirect.gather [hbm4b:s4+s26], $0x80, s28, s26, $0xb8;
	[tilespmem:$0x17E80] =	vst v63  }
0x113: {  	_ =	swait.ge [sflag:s29], $0x4000  }
0x114: {  	[sflag:s29] =	ssyncset.done $0x0  }
0x115: {  	[sflag:s29] =	ssyncadd.s32 $0xFFFFC000  }
0x116: {  	[spmem:s2] =	stream.indirect.scatter.add.f32 [tilespmem:s23], [sflag:$0x2], $0x80, s30, s26, $0xb8;
	[tilespmem:$0x17E80] =	vst v63  }
0x117: {  	_ =	swait.ge [sflag:s24], $0x4000  }
0x118: {  	[sflag:s24] =	ssyncset.done $0x0  }
0x119: {  	[sflag:s24] =	ssyncadd.s32 $0xFFFFC000  }
0x11a: {  	[bflag:$0x0] =	sbarrier.arrive $0xFFFF  }
0x11b: {  	[tilespmem:s23], [sflag:$0x2] =	stream.linear.gather [spmem:s6], $0x4000, $0x38;
	[tilespmem:$0x17E80] =	vst v63  }
0x11c: {  	_ =	swait.ge [sflag:s24], $0x4000  }
0x11d: {  	[sflag:s24] =	ssyncset.done $0x0  }
0x11e: {  	[sflag:s24] =	ssyncadd.s32 $0xFFFFC000  }
0x11f: {  	[hbm4b:s15+s3] =	stream.linear.scatter [tilespmem:s23], [sflag:$0x2], $0x4000, $0x38;
	[tilespmem:$0x17E80] =	vst v63  }
0x120: {  	_ =	swait.ge [sflag:s24], $0x4000  }
0x121: {  	[sflag:s24] =	ssyncset.done $0x0  }
0x122: {  	[sflag:s24] =	ssyncadd.s32 $0xFFFFC000  }
0x123: {  	[tilespmem:s23], [sflag:$0x2] =	stream.linear.gather [spmem:s7], $0x4000, $0x38;
	[tilespmem:$0x17E80] =	vst v63  }
0x124: {  	_ =	swait.ge [sflag:s24], $0x4000  }
0x125: {  	[sflag:s24] =	ssyncset.done $0x0  }
0x126: {  	[sflag:s24] =	ssyncadd.s32 $0xFFFFC000  }
0x127: {  	[hbm4b:s17+s3] =	stream.linear.scatter [tilespmem:s23], [sflag:$0x2], $0x4000, $0x38;
	[tilespmem:$0x17E80] =	vst v63  }
0x128: {  	_ =	swait.ge [sflag:s24], $0x4000  }
0x129: {  	[sflag:s24] =	ssyncset.done $0x0  }
0x12a: {  	[sflag:s24] =	ssyncadd.s32 $0xFFFFC000  }
0x12b: {  	[tilespmem:s23], [sflag:$0x2] =	stream.linear.gather [spmem:s8], $0x4000, $0x38;
	[tilespmem:$0x17E80] =	vst v63  }
0x12c: {  	_ =	swait.ge [sflag:s24], $0x4000  }
0x12d: {  	[sflag:s24] =	ssyncset.done $0x0  }
0x12e: {  	[sflag:s24] =	ssyncadd.s32 $0xFFFFC000  }
0x12f: {  	[hbm4b:s18+s3] =	stream.linear.scatter [tilespmem:s23], [sflag:$0x2], $0x4000, $0x38;
	[tilespmem:$0x17E80] =	vst v63  }
0x130: {  	_ =	swait.ge [sflag:s24], $0x4000  }
0x131: {  	[sflag:s24] =	ssyncset.done $0x0  }
0x132: {  	[sflag:s24] =	ssyncadd.s32 $0xFFFFC000  }
0x133: {  	[tilespmem:s23], [sflag:$0x2] =	stream.linear.gather [spmem:s9], $0x4000, $0x38;
	[tilespmem:$0x17E80] =	vst v63  }
0x134: {  	_ =	swait.ge [sflag:s24], $0x4000  }
0x135: {  	[sflag:s24] =	ssyncset.done $0x0  }
0x136: {  	[sflag:s24] =	ssyncadd.s32 $0xFFFFC000  }
0x137: {  	[hbm4b:s19+s3] =	stream.linear.scatter [tilespmem:s23], [sflag:$0x2], $0x4000, $0x38;
	[tilespmem:$0x17E80] =	vst v63  }
0x138: {  	_ =	swait.ge [sflag:s24], $0x4000  }
0x139: {  	[sflag:s24] =	ssyncset.done $0x0  }
0x13a: {  	[sflag:s24] =	ssyncadd.s32 $0xFFFFC000  }
0x13b: {  	[tilespmem:s23], [sflag:$0x2] =	stream.linear.gather [spmem:s11], $0x3C00, $0x38;
	[tilespmem:$0x17E80] =	vst v63  }
0x13c: {  	_ =	swait.ge [sflag:s24], $0x3C00  }
0x13d: {  	s31 =	sadd.s32 $0x1, s31;
	[sflag:s24] =	ssyncset.done $0x0  }
0x13e: {  	p0 =	sne.s32 s31, s21;
	[sflag:s24] =	ssyncadd.s32 $0xFFFFC400  }
0x13f: {  	[hbm4b:s20+s3] =	stream.linear.scatter [tilespmem:s23], [sflag:$0x2], $0x3C00, $0x38;
	[tilespmem:$0x17E80] =	vst v63  }
.Ltmp2:
0x140: {  	_ =	swait.ge [sflag:s24], $0x3C00;
	(pc) =	sbr.rel @p0 .LBB2_1-.Ltmp2, $3  }
0x141: {  	[sflag:s24] =	ssyncset.done $0x0  }
0x142: {  	[sflag:s24] =	ssyncadd.s32 $0xFFFFC400  }
0x143: {  	[bflag:$0x0] =	sbarrier.arrive $0xFFFF;
	_ =	sdelay $0x1  }
0x144: {  	_ =	sfence.sel $0x180000  }
0x145: {  	[bflag:$0x0] =	sbarrier.arrive $0xFFFF  }
0x146: {  	_ =	strace $0x9000004A  }
0x147: {  	s0 =	stileid.u32;
	[bflag:$0x2] =	sbarrier.arrive $0xFFFF  }
0x148: {  	p0 =	sne.s32 s0, $0x0;
	s0 =	rddreg [dreg:$0x2]  }
0x149: {  	s0 =	sadd.s32 @!p0 $0x100000, s0  }
0x14a: {  	[sflag:s0] =	ssyncadd.tile.s32 @!p0 $0x1;
	_ =	shalt  }
.Lfunc_end2:
_tile_overlayer_lowered:
.L_overlay_start_2:
0x14b: {  	(tag) =	ssettag $0x2  }
0x14c: {  	s0 =	rddreg [dreg:$0x0];
	s2 =	stileid.u32  }
0x14d: {  	s1 =	rddreg [dreg:$0x1];
	p0 =	sne.s32 s2, $0x0  }
0x14e: {  	s3 =	rddreg [dreg:$0x2];
	[bflag:$0x3] =	sbarrier.arrive $0xFFFF;
	s2 =	simm.s32 @!p0 $0x1C02  }
0x14f: {  	[timem:s3], [sflag:s2] =	dma.local @!p0 [hbm:s0], s1  }
0x150: {  	s0 =	simm.s32 @!p0 $0x2  }
0x151: {  	_ =	swait.ge @!p0 [sflag:s0], s1  }
0x152: {  	s1 =	ssub.s32 @!p0 $0x0, s1;
	[sflag:s0] =	ssyncset.done @!p0 $0x0  }
0x153: {  	[sflag:s0] =	ssyncadd.s32 @!p0 s1  }
0x154: {  	[bflag:$0x3] =	sbarrier.arrive $0xFFFF  }
0x155: {  	_ =	shalt  }

// kernel: sc_rgcn_agg_cnt.3.cloned.1.call-start
scs
__scs_entry_jumppad:
0x0: {  	(pc) =	sbr.rel $0x88, $3  }
0x1: {  	(tag) =	ssettag $0x0;
	lr =	simm.s32 $0x1  }
0x2: {  	[smem:$0x3F8C] =	sst lr;
	_ =	strace $0xD0000000  }
0x3: {  	_ = 	snop  }
0x4: {  	_ = 	snop  }
0x5: {  	_ = 	snop  }
0x6: {  	_ = 	snop  }
0x7: {  	_ = 	snop  }
__scs_overlays_trampoline_lowered:
0x8: {  	[smem:$0x3F9B] =	sst s0  }
0x9: {  	[smem:$0x3F9C] =	sst s1  }
0xa: {  	[smem:$0x3F9D] =	sst s2  }
0xb: {  	[smem:$0x3F9E] =	sst s3  }
0xc: {  	[smem:$0x3F9F] =	sst s4  }
0xd: {  	[smem:$0x3FA0] =	sst s5  }
0xe: {  	[smem:$0x3FA1] =	sst s6  }
0xf: {  	[smem:$0x3FA2] =	sst s7  }
0x10: {  	[smem:$0x3FA3] =	sst s8  }
0x11: {  	[smem:$0x3FA4] =	sst s9;
	s0 =	simm.s32 @!p0 $0x0  }
0x12: {  	s1 =	sld [smem:$0x3F8A];
	s0 =	simm.s32 @p0 $0x1  }
0x13: {  	[smem:$0x3FA5] =	sst s0;
	s0 =	simm.s32 @!p1 $0x0  }
0x14: {  	s2 =	sld [smem:$0x3F89];
	s0 =	simm.s32 @p1 $0x1  }
0x15: {  	[smem:$0x3FA6] =	sst s0;
	s0 =	simm.s32 @!p2 $0x0  }
0x16: {  	s3 =	sld [smem:$0x3FDB];
	s0 =	simm.s32 @p2 $0x1  }
0x17: {  	s4 =	simm.s32 $0x1BF5;
	[smem:$0x3FA8] =	sst s0  }
0x18: {  	s0 =	sld [smem:$0x3F8B];
	_ =	swait.ge [sflag:s4], $0x0  }
0x19: {  	s7 =	sld [smem:$0x3F8C]  }
0x1a: {  	s8 =	sadd.s32 $0xFFFFE003, lr  }
0x1b: {  	s9 =	sadd.s32 $0xFFFFFEF7, lr;
	s5 =	simm.s32 $0xFFFFFFFF;
	p2 =	slt.u32 s8, $0xFFFFF086  }
0x1c: {  	p1 =	slt.u32 s9, $0xF7A;
	s5 =	simm.s32 @!p2 $0x0  }
0x1d: {  	s5 =	simm.s32 @p1 $0x1;
	p0 =	seq.s32 s7, s2  }
0x1e: {  	s7 =	smul.u32 @!p0 $0xF7A, s2;
	p2 =	seq.s32 @!p0 s5, $0x0  }
0x1f: {  	s9 =	smul.u32 $0xF7A, s1;
	s8 =	simm.s32 @!p0 $0x1BF5;
	p2 =	por !p2, p0  }
0x20: {  	[sflag:s8] =	ssyncset.s32 @!p0 $0xFFFFF086;
	s6 =	sadd.s32 @!p0 s3, s7;
	s7 =	simm.s32 @!p0 $0x108  }
0x21: {  	s3 =	sadd.s32 s3, s9;
	s6 =	sadd.s32 @!p0 $0x88, s6;
	s7 =	simm.s32 @p2 $0x1082  }
0x22: {  	[simem:s7], [sflag:s8] =	dma.local @!p0 [hbm:s6], $0xF7A  }
0x23: {  	s9 =	sor.u32 $0xD0000000, s2;
	s6 =	simm.s32 $0x108;
	_ =	swait.ge @!p0 [sflag:s8], $0x0  }
0x24: {  	s3 =	sadd.s32 $0x88, s3;
	s6 =	simm.s32 @!p1 $0x1082;
	[sflag:s4] =	ssyncset.s32 $0xFFFFF086  }
0x25: {  	[simem:s6], [sflag:s4] =	dma.local [hbm:s3], $0xF7A  }
0x26: {  	[smem:$0x3F8C] =	sst s1;
	(tag) =	ssettag s2;
	_ =	strace s9  }
0x27: {  	s1 =	sld [smem:$0x3F9C]  }
0x28: {  	s2 =	sld [smem:$0x3F9D]  }
0x29: {  	s4 =	sld [smem:$0x3F9F]  }
0x2a: {  	p0 =	seq.s32 s5, $0x0;
	s5 =	sld [smem:$0x3FA0]  }
0x2b: {  	s6 =	sld [smem:$0x3FA1]  }
0x2c: {  	s7 =	sld [smem:$0x3FA2]  }
0x2d: {  	s3 =	simm.s32 $0x108;
	s8 =	sld [smem:$0x3FA3]  }
0x2e: {  	s3 =	simm.s32 @!p0 $0x1082;
	s9 =	sld [smem:$0x3FA4]  }
0x2f: {  	lr =	sadd.s32 s0, s3;
	s0 =	sld [smem:$0x3F9B]  }
0x30: {  	s3 =	sld [smem:$0x3F9E]  }
0x31: {  	[smem:$0x3FA7] =	sst s10  }
0x32: {  	s10 =	sld [smem:$0x3FA5];
	_ =	sdelay $0x3  }
0x33: {  	p0 =	seq.s32 s10, $0x1;
	s10 =	sld [smem:$0x3FA7];
	_ =	sdelay $0x3  }
0x34: {  	[smem:$0x3FA7] =	sst s10  }
0x35: {  	s10 =	sld [smem:$0x3FA6];
	_ =	sdelay $0x3  }
0x36: {  	p1 =	seq.s32 s10, $0x1;
	s10 =	sld [smem:$0x3FA7];
	_ =	sdelay $0x3  }
0x37: {  	[smem:$0x3FA7] =	sst s10  }
0x38: {  	s10 =	sld [smem:$0x3FA8]  }
0x39: {  	_ = 	snop;
	(pc) =	sbr.ind lr, $3  }
0x3a: {  	_ = 	snop  }
0x3b: {  	_ = 	snop  }
0x3c: {  	p2 =	seq.s32 s10, $0x1;
	s10 =	sld [smem:$0x3FA7]  }
0x3d: {  	_ =	shalt  }
0x3e: {  	_ =	shalt  }
0x3f: {  	_ =	shalt  }
0x40: {  	_ =	shalt  }
0x41: {  	_ =	shalt  }
0x42: {  	_ =	shalt  }
0x43: {  	_ =	shalt  }
0x44: {  	_ =	shalt  }
0x45: {  	_ =	shalt  }
0x46: {  	_ =	shalt  }
0x47: {  	_ =	shalt  }
0x48: {  	_ =	shalt  }
0x49: {  	_ =	shalt  }
0x4a: {  	_ =	shalt  }
0x4b: {  	_ =	shalt  }
0x4c: {  	_ =	shalt  }
0x4d: {  	_ =	shalt  }
0x4e: {  	_ =	shalt  }
0x4f: {  	_ =	shalt  }
0x50: {  	_ =	shalt  }
0x51: {  	_ =	shalt  }
0x52: {  	_ =	shalt  }
0x53: {  	_ =	shalt  }
0x54: {  	_ =	shalt  }
0x55: {  	_ =	shalt  }
0x56: {  	_ =	shalt  }
0x57: {  	_ =	shalt  }
0x58: {  	_ =	shalt  }
0x59: {  	_ =	shalt  }
0x5a: {  	_ =	shalt  }
0x5b: {  	_ =	shalt  }
0x5c: {  	_ =	shalt  }
0x5d: {  	_ =	shalt  }
0x5e: {  	_ =	shalt  }
0x5f: {  	_ =	shalt  }
0x60: {  	_ =	shalt  }
0x61: {  	_ =	shalt  }
0x62: {  	_ =	shalt  }
0x63: {  	_ =	shalt  }
0x64: {  	_ =	shalt  }
0x65: {  	_ =	shalt  }
0x66: {  	_ =	shalt  }
0x67: {  	_ =	shalt  }
0x68: {  	_ =	shalt  }
0x69: {  	_ =	shalt  }
0x6a: {  	_ =	shalt  }
0x6b: {  	_ =	shalt  }
0x6c: {  	_ =	shalt  }
0x6d: {  	_ =	shalt  }
0x6e: {  	_ =	shalt  }
0x6f: {  	_ =	shalt  }
0x70: {  	_ =	shalt  }
0x71: {  	_ =	shalt  }
0x72: {  	_ =	shalt  }
0x73: {  	_ =	shalt  }
0x74: {  	_ =	shalt  }
0x75: {  	_ =	shalt  }
0x76: {  	_ =	shalt  }
0x77: {  	_ =	shalt  }
0x78: {  	_ =	shalt  }
0x79: {  	_ =	shalt  }
0x7a: {  	_ =	shalt  }
0x7b: {  	_ =	shalt  }
0x7c: {  	_ =	shalt  }
0x7d: {  	_ =	shalt  }
0x7e: {  	_ =	shalt  }
0x7f: {  	_ =	shalt  }
0x80: {  	_ =	shalt  }
0x81: {  	_ =	shalt  }
0x82: {  	_ =	shalt  }
0x83: {  	_ =	shalt  }
0x84: {  	_ =	shalt  }
0x85: {  	_ =	shalt  }
0x86: {  	_ =	shalt  }
0x87: {  	_ =	shalt  }
.Lfunc_end0:
.L_simem_size_0:
called_computation_lowered:
.L_overlay_start_0:
0x88: {  	s2 =	sld [smem:$0x3FD9]  }
0x89: {  	s3 =	sld [smem:$0x3FFE];
	_ =	sdelay $0x1  }
0x8a: {  	s1 =	srdreg.scid  }
0x8b: {  	s0 =	sand.u32 $0x1, s1  }
0x8c: {  	s16 =	sshll.u32 s0, $0xA;
	s2 =	sadd.s32 s3, s2  }
0x8d: {  	s2 =	sadd.s32 s2, s16  }
0x8e: {  	[smem:$0x3FB3] =	sst s2  }
0x8f: {  	_ = 	snop  }
0x90: {  	(tm) =	ssettm $0x1  }
0x91: {  	s17 =	sld [smem:$0x3FFB];
	_ =	sdelay $0x3  }
0x92: {  	_ =	strace s17  }
0x93: {  	s2 =	sld [smem:$0x3FFC];
	_ =	sdelay $0x3  }
0x94: {  	_ =	strace s2  }
0x95: {  	s2 =	sld [smem:$0x3FFD];
	_ =	sdelay $0x3  }
0x96: {  	_ =	strace s2  }
0x97: {  	_ =	strace $0x8FFFFFFF  }
0x98: {  	s18 =	sld [smem:$0x3FDB];
	_ =	sdelay $0x1  }
0x99: {  	s19 =	simm.s32 $_scs_section_size  }
0x9a: {  	s4 =	simm.s32 $_size__tile_overlayer_lowered;
	s5 =	simm.s32 $_tile_overlayer_lowered  }
0x9b: {  	s22 =	simm.s32 $0x1BFF;
	s21 =	sshll.u32 s5, $0x1;
	s2 =	sadd.s32 s19, s18  }
0x9c: {  	s6 =	simm.s32 $0x0;
	s20 =	sshll.u32 s4, $0x1;
	s4 =	sadd.s32 s21, s2  }
0x9d: {  	[timem:s6], [sflag:s22] =	dma.local [hbm:s4], s20  }
0x9e: {  	_ =	swait.ge [sflag:s22], s20  }
0x9f: {  	s3 =	ssub.s32 $0x0, s20;
	[sflag:s22] =	ssyncset.done $0x0  }
0xa0: {  	[sflag:s22] =	ssyncadd.s32 s3;
	_ =	sdelay $0x1  }
0xa1: {  	s23 =	simm.s32 $0x1B8B  }
0xa2: {  	_ =	swait.ge [sflag:s23], $0x1  }
0xa3: {  	[sflag:s23] =	ssyncset.done $0x0  }
0xa4: {  	s25 =	simm.s32 $0x1B8E;
	s24 =	sld [smem:$0x3FFE];
	[sflag:s23] =	ssyncadd.s32 $0xFFFFFFFF  }
0xa5: {  	s26 =	simm.s32 $execute0_lowered;
	[smem:$0x3FD2] =	sst s25  }
0xa6: {  	s4 =	sshll.u32 s26, $0x1;
	_ =	strace $0x80000046;
	[dreg:$0x1] =	wrdreg $0xFFFFFFFF  }
0xa7: {  	s28 =	simm.s32 $_size_execute0_lowered;
	s2 =	sadd.s32 s2, s4;
	[dreg:$0x0] =	wrdreg $0x0  }
0xa8: {  	s4 =	sshll.u32 s28, $0x1;
	[dreg:$0x2] =	wrdreg s2  }
0xa9: {  	[dreg:$0x3] =	wrdreg s4  }
0xaa: {  	[dreg:$0x4] =	wrdreg $0xC0  }
0xab: {  	_ =	task [dreg:s6], $0x5FFFF  }
0xac: {  	[dreg:$0x1] =	wrdreg $0xFFFFFFFF  }
0xad: {  	[dreg:$0x0] =	wrdreg $0x60  }
0xae: {  	[dreg:$0x2] =	wrdreg s24  }
0xaf: {  	[dreg:$0x3] =	wrdreg $0x0  }
0xb0: {  	[dreg:$0x4] =	wrdreg $0x9  }
0xb1: {  	_ =	task.clear_ibuf [dreg:s6], $0x5FFFF;
	_ =	strace $0x90000046  }
0xb2: {  	s29 =	simm.s32 $0x9;
	_ =	strace $0x80000048  }
0xb3: {  	_ =	swait.ge [sflag:s29], $0x1  }
0xb4: {  	[sflag:s29] =	ssyncadd.s32 $0xFFFFFFFF  }
0xb5: {  	_ =	strace $0x90000048  }
0xb6: {  	_ =	sfence  }
0xb7: {  	s30 =	sld [smem:$0x0];
	_ =	sdelay $0x2  }
0xb8: {  	s31 =	sshll.u32 s1, $0xD;
	s1 =	sshrl.u32 s1, $0x2  }
0xb9: {  	s3 =	sand.u32 $0x4000, s31;
	s1 =	sadd.s32 s1, s30  }
0xba: {  	s0 =	sor.u32 s3, s0;
	s1 =	sshll.u32 s1, $0x11  }
0xbb: {  	s0 =	sor.u32 s1, s0  }
0xbc: {  	s0 =	sadd.s32 $0x8F2B, s0  }
0xbd: {  	[sflag:s0] =	ssyncadd.remote.s32 $0x1  }
0xbe: {  	_ =	sfence.sel $0xFFFF  }
0xbf: {  	[dreg:$0x0] =	wrdreg $0xFFFFFFFF;
	(pc) =	sbr.abs _section_cstart, $3  }
0xc0: {  	[dreg:$0x1] =	wrdreg $0xFFFFFFFF  }
0xc1: {  	_ =	task.clear_ibuf [dreg:s6], $0x2FFFF;
	_ =	strace $0x9FFFFFFF  }
0xc2: {  	(tm) =	ssettm $0x7FFFFFFF  }
0xc3: {  	_ =	shalt  }
tec
execute0_lowered:
.L_overlay_start_1:
0x0: {  	(tag) =	ssettag $0x1  }
0x1: {  	s0 =	rddreg [dreg:$0x0]  }
0x2: {  	s31 =	stileid.u32;
	s2 =	srdreg.scid  }
0x3: {  	s1 =	simm.s32 $0x0;
	s2 =	sand.u32 $0x1, s2;
	s3 =	smul.u32 $0x278, s31  }
0x4: {  	[smem:$0x7FF] =	sst s1;
	s5 =	sadd.s32 $0x4AC00, s0;
	s6 =	sadd.s32 $0xE8C00, s0  }
0x5: {  	s4 =	smul.u32 $0x4F00, s2;
	s7 =	ssub.s32 $0x2, s2;
	s9 =	sshllo.u32 s2, $0x1  }
0x6: {  	s8 =	sshrl.u32 s7, $0x1;
	s15 =	smul.u32 $0x2780, s9;
	v2 =	vmov s9;
	s9 =	simm.s32 $0x13E00  }
0x7: {  	s4 =	sadd.s32 s3, s4;
	s7 =	ssub.s32 s7, s8;
	s8 =	smul.u32 $0x1D70, s31  }
0x8: {  	s4 =	sshll.u32 s4, $0x4;
	s3 =	sadd.s32 s3, s15;
	s29 =	smax.u32 s7, $0x1  }
0x9: {  	s7 =	simm.s32 $0x13C00;
	s10 =	sadd.s32 s5, s4;
	s16 =	sadd.s32 $0x800, s4  }
0xa: {  	s11 =	sadd.s32 $0x1000, s4;
	s19 =	sadd.s32 $0x1800, s4;
	s21 =	sadd.s32 $0x2000, s4  }
0xb: {  	s3 =	sshll.u32 s3, $0x4;
	s4 =	sadd.s32 s6, s4;
	[dreg:$0x3] =	wrdreg s10  }
0xc: {  	s12 =	sadd.s32 s5, s16;
	s18 =	sadd.s32 s5, s11;
	[dreg:$0xd] =	wrdreg s4  }
0xd: {  	s13 =	sadd.s32 s5, s19;
	s22 =	sadd.s32 s5, s21;
	[dreg:$0x4] =	wrdreg s12  }
0xe: {  	s17 =	sadd.s32 $0x800, s3;
	s23 =	sadd.s32 s5, s3;
	[dreg:$0x5] =	wrdreg s18  }
0xf: {  	s20 =	sadd.s32 $0x1000, s3;
	s14 =	sadd.s32 s6, s11;
	[dreg:$0x6] =	wrdreg s13  }
0x10: {  	s15 =	sadd.s32 s6, s19;
	s10 =	smul.u32 $0x4F000, s31;
	[dreg:$0x7] =	wrdreg s22  }
0x11: {  	s11 =	sshll.u32 s2, $0x1;
	[dreg:$0x8] =	wrdreg s23;
	s24 =	sadd.s32 s5, s17  }
0x12: {  	s25 =	sadd.s32 s5, s20;
	s22 =	sadd.s32 $0x1800, s3;
	s23 =	sadd.s32 $0x2000, s3  }
0x13: {  	s13 =	sadd.s32 s6, s16;
	s16 =	sadd.s32 s6, s21;
	s18 =	sadd.s32 s6, s3  }
0x14: {  	s19 =	sadd.s32 s6, s17;
	s20 =	sadd.s32 s6, s20;
	s21 =	rddreg [dreg:$0x1]  }
0x15: {  	s3 =	sadd.s32 s8, s0;
	s12 =	sor.u32 $0x2710, s31;
	[dreg:$0x9] =	wrdreg s24  }
0x16: {  	s8 =	simm.s32 $0x1;
	[dreg:$0xa] =	wrdreg s25;
	s26 =	sadd.s32 s5, s22  }
0x17: {  	s5 =	sadd.s32 s5, s23;
	s22 =	sadd.s32 s6, s22;
	s23 =	sadd.s32 s6, s23  }
0x18: {  	s4 =	sshrl.u32 s10, $0x2;
	s24 =	sadd.s32 $0x20A00, s0;
	s25 =	sadd.s32 $0x47C00, s0  }
0x19: {  	s30 =	sadd.s32 $0x3200, s3;
	s3 =	simm.s32 $0x13E80;
	[dreg:$0xb] =	wrdreg s26  }
0x1a: {  	s6 =	simm.s32 $0x80;
	s10 =	simm.s32 $0x0;
	[dreg:$0xc] =	wrdreg s5  }
0x1b: {  	s26 =	sadd.s32 $0x4A400, s0;
	s28 =	sadd.s32 s4, s21;
	s4 =	simm.s32 $0x2  }
0x1c: {  	s5 =	simm.s32 $0x13C80;
	_ =	strace $0x80000047;
	s31 =	sadd.s32 $0x4000, s28  }
0x1d: {  	v0 =	vmov s11;
	v1 =	vmov s12;
	s17 =	sadd.s32 $0x8000, s28;
	s0 =	sadd.s32 $0xC000, s28;
	s2 =	sadd.s32 $0x10000, s28  }
.LBB2_1:
0x1e: {  	[tilespmem:s3], [sflag:$0x2] =	stream.linear.gather [hbm4b:s25+s1], $0x4000, $0x38;
	[tilespmem:$0x17E80] =	vst v63  }
0x1f: {  	_ =	swait.ge [sflag:s4], $0x4000  }
0x20: {  	[sflag:s4] =	ssyncset.done $0x0  }
0x21: {  	[sflag:s4] =	ssyncadd.s32 $0xFFFFC000  }
0x22: {  	[spmem:s28] =	stream.linear.scatter [tilespmem:s3], [sflag:$0x2], $0x4000, $0x38;
	[tilespmem:$0x17E80] =	vst v63  }
0x23: {  	_ =	swait.ge [sflag:s4], $0x4000  }
0x24: {  	[sflag:s4] =	ssyncset.done $0x0  }
0x25: {  	[sflag:s4] =	ssyncadd.s32 $0xFFFFC000  }
0x26: {  	[spmem:s31] =	stream.linear.scatter [tilespmem:s3], [sflag:$0x2], $0x4000, $0x38;
	[tilespmem:$0x17E80] =	vst v63  }
0x27: {  	_ =	swait.ge [sflag:s4], $0x4000  }
0x28: {  	[sflag:s4] =	ssyncset.done $0x0  }
0x29: {  	[sflag:s4] =	ssyncadd.s32 $0xFFFFC000  }
0x2a: {  	[spmem:s17] =	stream.linear.scatter [tilespmem:s3], [sflag:$0x2], $0x4000, $0x38;
	[tilespmem:$0x17E80] =	vst v63  }
0x2b: {  	_ =	swait.ge [sflag:s4], $0x4000  }
0x2c: {  	[sflag:s4] =	ssyncset.done $0x0  }
0x2d: {  	[sflag:s4] =	ssyncadd.s32 $0xFFFFC000  }
0x2e: {  	[spmem:s0] =	stream.linear.scatter [tilespmem:s3], [sflag:$0x2], $0x4000, $0x38;
	[tilespmem:$0x17E80] =	vst v63  }
0x2f: {  	_ =	swait.ge [sflag:s4], $0x4000  }
0x30: {  	[sflag:s4] =	ssyncset.done $0x0  }
0x31: {  	[sflag:s4] =	ssyncadd.s32 $0xFFFFC000  }
0x32: {  	[spmem:s2] =	stream.linear.scatter [tilespmem:s3], [sflag:$0x2], $0x3C00, $0x38;
	[tilespmem:$0x17E80] =	vst v63  }
0x33: {  	_ =	swait.ge [sflag:s4], $0x3C00  }
0x34: {  	[sflag:s4] =	ssyncset.done $0x0  }
0x35: {  	[sflag:s4] =	ssyncadd.s32 $0xFFFFC400  }
0x36: {  	s11 =	sadd.s32 $0x0, s30;
	[bflag:$0x0] =	sbarrier.arrive $0xFFFF  }
0x37: {  	[tilespmem:s5], [sflag:$0x2] =	stream.linear.gather [hbm4b:s11+s1], $0x180, $0x38;
	[tilespmem:$0x17E80] =	vst v63  }
0x38: {  	_ =	swait.ge [sflag:s4], $0x180  }
0x39: {  	[sflag:s4] =	ssyncset.done $0x0  }
0x3a: {  	[sflag:s4] =	ssyncadd.s32 $0xFFFFFE80  }
0x3b: {  	v5 =	vld [tilespmem:$0x13CA0]  }
0x3c: {  	v6 =	vld [tilespmem:$0x13D50]  }
0x3d: {  	v7 =	vld [tilespmem:$0x13D00]  }
0x3e: {  	v8 =	vld [tilespmem:$0x13D60]  }
0x3f: {  	v9 =	vld [tilespmem:$0x13D10]  }
0x40: {  	v3 =	vld [tilespmem:$0x13DC0]  }
0x41: {  	v4 =	vld [tilespmem:$0x13DB0]  }
0x42: {  	s11 =	simm.s32 $0x30;
	[tilespmem:$0x13C20] =	vst v5;
	v5 =	vld [tilespmem:$0x13DA0]  }
.LBB2_2:
0x43: {  	p0 =	sne.s32 s11, $0x1D40;
	v10 =	vld [tilespmem:$0x13DF0];
	s12 =	smov.u32 s11;
	s11 =	sadd.s32 $0x30, s11  }
0x44: {  	v11 =	vld [tilespmem:$0x13D90]  }
0x45: {  	v12 =	vld [tilespmem:$0x13DE0]  }
0x46: {  	v13 =	vld [tilespmem:$0x13D80]  }
0x47: {  	v14 =	vld [tilespmem:$0x13DD0]  }
0x48: {  	v15 =	vld [tilespmem:$0x13CD0]  }
0x49: {  	vm0 =	veq.s32 v11, v0;
	v11 =	vld [tilespmem:$0x13D70]  }
0x4a: {  	v9 =	vsel vm0, v9, v1;
	vm0 =	veq.s32 v12, v0;
	v12 =	vld [tilespmem:$0x13CE0]  }
0x4b: {  	vm1 =	veq.s32 v13, v0;
	[tilespmem:$0x13E10] =	vst v9;
	v8 =	vsel vm0, v8, v1;
	v9 =	vld [tilespmem:$0x13CF0]  }
0x4c: {  	v7 =	vsel vm1, v7, v1;
	v13 =	vld [tilespmem:$0x13CC0];
	vm0 =	veq.s32 v14, v0;
	[tilespmem:$0x13E60] =	vst v8  }
0x4d: {  	[tilespmem:$0x13E00] =	vst v7;
	v7 =	vld [tilespmem:$0x13D20];
	v6 =	vsel vm0, v6, v1;
	vm0 =	veq.s32 v10, v0  }
0x4e: {  	v8 =	vld [tilespmem:$0x13D30];
	[tilespmem:$0x13C50] =	vst v15;
	v10 =	vsel vm0, v11, v1  }
0x4f: {  	v11 =	vld [tilespmem:$0x13C80];
	[tilespmem:$0x13E50] =	vst v6  }
0x50: {  	v6 =	vld [tilespmem:$0x13D40];
	[tilespmem:$0x13C60] =	vst v12  }
0x51: {  	vm0 =	veq.s32 v5, v0;
	v12 =	vld [tilespmem:$0x13C90];
	[tilespmem:$0x13C40] =	vst v13  }
0x52: {  	v5 =	vsel vm0, v7, v1;
	vm0 =	veq.s32 v4, v0;
	v4 =	vld [tilespmem:$0x13CB0];
	[tilespmem:$0x13E70] =	vst v10  }
0x53: {  	v7 =	vsel vm0, v8, v1;
	[tilespmem:$0x13C70] =	vst v9  }
0x54: {  	vm0 =	veq.s32 v3, v0;
	[tilespmem:$0x13C00] =	vst v11  }
0x55: {  	[tilespmem:$0x13E30] =	vst v7;
	v3 =	vsel vm0, v6, v1  }
0x56: {  	[tilespmem:$0x13C10] =	vst v12  }
0x57: {  	[tilespmem:$0x13C30] =	vst v4  }
0x58: {  	[tilespmem:$0x13E40] =	vst v3  }
0x59: {  	[tilespmem:$0x13E20] =	vst v5  }
0x5a: {  	[tilespmem:s3], [sflag:$0x1] =	stream.indirect.gather [hbm4b:s24+s6], $0x80, s7, s6, $0xb8;
	[tilespmem:$0x17E80] =	vst v63  }
0x5b: {  	_ =	swait.ge [sflag:s8], $0x4000  }
0x5c: {  	[sflag:s8] =	ssyncset.done $0x0  }
0x5d: {  	[sflag:s8] =	ssyncadd.s32 $0xFFFFC000  }
0x5e: {  	[spmem:s21] =	stream.indirect.scatter.add.f32 [tilespmem:s3], [sflag:$0x2], $0x80, s9, s6, $0xb8;
	[tilespmem:$0x17E80] =	vst v63  }
0x5f: {  	_ =	swait.ge [sflag:s4], $0x4000  }
0x60: {  	[sflag:s4] =	ssyncset.done $0x0  }
0x61: {  	s12 =	sadd.s32 s12, s30;
	[sflag:s4] =	ssyncadd.s32 $0xFFFFC000  }
0x62: {  	[tilespmem:s5], [sflag:$0x2] =	stream.linear.gather [hbm4b:s12+s1], $0x180, $0x38;
	[tilespmem:$0x17E80] =	vst v63  }
0x63: {  	_ =	swait.ge [sflag:s4], $0x180  }
0x64: {  	[sflag:s4] =	ssyncset.done $0x0  }
0x65: {  	[sflag:s4] =	ssyncadd.s32 $0xFFFFFE80  }
0x66: {  	v3 =	vld [tilespmem:$0x13CA0]  }
0x67: {  	v6 =	vld [tilespmem:$0x13D50]  }
0x68: {  	v7 =	vld [tilespmem:$0x13D00]  }
.Ltmp0:
0x69: {  	v8 =	vld [tilespmem:$0x13D60];
	(pc) =	sbr.rel @p0 .LBB2_2-.Ltmp0, $4  }
0x6a: {  	v9 =	vld [tilespmem:$0x13D10]  }
0x6b: {  	[tilespmem:$0x13C20] =	vst v3;
	v3 =	vld [tilespmem:$0x13DC0]  }
0x6c: {  	v4 =	vld [tilespmem:$0x13DB0]  }
0x6d: {  	v5 =	vld [tilespmem:$0x13DA0]  }
0x6e: {  	v10 =	vld [tilespmem:$0x13D90]  }
0x6f: {  	v11 =	vld [tilespmem:$0x13DE0]  }
0x70: {  	v15 =	vld [tilespmem:$0x13CD0]  }
0x71: {  	v63 =	vld [tilespmem:$0x13C80]  }
0x72: {  	v12 =	vld [tilespmem:$0x13D80]  }
0x73: {  	v14 =	vld [tilespmem:$0x13DD0]  }
0x74: {  	v13 =	vld [tilespmem:$0x13DF0]  }
0x75: {  	vm0 =	veq.s32 v10, v0;
	v10 =	vld [tilespmem:$0x13D70];
	[tilespmem:$0x13C50] =	vst v15  }
0x76: {  	vm10 =	veq.s32 v11, v0;
	v11 =	vld [tilespmem:$0x13CE0];
	[tilespmem:$0x13C00] =	vst v63;
	v9 =	vsel vm0, v9, v1  }
0x77: {  	vm1 =	veq.s32 v12, v0;
	v8 =	vsel vm10, v8, v1;
	[tilespmem:$0x13E10] =	vst v9;
	v9 =	vld [tilespmem:$0x13CC0]  }
0x78: {  	vm11 =	veq.s32 v14, v0;
	v7 =	vsel vm1, v7, v1;
	[tilespmem:$0x13E60] =	vst v8;
	v8 =	vld [tilespmem:$0x13CF0]  }
0x79: {  	v6 =	vsel vm11, v6, v1;
	[tilespmem:$0x13E00] =	vst v7;
	v7 =	vld [tilespmem:$0x13D30]  }
0x7a: {  	vm12 =	veq.s32 v13, v0;
	[tilespmem:$0x13E50] =	vst v6;
	v6 =	vld [tilespmem:$0x13D40]  }
0x7b: {  	[tilespmem:$0x13C60] =	vst v11;
	v10 =	vsel vm12, v10, v1;
	v11 =	vld [tilespmem:$0x13C90]  }
0x7c: {  	[tilespmem:$0x13E70] =	vst v10;
	v10 =	vld [tilespmem:$0x13D20]  }
0x7d: {  	vm13 =	veq.s32 v4, v0;
	[tilespmem:$0x13C40] =	vst v9;
	v9 =	vld [tilespmem:$0x13CB0]  }
0x7e: {  	vm14 =	veq.s32 v3, v0;
	[tilespmem:$0x13C70] =	vst v8;
	v4 =	vsel vm13, v7, v1  }
0x7f: {  	v3 =	vsel vm14, v6, v1;
	[tilespmem:$0x13E30] =	vst v4  }
0x80: {  	[tilespmem:$0x13E40] =	vst v3  }
0x81: {  	vm15 =	veq.s32 v5, v0;
	[tilespmem:$0x13C10] =	vst v11  }
0x82: {  	v4 =	vsel vm15, v10, v1;
	[tilespmem:$0x13C30] =	vst v9  }
0x83: {  	[tilespmem:$0x13E20] =	vst v4  }
0x84: {  	[tilespmem:s3], [sflag:$0x1] =	stream.indirect.gather [hbm4b:s24+s6], $0x80, s7, s6, $0xb8;
	[tilespmem:$0x17E80] =	vst v63  }
0x85: {  	_ =	swait.ge [sflag:s8], $0x4000  }
0x86: {  	[sflag:s8] =	ssyncset.done $0x0  }
0x87: {  	[sflag:s8] =	ssyncadd.s32 $0xFFFFC000  }
0x88: {  	[spmem:s21] =	stream.indirect.scatter.add.f32 [tilespmem:s3], [sflag:$0x2], $0x80, s9, s6, $0xb8;
	[tilespmem:$0x17E80] =	vst v63  }
0x89: {  	_ =	swait.ge [sflag:s4], $0x4000  }
0x8a: {  	[sflag:s4] =	ssyncset.done $0x0  }
0x8b: {  	[sflag:s4] =	ssyncadd.s32 $0xFFFFC000  }
0x8c: {  	[bflag:$0x0] =	sbarrier.arrive $0xFFFF  }
0x8d: {  	[tilespmem:s3], [sflag:$0x2] =	stream.linear.gather [spmem:s28], $0x4000, $0x38;
	[tilespmem:$0x17E80] =	vst v63  }
0x8e: {  	_ =	swait.ge [sflag:s4], $0x4000  }
0x8f: {  	[sflag:s4] =	ssyncset.done $0x0  }
0x90: {  	s11 =	simm.s32 $0x0;
	s12 =	rddreg [dreg:$0x3];
	[sflag:s4] =	ssyncadd.s32 $0xFFFFC000  }
0x91: {  	[hbm4b:s12+s11] =	stream.linear.scatter [tilespmem:s3], [sflag:$0x2], $0x4000, $0x38;
	[tilespmem:$0x17E80] =	vst v63  }
0x92: {  	_ =	swait.ge [sflag:s4], $0x4000  }
0x93: {  	[sflag:s4] =	ssyncset.done $0x0  }
0x94: {  	[sflag:s4] =	ssyncadd.s32 $0xFFFFC000  }
0x95: {  	[tilespmem:s3], [sflag:$0x2] =	stream.linear.gather [spmem:s31], $0x4000, $0x38;
	[tilespmem:$0x17E80] =	vst v63  }
0x96: {  	_ =	swait.ge [sflag:s4], $0x4000  }
0x97: {  	[sflag:s4] =	ssyncset.done $0x0  }
0x98: {  	s12 =	rddreg [dreg:$0x4];
	[sflag:s4] =	ssyncadd.s32 $0xFFFFC000  }
0x99: {  	[hbm4b:s12+s11] =	stream.linear.scatter [tilespmem:s3], [sflag:$0x2], $0x4000, $0x38;
	[tilespmem:$0x17E80] =	vst v63  }
0x9a: {  	_ =	swait.ge [sflag:s4], $0x4000  }
0x9b: {  	[sflag:s4] =	ssyncset.done $0x0  }
0x9c: {  	[sflag:s4] =	ssyncadd.s32 $0xFFFFC000  }
0x9d: {  	[tilespmem:s3], [sflag:$0x2] =	stream.linear.gather [spmem:s17], $0x4000, $0x38;
	[tilespmem:$0x17E80] =	vst v63  }
0x9e: {  	_ =	swait.ge [sflag:s4], $0x4000  }
0x9f: {  	[sflag:s4] =	ssyncset.done $0x0  }
0xa0: {  	s12 =	rddreg [dreg:$0x5];
	[sflag:s4] =	ssyncadd.s32 $0xFFFFC000  }
0xa1: {  	[hbm4b:s12+s11] =	stream.linear.scatter [tilespmem:s3], [sflag:$0x2], $0x4000, $0x38;
	[tilespmem:$0x17E80] =	vst v63  }
0xa2: {  	_ =	swait.ge [sflag:s4], $0x4000  }
0xa3: {  	[sflag:s4] =	ssyncset.done $0x0  }
0xa4: {  	[sflag:s4] =	ssyncadd.s32 $0xFFFFC000  }
0xa5: {  	[tilespmem:s3], [sflag:$0x2] =	stream.linear.gather [spmem:s0], $0x4000, $0x38;
	[tilespmem:$0x17E80] =	vst v63  }
0xa6: {  	_ =	swait.ge [sflag:s4], $0x4000  }
0xa7: {  	[sflag:s4] =	ssyncset.done $0x0  }
0xa8: {  	s12 =	rddreg [dreg:$0x6];
	[sflag:s4] =	ssyncadd.s32 $0xFFFFC000  }
0xa9: {  	[hbm4b:s12+s11] =	stream.linear.scatter [tilespmem:s3], [sflag:$0x2], $0x4000, $0x38;
	[tilespmem:$0x17E80] =	vst v63  }
0xaa: {  	_ =	swait.ge [sflag:s4], $0x4000  }
0xab: {  	[sflag:s4] =	ssyncset.done $0x0  }
0xac: {  	[sflag:s4] =	ssyncadd.s32 $0xFFFFC000  }
0xad: {  	[tilespmem:s3], [sflag:$0x2] =	stream.linear.gather [spmem:s2], $0x3C00, $0x38;
	[tilespmem:$0x17E80] =	vst v63  }
0xae: {  	_ =	swait.ge [sflag:s4], $0x3C00  }
0xaf: {  	[sflag:s4] =	ssyncset.done $0x0  }
0xb0: {  	s12 =	rddreg [dreg:$0x7];
	[sflag:s4] =	ssyncadd.s32 $0xFFFFC400  }
0xb1: {  	[hbm4b:s12+s11] =	stream.linear.scatter [tilespmem:s3], [sflag:$0x2], $0x3C00, $0x38;
	[tilespmem:$0x17E80] =	vst v63  }
0xb2: {  	_ =	swait.ge [sflag:s4], $0x3C00  }
0xb3: {  	[sflag:s4] =	ssyncset.done $0x0  }
0xb4: {  	[sflag:s4] =	ssyncadd.s32 $0xFFFFC400  }
0xb5: {  	[bflag:$0x0] =	sbarrier.arrive $0xFFFF  }
0xb6: {  	[tilespmem:s3], [sflag:$0x2] =	stream.linear.gather [hbm4b:s25+s11], $0x4000, $0x38;
	[tilespmem:$0x17E80] =	vst v63  }
0xb7: {  	_ =	swait.ge [sflag:s4], $0x4000  }
0xb8: {  	[sflag:s4] =	ssyncset.done $0x0  }
0xb9: {  	[sflag:s4] =	ssyncadd.s32 $0xFFFFC000  }
0xba: {  	[spmem:s28] =	stream.linear.scatter [tilespmem:s3], [sflag:$0x2], $0x4000, $0x38;
	[tilespmem:$0x17E80] =	vst v63  }
0xbb: {  	_ =	swait.ge [sflag:s4], $0x4000  }
0xbc: {  	[sflag:s4] =	ssyncset.done $0x0  }
0xbd: {  	[sflag:s4] =	ssyncadd.s32 $0xFFFFC000  }
0xbe: {  	[spmem:s31] =	stream.linear.scatter [tilespmem:s3], [sflag:$0x2], $0x4000, $0x38;
	[tilespmem:$0x17E80] =	vst v63  }
0xbf: {  	_ =	swait.ge [sflag:s4], $0x4000  }
0xc0: {  	[sflag:s4] =	ssyncset.done $0x0  }
0xc1: {  	[sflag:s4] =	ssyncadd.s32 $0xFFFFC000  }
0xc2: {  	[spmem:s17] =	stream.linear.scatter [tilespmem:s3], [sflag:$0x2], $0x4000, $0x38;
	[tilespmem:$0x17E80] =	vst v63  }
0xc3: {  	_ =	swait.ge [sflag:s4], $0x4000  }
0xc4: {  	[sflag:s4] =	ssyncset.done $0x0  }
0xc5: {  	[sflag:s4] =	ssyncadd.s32 $0xFFFFC000  }
0xc6: {  	[spmem:s0] =	stream.linear.scatter [tilespmem:s3], [sflag:$0x2], $0x4000, $0x38;
	[tilespmem:$0x17E80] =	vst v63  }
0xc7: {  	_ =	swait.ge [sflag:s4], $0x4000  }
0xc8: {  	[sflag:s4] =	ssyncset.done $0x0  }
0xc9: {  	[sflag:s4] =	ssyncadd.s32 $0xFFFFC000  }
0xca: {  	[spmem:s2] =	stream.linear.scatter [tilespmem:s3], [sflag:$0x2], $0x3C00, $0x38;
	[tilespmem:$0x17E80] =	vst v63  }
0xcb: {  	_ =	swait.ge [sflag:s4], $0x3C00  }
0xcc: {  	[sflag:s4] =	ssyncset.done $0x0  }
0xcd: {  	[sflag:s4] =	ssyncadd.s32 $0xFFFFC400  }
0xce: {  	s12 =	sadd.s32 $0x0, s30;
	[bflag:$0x0] =	sbarrier.arrive $0xFFFF  }
0xcf: {  	[tilespmem:s5], [sflag:$0x2] =	stream.linear.gather [hbm4b:s12+s1], $0x180, $0x38;
	[tilespmem:$0x17E80] =	vst v63  }
0xd0: {  	_ =	swait.ge [sflag:s4], $0x180  }
0xd1: {  	[sflag:s4] =	ssyncset.done $0x0  }
0xd2: {  	[sflag:s4] =	ssyncadd.s32 $0xFFFFFE80  }
0xd3: {  	v5 =	vld [tilespmem:$0x13CA0]  }
0xd4: {  	v6 =	vld [tilespmem:$0x13D50]  }
0xd5: {  	v7 =	vld [tilespmem:$0x13D00]  }
0xd6: {  	v8 =	vld [tilespmem:$0x13D60]  }
0xd7: {  	v9 =	vld [tilespmem:$0x13D10]  }
0xd8: {  	v3 =	vld [tilespmem:$0x13DC0]  }
0xd9: {  	v4 =	vld [tilespmem:$0x13DB0]  }
0xda: {  	s11 =	simm.s32 $0x30;
	[tilespmem:$0x13C20] =	vst v5;
	v5 =	vld [tilespmem:$0x13DA0]  }
.LBB2_4:
0xdb: {  	p0 =	sne.s32 s11, $0x1D40;
	v10 =	vld [tilespmem:$0x13DF0];
	s12 =	smov.u32 s11;
	s11 =	sadd.s32 $0x30, s11  }
0xdc: {  	v11 =	vld [tilespmem:$0x13D90]  }
0xdd: {  	v12 =	vld [tilespmem:$0x13DE0]  }
0xde: {  	v13 =	vld [tilespmem:$0x13D80]  }
0xdf: {  	v14 =	vld [tilespmem:$0x13DD0]  }
0xe0: {  	v15 =	vld [tilespmem:$0x13CD0]  }
0xe1: {  	vm0 =	veq.s32 v11, v2;
	v11 =	vld [tilespmem:$0x13D70]  }
0xe2: {  	v9 =	vsel vm0, v9, v1;
	vm0 =	veq.s32 v12, v2;
	v12 =	vld [tilespmem:$0x13CE0]  }
0xe3: {  	vm1 =	veq.s32 v13, v2;
	[tilespmem:$0x13E10] =	vst v9;
	v8 =	vsel vm0, v8, v1;
	v9 =	vld [tilespmem:$0x13CF0]  }
0xe4: {  	v7 =	vsel vm1, v7, v1;
	v13 =	vld [tilespmem:$0x13CC0];
	vm0 =	veq.s32 v14, v2;
	[tilespmem:$0x13E60] =	vst v8  }
0xe5: {  	[tilespmem:$0x13E00] =	vst v7;
	v7 =	vld [tilespmem:$0x13D20];
	v6 =	vsel vm0, v6, v1;
	vm0 =	veq.s32 v10, v2  }
0xe6: {  	v8 =	vld [tilespmem:$0x13D30];
	[tilespmem:$0x13C50] =	vst v15;
	v10 =	vsel vm0, v11, v1  }
0xe7: {  	v11 =	vld [tilespmem:$0x13C80];
	[tilespmem:$0x13E50] =	vst v6  }
0xe8: {  	v6 =	vld [tilespmem:$0x13D40];
	[tilespmem:$0x13C60] =	vst v12  }
0xe9: {  	vm0 =	veq.s32 v5, v2;
	v12 =	vld [tilespmem:$0x13C90];
	[tilespmem:$0x13C40] =	vst v13  }
0xea: {  	v5 =	vsel vm0, v7, v1;
	vm0 =	veq.s32 v4, v2;
	v4 =	vld [tilespmem:$0x13CB0];
	[tilespmem:$0x13E70] =	vst v10  }
0xeb: {  	v7 =	vsel vm0, v8, v1;
	[tilespmem:$0x13C70] =	vst v9  }
0xec: {  	vm0 =	veq.s32 v3, v2;
	[tilespmem:$0x13C00] =	vst v11  }
0xed: {  	[tilespmem:$0x13E30] =	vst v7;
	v3 =	vsel vm0, v6, v1  }
0xee: {  	[tilespmem:$0x13C10] =	vst v12  }
0xef: {  	[tilespmem:$0x13C30] =	vst v4  }
0xf0: {  	[tilespmem:$0x13E40] =	vst v3  }
0xf1: {  	[tilespmem:$0x13E20] =	vst v5  }
0xf2: {  	[tilespmem:s3], [sflag:$0x1] =	stream.indirect.gather [hbm4b:s24+s6], $0x80, s7, s6, $0xb8;
	[tilespmem:$0x17E80] =	vst v63  }
0xf3: {  	_ =	swait.ge [sflag:s8], $0x4000  }
0xf4: {  	[sflag:s8] =	ssyncset.done $0x0  }
0xf5: {  	[sflag:s8] =	ssyncadd.s32 $0xFFFFC000  }
0xf6: {  	[spmem:s21] =	stream.indirect.scatter.add.f32 [tilespmem:s3], [sflag:$0x2], $0x80, s9, s6, $0xb8;
	[tilespmem:$0x17E80] =	vst v63  }
0xf7: {  	_ =	swait.ge [sflag:s4], $0x4000  }
0xf8: {  	[sflag:s4] =	ssyncset.done $0x0  }
0xf9: {  	s12 =	sadd.s32 s12, s30;
	[sflag:s4] =	ssyncadd.s32 $0xFFFFC000  }
0xfa: {  	[tilespmem:s5], [sflag:$0x2] =	stream.linear.gather [hbm4b:s12+s1], $0x180, $0x38;
	[tilespmem:$0x17E80] =	vst v63  }
0xfb: {  	_ =	swait.ge [sflag:s4], $0x180  }
0xfc: {  	[sflag:s4] =	ssyncset.done $0x0  }
0xfd: {  	[sflag:s4] =	ssyncadd.s32 $0xFFFFFE80  }
0xfe: {  	v3 =	vld [tilespmem:$0x13CA0]  }
0xff: {  	v6 =	vld [tilespmem:$0x13D50]  }
0x100: {  	v7 =	vld [tilespmem:$0x13D00]  }
.Ltmp1:
0x101: {  	v8 =	vld [tilespmem:$0x13D60];
	(pc) =	sbr.rel @p0 .LBB2_4-.Ltmp1, $4  }
0x102: {  	v9 =	vld [tilespmem:$0x13D10]  }
0x103: {  	[tilespmem:$0x13C20] =	vst v3;
	v3 =	vld [tilespmem:$0x13DC0]  }
0x104: {  	v4 =	vld [tilespmem:$0x13DB0]  }
0x105: {  	v5 =	vld [tilespmem:$0x13DA0]  }
0x106: {  	v10 =	vld [tilespmem:$0x13D90]  }
0x107: {  	v15 =	vld [tilespmem:$0x13CD0]  }
0x108: {  	v54 =	vld [tilespmem:$0x13CE0]  }
0x109: {  	v55 =	vld [tilespmem:$0x13CC0]  }
0x10a: {  	v56 =	vld [tilespmem:$0x13CF0]  }
0x10b: {  	v57 =	vld [tilespmem:$0x13D30]  }
0x10c: {  	v58 =	vld [tilespmem:$0x13C80]  }
0x10d: {  	v60 =	vld [tilespmem:$0x13C90];
	[tilespmem:$0x13C50] =	vst v15  }
0x10e: {  	v61 =	vld [tilespmem:$0x13CB0];
	[tilespmem:$0x13C60] =	vst v54  }
0x10f: {  	v59 =	vld [tilespmem:$0x13D40];
	[tilespmem:$0x13C40] =	vst v55  }
0x110: {  	v62 =	vld [tilespmem:$0x13D20];
	[tilespmem:$0x13C70] =	vst v56  }
0x111: {  	v11 =	vld [tilespmem:$0x13DE0];
	[tilespmem:$0x13C00] =	vst v58  }
0x112: {  	v12 =	vld [tilespmem:$0x13D80];
	vm13 =	veq.s32 v4, v2;
	[tilespmem:$0x13C10] =	vst v60  }
0x113: {  	v14 =	vld [tilespmem:$0x13DD0];
	vm14 =	veq.s32 v3, v2;
	v4 =	vsel vm13, v57, v1;
	[tilespmem:$0x13C30] =	vst v61  }
0x114: {  	v13 =	vld [tilespmem:$0x13DF0];
	vm15 =	veq.s32 v5, v2;
	v3 =	vsel vm14, v59, v1;
	[tilespmem:$0x13E30] =	vst v4  }
0x115: {  	v53 =	vld [tilespmem:$0x13D70];
	vm0 =	veq.s32 v10, v2;
	v63 =	vsel vm15, v62, v1;
	[tilespmem:$0x13E40] =	vst v3  }
0x116: {  	vm10 =	veq.s32 v11, v2;
	v9 =	vsel vm0, v9, v1;
	[tilespmem:$0x13E20] =	vst v63  }
0x117: {  	vm1 =	veq.s32 v12, v2;
	v8 =	vsel vm10, v8, v1;
	[tilespmem:$0x13E10] =	vst v9  }
0x118: {  	vm11 =	veq.s32 v14, v2;
	v7 =	vsel vm1, v7, v1;
	[tilespmem:$0x13E60] =	vst v8  }
0x119: {  	vm12 =	veq.s32 v13, v2;
	v6 =	vsel vm11, v6, v1;
	[tilespmem:$0x13E00] =	vst v7  }
0x11a: {  	v10 =	vsel vm12, v53, v1;
	[tilespmem:$0x13E50] =	vst v6  }
0x11b: {  	[tilespmem:$0x13E70] =	vst v10  }
0x11c: {  	[tilespmem:s3], [sflag:$0x1] =	stream.indirect.gather [hbm4b:s24+s6], $0x80, s7, s6, $0xb8;
	[tilespmem:$0x17E80] =	vst v63  }
0x11d: {  	_ =	swait.ge [sflag:s8], $0x4000  }
0x11e: {  	[sflag:s8] =	ssyncset.done $0x0  }
0x11f: {  	[sflag:s8] =	ssyncadd.s32 $0xFFFFC000  }
0x120: {  	[spmem:s21] =	stream.indirect.scatter.add.f32 [tilespmem:s3], [sflag:$0x2], $0x80, s9, s6, $0xb8;
	[tilespmem:$0x17E80] =	vst v63  }
0x121: {  	_ =	swait.ge [sflag:s4], $0x4000  }
0x122: {  	[sflag:s4] =	ssyncset.done $0x0  }
0x123: {  	[sflag:s4] =	ssyncadd.s32 $0xFFFFC000  }
0x124: {  	[bflag:$0x0] =	sbarrier.arrive $0xFFFF  }
0x125: {  	[tilespmem:s3], [sflag:$0x2] =	stream.linear.gather [spmem:s28], $0x4000, $0x38;
	[tilespmem:$0x17E80] =	vst v63  }
0x126: {  	_ =	swait.ge [sflag:s4], $0x4000  }
0x127: {  	[sflag:s4] =	ssyncset.done $0x0  }
0x128: {  	s11 =	simm.s32 $0x0;
	s12 =	rddreg [dreg:$0x8];
	[sflag:s4] =	ssyncadd.s32 $0xFFFFC000  }
0x129: {  	[hbm4b:s12+s11] =	stream.linear.scatter [tilespmem:s3], [sflag:$0x2], $0x4000, $0x38;
	[tilespmem:$0x17E80] =	vst v63  }
0x12a: {  	_ =	swait.ge [sflag:s4], $0x4000  }
0x12b: {  	[sflag:s4] =	ssyncset.done $0x0  }
0x12c: {  	[sflag:s4] =	ssyncadd.s32 $0xFFFFC000  }
0x12d: {  	[tilespmem:s3], [sflag:$0x2] =	stream.linear.gather [spmem:s31], $0x4000, $0x38;
	[tilespmem:$0x17E80] =	vst v63  }
0x12e: {  	_ =	swait.ge [sflag:s4], $0x4000  }
0x12f: {  	[sflag:s4] =	ssyncset.done $0x0  }
0x130: {  	s12 =	rddreg [dreg:$0x9];
	[sflag:s4] =	ssyncadd.s32 $0xFFFFC000  }
0x131: {  	[hbm4b:s12+s11] =	stream.linear.scatter [tilespmem:s3], [sflag:$0x2], $0x4000, $0x38;
	[tilespmem:$0x17E80] =	vst v63  }
0x132: {  	_ =	swait.ge [sflag:s4], $0x4000  }
0x133: {  	[sflag:s4] =	ssyncset.done $0x0  }
0x134: {  	[sflag:s4] =	ssyncadd.s32 $0xFFFFC000  }
0x135: {  	[tilespmem:s3], [sflag:$0x2] =	stream.linear.gather [spmem:s17], $0x4000, $0x38;
	[tilespmem:$0x17E80] =	vst v63  }
0x136: {  	_ =	swait.ge [sflag:s4], $0x4000  }
0x137: {  	[sflag:s4] =	ssyncset.done $0x0  }
0x138: {  	s12 =	rddreg [dreg:$0xa];
	[sflag:s4] =	ssyncadd.s32 $0xFFFFC000  }
0x139: {  	[hbm4b:s12+s11] =	stream.linear.scatter [tilespmem:s3], [sflag:$0x2], $0x4000, $0x38;
	[tilespmem:$0x17E80] =	vst v63  }
0x13a: {  	_ =	swait.ge [sflag:s4], $0x4000  }
0x13b: {  	[sflag:s4] =	ssyncset.done $0x0  }
0x13c: {  	[sflag:s4] =	ssyncadd.s32 $0xFFFFC000  }
0x13d: {  	[tilespmem:s3], [sflag:$0x2] =	stream.linear.gather [spmem:s0], $0x4000, $0x38;
	[tilespmem:$0x17E80] =	vst v63  }
0x13e: {  	_ =	swait.ge [sflag:s4], $0x4000  }
0x13f: {  	[sflag:s4] =	ssyncset.done $0x0  }
0x140: {  	s12 =	rddreg [dreg:$0xb];
	[sflag:s4] =	ssyncadd.s32 $0xFFFFC000  }
0x141: {  	[hbm4b:s12+s11] =	stream.linear.scatter [tilespmem:s3], [sflag:$0x2], $0x4000, $0x38;
	[tilespmem:$0x17E80] =	vst v63  }
0x142: {  	_ =	swait.ge [sflag:s4], $0x4000  }
0x143: {  	[sflag:s4] =	ssyncset.done $0x0  }
0x144: {  	[sflag:s4] =	ssyncadd.s32 $0xFFFFC000  }
0x145: {  	[tilespmem:s3], [sflag:$0x2] =	stream.linear.gather [spmem:s2], $0x3C00, $0x38;
	[tilespmem:$0x17E80] =	vst v63  }
0x146: {  	_ =	swait.ge [sflag:s4], $0x3C00  }
0x147: {  	[sflag:s4] =	ssyncset.done $0x0  }
0x148: {  	s12 =	rddreg [dreg:$0xc];
	[sflag:s4] =	ssyncadd.s32 $0xFFFFC400  }
0x149: {  	[hbm4b:s12+s11] =	stream.linear.scatter [tilespmem:s3], [sflag:$0x2], $0x3C00, $0x38;
	[tilespmem:$0x17E80] =	vst v63  }
0x14a: {  	_ =	swait.ge [sflag:s4], $0x3C00  }
0x14b: {  	[sflag:s4] =	ssyncset.done $0x0  }
0x14c: {  	[sflag:s4] =	ssyncadd.s32 $0xFFFFC400  }
0x14d: {  	[bflag:$0x0] =	sbarrier.arrive $0xFFFF  }
0x14e: {  	[tilespmem:s3], [sflag:$0x2] =	stream.linear.gather [hbm4b:s25+s11], $0x4000, $0x38;
	[tilespmem:$0x17E80] =	vst v63  }
0x14f: {  	_ =	swait.ge [sflag:s4], $0x4000  }
0x150: {  	[sflag:s4] =	ssyncset.done $0x0  }
0x151: {  	[sflag:s4] =	ssyncadd.s32 $0xFFFFC000  }
0x152: {  	[spmem:s28] =	stream.linear.scatter [tilespmem:s3], [sflag:$0x2], $0x4000, $0x38;
	[tilespmem:$0x17E80] =	vst v63  }
0x153: {  	_ =	swait.ge [sflag:s4], $0x4000  }
0x154: {  	[sflag:s4] =	ssyncset.done $0x0  }
0x155: {  	[sflag:s4] =	ssyncadd.s32 $0xFFFFC000  }
0x156: {  	[spmem:s31] =	stream.linear.scatter [tilespmem:s3], [sflag:$0x2], $0x4000, $0x38;
	[tilespmem:$0x17E80] =	vst v63  }
0x157: {  	_ =	swait.ge [sflag:s4], $0x4000  }
0x158: {  	[sflag:s4] =	ssyncset.done $0x0  }
0x159: {  	[sflag:s4] =	ssyncadd.s32 $0xFFFFC000  }
0x15a: {  	[spmem:s17] =	stream.linear.scatter [tilespmem:s3], [sflag:$0x2], $0x4000, $0x38;
	[tilespmem:$0x17E80] =	vst v63  }
0x15b: {  	_ =	swait.ge [sflag:s4], $0x4000  }
0x15c: {  	[sflag:s4] =	ssyncset.done $0x0  }
0x15d: {  	[sflag:s4] =	ssyncadd.s32 $0xFFFFC000  }
0x15e: {  	[spmem:s0] =	stream.linear.scatter [tilespmem:s3], [sflag:$0x2], $0x4000, $0x38;
	[tilespmem:$0x17E80] =	vst v63  }
0x15f: {  	_ =	swait.ge [sflag:s4], $0x4000  }
0x160: {  	[sflag:s4] =	ssyncset.done $0x0  }
0x161: {  	[sflag:s4] =	ssyncadd.s32 $0xFFFFC000  }
0x162: {  	[spmem:s2] =	stream.linear.scatter [tilespmem:s3], [sflag:$0x2], $0x3C00, $0x38;
	[tilespmem:$0x17E80] =	vst v63  }
0x163: {  	_ =	swait.ge [sflag:s4], $0x3C00  }
0x164: {  	[sflag:s4] =	ssyncset.done $0x0  }
0x165: {  	[sflag:s4] =	ssyncadd.s32 $0xFFFFC400  }
0x166: {  	[tilespmem:s3], [sflag:$0x2] =	stream.linear.gather [hbm4b:s26+s11], $0x4000, $0x38;
	[tilespmem:$0x17E80] =	vst v63  }
0x167: {  	_ =	swait.ge [sflag:s4], $0x4000  }
0x168: {  	[sflag:s4] =	ssyncset.done $0x0  }
0x169: {  	[sflag:s4] =	ssyncadd.s32 $0xFFFFC000  }
0x16a: {  	s12 =	sadd.s32 $0x0, s30;
	[bflag:$0x0] =	sbarrier.arrive $0xFFFF  }
0x16b: {  	[tilespmem:s5], [sflag:$0x2] =	stream.linear.gather [hbm4b:s12+s1], $0x180, $0x38;
	[tilespmem:$0x17E80] =	vst v63  }
0x16c: {  	_ =	swait.ge [sflag:s4], $0x180  }
0x16d: {  	[sflag:s4] =	ssyncset.done $0x0  }
0x16e: {  	s11 =	simm.s32 $0x30;
	[sflag:s4] =	ssyncadd.s32 $0xFFFFFE80  }
.LBB2_6:
0x16f: {  	p0 =	sne.s32 s11, $0x1D40;
	v3 =	vld [tilespmem:$0x13D60];
	s12 =	smov.u32 s11;
	s11 =	sadd.s32 $0x30, s11  }
0x170: {  	v4 =	vld [tilespmem:$0x13D50]  }
0x171: {  	v5 =	vld [tilespmem:$0x13D20]  }
0x172: {  	v6 =	vld [tilespmem:$0x13D40]  }
0x173: {  	v7 =	vld [tilespmem:$0x13DD0]  }
0x174: {  	v8 =	vld [tilespmem:$0x13D10]  }
0x175: {  	v9 =	vld [tilespmem:$0x13D70]  }
0x176: {  	v10 =	vld [tilespmem:$0x13DA0]  }
0x177: {  	v11 =	vld [tilespmem:$0x13D30]  }
0x178: {  	v12 =	vld [tilespmem:$0x13DC0]  }
0x179: {  	vm0 =	veq.s32 v7, v0;
	v7 =	vld [tilespmem:$0x13DF0]  }
0x17a: {  	v4 =	vsel vm0, v4, v1;
	v13 =	vld [tilespmem:$0x13DB0]  }
0x17b: {  	vm0 =	veq.s32 v10, v0;
	[tilespmem:$0x13E50] =	vst v4;
	v4 =	vld [tilespmem:$0x13DE0]  }
0x17c: {  	v10 =	vld [tilespmem:$0x13D90];
	v5 =	vsel vm0, v5, v1  }
0x17d: {  	v14 =	vld [tilespmem:$0x13D80];
	[tilespmem:$0x13E20] =	vst v5;
	vm0 =	veq.s32 v12, v0  }
0x17e: {  	v5 =	vld [tilespmem:$0x13D00];
	v6 =	vsel vm0, v6, v1;
	vm0 =	veq.s32 v7, v0  }
0x17f: {  	vm1 =	veq.s32 v13, v0;
	[tilespmem:$0x13E40] =	vst v6;
	v6 =	vsel vm0, v9, v1  }
0x180: {  	v7 =	vsel vm1, v11, v1;
	vm0 =	veq.s32 v4, v0;
	[tilespmem:$0x13E70] =	vst v6  }
0x181: {  	vm1 =	veq.s32 v10, v0;
	[tilespmem:$0x13E30] =	vst v7;
	v3 =	vsel vm0, v3, v1  }
0x182: {  	vm0 =	veq.s32 v14, v0;
	v4 =	vsel vm1, v8, v1;
	[tilespmem:$0x13E60] =	vst v3  }
0x183: {  	v3 =	vsel vm0, v5, v1;
	[tilespmem:$0x13E10] =	vst v4  }
0x184: {  	[tilespmem:$0x13E00] =	vst v3  }
0x185: {  	[spmem:s21] =	stream.indirect.scatter.add.f32 [tilespmem:s3], [sflag:$0x2], $0x80, s9, s6, $0xb8;
	[tilespmem:$0x17E80] =	vst v63  }
0x186: {  	_ =	swait.ge [sflag:s4], $0x4000  }
0x187: {  	[sflag:s4] =	ssyncset.done $0x0  }
.Ltmp2:
0x188: {  	s12 =	sadd.s32 s12, s30;
	[sflag:s4] =	ssyncadd.s32 $0xFFFFC000;
	(pc) =	sbr.rel @p0 .LBB2_6-.Ltmp2, $4  }
0x189: {  	[tilespmem:s5], [sflag:$0x2] =	stream.linear.gather [hbm4b:s12+s1], $0x180, $0x38;
	[tilespmem:$0x17E80] =	vst v63  }
0x18a: {  	_ =	swait.ge [sflag:s4], $0x180  }
0x18b: {  	[sflag:s4] =	ssyncset.done $0x0  }
0x18c: {  	[sflag:s4] =	ssyncadd.s32 $0xFFFFFE80  }
0x18d: {  	v3 =	vld [tilespmem:$0x13D60]  }
0x18e: {  	v4 =	vld [tilespmem:$0x13D50]  }
0x18f: {  	v5 =	vld [tilespmem:$0x13D20]  }
0x190: {  	v6 =	vld [tilespmem:$0x13D40]  }
0x191: {  	v7 =	vld [tilespmem:$0x13DD0]  }
0x192: {  	v8 =	vld [tilespmem:$0x13D10]  }
0x193: {  	v9 =	vld [tilespmem:$0x13D70]  }
0x194: {  	v10 =	vld [tilespmem:$0x13DA0]  }
0x195: {  	v11 =	vld [tilespmem:$0x13D30]  }
0x196: {  	v12 =	vld [tilespmem:$0x13DC0]  }
0x197: {  	v13 =	vld [tilespmem:$0x13DF0]  }
0x198: {  	v14 =	vld [tilespmem:$0x13DB0]  }
0x199: {  	v56 =	vld [tilespmem:$0x13DE0];
	vm0 =	veq.s32 v7, v0  }
0x19a: {  	v57 =	vld [tilespmem:$0x13D90];
	vm10 =	veq.s32 v10, v0;
	v4 =	vsel vm0, v4, v1  }
0x19b: {  	v59 =	vld [tilespmem:$0x13D80];
	vm11 =	veq.s32 v12, v0;
	v58 =	vsel vm10, v5, v1;
	[tilespmem:$0x13E50] =	vst v4  }
0x19c: {  	v60 =	vld [tilespmem:$0x13D00];
	vm12 =	veq.s32 v13, v0;
	v6 =	vsel vm11, v6, v1;
	[tilespmem:$0x13E20] =	vst v58  }
0x19d: {  	vm1 =	veq.s32 v14, v0;
	v61 =	vsel vm12, v9, v1;
	[tilespmem:$0x13E40] =	vst v6  }
0x19e: {  	vm13 =	veq.s32 v56, v0;
	v62 =	vsel vm1, v11, v1;
	[tilespmem:$0x13E70] =	vst v61  }
0x19f: {  	vm14 =	veq.s32 v57, v0;
	v3 =	vsel vm13, v3, v1;
	[tilespmem:$0x13E30] =	vst v62  }
0x1a0: {  	vm15 =	veq.s32 v59, v0;
	v63 =	vsel vm14, v8, v1;
	[tilespmem:$0x13E60] =	vst v3  }
0x1a1: {  	v3 =	vsel vm15, v60, v1;
	[tilespmem:$0x13E10] =	vst v63  }
0x1a2: {  	[tilespmem:$0x13E00] =	vst v3  }
0x1a3: {  	[spmem:s21] =	stream.indirect.scatter.add.f32 [tilespmem:s3], [sflag:$0x2], $0x80, s9, s6, $0xb8;
	[tilespmem:$0x17E80] =	vst v63  }
0x1a4: {  	_ =	swait.ge [sflag:s4], $0x4000  }
0x1a5: {  	[sflag:s4] =	ssyncset.done $0x0  }
0x1a6: {  	[sflag:s4] =	ssyncadd.s32 $0xFFFFC000  }
0x1a7: {  	[bflag:$0x0] =	sbarrier.arrive $0xFFFF  }
0x1a8: {  	[tilespmem:s3], [sflag:$0x2] =	stream.linear.gather [spmem:s28], $0x4000, $0x38;
	[tilespmem:$0x17E80] =	vst v63  }
0x1a9: {  	_ =	swait.ge [sflag:s4], $0x4000  }
0x1aa: {  	[sflag:s4] =	ssyncset.done $0x0  }
0x1ab: {  	s11 =	simm.s32 $0x0;
	s12 =	rddreg [dreg:$0xd];
	[sflag:s4] =	ssyncadd.s32 $0xFFFFC000  }
0x1ac: {  	[hbm4b:s12+s11] =	stream.linear.scatter [tilespmem:s3], [sflag:$0x2], $0x4000, $0x38;
	[tilespmem:$0x17E80] =	vst v63  }
0x1ad: {  	_ =	swait.ge [sflag:s4], $0x4000  }
0x1ae: {  	[sflag:s4] =	ssyncset.done $0x0  }
0x1af: {  	[sflag:s4] =	ssyncadd.s32 $0xFFFFC000  }
0x1b0: {  	[tilespmem:s3], [sflag:$0x2] =	stream.linear.gather [spmem:s31], $0x4000, $0x38;
	[tilespmem:$0x17E80] =	vst v63  }
0x1b1: {  	_ =	swait.ge [sflag:s4], $0x4000  }
0x1b2: {  	[sflag:s4] =	ssyncset.done $0x0  }
0x1b3: {  	[sflag:s4] =	ssyncadd.s32 $0xFFFFC000  }
0x1b4: {  	[hbm4b:s13+s11] =	stream.linear.scatter [tilespmem:s3], [sflag:$0x2], $0x4000, $0x38;
	[tilespmem:$0x17E80] =	vst v63  }
0x1b5: {  	_ =	swait.ge [sflag:s4], $0x4000  }
0x1b6: {  	[sflag:s4] =	ssyncset.done $0x0  }
0x1b7: {  	[sflag:s4] =	ssyncadd.s32 $0xFFFFC000  }
0x1b8: {  	[tilespmem:s3], [sflag:$0x2] =	stream.linear.gather [spmem:s17], $0x4000, $0x38;
	[tilespmem:$0x17E80] =	vst v63  }
0x1b9: {  	_ =	swait.ge [sflag:s4], $0x4000  }
0x1ba: {  	[sflag:s4] =	ssyncset.done $0x0  }
0x1bb: {  	[sflag:s4] =	ssyncadd.s32 $0xFFFFC000  }
0x1bc: {  	[hbm4b:s14+s11] =	stream.linear.scatter [tilespmem:s3], [sflag:$0x2], $0x4000, $0x38;
	[tilespmem:$0x17E80] =	vst v63  }
0x1bd: {  	_ =	swait.ge [sflag:s4], $0x4000  }
0x1be: {  	[sflag:s4] =	ssyncset.done $0x0  }
0x1bf: {  	[sflag:s4] =	ssyncadd.s32 $0xFFFFC000  }
0x1c0: {  	[tilespmem:s3], [sflag:$0x2] =	stream.linear.gather [spmem:s0], $0x4000, $0x38;
	[tilespmem:$0x17E80] =	vst v63  }
0x1c1: {  	_ =	swait.ge [sflag:s4], $0x4000  }
0x1c2: {  	[sflag:s4] =	ssyncset.done $0x0  }
0x1c3: {  	[sflag:s4] =	ssyncadd.s32 $0xFFFFC000  }
0x1c4: {  	[hbm4b:s15+s11] =	stream.linear.scatter [tilespmem:s3], [sflag:$0x2], $0x4000, $0x38;
	[tilespmem:$0x17E80] =	vst v63  }
0x1c5: {  	_ =	swait.ge [sflag:s4], $0x4000  }
0x1c6: {  	[sflag:s4] =	ssyncset.done $0x0  }
0x1c7: {  	[sflag:s4] =	ssyncadd.s32 $0xFFFFC000  }
0x1c8: {  	[tilespmem:s3], [sflag:$0x2] =	stream.linear.gather [spmem:s2], $0x3C00, $0x38;
	[tilespmem:$0x17E80] =	vst v63  }
0x1c9: {  	_ =	swait.ge [sflag:s4], $0x3C00  }
0x1ca: {  	[sflag:s4] =	ssyncset.done $0x0  }
0x1cb: {  	[sflag:s4] =	ssyncadd.s32 $0xFFFFC400  }
0x1cc: {  	[hbm4b:s16+s11] =	stream.linear.scatter [tilespmem:s3], [sflag:$0x2], $0x3C00, $0x38;
	[tilespmem:$0x17E80] =	vst v63  }
0x1cd: {  	_ =	swait.ge [sflag:s4], $0x3C00  }
0x1ce: {  	[sflag:s4] =	ssyncset.done $0x0  }
0x1cf: {  	[sflag:s4] =	ssyncadd.s32 $0xFFFFC400  }
0x1d0: {  	[bflag:$0x0] =	sbarrier.arrive $0xFFFF  }
0x1d1: {  	[tilespmem:s3], [sflag:$0x2] =	stream.linear.gather [hbm4b:s25+s11], $0x4000, $0x38;
	[tilespmem:$0x17E80] =	vst v63  }
0x1d2: {  	_ =	swait.ge [sflag:s4], $0x4000  }
0x1d3: {  	[sflag:s4] =	ssyncset.done $0x0  }
0x1d4: {  	[sflag:s4] =	ssyncadd.s32 $0xFFFFC000  }
0x1d5: {  	[spmem:s28] =	stream.linear.scatter [tilespmem:s3], [sflag:$0x2], $0x4000, $0x38;
	[tilespmem:$0x17E80] =	vst v63  }
0x1d6: {  	_ =	swait.ge [sflag:s4], $0x4000  }
0x1d7: {  	[sflag:s4] =	ssyncset.done $0x0  }
0x1d8: {  	[sflag:s4] =	ssyncadd.s32 $0xFFFFC000  }
0x1d9: {  	[spmem:s31] =	stream.linear.scatter [tilespmem:s3], [sflag:$0x2], $0x4000, $0x38;
	[tilespmem:$0x17E80] =	vst v63  }
0x1da: {  	_ =	swait.ge [sflag:s4], $0x4000  }
0x1db: {  	[sflag:s4] =	ssyncset.done $0x0  }
0x1dc: {  	[sflag:s4] =	ssyncadd.s32 $0xFFFFC000  }
0x1dd: {  	[spmem:s17] =	stream.linear.scatter [tilespmem:s3], [sflag:$0x2], $0x4000, $0x38;
	[tilespmem:$0x17E80] =	vst v63  }
0x1de: {  	_ =	swait.ge [sflag:s4], $0x4000  }
0x1df: {  	[sflag:s4] =	ssyncset.done $0x0  }
0x1e0: {  	[sflag:s4] =	ssyncadd.s32 $0xFFFFC000  }
0x1e1: {  	[spmem:s0] =	stream.linear.scatter [tilespmem:s3], [sflag:$0x2], $0x4000, $0x38;
	[tilespmem:$0x17E80] =	vst v63  }
0x1e2: {  	_ =	swait.ge [sflag:s4], $0x4000  }
0x1e3: {  	[sflag:s4] =	ssyncset.done $0x0  }
0x1e4: {  	[sflag:s4] =	ssyncadd.s32 $0xFFFFC000  }
0x1e5: {  	[spmem:s2] =	stream.linear.scatter [tilespmem:s3], [sflag:$0x2], $0x3C00, $0x38;
	[tilespmem:$0x17E80] =	vst v63  }
0x1e6: {  	_ =	swait.ge [sflag:s4], $0x3C00  }
0x1e7: {  	[sflag:s4] =	ssyncset.done $0x0  }
0x1e8: {  	[sflag:s4] =	ssyncadd.s32 $0xFFFFC400  }
0x1e9: {  	[tilespmem:s3], [sflag:$0x2] =	stream.linear.gather [hbm4b:s26+s11], $0x4000, $0x38;
	[tilespmem:$0x17E80] =	vst v63  }
0x1ea: {  	_ =	swait.ge [sflag:s4], $0x4000  }
0x1eb: {  	[sflag:s4] =	ssyncset.done $0x0  }
0x1ec: {  	[sflag:s4] =	ssyncadd.s32 $0xFFFFC000  }
0x1ed: {  	s12 =	sadd.s32 $0x0, s30;
	[bflag:$0x0] =	sbarrier.arrive $0xFFFF  }
0x1ee: {  	[tilespmem:s5], [sflag:$0x2] =	stream.linear.gather [hbm4b:s12+s1], $0x180, $0x38;
	[tilespmem:$0x17E80] =	vst v63  }
0x1ef: {  	_ =	swait.ge [sflag:s4], $0x180  }
0x1f0: {  	[sflag:s4] =	ssyncset.done $0x0  }
0x1f1: {  	s11 =	simm.s32 $0x30;
	[sflag:s4] =	ssyncadd.s32 $0xFFFFFE80  }
.LBB2_8:
0x1f2: {  	p0 =	sne.s32 s11, $0x1D40;
	v3 =	vld [tilespmem:$0x13D60];
	s12 =	smov.u32 s11;
	s11 =	sadd.s32 $0x30, s11  }
0x1f3: {  	v4 =	vld [tilespmem:$0x13D50]  }
0x1f4: {  	v5 =	vld [tilespmem:$0x13D20]  }
0x1f5: {  	v6 =	vld [tilespmem:$0x13D40]  }
0x1f6: {  	v7 =	vld [tilespmem:$0x13DD0]  }
0x1f7: {  	v8 =	vld [tilespmem:$0x13D10]  }
0x1f8: {  	v9 =	vld [tilespmem:$0x13D70]  }
0x1f9: {  	v10 =	vld [tilespmem:$0x13DA0]  }
0x1fa: {  	v11 =	vld [tilespmem:$0x13D30]  }
0x1fb: {  	v12 =	vld [tilespmem:$0x13DC0]  }
0x1fc: {  	vm0 =	veq.s32 v7, v2;
	v7 =	vld [tilespmem:$0x13DF0]  }
0x1fd: {  	v4 =	vsel vm0, v4, v1;
	v13 =	vld [tilespmem:$0x13DB0]  }
0x1fe: {  	vm0 =	veq.s32 v10, v2;
	[tilespmem:$0x13E50] =	vst v4;
	v4 =	vld [tilespmem:$0x13DE0]  }
0x1ff: {  	v10 =	vld [tilespmem:$0x13D90];
	v5 =	vsel vm0, v5, v1  }
0x200: {  	v14 =	vld [tilespmem:$0x13D80];
	[tilespmem:$0x13E20] =	vst v5;
	vm0 =	veq.s32 v12, v2  }
0x201: {  	v5 =	vld [tilespmem:$0x13D00];
	v6 =	vsel vm0, v6, v1;
	vm0 =	veq.s32 v7, v2  }
0x202: {  	vm1 =	veq.s32 v13, v2;
	[tilespmem:$0x13E40] =	vst v6;
	v6 =	vsel vm0, v9, v1  }
0x203: {  	v7 =	vsel vm1, v11, v1;
	vm0 =	veq.s32 v4, v2;
	[tilespmem:$0x13E70] =	vst v6  }
0x204: {  	vm1 =	veq.s32 v10, v2;
	[tilespmem:$0x13E30] =	vst v7;
	v3 =	vsel vm0, v3, v1  }
0x205: {  	vm0 =	veq.s32 v14, v2;
	v4 =	vsel vm1, v8, v1;
	[tilespmem:$0x13E60] =	vst v3  }
0x206: {  	v3 =	vsel vm0, v5, v1;
	[tilespmem:$0x13E10] =	vst v4  }
0x207: {  	[tilespmem:$0x13E00] =	vst v3  }
0x208: {  	[spmem:s21] =	stream.indirect.scatter.add.f32 [tilespmem:s3], [sflag:$0x2], $0x80, s9, s6, $0xb8;
	[tilespmem:$0x17E80] =	vst v63  }
0x209: {  	_ =	swait.ge [sflag:s4], $0x4000  }
0x20a: {  	[sflag:s4] =	ssyncset.done $0x0  }
.Ltmp3:
0x20b: {  	s12 =	sadd.s32 s12, s30;
	[sflag:s4] =	ssyncadd.s32 $0xFFFFC000;
	(pc) =	sbr.rel @p0 .LBB2_8-.Ltmp3, $4  }
0x20c: {  	[tilespmem:s5], [sflag:$0x2] =	stream.linear.gather [hbm4b:s12+s1], $0x180, $0x38;
	[tilespmem:$0x17E80] =	vst v63  }
0x20d: {  	_ =	swait.ge [sflag:s4], $0x180  }
0x20e: {  	[sflag:s4] =	ssyncset.done $0x0  }
0x20f: {  	[sflag:s4] =	ssyncadd.s32 $0xFFFFFE80  }
0x210: {  	v3 =	vld [tilespmem:$0x13D60]  }
0x211: {  	v4 =	vld [tilespmem:$0x13D50]  }
0x212: {  	v5 =	vld [tilespmem:$0x13D20]  }
0x213: {  	v6 =	vld [tilespmem:$0x13D40]  }
0x214: {  	v7 =	vld [tilespmem:$0x13DD0]  }
0x215: {  	v8 =	vld [tilespmem:$0x13D10]  }
0x216: {  	v9 =	vld [tilespmem:$0x13D70]  }
0x217: {  	v10 =	vld [tilespmem:$0x13DA0]  }
0x218: {  	v11 =	vld [tilespmem:$0x13D30]  }
0x219: {  	v12 =	vld [tilespmem:$0x13DC0]  }
0x21a: {  	v13 =	vld [tilespmem:$0x13DF0]  }
0x21b: {  	v14 =	vld [tilespmem:$0x13DB0]  }
0x21c: {  	v56 =	vld [tilespmem:$0x13DE0];
	vm0 =	veq.s32 v7, v2  }
0x21d: {  	v57 =	vld [tilespmem:$0x13D90];
	vm10 =	veq.s32 v10, v2;
	v4 =	vsel vm0, v4, v1  }
0x21e: {  	v59 =	vld [tilespmem:$0x13D80];
	vm11 =	veq.s32 v12, v2;
	v58 =	vsel vm10, v5, v1;
	[tilespmem:$0x13E50] =	vst v4  }
0x21f: {  	v60 =	vld [tilespmem:$0x13D00];
	vm12 =	veq.s32 v13, v2;
	v6 =	vsel vm11, v6, v1;
	[tilespmem:$0x13E20] =	vst v58  }
0x220: {  	vm1 =	veq.s32 v14, v2;
	v61 =	vsel vm12, v9, v1;
	[tilespmem:$0x13E40] =	vst v6  }
0x221: {  	vm13 =	veq.s32 v56, v2;
	v62 =	vsel vm1, v11, v1;
	[tilespmem:$0x13E70] =	vst v61  }
0x222: {  	vm14 =	veq.s32 v57, v2;
	v3 =	vsel vm13, v3, v1;
	[tilespmem:$0x13E30] =	vst v62  }
0x223: {  	vm15 =	veq.s32 v59, v2;
	v63 =	vsel vm14, v8, v1;
	[tilespmem:$0x13E60] =	vst v3  }
0x224: {  	v3 =	vsel vm15, v60, v1;
	[tilespmem:$0x13E10] =	vst v63  }
0x225: {  	[tilespmem:$0x13E00] =	vst v3  }
0x226: {  	[spmem:s21] =	stream.indirect.scatter.add.f32 [tilespmem:s3], [sflag:$0x2], $0x80, s9, s6, $0xb8;
	[tilespmem:$0x17E80] =	vst v63  }
0x227: {  	_ =	swait.ge [sflag:s4], $0x4000  }
0x228: {  	[sflag:s4] =	ssyncset.done $0x0  }
0x229: {  	[sflag:s4] =	ssyncadd.s32 $0xFFFFC000  }
0x22a: {  	[bflag:$0x0] =	sbarrier.arrive $0xFFFF  }
0x22b: {  	[tilespmem:s3], [sflag:$0x2] =	stream.linear.gather [spmem:s28], $0x4000, $0x38;
	[tilespmem:$0x17E80] =	vst v63  }
0x22c: {  	_ =	swait.ge [sflag:s4], $0x4000  }
0x22d: {  	[sflag:s4] =	ssyncset.done $0x0  }
0x22e: {  	[sflag:s4] =	ssyncadd.s32 $0xFFFFC000  }
0x22f: {  	[hbm4b:s18+s1] =	stream.linear.scatter [tilespmem:s3], [sflag:$0x2], $0x4000, $0x38;
	[tilespmem:$0x17E80] =	vst v63  }
0x230: {  	_ =	swait.ge [sflag:s4], $0x4000  }
0x231: {  	[sflag:s4] =	ssyncset.done $0x0  }
0x232: {  	[sflag:s4] =	ssyncadd.s32 $0xFFFFC000  }
0x233: {  	[tilespmem:s3], [sflag:$0x2] =	stream.linear.gather [spmem:s31], $0x4000, $0x38;
	[tilespmem:$0x17E80] =	vst v63  }
0x234: {  	_ =	swait.ge [sflag:s4], $0x4000  }
0x235: {  	[sflag:s4] =	ssyncset.done $0x0  }
0x236: {  	[sflag:s4] =	ssyncadd.s32 $0xFFFFC000  }
0x237: {  	[hbm4b:s19+s1] =	stream.linear.scatter [tilespmem:s3], [sflag:$0x2], $0x4000, $0x38;
	[tilespmem:$0x17E80] =	vst v63  }
0x238: {  	_ =	swait.ge [sflag:s4], $0x4000  }
0x239: {  	[sflag:s4] =	ssyncset.done $0x0  }
0x23a: {  	[sflag:s4] =	ssyncadd.s32 $0xFFFFC000  }
0x23b: {  	[tilespmem:s3], [sflag:$0x2] =	stream.linear.gather [spmem:s17], $0x4000, $0x38;
	[tilespmem:$0x17E80] =	vst v63  }
0x23c: {  	_ =	swait.ge [sflag:s4], $0x4000  }
0x23d: {  	[sflag:s4] =	ssyncset.done $0x0  }
0x23e: {  	[sflag:s4] =	ssyncadd.s32 $0xFFFFC000  }
0x23f: {  	[hbm4b:s20+s1] =	stream.linear.scatter [tilespmem:s3], [sflag:$0x2], $0x4000, $0x38;
	[tilespmem:$0x17E80] =	vst v63  }
0x240: {  	_ =	swait.ge [sflag:s4], $0x4000  }
0x241: {  	[sflag:s4] =	ssyncset.done $0x0  }
0x242: {  	[sflag:s4] =	ssyncadd.s32 $0xFFFFC000  }
0x243: {  	[tilespmem:s3], [sflag:$0x2] =	stream.linear.gather [spmem:s0], $0x4000, $0x38;
	[tilespmem:$0x17E80] =	vst v63  }
0x244: {  	_ =	swait.ge [sflag:s4], $0x4000  }
0x245: {  	[sflag:s4] =	ssyncset.done $0x0  }
0x246: {  	[sflag:s4] =	ssyncadd.s32 $0xFFFFC000  }
0x247: {  	[hbm4b:s22+s1] =	stream.linear.scatter [tilespmem:s3], [sflag:$0x2], $0x4000, $0x38;
	[tilespmem:$0x17E80] =	vst v63  }
0x248: {  	_ =	swait.ge [sflag:s4], $0x4000  }
0x249: {  	[sflag:s4] =	ssyncset.done $0x0  }
0x24a: {  	[sflag:s4] =	ssyncadd.s32 $0xFFFFC000  }
0x24b: {  	[tilespmem:s3], [sflag:$0x2] =	stream.linear.gather [spmem:s2], $0x3C00, $0x38;
	[tilespmem:$0x17E80] =	vst v63  }
0x24c: {  	_ =	swait.ge [sflag:s4], $0x3C00  }
0x24d: {  	s10 =	sadd.s32 $0x1, s10;
	[sflag:s4] =	ssyncset.done $0x0  }
0x24e: {  	p0 =	sne.s32 s10, s29;
	[sflag:s4] =	ssyncadd.s32 $0xFFFFC400  }
0x24f: {  	[hbm4b:s23+s1] =	stream.linear.scatter [tilespmem:s3], [sflag:$0x2], $0x3C00, $0x38;
	[tilespmem:$0x17E80] =	vst v63  }
.Ltmp4:
0x250: {  	_ =	swait.ge [sflag:s4], $0x3C00;
	(pc) =	sbr.rel @p0 .LBB2_1-.Ltmp4, $3  }
0x251: {  	[sflag:s4] =	ssyncset.done $0x0  }
0x252: {  	[sflag:s4] =	ssyncadd.s32 $0xFFFFC400  }
0x253: {  	[bflag:$0x0] =	sbarrier.arrive $0xFFFF;
	_ =	sdelay $0x1  }
0x254: {  	_ =	sfence.sel $0x180000  }
0x255: {  	[bflag:$0x0] =	sbarrier.arrive $0xFFFF  }
0x256: {  	_ =	strace $0x90000047  }
0x257: {  	s0 =	stileid.u32;
	[bflag:$0x2] =	sbarrier.arrive $0xFFFF  }
0x258: {  	p0 =	sne.s32 s0, $0x0;
	s0 =	rddreg [dreg:$0x2]  }
0x259: {  	s0 =	sadd.s32 @!p0 $0x100000, s0  }
0x25a: {  	[sflag:s0] =	ssyncadd.tile.s32 @!p0 $0x1;
	_ =	shalt  }
.Lfunc_end2:
_tile_overlayer_lowered:
.L_overlay_start_2:
0x25b: {  	(tag) =	ssettag $0x2  }
0x25c: {  	s0 =	rddreg [dreg:$0x0];
	s2 =	stileid.u32  }
0x25d: {  	s1 =	rddreg [dreg:$0x1];
	p0 =	sne.s32 s2, $0x0  }
0x25e: {  	s3 =	rddreg [dreg:$0x2];
	[bflag:$0x3] =	sbarrier.arrive $0xFFFF;
	s2 =	simm.s32 @!p0 $0x1C02  }
0x25f: {  	[timem:s3], [sflag:s2] =	dma.local @!p0 [hbm:s0], s1  }
0x260: {  	s0 =	simm.s32 @!p0 $0x2  }
0x261: {  	_ =	swait.ge @!p0 [sflag:s0], s1  }
0x262: {  	s1 =	ssub.s32 @!p0 $0x0, s1;
	[sflag:s0] =	ssyncset.done @!p0 $0x0  }
0x263: {  	[sflag:s0] =	ssyncadd.s32 @!p0 s1  }
0x264: {  	[bflag:$0x3] =	sbarrier.arrive $0xFFFF  }
0x265: {  	_ =	shalt  }

</sc_bundles>
